<compile_context>
chip_gen: v7x
topology: tpu7x:2x2x1
jax: 0.10.2.dev20260603
libtpu: 0.0.44.dev20260713+nightly
codegen_flags: <defaults>
</compile_context>

<pallas_src>
import numpy as np
import jax
import jax.numpy as jnp
from jax import lax
from jax.experimental import pallas as pl
from jax.experimental.pallas import tpu as pltpu
from jax.experimental.pallas import tpu_sc as plsc

N = 100000
C = 128
NP = 100352
BN = 2048
NW = 32
WF = NP // NW
S = 64
S4 = 4 * S
NCH = WF // S

_PERM = np.empty((C,), np.int32)
for _g in range(4):
    for _j in range(32):
        _PERM[32 * _g + _j] = 32 * _g + (_j // 2 if _j % 2 == 0
                                         else 16 + _j // 2)


def _mm_body(x_ref, w_ref, b_ref, t_ref):
    xb = x_ref[...]
    dn = (((1,), (1,)), ((), ()))
    y0 = lax.dot_general(xb, w_ref[0], dn,
                         preferred_element_type=jnp.float32)
    y1 = lax.dot_general(xb, w_ref[1], dn,
                         preferred_element_type=jnp.float32)
    t_ref[0] = y0 + b_ref[...]
    t_ref[1] = y1


def _project(xv, wr, b2):
    return pl.pallas_call(
        _mm_body,
        grid=(NP // BN,),
        in_specs=[pl.BlockSpec((BN, C), lambda i: (i, 0)),
                  pl.BlockSpec((2, C, C), lambda i: (0, 0, 0)),
                  pl.BlockSpec((1, C), lambda i: (0, 0))],
        out_specs=pl.BlockSpec((2, BN, C), lambda i: (0, i, 0)),
        out_shape=jax.ShapeDtypeStruct((2, NP, C), jnp.float32),
    )(xv, wr, b2)


def _gather_body(t_hbm, g_hbm, pm_hbm, out_hbm, dum_hbm,
                 gall, jv00, jv01, jv10, jv11,
                 rows0, rows1, outv0, outv1, pmv,
                 semg0, semg1, semo0, semo1):
    jvs = ((jv00, jv01), (jv10, jv11))
    rowss = (rows0, rows1)
    outvs = (outv0, outv1)
    sems = (semg0, semg1)
    semos = (semo0, semo1)
    cid = lax.axis_index("c")
    sid = lax.axis_index("s")
    wid = sid * 2 + cid

    pltpu.sync_copy(pm_hbm, pmv)
    pm16 = pmv[...]
    gbase = jnp.minimum(wid * (4 * WF), 4 * N - 4 * WF)
    pltpu.sync_copy(g_hbm.at[pl.ds(gbase, 4 * WF)], gall)

    def f_of(ci):
        return jnp.minimum(wid * WF + jnp.minimum(ci * S, WF - S), N - S)

    def fire(ci, b):
        loff = 4 * f_of(ci) - gbase
        for p in range(2):
            for u in range(8):
                sl = pl.ds(loff + 16 * (8 * p + u), 16)
                jvs[b][p][pl.ds(16 * u, 16)] = gall[sl] + pm16
        for p in range(2):
            pltpu.async_copy(t_hbm.at[jvs[b][p]], rowss[b].at[p],
                             sems[b])

    def drain(b):
        for p in range(2):
            pltpu.make_async_copy(
                t_hbm.at[jvs[b][p]], rowss[b].at[p], sems[b]).wait()

    def flush(ci, b):
        rows = rowss[b]
        outv = outvs[b]
        pltpu.make_async_copy(outv, dum_hbm, semos[b]).wait()

        for p in range(2):
            def face(sm, _, p=p):
                for j in range(2):
                    fr = 2 * sm + j
                    for g in range(8):
                        sl = pl.ds(16 * g, 16)
                        outv[32 * p + fr, sl] = (
                            rows[p, 4 * fr, sl] + rows[p, 4 * fr + 1, sl]
                            + rows[p, 4 * fr + 2, sl]
                            + rows[p, 4 * fr + 3, sl])
                return 0

            lax.fori_loop(0, 16, face, 0)
        pltpu.async_copy(outv, out_hbm.at[pl.ds(f_of(ci), S)], semos[b])

    for b in range(2):
        pltpu.async_copy(outvs[b], dum_hbm, semos[b])
    fire(0, 0)

    def step(i, _):
        c0 = 2 * i
        fire(c0 + 1, 1)
        drain(0)
        flush(c0, 0)
        fire(c0 + 2, 0)
        drain(1)
        flush(c0 + 1, 1)
        return 0

    lax.fori_loop(0, (NCH + 1) // 2, step, 0)
    drain(0)
    for b in range(2):
        pltpu.make_async_copy(outvs[b], dum_hbm, semos[b]).wait()


_SC_CACHE = {}


def _sc_gather(tf, gflat, pm):
    if "k" not in _SC_CACHE:
        _SC_CACHE["k"] = pl.kernel(
            _gather_body,
            out_type=[jax.ShapeDtypeStruct((N, C), jnp.float32),
                      jax.ShapeDtypeStruct((S, C), jnp.float32)],
            mesh=plsc.VectorSubcoreMesh(core_axis_name="c",
                                        subcore_axis_name="s"),
            scratch_types=[
                pltpu.VMEM((4 * WF,), jnp.int32),
                pltpu.VMEM((C,), jnp.int32),
                pltpu.VMEM((C,), jnp.int32),
                pltpu.VMEM((C,), jnp.int32),
                pltpu.VMEM((C,), jnp.int32),
                pltpu.VMEM((2, 128, C), jnp.float32),
                pltpu.VMEM((2, 128, C), jnp.float32),
                pltpu.VMEM((S, C), jnp.float32),
                pltpu.VMEM((S, C), jnp.float32),
                pltpu.VMEM((16,), jnp.int32),
                pltpu.SemaphoreType.DMA,
                pltpu.SemaphoreType.DMA,
                pltpu.SemaphoreType.DMA,
                pltpu.SemaphoreType.DMA,
            ],
        )
    return _SC_CACHE["k"](tf, gflat, pm)[0]


def kernel(x, G, W, b):
    xv = jnp.transpose(x.reshape(C, N))
    wr = jnp.transpose(W[:, :, 0, :], (2, 0, 1))
    b2 = b.reshape(1, C)
    pm = jnp.tile(jnp.array([0, NP, NP, NP], jnp.int32), 4)
    t = _project(xv, wr, b2)
    tf = t.reshape(2 * NP, C)
    y = _sc_gather(tf, G.reshape(4 * N), pm)
    return jnp.transpose(y).reshape(1, C, N, 1)

# --- scband reference (transcript-rebuilt; emitter-appended) ---
"""Pipeline reference for scband-mesh-conv-point-62096637166349 (READ-ONLY COPY).

The authoritative reference and input builder live on the scoring server;
editing this copy changes nothing except your own understanding.
"""

import jax, jax.numpy as jnp
import numpy as np


def setup_inputs(seed: int = 0) -> dict:
    key = jax.random.key(seed)
    k1, k2, k3 = jax.random.split(key, 3)
    B, C_in, C_out, N, K = 1, 128, 128, 100000, 2
    x = jax.random.normal(k1, (B, C_in, N, 1), dtype=jnp.float32)
    # G plays the role of torch.cat([pad_gemm(m, ...) for m in mesh], 0):
    # per-face index rows [face_id, n0, n1, n2]; randint stand-in with in-range values.
    G = jax.random.randint(k2, (B, N, 4), 0, N, dtype=jnp.int32)
    # Conv2d(in_channels=128, out_channels=128, kernel_size=(1, len(symm_oper)+1)=(1,2))
    W = jax.random.normal(k3, (C_out, C_in, 1, K), dtype=jnp.float32) * 0.02
    b = jnp.zeros((C_out,), dtype=jnp.float32)
    return {"x": x, "G": G, "W": W, "b": b}


def reference(x, G, W, b):
    # x: [B, C, N, 1] -> squeeze last dim
    xs = jnp.squeeze(x, -1)  # [B, C, N]
    B, C, N = xs.shape
    # create_GeMM: prepend zero-padding column so index 0 maps to zeros
    pad = jnp.zeros((B, C, 1), dtype=xs.dtype)
    xp = jnp.concatenate([pad, xs], axis=2)  # [B, C, N+1]
    Gi = G + 1  # shift for padding row
    # flatten_gemm_inds: add batch offset of batch_idx*(N+1) to every index
    batch_off = (jnp.arange(B, dtype=Gi.dtype) * (N + 1)).reshape(B, 1, 1)
    Gi_flat = (Gi + batch_off).reshape(-1)
    # gather
    xf = jnp.transpose(xp, (0, 2, 1)).reshape(B * (N + 1), C)
    f = jnp.take(xf, Gi_flat, axis=0).reshape(B, N, 4, C)
    f = jnp.transpose(f, (0, 3, 1, 2))  # [B, C, N, 4]
    # symm_oper = [1]: sum of the three neighbors
    x_1 = f[:, :, :, 1] + f[:, :, :, 2] + f[:, :, :, 3]
    complete_f = jnp.stack([f[:, :, :, 0], x_1], axis=3)  # [B, C, N, 2]
    # Conv2d with kernel (1, 2), stride 1 -> output width 1
    out = jnp.einsum('bcnk,ock->bon', complete_f, W[:, :, 0, :]) + b[None, :, None]
    return out[..., None]  # [B, C_out, N, 1]

if __name__ == "__main__":
    import jax
    _d = setup_inputs()
    print(jax.jit(kernel)(*tuple(_d.values())))

</pallas_src>

<mosaic_0001>
#map = affine_map<(d0, d1) -> (0, 0)>
#map1 = affine_map<(d0, d1) -> (0)>
module attributes {stable_mosaic.version = 14 : i64} {
  func.func @_gather_body(%arg0: i32, %arg1: i32, %arg2: memref<200704x128xf32, #tpu.memory_space<hbm>>, %arg3: memref<400000xi32, #tpu.memory_space<hbm>>, %arg4: memref<16xi32, #tpu.memory_space<hbm>>, %arg5: memref<100000x128xf32, #tpu.memory_space<hbm>>, %arg6: memref<64x128xf32, #tpu.memory_space<hbm>>, %arg7: memref<12544xi32, #tpu.memory_space<vmem>>, %arg8: memref<128xi32, #tpu.memory_space<vmem>>, %arg9: memref<128xi32, #tpu.memory_space<vmem>>, %arg10: memref<128xi32, #tpu.memory_space<vmem>>, %arg11: memref<128xi32, #tpu.memory_space<vmem>>, %arg12: memref<2x128x128xf32, #tpu.memory_space<vmem>>, %arg13: memref<2x128x128xf32, #tpu.memory_space<vmem>>, %arg14: memref<64x128xf32, #tpu.memory_space<vmem>>, %arg15: memref<64x128xf32, #tpu.memory_space<vmem>>, %arg16: memref<16xi32, #tpu.memory_space<vmem>>, %arg17: memref<!tpu.dma_semaphore, #tpu.memory_space<semaphore_mem>>, %arg18: memref<!tpu.dma_semaphore, #tpu.memory_space<semaphore_mem>>, %arg19: memref<!tpu.dma_semaphore, #tpu.memory_space<semaphore_mem>>, %arg20: memref<!tpu.dma_semaphore, #tpu.memory_space<semaphore_mem>>) attributes {dimension_semantics = [#tpu.dimension_semantics<core_parallel>, #tpu.dimension_semantics<subcore_parallel>], iteration_bounds = array<i64: 2, 16>, scalar_prefetch = 0 : i64, scratch_operands = 14 : i64, tpu.core_type = #tpu.core_type<sc_vector_subcore>, window_params = [{transform_indices = #map}, {transform_indices = #map1}, {transform_indices = #map1}, {transform_indices = #map}, {transform_indices = #map}]} {
    %mul3A = arith.constant 2 : i32
    %mul3A_0 = arith.muli %arg1, %mul3A : i32
    %add3A = arith.addi %mul3A_0, %arg0 : i32
    "tpu.region"() ({
      %run_scoped3A = tpu.sem_alloc : memref<!tpu.dma_semaphore, #tpu.memory_space<semaphore_mem>>
      tpu.enqueue_dma source(%arg4 : memref<16xi32, #tpu.memory_space<hbm>>) target(%arg16 : memref<16xi32, #tpu.memory_space<vmem>>) target_semaphore(%run_scoped3A : memref<!tpu.dma_semaphore, #tpu.memory_space<semaphore_mem>>)
      tpu.wait_dma2 semaphore(%run_scoped3A : memref<!tpu.dma_semaphore, #tpu.memory_space<semaphore_mem>>) src(%arg4 : memref<16xi32, #tpu.memory_space<hbm>>) dst(%arg16 : memref<16xi32, #tpu.memory_space<vmem>>)
      tpu.yield
    }) : () -> ()
    %get3A = arith.constant 0 : index
    %get3A_1 = tpu.vector_load %arg16[%get3A] {strides = array<i32>} : memref<16xi32, #tpu.memory_space<vmem>>, vector<16xi32>,
    %get3A_2 = vector.shape_cast %get3A_1 : vector<16xi32> to vector<16xi32>
    %mul3A_3 = arith.constant 12544 : i32
    %mul3A_4 = arith.muli %add3A, %mul3A_3 : i32
    %min3A = arith.constant 387456 : i32
    %min3A_5 = arith.minsi %mul3A_4, %min3A : i32
    "tpu.region"() ({
      %run_scoped3A = tpu.sem_alloc : memref<!tpu.dma_semaphore, #tpu.memory_space<semaphore_mem>>
      %dma_start3A_211 = tpu.memref_slice %arg3[%min3A_5] : memref<400000xi32, #tpu.memory_space<hbm>> -> memref<12544xi32, #tpu.memory_space<hbm>>
      %dma_start3A_212 = tpu.memref_slice %arg3[%min3A_5] : memref<400000xi32, #tpu.memory_space<hbm>> -> memref<12544xi32, #tpu.memory_space<hbm>>
      tpu.enqueue_dma source(%dma_start3A_212 : memref<12544xi32, #tpu.memory_space<hbm>>) target(%arg7 : memref<12544xi32, #tpu.memory_space<vmem>>) target_semaphore(%run_scoped3A : memref<!tpu.dma_semaphore, #tpu.memory_space<semaphore_mem>>)
      %dma_wait3A_213 = tpu.memref_slice %arg3[%min3A_5] : memref<400000xi32, #tpu.memory_space<hbm>> -> memref<12544xi32, #tpu.memory_space<hbm>>
      %dma_wait3A_214 = tpu.memref_slice %arg3[%min3A_5] : memref<400000xi32, #tpu.memory_space<hbm>> -> memref<12544xi32, #tpu.memory_space<hbm>>
      tpu.wait_dma2 semaphore(%run_scoped3A : memref<!tpu.dma_semaphore, #tpu.memory_space<semaphore_mem>>) src(%dma_wait3A_214 : memref<12544xi32, #tpu.memory_space<hbm>>) dst(%arg7 : memref<12544xi32, #tpu.memory_space<vmem>>)
      tpu.yield
    }) : () -> ()
    tpu.enqueue_dma source(%arg14 : memref<64x128xf32, #tpu.memory_space<vmem>>) target(%arg6 : memref<64x128xf32, #tpu.memory_space<hbm>>) target_semaphore(%arg19 : memref<!tpu.dma_semaphore, #tpu.memory_space<semaphore_mem>>)
    tpu.enqueue_dma source(%arg15 : memref<64x128xf32, #tpu.memory_space<vmem>>) target(%arg6 : memref<64x128xf32, #tpu.memory_space<hbm>>) target_semaphore(%arg20 : memref<!tpu.dma_semaphore, #tpu.memory_space<semaphore_mem>>)
    %mul3A_6 = arith.constant 3136 : i32
    %mul3A_7 = arith.muli %add3A, %mul3A_6 : i32
    %min3A_8 = arith.constant 0 : i32
    %min3A_9 = arith.constant 3072 : i32
    %min3A_10 = arith.minsi %min3A_8, %min3A_9 : i32
    %add3A_11 = arith.addi %mul3A_7, %min3A_10 : i32
    %min3A_12 = arith.constant 99936 : i32
    %min3A_13 = arith.minsi %add3A_11, %min3A_12 : i32
    %mul3A_14 = arith.constant 4 : i32
    %mul3A_15 = arith.muli %mul3A_14, %min3A_13 : i32
    %sub3A = arith.subi %mul3A_15, %min3A_5 : i32
    %add3A_16 = arith.constant 0 : i32
    %add3A_17 = arith.addi %sub3A, %add3A_16 : i32
    %get3A_18 = arith.index_cast %add3A_17 : i32 to index
    %get3A_19 = tpu.vector_load %arg7[%get3A_18] {strides = array<i32>} : memref<12544xi32, #tpu.memory_space<vmem>>, vector<16xi32>,
    %get3A_20 = vector.shape_cast %get3A_19 : vector<16xi32> to vector<16xi32>
    %add3A_21 = arith.addi %get3A_20, %get3A_2 : vector<16xi32>
    %swap3A = arith.constant 0 : index
    %swap3A_22 = tpu.vector_load %arg8[%swap3A] {strides = array<i32>} : memref<128xi32, #tpu.memory_space<vmem>>, vector<16xi32>,
    %swap3A_23 = vector.shape_cast %swap3A_22 : vector<16xi32> to vector<16xi32>
    %swap3A_24 = vector.shape_cast %add3A_21 : vector<16xi32> to vector<16xi32>
    tpu.vector_store %arg8[%swap3A], %swap3A_24 {strides = array<i32>} : memref<128xi32, #tpu.memory_space<vmem>>, vector<16xi32>,
    %add3A_25 = arith.constant 16 : i32
    %add3A_26 = arith.addi %sub3A, %add3A_25 : i32
    %get3A_27 = arith.index_cast %add3A_26 : i32 to index
    %get3A_28 = tpu.vector_load %arg7[%get3A_27] {strides = array<i32>} : memref<12544xi32, #tpu.memory_space<vmem>>, vector<16xi32>,
    %get3A_29 = vector.shape_cast %get3A_28 : vector<16xi32> to vector<16xi32>
    %add3A_30 = arith.addi %get3A_29, %get3A_2 : vector<16xi32>
    %swap3A_31 = arith.constant 16 : index
    %swap3A_32 = tpu.vector_load %arg8[%swap3A_31] {strides = array<i32>} : memref<128xi32, #tpu.memory_space<vmem>>, vector<16xi32>,
    %swap3A_33 = vector.shape_cast %swap3A_32 : vector<16xi32> to vector<16xi32>
    %swap3A_34 = vector.shape_cast %add3A_30 : vector<16xi32> to vector<16xi32>
    tpu.vector_store %arg8[%swap3A_31], %swap3A_34 {strides = array<i32>} : memref<128xi32, #tpu.memory_space<vmem>>, vector<16xi32>,
    %add3A_35 = arith.constant 32 : i32
    %add3A_36 = arith.addi %sub3A, %add3A_35 : i32
    %get3A_37 = arith.index_cast %add3A_36 : i32 to index
    %get3A_38 = tpu.vector_load %arg7[%get3A_37] {strides = array<i32>} : memref<12544xi32, #tpu.memory_space<vmem>>, vector<16xi32>,
    %get3A_39 = vector.shape_cast %get3A_38 : vector<16xi32> to vector<16xi32>
    %add3A_40 = arith.addi %get3A_39, %get3A_2 : vector<16xi32>
    %swap3A_41 = arith.constant 32 : index
    %swap3A_42 = tpu.vector_load %arg8[%swap3A_41] {strides = array<i32>} : memref<128xi32, #tpu.memory_space<vmem>>, vector<16xi32>,
    %swap3A_43 = vector.shape_cast %swap3A_42 : vector<16xi32> to vector<16xi32>
    %swap3A_44 = vector.shape_cast %add3A_40 : vector<16xi32> to vector<16xi32>
    tpu.vector_store %arg8[%swap3A_41], %swap3A_44 {strides = array<i32>} : memref<128xi32, #tpu.memory_space<vmem>>, vector<16xi32>,
    %add3A_45 = arith.constant 48 : i32
    %add3A_46 = arith.addi %sub3A, %add3A_45 : i32
    %get3A_47 = arith.index_cast %add3A_46 : i32 to index
    %get3A_48 = tpu.vector_load %arg7[%get3A_47] {strides = array<i32>} : memref<12544xi32, #tpu.memory_space<vmem>>, vector<16xi32>,
    %get3A_49 = vector.shape_cast %get3A_48 : vector<16xi32> to vector<16xi32>
    %add3A_50 = arith.addi %get3A_49, %get3A_2 : vector<16xi32>
    %swap3A_51 = arith.constant 48 : index
    %swap3A_52 = tpu.vector_load %arg8[%swap3A_51] {strides = array<i32>} : memref<128xi32, #tpu.memory_space<vmem>>, vector<16xi32>,
    %swap3A_53 = vector.shape_cast %swap3A_52 : vector<16xi32> to vector<16xi32>
    %swap3A_54 = vector.shape_cast %add3A_50 : vector<16xi32> to vector<16xi32>
    tpu.vector_store %arg8[%swap3A_51], %swap3A_54 {strides = array<i32>} : memref<128xi32, #tpu.memory_space<vmem>>, vector<16xi32>,
    %add3A_55 = arith.constant 64 : i32
    %add3A_56 = arith.addi %sub3A, %add3A_55 : i32
    %get3A_57 = arith.index_cast %add3A_56 : i32 to index
    %get3A_58 = tpu.vector_load %arg7[%get3A_57] {strides = array<i32>} : memref<12544xi32, #tpu.memory_space<vmem>>, vector<16xi32>,
    %get3A_59 = vector.shape_cast %get3A_58 : vector<16xi32> to vector<16xi32>
    %add3A_60 = arith.addi %get3A_59, %get3A_2 : vector<16xi32>
    %swap3A_61 = arith.constant 64 : index
    %swap3A_62 = tpu.vector_load %arg8[%swap3A_61] {strides = array<i32>} : memref<128xi32, #tpu.memory_space<vmem>>, vector<16xi32>,
    %swap3A_63 = vector.shape_cast %swap3A_62 : vector<16xi32> to vector<16xi32>
    %swap3A_64 = vector.shape_cast %add3A_60 : vector<16xi32> to vector<16xi32>
    tpu.vector_store %arg8[%swap3A_61], %swap3A_64 {strides = array<i32>} : memref<128xi32, #tpu.memory_space<vmem>>, vector<16xi32>,
    %add3A_65 = arith.constant 80 : i32
    %add3A_66 = arith.addi %sub3A, %add3A_65 : i32
    %get3A_67 = arith.index_cast %add3A_66 : i32 to index
    %get3A_68 = tpu.vector_load %arg7[%get3A_67] {strides = array<i32>} : memref<12544xi32, #tpu.memory_space<vmem>>, vector<16xi32>,
    %get3A_69 = vector.shape_cast %get3A_68 : vector<16xi32> to vector<16xi32>
    %add3A_70 = arith.addi %get3A_69, %get3A_2 : vector<16xi32>
    %swap3A_71 = arith.constant 80 : index
    %swap3A_72 = tpu.vector_load %arg8[%swap3A_71] {strides = array<i32>} : memref<128xi32, #tpu.memory_space<vmem>>, vector<16xi32>,
    %swap3A_73 = vector.shape_cast %swap3A_72 : vector<16xi32> to vector<16xi32>
    %swap3A_74 = vector.shape_cast %add3A_70 : vector<16xi32> to vector<16xi32>
    tpu.vector_store %arg8[%swap3A_71], %swap3A_74 {strides = array<i32>} : memref<128xi32, #tpu.memory_space<vmem>>, vector<16xi32>,
    %add3A_75 = arith.constant 96 : i32
    %add3A_76 = arith.addi %sub3A, %add3A_75 : i32
    %get3A_77 = arith.index_cast %add3A_76 : i32 to index
    %get3A_78 = tpu.vector_load %arg7[%get3A_77] {strides = array<i32>} : memref<12544xi32, #tpu.memory_space<vmem>>, vector<16xi32>,
    %get3A_79 = vector.shape_cast %get3A_78 : vector<16xi32> to vector<16xi32>
    %add3A_80 = arith.addi %get3A_79, %get3A_2 : vector<16xi32>
    %swap3A_81 = arith.constant 96 : index
    %swap3A_82 = tpu.vector_load %arg8[%swap3A_81] {strides = array<i32>} : memref<128xi32, #tpu.memory_space<vmem>>, vector<16xi32>,
    %swap3A_83 = vector.shape_cast %swap3A_82 : vector<16xi32> to vector<16xi32>
    %swap3A_84 = vector.shape_cast %add3A_80 : vector<16xi32> to vector<16xi32>
    tpu.vector_store %arg8[%swap3A_81], %swap3A_84 {strides = array<i32>} : memref<128xi32, #tpu.memory_space<vmem>>, vector<16xi32>,
    %add3A_85 = arith.constant 112 : i32
    %add3A_86 = arith.addi %sub3A, %add3A_85 : i32
    %get3A_87 = arith.index_cast %add3A_86 : i32 to index
    %get3A_88 = tpu.vector_load %arg7[%get3A_87] {strides = array<i32>} : memref<12544xi32, #tpu.memory_space<vmem>>, vector<16xi32>,
    %get3A_89 = vector.shape_cast %get3A_88 : vector<16xi32> to vector<16xi32>
    %add3A_90 = arith.addi %get3A_89, %get3A_2 : vector<16xi32>
    %swap3A_91 = arith.constant 112 : index
    %swap3A_92 = tpu.vector_load %arg8[%swap3A_91] {strides = array<i32>} : memref<128xi32, #tpu.memory_space<vmem>>, vector<16xi32>,
    %swap3A_93 = vector.shape_cast %swap3A_92 : vector<16xi32> to vector<16xi32>
    %swap3A_94 = vector.shape_cast %add3A_90 : vector<16xi32> to vector<16xi32>
    tpu.vector_store %arg8[%swap3A_91], %swap3A_94 {strides = array<i32>} : memref<128xi32, #tpu.memory_space<vmem>>, vector<16xi32>,
    %add3A_95 = arith.constant 128 : i32
    %add3A_96 = arith.addi %sub3A, %add3A_95 : i32
    %get3A_97 = arith.index_cast %add3A_96 : i32 to index
    %get3A_98 = tpu.vector_load %arg7[%get3A_97] {strides = array<i32>} : memref<12544xi32, #tpu.memory_space<vmem>>, vector<16xi32>,
    %get3A_99 = vector.shape_cast %get3A_98 : vector<16xi32> to vector<16xi32>
    %add3A_100 = arith.addi %get3A_99, %get3A_2 : vector<16xi32>
    %swap3A_101 = arith.constant 0 : index
    %swap3A_102 = tpu.vector_load %arg9[%swap3A_101] {strides = array<i32>} : memref<128xi32, #tpu.memory_space<vmem>>, vector<16xi32>,
    %swap3A_103 = vector.shape_cast %swap3A_102 : vector<16xi32> to vector<16xi32>
    %swap3A_104 = vector.shape_cast %add3A_100 : vector<16xi32> to vector<16xi32>
    tpu.vector_store %arg9[%swap3A_101], %swap3A_104 {strides = array<i32>} : memref<128xi32, #tpu.memory_space<vmem>>, vector<16xi32>,
    %add3A_105 = arith.constant 144 : i32
    %add3A_106 = arith.addi %sub3A, %add3A_105 : i32
    %get3A_107 = arith.index_cast %add3A_106 : i32 to index
    %get3A_108 = tpu.vector_load %arg7[%get3A_107] {strides = array<i32>} : memref<12544xi32, #tpu.memory_space<vmem>>, vector<16xi32>,
    %get3A_109 = vector.shape_cast %get3A_108 : vector<16xi32> to vector<16xi32>
    %add3A_110 = arith.addi %get3A_109, %get3A_2 : vector<16xi32>
    %swap3A_111 = arith.constant 16 : index
    %swap3A_112 = tpu.vector_load %arg9[%swap3A_111] {strides = array<i32>} : memref<128xi32, #tpu.memory_space<vmem>>, vector<16xi32>,
    %swap3A_113 = vector.shape_cast %swap3A_112 : vector<16xi32> to vector<16xi32>
    %swap3A_114 = vector.shape_cast %add3A_110 : vector<16xi32> to vector<16xi32>
    tpu.vector_store %arg9[%swap3A_111], %swap3A_114 {strides = array<i32>} : memref<128xi32, #tpu.memory_space<vmem>>, vector<16xi32>,
    %add3A_115 = arith.constant 160 : i32
    %add3A_116 = arith.addi %sub3A, %add3A_115 : i32
    %get3A_117 = arith.index_cast %add3A_116 : i32 to index
    %get3A_118 = tpu.vector_load %arg7[%get3A_117] {strides = array<i32>} : memref<12544xi32, #tpu.memory_space<vmem>>, vector<16xi32>,
    %get3A_119 = vector.shape_cast %get3A_118 : vector<16xi32> to vector<16xi32>
    %add3A_120 = arith.addi %get3A_119, %get3A_2 : vector<16xi32>
    %swap3A_121 = arith.constant 32 : index
    %swap3A_122 = tpu.vector_load %arg9[%swap3A_121] {strides = array<i32>} : memref<128xi32, #tpu.memory_space<vmem>>, vector<16xi32>,
    %swap3A_123 = vector.shape_cast %swap3A_122 : vector<16xi32> to vector<16xi32>
    %swap3A_124 = vector.shape_cast %add3A_120 : vector<16xi32> to vector<16xi32>
    tpu.vector_store %arg9[%swap3A_121], %swap3A_124 {strides = array<i32>} : memref<128xi32, #tpu.memory_space<vmem>>, vector<16xi32>,
    %add3A_125 = arith.constant 176 : i32
    %add3A_126 = arith.addi %sub3A, %add3A_125 : i32
    %get3A_127 = arith.index_cast %add3A_126 : i32 to index
    %get3A_128 = tpu.vector_load %arg7[%get3A_127] {strides = array<i32>} : memref<12544xi32, #tpu.memory_space<vmem>>, vector<16xi32>,
    %get3A_129 = vector.shape_cast %get3A_128 : vector<16xi32> to vector<16xi32>
    %add3A_130 = arith.addi %get3A_129, %get3A_2 : vector<16xi32>
    %swap3A_131 = arith.constant 48 : index
    %swap3A_132 = tpu.vector_load %arg9[%swap3A_131] {strides = array<i32>} : memref<128xi32, #tpu.memory_space<vmem>>, vector<16xi32>,
    %swap3A_133 = vector.shape_cast %swap3A_132 : vector<16xi32> to vector<16xi32>
    %swap3A_134 = vector.shape_cast %add3A_130 : vector<16xi32> to vector<16xi32>
    tpu.vector_store %arg9[%swap3A_131], %swap3A_134 {strides = array<i32>} : memref<128xi32, #tpu.memory_space<vmem>>, vector<16xi32>,
    %add3A_135 = arith.constant 192 : i32
    %add3A_136 = arith.addi %sub3A, %add3A_135 : i32
    %get3A_137 = arith.index_cast %add3A_136 : i32 to index
    %get3A_138 = tpu.vector_load %arg7[%get3A_137] {strides = array<i32>} : memref<12544xi32, #tpu.memory_space<vmem>>, vector<16xi32>,
    %get3A_139 = vector.shape_cast %get3A_138 : vector<16xi32> to vector<16xi32>
    %add3A_140 = arith.addi %get3A_139, %get3A_2 : vector<16xi32>
    %swap3A_141 = arith.constant 64 : index
    %swap3A_142 = tpu.vector_load %arg9[%swap3A_141] {strides = array<i32>} : memref<128xi32, #tpu.memory_space<vmem>>, vector<16xi32>,
    %swap3A_143 = vector.shape_cast %swap3A_142 : vector<16xi32> to vector<16xi32>
    %swap3A_144 = vector.shape_cast %add3A_140 : vector<16xi32> to vector<16xi32>
    tpu.vector_store %arg9[%swap3A_141], %swap3A_144 {strides = array<i32>} : memref<128xi32, #tpu.memory_space<vmem>>, vector<16xi32>,
    %add3A_145 = arith.constant 208 : i32
    %add3A_146 = arith.addi %sub3A, %add3A_145 : i32
    %get3A_147 = arith.index_cast %add3A_146 : i32 to index
    %get3A_148 = tpu.vector_load %arg7[%get3A_147] {strides = array<i32>} : memref<12544xi32, #tpu.memory_space<vmem>>, vector<16xi32>,
    %get3A_149 = vector.shape_cast %get3A_148 : vector<16xi32> to vector<16xi32>
    %add3A_150 = arith.addi %get3A_149, %get3A_2 : vector<16xi32>
    %swap3A_151 = arith.constant 80 : index
    %swap3A_152 = tpu.vector_load %arg9[%swap3A_151] {strides = array<i32>} : memref<128xi32, #tpu.memory_space<vmem>>, vector<16xi32>,
    %swap3A_153 = vector.shape_cast %swap3A_152 : vector<16xi32> to vector<16xi32>
    %swap3A_154 = vector.shape_cast %add3A_150 : vector<16xi32> to vector<16xi32>
    tpu.vector_store %arg9[%swap3A_151], %swap3A_154 {strides = array<i32>} : memref<128xi32, #tpu.memory_space<vmem>>, vector<16xi32>,
    %add3A_155 = arith.constant 224 : i32
    %add3A_156 = arith.addi %sub3A, %add3A_155 : i32
    %get3A_157 = arith.index_cast %add3A_156 : i32 to index
    %get3A_158 = tpu.vector_load %arg7[%get3A_157] {strides = array<i32>} : memref<12544xi32, #tpu.memory_space<vmem>>, vector<16xi32>,
    %get3A_159 = vector.shape_cast %get3A_158 : vector<16xi32> to vector<16xi32>
    %add3A_160 = arith.addi %get3A_159, %get3A_2 : vector<16xi32>
    %swap3A_161 = arith.constant 96 : index
    %swap3A_162 = tpu.vector_load %arg9[%swap3A_161] {strides = array<i32>} : memref<128xi32, #tpu.memory_space<vmem>>, vector<16xi32>,
    %swap3A_163 = vector.shape_cast %swap3A_162 : vector<16xi32> to vector<16xi32>
    %swap3A_164 = vector.shape_cast %add3A_160 : vector<16xi32> to vector<16xi32>
    tpu.vector_store %arg9[%swap3A_161], %swap3A_164 {strides = array<i32>} : memref<128xi32, #tpu.memory_space<vmem>>, vector<16xi32>,
    %add3A_165 = arith.constant 240 : i32
    %add3A_166 = arith.addi %sub3A, %add3A_165 : i32
    %get3A_167 = arith.index_cast %add3A_166 : i32 to index
    %get3A_168 = tpu.vector_load %arg7[%get3A_167] {strides = array<i32>} : memref<12544xi32, #tpu.memory_space<vmem>>, vector<16xi32>,
    %get3A_169 = vector.shape_cast %get3A_168 : vector<16xi32> to vector<16xi32>
    %add3A_170 = arith.addi %get3A_169, %get3A_2 : vector<16xi32>
    %swap3A_171 = arith.constant 112 : index
    %swap3A_172 = tpu.vector_load %arg9[%swap3A_171] {strides = array<i32>} : memref<128xi32, #tpu.memory_space<vmem>>, vector<16xi32>,
    %swap3A_173 = vector.shape_cast %swap3A_172 : vector<16xi32> to vector<16xi32>
    %swap3A_174 = vector.shape_cast %add3A_170 : vector<16xi32> to vector<16xi32>
    tpu.vector_store %arg9[%swap3A_171], %swap3A_174 {strides = array<i32>} : memref<128xi32, #tpu.memory_space<vmem>>, vector<16xi32>,
    %dma_start3A = arith.constant 0 : i32
    %dma_start3A_175 = arith.constant 0 : i32
    %dma_start3A_176 = arith.constant 0 : i32
    %dma_start3A_177 = tpu.memref_slice %arg12[%dma_start3A, %dma_start3A_175, %dma_start3A_176] : memref<2x128x128xf32, #tpu.memory_space<vmem>> -> memref<1x128x128xf32, #tpu.memory_space<vmem>>
    %dma_start3A_178 = tpu.memref_squeeze %dma_start3A_177 : memref<1x128x128xf32, #tpu.memory_space<vmem>> -> memref<128x128xf32, #tpu.memory_space<vmem>>
    %dma_start3A_179 = arith.constant 0 : i32
    %dma_start3A_180 = arith.constant 0 : i32
    %dma_start3A_181 = tpu.memref_slice %arg2[%dma_start3A_179, %dma_start3A_180] : memref<200704x128xf32, #tpu.memory_space<hbm>> -> memref<200704x128xf32, #tpu.memory_space<hbm>>
    tpu.enqueue_indirect_dma source(%dma_start3A_181 : memref<200704x128xf32, #tpu.memory_space<hbm>>) target(%dma_start3A_178 : memref<128x128xf32, #tpu.memory_space<vmem>>) offsets(%arg8 : memref<128xi32, #tpu.memory_space<vmem>>) semaphore(%arg17 : memref<!tpu.dma_semaphore, #tpu.memory_space<semaphore_mem>>)
    %dma_start3A_182 = arith.constant 1 : i32
    %dma_start3A_183 = arith.constant 0 : i32
    %dma_start3A_184 = arith.constant 0 : i32
    %dma_start3A_185 = tpu.memref_slice %arg12[%dma_start3A_182, %dma_start3A_183, %dma_start3A_184] : memref<2x128x128xf32, #tpu.memory_space<vmem>> -> memref<1x128x128xf32, #tpu.memory_space<vmem>>
    %dma_start3A_186 = tpu.memref_squeeze %dma_start3A_185 : memref<1x128x128xf32, #tpu.memory_space<vmem>> -> memref<128x128xf32, #tpu.memory_space<vmem>>
    %dma_start3A_187 = arith.constant 0 : i32
    %dma_start3A_188 = arith.constant 0 : i32
    %dma_start3A_189 = tpu.memref_slice %arg2[%dma_start3A_187, %dma_start3A_188] : memref<200704x128xf32, #tpu.memory_space<hbm>> -> memref<200704x128xf32, #tpu.memory_space<hbm>>
    tpu.enqueue_indirect_dma source(%dma_start3A_189 : memref<200704x128xf32, #tpu.memory_space<hbm>>) target(%dma_start3A_186 : memref<128x128xf32, #tpu.memory_space<vmem>>) offsets(%arg9 : memref<128xi32, #tpu.memory_space<vmem>>) semaphore(%arg17 : memref<!tpu.dma_semaphore, #tpu.memory_space<semaphore_mem>>)
    %scan3A = arith.constant 0 : i32
    %scan3A_190 = arith.constant 0 : i32
    %scan3A_191 = arith.constant 25 : i32
    %scan3A_192 = arith.addi %scan3A_190, %scan3A_191 : i32
    %scan3A_193 = arith.constant 1 : i32
    %scan3A_194 = scf.for %scan3A_211 = %scan3A_190 to %scan3A_192 step %scan3A_193 iter_args(%scan3A_212 = %scan3A) -> (i32)  : i32 {
      %mul3A_213 = arith.constant 2 : i32
      %mul3A_214 = arith.muli %mul3A_213, %scan3A_211 : i32
      %add3A_215 = arith.constant 1 : i32
      %add3A_216 = arith.addi %mul3A_214, %add3A_215 : i32
      %mul3A_217 = arith.constant 3136 : i32
      %mul3A_218 = arith.muli %add3A, %mul3A_217 : i32
      %mul3A_219 = arith.constant 64 : i32
      %mul3A_220 = arith.muli %add3A_216, %mul3A_219 : i32
      %min3A_221 = arith.constant 3072 : i32
      %min3A_222 = arith.minsi %mul3A_220, %min3A_221 : i32
      %add3A_223 = arith.addi %mul3A_218, %min3A_222 : i32
      %min3A_224 = arith.constant 99936 : i32
      %min3A_225 = arith.minsi %add3A_223, %min3A_224 : i32
      %mul3A_226 = arith.constant 4 : i32
      %mul3A_227 = arith.muli %mul3A_226, %min3A_225 : i32
      %sub3A_228 = arith.subi %mul3A_227, %min3A_5 : i32
      %add3A_229 = arith.constant 0 : i32
      %add3A_230 = arith.addi %sub3A_228, %add3A_229 : i32
      %get3A_231 = arith.index_cast %add3A_230 : i32 to index
      %get3A_232 = tpu.vector_load %arg7[%get3A_231] {strides = array<i32>} : memref<12544xi32, #tpu.memory_space<vmem>>, vector<16xi32>,
      %get3A_233 = vector.shape_cast %get3A_232 : vector<16xi32> to vector<16xi32>
      %add3A_234 = arith.addi %get3A_233, %get3A_2 : vector<16xi32>
      %swap3A_235 = arith.constant 0 : index
      %swap3A_236 = tpu.vector_load %arg10[%swap3A_235] {strides = array<i32>} : memref<128xi32, #tpu.memory_space<vmem>>, vector<16xi32>,
      %swap3A_237 = vector.shape_cast %swap3A_236 : vector<16xi32> to vector<16xi32>
      %swap3A_238 = vector.shape_cast %add3A_234 : vector<16xi32> to vector<16xi32>
      tpu.vector_store %arg10[%swap3A_235], %swap3A_238 {strides = array<i32>} : memref<128xi32, #tpu.memory_space<vmem>>, vector<16xi32>,
      %add3A_239 = arith.constant 16 : i32
      %add3A_240 = arith.addi %sub3A_228, %add3A_239 : i32
      %get3A_241 = arith.index_cast %add3A_240 : i32 to index
      %get3A_242 = tpu.vector_load %arg7[%get3A_241] {strides = array<i32>} : memref<12544xi32, #tpu.memory_space<vmem>>, vector<16xi32>,
      %get3A_243 = vector.shape_cast %get3A_242 : vector<16xi32> to vector<16xi32>
      %add3A_244 = arith.addi %get3A_243, %get3A_2 : vector<16xi32>
      %swap3A_245 = arith.constant 16 : index
      %swap3A_246 = tpu.vector_load %arg10[%swap3A_245] {strides = array<i32>} : memref<128xi32, #tpu.memory_space<vmem>>, vector<16xi32>,
      %swap3A_247 = vector.shape_cast %swap3A_246 : vector<16xi32> to vector<16xi32>
      %swap3A_248 = vector.shape_cast %add3A_244 : vector<16xi32> to vector<16xi32>
      tpu.vector_store %arg10[%swap3A_245], %swap3A_248 {strides = array<i32>} : memref<128xi32, #tpu.memory_space<vmem>>, vector<16xi32>,
      %add3A_249 = arith.constant 32 : i32
      %add3A_250 = arith.addi %sub3A_228, %add3A_249 : i32
      %get3A_251 = arith.index_cast %add3A_250 : i32 to index
      %get3A_252 = tpu.vector_load %arg7[%get3A_251] {strides = array<i32>} : memref<12544xi32, #tpu.memory_space<vmem>>, vector<16xi32>,
      %get3A_253 = vector.shape_cast %get3A_252 : vector<16xi32> to vector<16xi32>
      %add3A_254 = arith.addi %get3A_253, %get3A_2 : vector<16xi32>
      %swap3A_255 = arith.constant 32 : index
      %swap3A_256 = tpu.vector_load %arg10[%swap3A_255] {strides = array<i32>} : memref<128xi32, #tpu.memory_space<vmem>>, vector<16xi32>,
      %swap3A_257 = vector.shape_cast %swap3A_256 : vector<16xi32> to vector<16xi32>
      %swap3A_258 = vector.shape_cast %add3A_254 : vector<16xi32> to vector<16xi32>
      tpu.vector_store %arg10[%swap3A_255], %swap3A_258 {strides = array<i32>} : memref<128xi32, #tpu.memory_space<vmem>>, vector<16xi32>,
      %add3A_259 = arith.constant 48 : i32
      %add3A_260 = arith.addi %sub3A_228, %add3A_259 : i32
      %get3A_261 = arith.index_cast %add3A_260 : i32 to index
      %get3A_262 = tpu.vector_load %arg7[%get3A_261] {strides = array<i32>} : memref<12544xi32, #tpu.memory_space<vmem>>, vector<16xi32>,
      %get3A_263 = vector.shape_cast %get3A_262 : vector<16xi32> to vector<16xi32>
      %add3A_264 = arith.addi %get3A_263, %get3A_2 : vector<16xi32>
      %swap3A_265 = arith.constant 48 : index
      %swap3A_266 = tpu.vector_load %arg10[%swap3A_265] {strides = array<i32>} : memref<128xi32, #tpu.memory_space<vmem>>, vector<16xi32>,
      %swap3A_267 = vector.shape_cast %swap3A_266 : vector<16xi32> to vector<16xi32>
      %swap3A_268 = vector.shape_cast %add3A_264 : vector<16xi32> to vector<16xi32>
      tpu.vector_store %arg10[%swap3A_265], %swap3A_268 {strides = array<i32>} : memref<128xi32, #tpu.memory_space<vmem>>, vector<16xi32>,
      %add3A_269 = arith.constant 64 : i32
      %add3A_270 = arith.addi %sub3A_228, %add3A_269 : i32
      %get3A_271 = arith.index_cast %add3A_270 : i32 to index
      %get3A_272 = tpu.vector_load %arg7[%get3A_271] {strides = array<i32>} : memref<12544xi32, #tpu.memory_space<vmem>>, vector<16xi32>,
      %get3A_273 = vector.shape_cast %get3A_272 : vector<16xi32> to vector<16xi32>
      %add3A_274 = arith.addi %get3A_273, %get3A_2 : vector<16xi32>
      %swap3A_275 = arith.constant 64 : index
      %swap3A_276 = tpu.vector_load %arg10[%swap3A_275] {strides = array<i32>} : memref<128xi32, #tpu.memory_space<vmem>>, vector<16xi32>,
      %swap3A_277 = vector.shape_cast %swap3A_276 : vector<16xi32> to vector<16xi32>
      %swap3A_278 = vector.shape_cast %add3A_274 : vector<16xi32> to vector<16xi32>
      tpu.vector_store %arg10[%swap3A_275], %swap3A_278 {strides = array<i32>} : memref<128xi32, #tpu.memory_space<vmem>>, vector<16xi32>,
      %add3A_279 = arith.constant 80 : i32
      %add3A_280 = arith.addi %sub3A_228, %add3A_279 : i32
      %get3A_281 = arith.index_cast %add3A_280 : i32 to index
      %get3A_282 = tpu.vector_load %arg7[%get3A_281] {strides = array<i32>} : memref<12544xi32, #tpu.memory_space<vmem>>, vector<16xi32>,
      %get3A_283 = vector.shape_cast %get3A_282 : vector<16xi32> to vector<16xi32>
      %add3A_284 = arith.addi %get3A_283, %get3A_2 : vector<16xi32>
      %swap3A_285 = arith.constant 80 : index
      %swap3A_286 = tpu.vector_load %arg10[%swap3A_285] {strides = array<i32>} : memref<128xi32, #tpu.memory_space<vmem>>, vector<16xi32>,
      %swap3A_287 = vector.shape_cast %swap3A_286 : vector<16xi32> to vector<16xi32>
      %swap3A_288 = vector.shape_cast %add3A_284 : vector<16xi32> to vector<16xi32>
      tpu.vector_store %arg10[%swap3A_285], %swap3A_288 {strides = array<i32>} : memref<128xi32, #tpu.memory_space<vmem>>, vector<16xi32>,
      %add3A_289 = arith.constant 96 : i32
      %add3A_290 = arith.addi %sub3A_228, %add3A_289 : i32
      %get3A_291 = arith.index_cast %add3A_290 : i32 to index
      %get3A_292 = tpu.vector_load %arg7[%get3A_291] {strides = array<i32>} : memref<12544xi32, #tpu.memory_space<vmem>>, vector<16xi32>,
      %get3A_293 = vector.shape_cast %get3A_292 : vector<16xi32> to vector<16xi32>
      %add3A_294 = arith.addi %get3A_293, %get3A_2 : vector<16xi32>
      %swap3A_295 = arith.constant 96 : index
      %swap3A_296 = tpu.vector_load %arg10[%swap3A_295] {strides = array<i32>} : memref<128xi32, #tpu.memory_space<vmem>>, vector<16xi32>,
      %swap3A_297 = vector.shape_cast %swap3A_296 : vector<16xi32> to vector<16xi32>
      %swap3A_298 = vector.shape_cast %add3A_294 : vector<16xi32> to vector<16xi32>
      tpu.vector_store %arg10[%swap3A_295], %swap3A_298 {strides = array<i32>} : memref<128xi32, #tpu.memory_space<vmem>>, vector<16xi32>,
      %add3A_299 = arith.constant 112 : i32
      %add3A_300 = arith.addi %sub3A_228, %add3A_299 : i32
      %get3A_301 = arith.index_cast %add3A_300 : i32 to index
      %get3A_302 = tpu.vector_load %arg7[%get3A_301] {strides = array<i32>} : memref<12544xi32, #tpu.memory_space<vmem>>, vector<16xi32>,
      %get3A_303 = vector.shape_cast %get3A_302 : vector<16xi32> to vector<16xi32>
      %add3A_304 = arith.addi %get3A_303, %get3A_2 : vector<16xi32>
      %swap3A_305 = arith.constant 112 : index
      %swap3A_306 = tpu.vector_load %arg10[%swap3A_305] {strides = array<i32>} : memref<128xi32, #tpu.memory_space<vmem>>, vector<16xi32>,
      %swap3A_307 = vector.shape_cast %swap3A_306 : vector<16xi32> to vector<16xi32>
      %swap3A_308 = vector.shape_cast %add3A_304 : vector<16xi32> to vector<16xi32>
      tpu.vector_store %arg10[%swap3A_305], %swap3A_308 {strides = array<i32>} : memref<128xi32, #tpu.memory_space<vmem>>, vector<16xi32>,
      %add3A_309 = arith.constant 128 : i32
      %add3A_310 = arith.addi %sub3A_228, %add3A_309 : i32
      %get3A_311 = arith.index_cast %add3A_310 : i32 to index
      %get3A_312 = tpu.vector_load %arg7[%get3A_311] {strides = array<i32>} : memref<12544xi32, #tpu.memory_space<vmem>>, vector<16xi32>,
      %get3A_313 = vector.shape_cast %get3A_312 : vector<16xi32> to vector<16xi32>
      %add3A_314 = arith.addi %get3A_313, %get3A_2 : vector<16xi32>
      %swap3A_315 = arith.constant 0 : index
      %swap3A_316 = tpu.vector_load %arg11[%swap3A_315] {strides = array<i32>} : memref<128xi32, #tpu.memory_space<vmem>>, vector<16xi32>,
      %swap3A_317 = vector.shape_cast %swap3A_316 : vector<16xi32> to vector<16xi32>
      %swap3A_318 = vector.shape_cast %add3A_314 : vector<16xi32> to vector<16xi32>
      tpu.vector_store %arg11[%swap3A_315], %swap3A_318 {strides = array<i32>} : memref<128xi32, #tpu.memory_space<vmem>>, vector<16xi32>,
      %add3A_319 = arith.constant 144 : i32
      %add3A_320 = arith.addi %sub3A_228, %add3A_319 : i32
      %get3A_321 = arith.index_cast %add3A_320 : i32 to index
      %get3A_322 = tpu.vector_load %arg7[%get3A_321] {strides = array<i32>} : memref<12544xi32, #tpu.memory_space<vmem>>, vector<16xi32>,
      %get3A_323 = vector.shape_cast %get3A_322 : vector<16xi32> to vector<16xi32>
      %add3A_324 = arith.addi %get3A_323, %get3A_2 : vector<16xi32>
      %swap3A_325 = arith.constant 16 : index
      %swap3A_326 = tpu.vector_load %arg11[%swap3A_325] {strides = array<i32>} : memref<128xi32, #tpu.memory_space<vmem>>, vector<16xi32>,
      %swap3A_327 = vector.shape_cast %swap3A_326 : vector<16xi32> to vector<16xi32>
      %swap3A_328 = vector.shape_cast %add3A_324 : vector<16xi32> to vector<16xi32>
      tpu.vector_store %arg11[%swap3A_325], %swap3A_328 {strides = array<i32>} : memref<128xi32, #tpu.memory_space<vmem>>, vector<16xi32>,
      %add3A_329 = arith.constant 160 : i32
      %add3A_330 = arith.addi %sub3A_228, %add3A_329 : i32
      %get3A_331 = arith.index_cast %add3A_330 : i32 to index
      %get3A_332 = tpu.vector_load %arg7[%get3A_331] {strides = array<i32>} : memref<12544xi32, #tpu.memory_space<vmem>>, vector<16xi32>,
      %get3A_333 = vector.shape_cast %get3A_332 : vector<16xi32> to vector<16xi32>
      %add3A_334 = arith.addi %get3A_333, %get3A_2 : vector<16xi32>
      %swap3A_335 = arith.constant 32 : index
      %swap3A_336 = tpu.vector_load %arg11[%swap3A_335] {strides = array<i32>} : memref<128xi32, #tpu.memory_space<vmem>>, vector<16xi32>,
      %swap3A_337 = vector.shape_cast %swap3A_336 : vector<16xi32> to vector<16xi32>
      %swap3A_338 = vector.shape_cast %add3A_334 : vector<16xi32> to vector<16xi32>
      tpu.vector_store %arg11[%swap3A_335], %swap3A_338 {strides = array<i32>} : memref<128xi32, #tpu.memory_space<vmem>>, vector<16xi32>,
      %add3A_339 = arith.constant 176 : i32
      %add3A_340 = arith.addi %sub3A_228, %add3A_339 : i32
      %get3A_341 = arith.index_cast %add3A_340 : i32 to index
      %get3A_342 = tpu.vector_load %arg7[%get3A_341] {strides = array<i32>} : memref<12544xi32, #tpu.memory_space<vmem>>, vector<16xi32>,
      %get3A_343 = vector.shape_cast %get3A_342 : vector<16xi32> to vector<16xi32>
      %add3A_344 = arith.addi %get3A_343, %get3A_2 : vector<16xi32>
      %swap3A_345 = arith.constant 48 : index
      %swap3A_346 = tpu.vector_load %arg11[%swap3A_345] {strides = array<i32>} : memref<128xi32, #tpu.memory_space<vmem>>, vector<16xi32>,
      %swap3A_347 = vector.shape_cast %swap3A_346 : vector<16xi32> to vector<16xi32>
      %swap3A_348 = vector.shape_cast %add3A_344 : vector<16xi32> to vector<16xi32>
      tpu.vector_store %arg11[%swap3A_345], %swap3A_348 {strides = array<i32>} : memref<128xi32, #tpu.memory_space<vmem>>, vector<16xi32>,
      %add3A_349 = arith.constant 192 : i32
      %add3A_350 = arith.addi %sub3A_228, %add3A_349 : i32
      %get3A_351 = arith.index_cast %add3A_350 : i32 to index
      %get3A_352 = tpu.vector_load %arg7[%get3A_351] {strides = array<i32>} : memref<12544xi32, #tpu.memory_space<vmem>>, vector<16xi32>,
      %get3A_353 = vector.shape_cast %get3A_352 : vector<16xi32> to vector<16xi32>
      %add3A_354 = arith.addi %get3A_353, %get3A_2 : vector<16xi32>
      %swap3A_355 = arith.constant 64 : index
      %swap3A_356 = tpu.vector_load %arg11[%swap3A_355] {strides = array<i32>} : memref<128xi32, #tpu.memory_space<vmem>>, vector<16xi32>,
      %swap3A_357 = vector.shape_cast %swap3A_356 : vector<16xi32> to vector<16xi32>
      %swap3A_358 = vector.shape_cast %add3A_354 : vector<16xi32> to vector<16xi32>
      tpu.vector_store %arg11[%swap3A_355], %swap3A_358 {strides = array<i32>} : memref<128xi32, #tpu.memory_space<vmem>>, vector<16xi32>,
      %add3A_359 = arith.constant 208 : i32
      %add3A_360 = arith.addi %sub3A_228, %add3A_359 : i32
      %get3A_361 = arith.index_cast %add3A_360 : i32 to index
      %get3A_362 = tpu.vector_load %arg7[%get3A_361] {strides = array<i32>} : memref<12544xi32, #tpu.memory_space<vmem>>, vector<16xi32>,
      %get3A_363 = vector.shape_cast %get3A_362 : vector<16xi32> to vector<16xi32>
      %add3A_364 = arith.addi %get3A_363, %get3A_2 : vector<16xi32>
      %swap3A_365 = arith.constant 80 : index
      %swap3A_366 = tpu.vector_load %arg11[%swap3A_365] {strides = array<i32>} : memref<128xi32, #tpu.memory_space<vmem>>, vector<16xi32>,
      %swap3A_367 = vector.shape_cast %swap3A_366 : vector<16xi32> to vector<16xi32>
      %swap3A_368 = vector.shape_cast %add3A_364 : vector<16xi32> to vector<16xi32>
      tpu.vector_store %arg11[%swap3A_365], %swap3A_368 {strides = array<i32>} : memref<128xi32, #tpu.memory_space<vmem>>, vector<16xi32>,
      %add3A_369 = arith.constant 224 : i32
      %add3A_370 = arith.addi %sub3A_228, %add3A_369 : i32
      %get3A_371 = arith.index_cast %add3A_370 : i32 to index
      %get3A_372 = tpu.vector_load %arg7[%get3A_371] {strides = array<i32>} : memref<12544xi32, #tpu.memory_space<vmem>>, vector<16xi32>,
      %get3A_373 = vector.shape_cast %get3A_372 : vector<16xi32> to vector<16xi32>
      %add3A_374 = arith.addi %get3A_373, %get3A_2 : vector<16xi32>
      %swap3A_375 = arith.constant 96 : index
      %swap3A_376 = tpu.vector_load %arg11[%swap3A_375] {strides = array<i32>} : memref<128xi32, #tpu.memory_space<vmem>>, vector<16xi32>,
      %swap3A_377 = vector.shape_cast %swap3A_376 : vector<16xi32> to vector<16xi32>
      %swap3A_378 = vector.shape_cast %add3A_374 : vector<16xi32> to vector<16xi32>
      tpu.vector_store %arg11[%swap3A_375], %swap3A_378 {strides = array<i32>} : memref<128xi32, #tpu.memory_space<vmem>>, vector<16xi32>,
      %add3A_379 = arith.constant 240 : i32
      %add3A_380 = arith.addi %sub3A_228, %add3A_379 : i32
      %get3A_381 = arith.index_cast %add3A_380 : i32 to index
      %get3A_382 = tpu.vector_load %arg7[%get3A_381] {strides = array<i32>} : memref<12544xi32, #tpu.memory_space<vmem>>, vector<16xi32>,
      %get3A_383 = vector.shape_cast %get3A_382 : vector<16xi32> to vector<16xi32>
      %add3A_384 = arith.addi %get3A_383, %get3A_2 : vector<16xi32>
      %swap3A_385 = arith.constant 112 : index
      %swap3A_386 = tpu.vector_load %arg11[%swap3A_385] {strides = array<i32>} : memref<128xi32, #tpu.memory_space<vmem>>, vector<16xi32>,
      %swap3A_387 = vector.shape_cast %swap3A_386 : vector<16xi32> to vector<16xi32>
      %swap3A_388 = vector.shape_cast %add3A_384 : vector<16xi32> to vector<16xi32>
      tpu.vector_store %arg11[%swap3A_385], %swap3A_388 {strides = array<i32>} : memref<128xi32, #tpu.memory_space<vmem>>, vector<16xi32>,
      %dma_start3A_389 = arith.constant 0 : i32
      %dma_start3A_390 = arith.constant 0 : i32
      %dma_start3A_391 = arith.constant 0 : i32
      %dma_start3A_392 = tpu.memref_slice %arg13[%dma_start3A_389, %dma_start3A_390, %dma_start3A_391] : memref<2x128x128xf32, #tpu.memory_space<vmem>> -> memref<1x128x128xf32, #tpu.memory_space<vmem>>
      %dma_start3A_393 = tpu.memref_squeeze %dma_start3A_392 : memref<1x128x128xf32, #tpu.memory_space<vmem>> -> memref<128x128xf32, #tpu.memory_space<vmem>>
      %dma_start3A_394 = arith.constant 0 : i32
      %dma_start3A_395 = arith.constant 0 : i32
      %dma_start3A_396 = tpu.memref_slice %arg2[%dma_start3A_394, %dma_start3A_395] : memref<200704x128xf32, #tpu.memory_space<hbm>> -> memref<200704x128xf32, #tpu.memory_space<hbm>>
      tpu.enqueue_indirect_dma source(%dma_start3A_396 : memref<200704x128xf32, #tpu.memory_space<hbm>>) target(%dma_start3A_393 : memref<128x128xf32, #tpu.memory_space<vmem>>) offsets(%arg10 : memref<128xi32, #tpu.memory_space<vmem>>) semaphore(%arg18 : memref<!tpu.dma_semaphore, #tpu.memory_space<semaphore_mem>>)
      %dma_start3A_397 = arith.constant 1 : i32
      %dma_start3A_398 = arith.constant 0 : i32
      %dma_start3A_399 = arith.constant 0 : i32
      %dma_start3A_400 = tpu.memref_slice %arg13[%dma_start3A_397, %dma_start3A_398, %dma_start3A_399] : memref<2x128x128xf32, #tpu.memory_space<vmem>> -> memref<1x128x128xf32, #tpu.memory_space<vmem>>
      %dma_start3A_401 = tpu.memref_squeeze %dma_start3A_400 : memref<1x128x128xf32, #tpu.memory_space<vmem>> -> memref<128x128xf32, #tpu.memory_space<vmem>>
      %dma_start3A_402 = arith.constant 0 : i32
      %dma_start3A_403 = arith.constant 0 : i32
      %dma_start3A_404 = tpu.memref_slice %arg2[%dma_start3A_402, %dma_start3A_403] : memref<200704x128xf32, #tpu.memory_space<hbm>> -> memref<200704x128xf32, #tpu.memory_space<hbm>>
      tpu.enqueue_indirect_dma source(%dma_start3A_404 : memref<200704x128xf32, #tpu.memory_space<hbm>>) target(%dma_start3A_401 : memref<128x128xf32, #tpu.memory_space<vmem>>) offsets(%arg11 : memref<128xi32, #tpu.memory_space<vmem>>) semaphore(%arg18 : memref<!tpu.dma_semaphore, #tpu.memory_space<semaphore_mem>>)
      %dma_wait3A_405 = arith.constant 0 : i32
      %dma_wait3A_406 = arith.constant 0 : i32
      %dma_wait3A_407 = arith.constant 0 : i32
      %dma_wait3A_408 = tpu.memref_slice %arg12[%dma_wait3A_405, %dma_wait3A_406, %dma_wait3A_407] : memref<2x128x128xf32, #tpu.memory_space<vmem>> -> memref<1x128x128xf32, #tpu.memory_space<vmem>>
      %dma_wait3A_409 = tpu.memref_squeeze %dma_wait3A_408 : memref<1x128x128xf32, #tpu.memory_space<vmem>> -> memref<128x128xf32, #tpu.memory_space<vmem>>
      %dma_wait3A_410 = arith.constant 0 : i32
      %dma_wait3A_411 = arith.constant 0 : i32
      %dma_wait3A_412 = tpu.memref_slice %arg2[%dma_wait3A_410, %dma_wait3A_411] : memref<200704x128xf32, #tpu.memory_space<hbm>> -> memref<200704x128xf32, #tpu.memory_space<hbm>>
      tpu.wait_indirect_dma semaphore(%arg17 : memref<!tpu.dma_semaphore, #tpu.memory_space<semaphore_mem>>) src(%dma_wait3A_412 : memref<200704x128xf32, #tpu.memory_space<hbm>>) dst(%dma_wait3A_409 : memref<128x128xf32, #tpu.memory_space<vmem>>)
      %dma_wait3A_413 = arith.constant 1 : i32
      %dma_wait3A_414 = arith.constant 0 : i32
      %dma_wait3A_415 = arith.constant 0 : i32
      %dma_wait3A_416 = tpu.memref_slice %arg12[%dma_wait3A_413, %dma_wait3A_414, %dma_wait3A_415] : memref<2x128x128xf32, #tpu.memory_space<vmem>> -> memref<1x128x128xf32, #tpu.memory_space<vmem>>
      %dma_wait3A_417 = tpu.memref_squeeze %dma_wait3A_416 : memref<1x128x128xf32, #tpu.memory_space<vmem>> -> memref<128x128xf32, #tpu.memory_space<vmem>>
      %dma_wait3A_418 = arith.constant 0 : i32
      %dma_wait3A_419 = arith.constant 0 : i32
      %dma_wait3A_420 = tpu.memref_slice %arg2[%dma_wait3A_418, %dma_wait3A_419] : memref<200704x128xf32, #tpu.memory_space<hbm>> -> memref<200704x128xf32, #tpu.memory_space<hbm>>
      tpu.wait_indirect_dma semaphore(%arg17 : memref<!tpu.dma_semaphore, #tpu.memory_space<semaphore_mem>>) src(%dma_wait3A_420 : memref<200704x128xf32, #tpu.memory_space<hbm>>) dst(%dma_wait3A_417 : memref<128x128xf32, #tpu.memory_space<vmem>>)
      tpu.wait_dma2 semaphore(%arg19 : memref<!tpu.dma_semaphore, #tpu.memory_space<semaphore_mem>>) src(%arg14 : memref<64x128xf32, #tpu.memory_space<vmem>>) dst(%arg6 : memref<64x128xf32, #tpu.memory_space<hbm>>)
      %scan3A_421 = arith.constant 0 : i32
      %scan3A_422 = arith.constant 0 : i32
      %scan3A_423 = arith.constant 16 : i32
      %scan3A_424 = arith.addi %scan3A_422, %scan3A_423 : i32
      %scan3A_425 = arith.constant 1 : i32
      %scan3A_426 = scf.for %scan3A_684 = %scan3A_422 to %scan3A_424 step %scan3A_425 iter_args(%scan3A_685 = %scan3A_421) -> (i32)  : i32 {
        %mul3A_686 = arith.constant 2 : i32
        %mul3A_687 = arith.muli %mul3A_686, %scan3A_684 : i32
        %add3A_688 = arith.constant 0 : i32
        %add3A_689 = arith.addi %mul3A_687, %add3A_688 : i32
        %mul3A_690 = arith.constant 4 : i32
        %mul3A_691 = arith.muli %mul3A_690, %add3A_689 : i32
        %get3A_692 = arith.constant 0 : i32
        %get3A_693 = arith.index_cast %get3A_692 : i32 to index
        %get3A_694 = arith.index_cast %mul3A_691 : i32 to index
        %get3A_695 = arith.constant 0 : index
        %get3A_696 = tpu.vector_load %arg12[%get3A_693, %get3A_694, %get3A_695] {strides = array<i32>} : memref<2x128x128xf32, #tpu.memory_space<vmem>>, vector<1x1x16xf32>,
        %get3A_697 = vector.shape_cast %get3A_696 : vector<1x1x16xf32> to vector<16xf32>
        %mul3A_698 = arith.constant 4 : i32
        %mul3A_699 = arith.muli %mul3A_698, %add3A_689 : i32
        %add3A_700 = arith.constant 1 : i32
        %add3A_701 = arith.addi %mul3A_699, %add3A_700 : i32
        %get3A_702 = arith.constant 0 : i32
        %get3A_703 = arith.index_cast %get3A_702 : i32 to index
        %get3A_704 = arith.index_cast %add3A_701 : i32 to index
        %get3A_705 = arith.constant 0 : index
        %get3A_706 = tpu.vector_load %arg12[%get3A_703, %get3A_704, %get3A_705] {strides = array<i32>} : memref<2x128x128xf32, #tpu.memory_space<vmem>>, vector<1x1x16xf32>,
        %get3A_707 = vector.shape_cast %get3A_706 : vector<1x1x16xf32> to vector<16xf32>
        %add3A_708 = arith.addf %get3A_697, %get3A_707 : vector<16xf32>
        %mul3A_709 = arith.constant 4 : i32
        %mul3A_710 = arith.muli %mul3A_709, %add3A_689 : i32
        %add3A_711 = arith.constant 2 : i32
        %add3A_712 = arith.addi %mul3A_710, %add3A_711 : i32
        %get3A_713 = arith.constant 0 : i32
        %get3A_714 = arith.index_cast %get3A_713 : i32 to index
        %get3A_715 = arith.index_cast %add3A_712 : i32 to index
        %get3A_716 = arith.constant 0 : index
        %get3A_717 = tpu.vector_load %arg12[%get3A_714, %get3A_715, %get3A_716] {strides = array<i32>} : memref<2x128x128xf32, #tpu.memory_space<vmem>>, vector<1x1x16xf32>,
        %get3A_718 = vector.shape_cast %get3A_717 : vector<1x1x16xf32> to vector<16xf32>
        %add3A_719 = arith.addf %add3A_708, %get3A_718 : vector<16xf32>
        %mul3A_720 = arith.constant 4 : i32
        %mul3A_721 = arith.muli %mul3A_720, %add3A_689 : i32
        %add3A_722 = arith.constant 3 : i32
        %add3A_723 = arith.addi %mul3A_721, %add3A_722 : i32
        %get3A_724 = arith.constant 0 : i32
        %get3A_725 = arith.index_cast %get3A_724 : i32 to index
        %get3A_726 = arith.index_cast %add3A_723 : i32 to index
        %get3A_727 = arith.constant 0 : index
        %get3A_728 = tpu.vector_load %arg12[%get3A_725, %get3A_726, %get3A_727] {strides = array<i32>} : memref<2x128x128xf32, #tpu.memory_space<vmem>>, vector<1x1x16xf32>,
        %get3A_729 = vector.shape_cast %get3A_728 : vector<1x1x16xf32> to vector<16xf32>
        %add3A_730 = arith.addf %add3A_719, %get3A_729 : vector<16xf32>
        %add3A_731 = arith.constant 0 : i32
        %add3A_732 = arith.addi %add3A_731, %add3A_689 : i32
        %swap3A_733 = arith.index_cast %add3A_732 : i32 to index
        %swap3A_734 = arith.constant 0 : index
        %swap3A_735 = tpu.vector_load %arg14[%swap3A_733, %swap3A_734] {strides = array<i32>} : memref<64x128xf32, #tpu.memory_space<vmem>>, vector<1x16xf32>,
        %swap3A_736 = vector.shape_cast %swap3A_735 : vector<1x16xf32> to vector<16xf32>
        %swap3A_737 = vector.shape_cast %add3A_730 : vector<16xf32> to vector<1x16xf32>
        tpu.vector_store %arg14[%swap3A_733, %swap3A_734], %swap3A_737 {strides = array<i32>} : memref<64x128xf32, #tpu.memory_space<vmem>>, vector<1x16xf32>,
        %mul3A_738 = arith.constant 4 : i32
        %mul3A_739 = arith.muli %mul3A_738, %add3A_689 : i32
        %get3A_740 = arith.constant 0 : i32
        %get3A_741 = arith.index_cast %get3A_740 : i32 to index
        %get3A_742 = arith.index_cast %mul3A_739 : i32 to index
        %get3A_743 = arith.constant 16 : index
        %get3A_744 = tpu.vector_load %arg12[%get3A_741, %get3A_742, %get3A_743] {strides = array<i32>} : memref<2x128x128xf32, #tpu.memory_space<vmem>>, vector<1x1x16xf32>,
        %get3A_745 = vector.shape_cast %get3A_744 : vector<1x1x16xf32> to vector<16xf32>
        %mul3A_746 = arith.constant 4 : i32
        %mul3A_747 = arith.muli %mul3A_746, %add3A_689 : i32
        %add3A_748 = arith.constant 1 : i32
        %add3A_749 = arith.addi %mul3A_747, %add3A_748 : i32
        %get3A_750 = arith.constant 0 : i32
        %get3A_751 = arith.index_cast %get3A_750 : i32 to index
        %get3A_752 = arith.index_cast %add3A_749 : i32 to index
        %get3A_753 = arith.constant 16 : index
        %get3A_754 = tpu.vector_load %arg12[%get3A_751, %get3A_752, %get3A_753] {strides = array<i32>} : memref<2x128x128xf32, #tpu.memory_space<vmem>>, vector<1x1x16xf32>,
        %get3A_755 = vector.shape_cast %get3A_754 : vector<1x1x16xf32> to vector<16xf32>
        %add3A_756 = arith.addf %get3A_745, %get3A_755 : vector<16xf32>
        %mul3A_757 = arith.constant 4 : i32
        %mul3A_758 = arith.muli %mul3A_757, %add3A_689 : i32
        %add3A_759 = arith.constant 2 : i32
        %add3A_760 = arith.addi %mul3A_758, %add3A_759 : i32
        %get3A_761 = arith.constant 0 : i32
        %get3A_762 = arith.index_cast %get3A_761 : i32 to index
        %get3A_763 = arith.index_cast %add3A_760 : i32 to index
        %get3A_764 = arith.constant 16 : index
        %get3A_765 = tpu.vector_load %arg12[%get3A_762, %get3A_763, %get3A_764] {strides = array<i32>} : memref<2x128x128xf32, #tpu.memory_space<vmem>>, vector<1x1x16xf32>,
        %get3A_766 = vector.shape_cast %get3A_765 : vector<1x1x16xf32> to vector<16xf32>
        %add3A_767 = arith.addf %add3A_756, %get3A_766 : vector<16xf32>
        %mul3A_768 = arith.constant 4 : i32
        %mul3A_769 = arith.muli %mul3A_768, %add3A_689 : i32
        %add3A_770 = arith.constant 3 : i32
        %add3A_771 = arith.addi %mul3A_769, %add3A_770 : i32
        %get3A_772 = arith.constant 0 : i32
        %get3A_773 = arith.index_cast %get3A_772 : i32 to index
        %get3A_774 = arith.index_cast %add3A_771 : i32 to index
        %get3A_775 = arith.constant 16 : index
        %get3A_776 = tpu.vector_load %arg12[%get3A_773, %get3A_774, %get3A_775] {strides = array<i32>} : memref<2x128x128xf32, #tpu.memory_space<vmem>>, vector<1x1x16xf32>,
        %get3A_777 = vector.shape_cast %get3A_776 : vector<1x1x16xf32> to vector<16xf32>
        %add3A_778 = arith.addf %add3A_767, %get3A_777 : vector<16xf32>
        %add3A_779 = arith.constant 0 : i32
        %add3A_780 = arith.addi %add3A_779, %add3A_689 : i32
        %swap3A_781 = arith.index_cast %add3A_780 : i32 to index
        %swap3A_782 = arith.constant 16 : index
        %swap3A_783 = tpu.vector_load %arg14[%swap3A_781, %swap3A_782] {strides = array<i32>} : memref<64x128xf32, #tpu.memory_space<vmem>>, vector<1x16xf32>,
        %swap3A_784 = vector.shape_cast %swap3A_783 : vector<1x16xf32> to vector<16xf32>
        %swap3A_785 = vector.shape_cast %add3A_778 : vector<16xf32> to vector<1x16xf32>
        tpu.vector_store %arg14[%swap3A_781, %swap3A_782], %swap3A_785 {strides = array<i32>} : memref<64x128xf32, #tpu.memory_space<vmem>>, vector<1x16xf32>,
        %mul3A_786 = arith.constant 4 : i32
        %mul3A_787 = arith.muli %mul3A_786, %add3A_689 : i32
        %get3A_788 = arith.constant 0 : i32
        %get3A_789 = arith.index_cast %get3A_788 : i32 to index
        %get3A_790 = arith.index_cast %mul3A_787 : i32 to index
        %get3A_791 = arith.constant 32 : index
        %get3A_792 = tpu.vector_load %arg12[%get3A_789, %get3A_790, %get3A_791] {strides = array<i32>} : memref<2x128x128xf32, #tpu.memory_space<vmem>>, vector<1x1x16xf32>,
        %get3A_793 = vector.shape_cast %get3A_792 : vector<1x1x16xf32> to vector<16xf32>
        %mul3A_794 = arith.constant 4 : i32
        %mul3A_795 = arith.muli %mul3A_794, %add3A_689 : i32
        %add3A_796 = arith.constant 1 : i32
        %add3A_797 = arith.addi %mul3A_795, %add3A_796 : i32
        %get3A_798 = arith.constant 0 : i32
        %get3A_799 = arith.index_cast %get3A_798 : i32 to index
        %get3A_800 = arith.index_cast %add3A_797 : i32 to index
        %get3A_801 = arith.constant 32 : index
        %get3A_802 = tpu.vector_load %arg12[%get3A_799, %get3A_800, %get3A_801] {strides = array<i32>} : memref<2x128x128xf32, #tpu.memory_space<vmem>>, vector<1x1x16xf32>,
        %get3A_803 = vector.shape_cast %get3A_802 : vector<1x1x16xf32> to vector<16xf32>
        %add3A_804 = arith.addf %get3A_793, %get3A_803 : vector<16xf32>
        %mul3A_805 = arith.constant 4 : i32
        %mul3A_806 = arith.muli %mul3A_805, %add3A_689 : i32
        %add3A_807 = arith.constant 2 : i32
        %add3A_808 = arith.addi %mul3A_806, %add3A_807 : i32
        %get3A_809 = arith.constant 0 : i32
        %get3A_810 = arith.index_cast %get3A_809 : i32 to index
        %get3A_811 = arith.index_cast %add3A_808 : i32 to index
        %get3A_812 = arith.constant 32 : index
        %get3A_813 = tpu.vector_load %arg12[%get3A_810, %get3A_811, %get3A_812] {strides = array<i32>} : memref<2x128x128xf32, #tpu.memory_space<vmem>>, vector<1x1x16xf32>,
        %get3A_814 = vector.shape_cast %get3A_813 : vector<1x1x16xf32> to vector<16xf32>
        %add3A_815 = arith.addf %add3A_804, %get3A_814 : vector<16xf32>
        %mul3A_816 = arith.constant 4 : i32
        %mul3A_817 = arith.muli %mul3A_816, %add3A_689 : i32
        %add3A_818 = arith.constant 3 : i32
        %add3A_819 = arith.addi %mul3A_817, %add3A_818 : i32
        %get3A_820 = arith.constant 0 : i32
        %get3A_821 = arith.index_cast %get3A_820 : i32 to index
        %get3A_822 = arith.index_cast %add3A_819 : i32 to index
        %get3A_823 = arith.constant 32 : index
        %get3A_824 = tpu.vector_load %arg12[%get3A_821, %get3A_822, %get3A_823] {strides = array<i32>} : memref<2x128x128xf32, #tpu.memory_space<vmem>>, vector<1x1x16xf32>,
        %get3A_825 = vector.shape_cast %get3A_824 : vector<1x1x16xf32> to vector<16xf32>
        %add3A_826 = arith.addf %add3A_815, %get3A_825 : vector<16xf32>
        %add3A_827 = arith.constant 0 : i32
        %add3A_828 = arith.addi %add3A_827, %add3A_689 : i32
        %swap3A_829 = arith.index_cast %add3A_828 : i32 to index
        %swap3A_830 = arith.constant 32 : index
        %swap3A_831 = tpu.vector_load %arg14[%swap3A_829, %swap3A_830] {strides = array<i32>} : memref<64x128xf32, #tpu.memory_space<vmem>>, vector<1x16xf32>,
        %swap3A_832 = vector.shape_cast %swap3A_831 : vector<1x16xf32> to vector<16xf32>
        %swap3A_833 = vector.shape_cast %add3A_826 : vector<16xf32> to vector<1x16xf32>
        tpu.vector_store %arg14[%swap3A_829, %swap3A_830], %swap3A_833 {strides = array<i32>} : memref<64x128xf32, #tpu.memory_space<vmem>>, vector<1x16xf32>,
        %mul3A_834 = arith.constant 4 : i32
        %mul3A_835 = arith.muli %mul3A_834, %add3A_689 : i32
        %get3A_836 = arith.constant 0 : i32
        %get3A_837 = arith.index_cast %get3A_836 : i32 to index
        %get3A_838 = arith.index_cast %mul3A_835 : i32 to index
        %get3A_839 = arith.constant 48 : index
        %get3A_840 = tpu.vector_load %arg12[%get3A_837, %get3A_838, %get3A_839] {strides = array<i32>} : memref<2x128x128xf32, #tpu.memory_space<vmem>>, vector<1x1x16xf32>,
        %get3A_841 = vector.shape_cast %get3A_840 : vector<1x1x16xf32> to vector<16xf32>
        %mul3A_842 = arith.constant 4 : i32
        %mul3A_843 = arith.muli %mul3A_842, %add3A_689 : i32
        %add3A_844 = arith.constant 1 : i32
        %add3A_845 = arith.addi %mul3A_843, %add3A_844 : i32
        %get3A_846 = arith.constant 0 : i32
        %get3A_847 = arith.index_cast %get3A_846 : i32 to index
        %get3A_848 = arith.index_cast %add3A_845 : i32 to index
        %get3A_849 = arith.constant 48 : index
        %get3A_850 = tpu.vector_load %arg12[%get3A_847, %get3A_848, %get3A_849] {strides = array<i32>} : memref<2x128x128xf32, #tpu.memory_space<vmem>>, vector<1x1x16xf32>,
        %get3A_851 = vector.shape_cast %get3A_850 : vector<1x1x16xf32> to vector<16xf32>
        %add3A_852 = arith.addf %get3A_841, %get3A_851 : vector<16xf32>
        %mul3A_853 = arith.constant 4 : i32
        %mul3A_854 = arith.muli %mul3A_853, %add3A_689 : i32
        %add3A_855 = arith.constant 2 : i32
        %add3A_856 = arith.addi %mul3A_854, %add3A_855 : i32
        %get3A_857 = arith.constant 0 : i32
        %get3A_858 = arith.index_cast %get3A_857 : i32 to index
        %get3A_859 = arith.index_cast %add3A_856 : i32 to index
        %get3A_860 = arith.constant 48 : index
        %get3A_861 = tpu.vector_load %arg12[%get3A_858, %get3A_859, %get3A_860] {strides = array<i32>} : memref<2x128x128xf32, #tpu.memory_space<vmem>>, vector<1x1x16xf32>,
        %get3A_862 = vector.shape_cast %get3A_861 : vector<1x1x16xf32> to vector<16xf32>
        %add3A_863 = arith.addf %add3A_852, %get3A_862 : vector<16xf32>
        %mul3A_864 = arith.constant 4 : i32
        %mul3A_865 = arith.muli %mul3A_864, %add3A_689 : i32
        %add3A_866 = arith.constant 3 : i32
        %add3A_867 = arith.addi %mul3A_865, %add3A_866 : i32
        %get3A_868 = arith.constant 0 : i32
        %get3A_869 = arith.index_cast %get3A_868 : i32 to index
        %get3A_870 = arith.index_cast %add3A_867 : i32 to index
        %get3A_871 = arith.constant 48 : index
        %get3A_872 = tpu.vector_load %arg12[%get3A_869, %get3A_870, %get3A_871] {strides = array<i32>} : memref<2x128x128xf32, #tpu.memory_space<vmem>>, vector<1x1x16xf32>,
        %get3A_873 = vector.shape_cast %get3A_872 : vector<1x1x16xf32> to vector<16xf32>
        %add3A_874 = arith.addf %add3A_863, %get3A_873 : vector<16xf32>
        %add3A_875 = arith.constant 0 : i32
        %add3A_876 = arith.addi %add3A_875, %add3A_689 : i32
        %swap3A_877 = arith.index_cast %add3A_876 : i32 to index
        %swap3A_878 = arith.constant 48 : index
        %swap3A_879 = tpu.vector_load %arg14[%swap3A_877, %swap3A_878] {strides = array<i32>} : memref<64x128xf32, #tpu.memory_space<vmem>>, vector<1x16xf32>,
        %swap3A_880 = vector.shape_cast %swap3A_879 : vector<1x16xf32> to vector<16xf32>
        %swap3A_881 = vector.shape_cast %add3A_874 : vector<16xf32> to vector<1x16xf32>
        tpu.vector_store %arg14[%swap3A_877, %swap3A_878], %swap3A_881 {strides = array<i32>} : memref<64x128xf32, #tpu.memory_space<vmem>>, vector<1x16xf32>,
        %mul3A_882 = arith.constant 4 : i32
        %mul3A_883 = arith.muli %mul3A_882, %add3A_689 : i32
        %get3A_884 = arith.constant 0 : i32
        %get3A_885 = arith.index_cast %get3A_884 : i32 to index
        %get3A_886 = arith.index_cast %mul3A_883 : i32 to index
        %get3A_887 = arith.constant 64 : index
        %get3A_888 = tpu.vector_load %arg12[%get3A_885, %get3A_886, %get3A_887] {strides = array<i32>} : memref<2x128x128xf32, #tpu.memory_space<vmem>>, vector<1x1x16xf32>,
        %get3A_889 = vector.shape_cast %get3A_888 : vector<1x1x16xf32> to vector<16xf32>
        %mul3A_890 = arith.constant 4 : i32
        %mul3A_891 = arith.muli %mul3A_890, %add3A_689 : i32
        %add3A_892 = arith.constant 1 : i32
        %add3A_893 = arith.addi %mul3A_891, %add3A_892 : i32
        %get3A_894 = arith.constant 0 : i32
        %get3A_895 = arith.index_cast %get3A_894 : i32 to index
        %get3A_896 = arith.index_cast %add3A_893 : i32 to index
        %get3A_897 = arith.constant 64 : index
        %get3A_898 = tpu.vector_load %arg12[%get3A_895, %get3A_896, %get3A_897] {strides = array<i32>} : memref<2x128x128xf32, #tpu.memory_space<vmem>>, vector<1x1x16xf32>,
        %get3A_899 = vector.shape_cast %get3A_898 : vector<1x1x16xf32> to vector<16xf32>
        %add3A_900 = arith.addf %get3A_889, %get3A_899 : vector<16xf32>
        %mul3A_901 = arith.constant 4 : i32
        %mul3A_902 = arith.muli %mul3A_901, %add3A_689 : i32
        %add3A_903 = arith.constant 2 : i32
        %add3A_904 = arith.addi %mul3A_902, %add3A_903 : i32
        %get3A_905 = arith.constant 0 : i32
        %get3A_906 = arith.index_cast %get3A_905 : i32 to index
        %get3A_907 = arith.index_cast %add3A_904 : i32 to index
        %get3A_908 = arith.constant 64 : index
        %get3A_909 = tpu.vector_load %arg12[%get3A_906, %get3A_907, %get3A_908] {strides = array<i32>} : memref<2x128x128xf32, #tpu.memory_space<vmem>>, vector<1x1x16xf32>,
        %get3A_910 = vector.shape_cast %get3A_909 : vector<1x1x16xf32> to vector<16xf32>
        %add3A_911 = arith.addf %add3A_900, %get3A_910 : vector<16xf32>
        %mul3A_912 = arith.constant 4 : i32
        %mul3A_913 = arith.muli %mul3A_912, %add3A_689 : i32
        %add3A_914 = arith.constant 3 : i32
        %add3A_915 = arith.addi %mul3A_913, %add3A_914 : i32
        %get3A_916 = arith.constant 0 : i32
        %get3A_917 = arith.index_cast %get3A_916 : i32 to index
        %get3A_918 = arith.index_cast %add3A_915 : i32 to index
        %get3A_919 = arith.constant 64 : index
        %get3A_920 = tpu.vector_load %arg12[%get3A_917, %get3A_918, %get3A_919] {strides = array<i32>} : memref<2x128x128xf32, #tpu.memory_space<vmem>>, vector<1x1x16xf32>,
        %get3A_921 = vector.shape_cast %get3A_920 : vector<1x1x16xf32> to vector<16xf32>
        %add3A_922 = arith.addf %add3A_911, %get3A_921 : vector<16xf32>
        %add3A_923 = arith.constant 0 : i32
        %add3A_924 = arith.addi %add3A_923, %add3A_689 : i32
        %swap3A_925 = arith.index_cast %add3A_924 : i32 to index
        %swap3A_926 = arith.constant 64 : index
        %swap3A_927 = tpu.vector_load %arg14[%swap3A_925, %swap3A_926] {strides = array<i32>} : memref<64x128xf32, #tpu.memory_space<vmem>>, vector<1x16xf32>,
        %swap3A_928 = vector.shape_cast %swap3A_927 : vector<1x16xf32> to vector<16xf32>
        %swap3A_929 = vector.shape_cast %add3A_922 : vector<16xf32> to vector<1x16xf32>
        tpu.vector_store %arg14[%swap3A_925, %swap3A_926], %swap3A_929 {strides = array<i32>} : memref<64x128xf32, #tpu.memory_space<vmem>>, vector<1x16xf32>,
        %mul3A_930 = arith.constant 4 : i32
        %mul3A_931 = arith.muli %mul3A_930, %add3A_689 : i32
        %get3A_932 = arith.constant 0 : i32
        %get3A_933 = arith.index_cast %get3A_932 : i32 to index
        %get3A_934 = arith.index_cast %mul3A_931 : i32 to index
        %get3A_935 = arith.constant 80 : index
        %get3A_936 = tpu.vector_load %arg12[%get3A_933, %get3A_934, %get3A_935] {strides = array<i32>} : memref<2x128x128xf32, #tpu.memory_space<vmem>>, vector<1x1x16xf32>,
        %get3A_937 = vector.shape_cast %get3A_936 : vector<1x1x16xf32> to vector<16xf32>
        %mul3A_938 = arith.constant 4 : i32
        %mul3A_939 = arith.muli %mul3A_938, %add3A_689 : i32
        %add3A_940 = arith.constant 1 : i32
        %add3A_941 = arith.addi %mul3A_939, %add3A_940 : i32
        %get3A_942 = arith.constant 0 : i32
        %get3A_943 = arith.index_cast %get3A_942 : i32 to index
        %get3A_944 = arith.index_cast %add3A_941 : i32 to index
        %get3A_945 = arith.constant 80 : index
        %get3A_946 = tpu.vector_load %arg12[%get3A_943, %get3A_944, %get3A_945] {strides = array<i32>} : memref<2x128x128xf32, #tpu.memory_space<vmem>>, vector<1x1x16xf32>,
        %get3A_947 = vector.shape_cast %get3A_946 : vector<1x1x16xf32> to vector<16xf32>
        %add3A_948 = arith.addf %get3A_937, %get3A_947 : vector<16xf32>
        %mul3A_949 = arith.constant 4 : i32
        %mul3A_950 = arith.muli %mul3A_949, %add3A_689 : i32
        %add3A_951 = arith.constant 2 : i32
        %add3A_952 = arith.addi %mul3A_950, %add3A_951 : i32
        %get3A_953 = arith.constant 0 : i32
        %get3A_954 = arith.index_cast %get3A_953 : i32 to index
        %get3A_955 = arith.index_cast %add3A_952 : i32 to index
        %get3A_956 = arith.constant 80 : index
        %get3A_957 = tpu.vector_load %arg12[%get3A_954, %get3A_955, %get3A_956] {strides = array<i32>} : memref<2x128x128xf32, #tpu.memory_space<vmem>>, vector<1x1x16xf32>,
        %get3A_958 = vector.shape_cast %get3A_957 : vector<1x1x16xf32> to vector<16xf32>
        %add3A_959 = arith.addf %add3A_948, %get3A_958 : vector<16xf32>
        %mul3A_960 = arith.constant 4 : i32
        %mul3A_961 = arith.muli %mul3A_960, %add3A_689 : i32
        %add3A_962 = arith.constant 3 : i32
        %add3A_963 = arith.addi %mul3A_961, %add3A_962 : i32
        %get3A_964 = arith.constant 0 : i32
        %get3A_965 = arith.index_cast %get3A_964 : i32 to index
        %get3A_966 = arith.index_cast %add3A_963 : i32 to index
        %get3A_967 = arith.constant 80 : index
        %get3A_968 = tpu.vector_load %arg12[%get3A_965, %get3A_966, %get3A_967] {strides = array<i32>} : memref<2x128x128xf32, #tpu.memory_space<vmem>>, vector<1x1x16xf32>,
        %get3A_969 = vector.shape_cast %get3A_968 : vector<1x1x16xf32> to vector<16xf32>
        %add3A_970 = arith.addf %add3A_959, %get3A_969 : vector<16xf32>
        %add3A_971 = arith.constant 0 : i32
        %add3A_972 = arith.addi %add3A_971, %add3A_689 : i32
        %swap3A_973 = arith.index_cast %add3A_972 : i32 to index
        %swap3A_974 = arith.constant 80 : index
        %swap3A_975 = tpu.vector_load %arg14[%swap3A_973, %swap3A_974] {strides = array<i32>} : memref<64x128xf32, #tpu.memory_space<vmem>>, vector<1x16xf32>,
        %swap3A_976 = vector.shape_cast %swap3A_975 : vector<1x16xf32> to vector<16xf32>
        %swap3A_977 = vector.shape_cast %add3A_970 : vector<16xf32> to vector<1x16xf32>
        tpu.vector_store %arg14[%swap3A_973, %swap3A_974], %swap3A_977 {strides = array<i32>} : memref<64x128xf32, #tpu.memory_space<vmem>>, vector<1x16xf32>,
        %mul3A_978 = arith.constant 4 : i32
        %mul3A_979 = arith.muli %mul3A_978, %add3A_689 : i32
        %get3A_980 = arith.constant 0 : i32
        %get3A_981 = arith.index_cast %get3A_980 : i32 to index
        %get3A_982 = arith.index_cast %mul3A_979 : i32 to index
        %get3A_983 = arith.constant 96 : index
        %get3A_984 = tpu.vector_load %arg12[%get3A_981, %get3A_982, %get3A_983] {strides = array<i32>} : memref<2x128x128xf32, #tpu.memory_space<vmem>>, vector<1x1x16xf32>,
        %get3A_985 = vector.shape_cast %get3A_984 : vector<1x1x16xf32> to vector<16xf32>
        %mul3A_986 = arith.constant 4 : i32
        %mul3A_987 = arith.muli %mul3A_986, %add3A_689 : i32
        %add3A_988 = arith.constant 1 : i32
        %add3A_989 = arith.addi %mul3A_987, %add3A_988 : i32
        %get3A_990 = arith.constant 0 : i32
        %get3A_991 = arith.index_cast %get3A_990 : i32 to index
        %get3A_992 = arith.index_cast %add3A_989 : i32 to index
        %get3A_993 = arith.constant 96 : index
        %get3A_994 = tpu.vector_load %arg12[%get3A_991, %get3A_992, %get3A_993] {strides = array<i32>} : memref<2x128x128xf32, #tpu.memory_space<vmem>>, vector<1x1x16xf32>,
        %get3A_995 = vector.shape_cast %get3A_994 : vector<1x1x16xf32> to vector<16xf32>
        %add3A_996 = arith.addf %get3A_985, %get3A_995 : vector<16xf32>
        %mul3A_997 = arith.constant 4 : i32
        %mul3A_998 = arith.muli %mul3A_997, %add3A_689 : i32
        %add3A_999 = arith.constant 2 : i32
        %add3A_1000 = arith.addi %mul3A_998, %add3A_999 : i32
        %get3A_1001 = arith.constant 0 : i32
        %get3A_1002 = arith.index_cast %get3A_1001 : i32 to index
        %get3A_1003 = arith.index_cast %add3A_1000 : i32 to index
        %get3A_1004 = arith.constant 96 : index
        %get3A_1005 = tpu.vector_load %arg12[%get3A_1002, %get3A_1003, %get3A_1004] {strides = array<i32>} : memref<2x128x128xf32, #tpu.memory_space<vmem>>, vector<1x1x16xf32>,
        %get3A_1006 = vector.shape_cast %get3A_1005 : vector<1x1x16xf32> to vector<16xf32>
        %add3A_1007 = arith.addf %add3A_996, %get3A_1006 : vector<16xf32>
        %mul3A_1008 = arith.constant 4 : i32
        %mul3A_1009 = arith.muli %mul3A_1008, %add3A_689 : i32
        %add3A_1010 = arith.constant 3 : i32
        %add3A_1011 = arith.addi %mul3A_1009, %add3A_1010 : i32
        %get3A_1012 = arith.constant 0 : i32
        %get3A_1013 = arith.index_cast %get3A_1012 : i32 to index
        %get3A_1014 = arith.index_cast %add3A_1011 : i32 to index
        %get3A_1015 = arith.constant 96 : index
        %get3A_1016 = tpu.vector_load %arg12[%get3A_1013, %get3A_1014, %get3A_1015] {strides = array<i32>} : memref<2x128x128xf32, #tpu.memory_space<vmem>>, vector<1x1x16xf32>,
        %get3A_1017 = vector.shape_cast %get3A_1016 : vector<1x1x16xf32> to vector<16xf32>
        %add3A_1018 = arith.addf %add3A_1007, %get3A_1017 : vector<16xf32>
        %add3A_1019 = arith.constant 0 : i32
        %add3A_1020 = arith.addi %add3A_1019, %add3A_689 : i32
        %swap3A_1021 = arith.index_cast %add3A_1020 : i32 to index
        %swap3A_1022 = arith.constant 96 : index
        %swap3A_1023 = tpu.vector_load %arg14[%swap3A_1021, %swap3A_1022] {strides = array<i32>} : memref<64x128xf32, #tpu.memory_space<vmem>>, vector<1x16xf32>,
        %swap3A_1024 = vector.shape_cast %swap3A_1023 : vector<1x16xf32> to vector<16xf32>
        %swap3A_1025 = vector.shape_cast %add3A_1018 : vector<16xf32> to vector<1x16xf32>
        tpu.vector_store %arg14[%swap3A_1021, %swap3A_1022], %swap3A_1025 {strides = array<i32>} : memref<64x128xf32, #tpu.memory_space<vmem>>, vector<1x16xf32>,
        %mul3A_1026 = arith.constant 4 : i32
        %mul3A_1027 = arith.muli %mul3A_1026, %add3A_689 : i32
        %get3A_1028 = arith.constant 0 : i32
        %get3A_1029 = arith.index_cast %get3A_1028 : i32 to index
        %get3A_1030 = arith.index_cast %mul3A_1027 : i32 to index
        %get3A_1031 = arith.constant 112 : index
        %get3A_1032 = tpu.vector_load %arg12[%get3A_1029, %get3A_1030, %get3A_1031] {strides = array<i32>} : memref<2x128x128xf32, #tpu.memory_space<vmem>>, vector<1x1x16xf32>,
        %get3A_1033 = vector.shape_cast %get3A_1032 : vector<1x1x16xf32> to vector<16xf32>
        %mul3A_1034 = arith.constant 4 : i32
        %mul3A_1035 = arith.muli %mul3A_1034, %add3A_689 : i32
        %add3A_1036 = arith.constant 1 : i32
        %add3A_1037 = arith.addi %mul3A_1035, %add3A_1036 : i32
        %get3A_1038 = arith.constant 0 : i32
        %get3A_1039 = arith.index_cast %get3A_1038 : i32 to index
        %get3A_1040 = arith.index_cast %add3A_1037 : i32 to index
        %get3A_1041 = arith.constant 112 : index
        %get3A_1042 = tpu.vector_load %arg12[%get3A_1039, %get3A_1040, %get3A_1041] {strides = array<i32>} : memref<2x128x128xf32, #tpu.memory_space<vmem>>, vector<1x1x16xf32>,
        %get3A_1043 = vector.shape_cast %get3A_1042 : vector<1x1x16xf32> to vector<16xf32>
        %add3A_1044 = arith.addf %get3A_1033, %get3A_1043 : vector<16xf32>
        %mul3A_1045 = arith.constant 4 : i32
        %mul3A_1046 = arith.muli %mul3A_1045, %add3A_689 : i32
        %add3A_1047 = arith.constant 2 : i32
        %add3A_1048 = arith.addi %mul3A_1046, %add3A_1047 : i32
        %get3A_1049 = arith.constant 0 : i32
        %get3A_1050 = arith.index_cast %get3A_1049 : i32 to index
        %get3A_1051 = arith.index_cast %add3A_1048 : i32 to index
        %get3A_1052 = arith.constant 112 : index
        %get3A_1053 = tpu.vector_load %arg12[%get3A_1050, %get3A_1051, %get3A_1052] {strides = array<i32>} : memref<2x128x128xf32, #tpu.memory_space<vmem>>, vector<1x1x16xf32>,
        %get3A_1054 = vector.shape_cast %get3A_1053 : vector<1x1x16xf32> to vector<16xf32>
        %add3A_1055 = arith.addf %add3A_1044, %get3A_1054 : vector<16xf32>
        %mul3A_1056 = arith.constant 4 : i32
        %mul3A_1057 = arith.muli %mul3A_1056, %add3A_689 : i32
        %add3A_1058 = arith.constant 3 : i32
        %add3A_1059 = arith.addi %mul3A_1057, %add3A_1058 : i32
        %get3A_1060 = arith.constant 0 : i32
        %get3A_1061 = arith.index_cast %get3A_1060 : i32 to index
        %get3A_1062 = arith.index_cast %add3A_1059 : i32 to index
        %get3A_1063 = arith.constant 112 : index
        %get3A_1064 = tpu.vector_load %arg12[%get3A_1061, %get3A_1062, %get3A_1063] {strides = array<i32>} : memref<2x128x128xf32, #tpu.memory_space<vmem>>, vector<1x1x16xf32>,
        %get3A_1065 = vector.shape_cast %get3A_1064 : vector<1x1x16xf32> to vector<16xf32>
        %add3A_1066 = arith.addf %add3A_1055, %get3A_1065 : vector<16xf32>
        %add3A_1067 = arith.constant 0 : i32
        %add3A_1068 = arith.addi %add3A_1067, %add3A_689 : i32
        %swap3A_1069 = arith.index_cast %add3A_1068 : i32 to index
        %swap3A_1070 = arith.constant 112 : index
        %swap3A_1071 = tpu.vector_load %arg14[%swap3A_1069, %swap3A_1070] {strides = array<i32>} : memref<64x128xf32, #tpu.memory_space<vmem>>, vector<1x16xf32>,
        %swap3A_1072 = vector.shape_cast %swap3A_1071 : vector<1x16xf32> to vector<16xf32>
        %swap3A_1073 = vector.shape_cast %add3A_1066 : vector<16xf32> to vector<1x16xf32>
        tpu.vector_store %arg14[%swap3A_1069, %swap3A_1070], %swap3A_1073 {strides = array<i32>} : memref<64x128xf32, #tpu.memory_space<vmem>>, vector<1x16xf32>,
        %mul3A_1074 = arith.constant 2 : i32
        %mul3A_1075 = arith.muli %mul3A_1074, %scan3A_684 : i32
        %add3A_1076 = arith.constant 1 : i32
        %add3A_1077 = arith.addi %mul3A_1075, %add3A_1076 : i32
        %mul3A_1078 = arith.constant 4 : i32
        %mul3A_1079 = arith.muli %mul3A_1078, %add3A_1077 : i32
        %get3A_1080 = arith.constant 0 : i32
        %get3A_1081 = arith.index_cast %get3A_1080 : i32 to index
        %get3A_1082 = arith.index_cast %mul3A_1079 : i32 to index
        %get3A_1083 = arith.constant 0 : index
        %get3A_1084 = tpu.vector_load %arg12[%get3A_1081, %get3A_1082, %get3A_1083] {strides = array<i32>} : memref<2x128x128xf32, #tpu.memory_space<vmem>>, vector<1x1x16xf32>,
        %get3A_1085 = vector.shape_cast %get3A_1084 : vector<1x1x16xf32> to vector<16xf32>
        %mul3A_1086 = arith.constant 4 : i32
        %mul3A_1087 = arith.muli %mul3A_1086, %add3A_1077 : i32
        %add3A_1088 = arith.constant 1 : i32
        %add3A_1089 = arith.addi %mul3A_1087, %add3A_1088 : i32
        %get3A_1090 = arith.constant 0 : i32
        %get3A_1091 = arith.index_cast %get3A_1090 : i32 to index
        %get3A_1092 = arith.index_cast %add3A_1089 : i32 to index
        %get3A_1093 = arith.constant 0 : index
        %get3A_1094 = tpu.vector_load %arg12[%get3A_1091, %get3A_1092, %get3A_1093] {strides = array<i32>} : memref<2x128x128xf32, #tpu.memory_space<vmem>>, vector<1x1x16xf32>,
        %get3A_1095 = vector.shape_cast %get3A_1094 : vector<1x1x16xf32> to vector<16xf32>
        %add3A_1096 = arith.addf %get3A_1085, %get3A_1095 : vector<16xf32>
        %mul3A_1097 = arith.constant 4 : i32
        %mul3A_1098 = arith.muli %mul3A_1097, %add3A_1077 : i32
        %add3A_1099 = arith.constant 2 : i32
        %add3A_1100 = arith.addi %mul3A_1098, %add3A_1099 : i32
        %get3A_1101 = arith.constant 0 : i32
        %get3A_1102 = arith.index_cast %get3A_1101 : i32 to index
        %get3A_1103 = arith.index_cast %add3A_1100 : i32 to index
        %get3A_1104 = arith.constant 0 : index
        %get3A_1105 = tpu.vector_load %arg12[%get3A_1102, %get3A_1103, %get3A_1104] {strides = array<i32>} : memref<2x128x128xf32, #tpu.memory_space<vmem>>, vector<1x1x16xf32>,
        %get3A_1106 = vector.shape_cast %get3A_1105 : vector<1x1x16xf32> to vector<16xf32>
        %add3A_1107 = arith.addf %add3A_1096, %get3A_1106 : vector<16xf32>
        %mul3A_1108 = arith.constant 4 : i32
        %mul3A_1109 = arith.muli %mul3A_1108, %add3A_1077 : i32
        %add3A_1110 = arith.constant 3 : i32
        %add3A_1111 = arith.addi %mul3A_1109, %add3A_1110 : i32
        %get3A_1112 = arith.constant 0 : i32
        %get3A_1113 = arith.index_cast %get3A_1112 : i32 to index
        %get3A_1114 = arith.index_cast %add3A_1111 : i32 to index
        %get3A_1115 = arith.constant 0 : index
        %get3A_1116 = tpu.vector_load %arg12[%get3A_1113, %get3A_1114, %get3A_1115] {strides = array<i32>} : memref<2x128x128xf32, #tpu.memory_space<vmem>>, vector<1x1x16xf32>,
        %get3A_1117 = vector.shape_cast %get3A_1116 : vector<1x1x16xf32> to vector<16xf32>
        %add3A_1118 = arith.addf %add3A_1107, %get3A_1117 : vector<16xf32>
        %add3A_1119 = arith.constant 0 : i32
        %add3A_1120 = arith.addi %add3A_1119, %add3A_1077 : i32
        %swap3A_1121 = arith.index_cast %add3A_1120 : i32 to index
        %swap3A_1122 = arith.constant 0 : index
        %swap3A_1123 = tpu.vector_load %arg14[%swap3A_1121, %swap3A_1122] {strides = array<i32>} : memref<64x128xf32, #tpu.memory_space<vmem>>, vector<1x16xf32>,
        %swap3A_1124 = vector.shape_cast %swap3A_1123 : vector<1x16xf32> to vector<16xf32>
        %swap3A_1125 = vector.shape_cast %add3A_1118 : vector<16xf32> to vector<1x16xf32>
        tpu.vector_store %arg14[%swap3A_1121, %swap3A_1122], %swap3A_1125 {strides = array<i32>} : memref<64x128xf32, #tpu.memory_space<vmem>>, vector<1x16xf32>,
        %mul3A_1126 = arith.constant 4 : i32
        %mul3A_1127 = arith.muli %mul3A_1126, %add3A_1077 : i32
        %get3A_1128 = arith.constant 0 : i32
        %get3A_1129 = arith.index_cast %get3A_1128 : i32 to index
        %get3A_1130 = arith.index_cast %mul3A_1127 : i32 to index
        %get3A_1131 = arith.constant 16 : index
        %get3A_1132 = tpu.vector_load %arg12[%get3A_1129, %get3A_1130, %get3A_1131] {strides = array<i32>} : memref<2x128x128xf32, #tpu.memory_space<vmem>>, vector<1x1x16xf32>,
        %get3A_1133 = vector.shape_cast %get3A_1132 : vector<1x1x16xf32> to vector<16xf32>
        %mul3A_1134 = arith.constant 4 : i32
        %mul3A_1135 = arith.muli %mul3A_1134, %add3A_1077 : i32
        %add3A_1136 = arith.constant 1 : i32
        %add3A_1137 = arith.addi %mul3A_1135, %add3A_1136 : i32
        %get3A_1138 = arith.constant 0 : i32
        %get3A_1139 = arith.index_cast %get3A_1138 : i32 to index
        %get3A_1140 = arith.index_cast %add3A_1137 : i32 to index
        %get3A_1141 = arith.constant 16 : index
        %get3A_1142 = tpu.vector_load %arg12[%get3A_1139, %get3A_1140, %get3A_1141] {strides = array<i32>} : memref<2x128x128xf32, #tpu.memory_space<vmem>>, vector<1x1x16xf32>,
        %get3A_1143 = vector.shape_cast %get3A_1142 : vector<1x1x16xf32> to vector<16xf32>
        %add3A_1144 = arith.addf %get3A_1133, %get3A_1143 : vector<16xf32>
        %mul3A_1145 = arith.constant 4 : i32
        %mul3A_1146 = arith.muli %mul3A_1145, %add3A_1077 : i32
        %add3A_1147 = arith.constant 2 : i32
        %add3A_1148 = arith.addi %mul3A_1146, %add3A_1147 : i32
        %get3A_1149 = arith.constant 0 : i32
        %get3A_1150 = arith.index_cast %get3A_1149 : i32 to index
        %get3A_1151 = arith.index_cast %add3A_1148 : i32 to index
        %get3A_1152 = arith.constant 16 : index
        %get3A_1153 = tpu.vector_load %arg12[%get3A_1150, %get3A_1151, %get3A_1152] {strides = array<i32>} : memref<2x128x128xf32, #tpu.memory_space<vmem>>, vector<1x1x16xf32>,
        %get3A_1154 = vector.shape_cast %get3A_1153 : vector<1x1x16xf32> to vector<16xf32>
        %add3A_1155 = arith.addf %add3A_1144, %get3A_1154 : vector<16xf32>
        %mul3A_1156 = arith.constant 4 : i32
        %mul3A_1157 = arith.muli %mul3A_1156, %add3A_1077 : i32
        %add3A_1158 = arith.constant 3 : i32
        %add3A_1159 = arith.addi %mul3A_1157, %add3A_1158 : i32
        %get3A_1160 = arith.constant 0 : i32
        %get3A_1161 = arith.index_cast %get3A_1160 : i32 to index
        %get3A_1162 = arith.index_cast %add3A_1159 : i32 to index
        %get3A_1163 = arith.constant 16 : index
        %get3A_1164 = tpu.vector_load %arg12[%get3A_1161, %get3A_1162, %get3A_1163] {strides = array<i32>} : memref<2x128x128xf32, #tpu.memory_space<vmem>>, vector<1x1x16xf32>,
        %get3A_1165 = vector.shape_cast %get3A_1164 : vector<1x1x16xf32> to vector<16xf32>
        %add3A_1166 = arith.addf %add3A_1155, %get3A_1165 : vector<16xf32>
        %add3A_1167 = arith.constant 0 : i32
        %add3A_1168 = arith.addi %add3A_1167, %add3A_1077 : i32
        %swap3A_1169 = arith.index_cast %add3A_1168 : i32 to index
        %swap3A_1170 = arith.constant 16 : index
        %swap3A_1171 = tpu.vector_load %arg14[%swap3A_1169, %swap3A_1170] {strides = array<i32>} : memref<64x128xf32, #tpu.memory_space<vmem>>, vector<1x16xf32>,
        %swap3A_1172 = vector.shape_cast %swap3A_1171 : vector<1x16xf32> to vector<16xf32>
        %swap3A_1173 = vector.shape_cast %add3A_1166 : vector<16xf32> to vector<1x16xf32>
        tpu.vector_store %arg14[%swap3A_1169, %swap3A_1170], %swap3A_1173 {strides = array<i32>} : memref<64x128xf32, #tpu.memory_space<vmem>>, vector<1x16xf32>,
        %mul3A_1174 = arith.constant 4 : i32
        %mul3A_1175 = arith.muli %mul3A_1174, %add3A_1077 : i32
        %get3A_1176 = arith.constant 0 : i32
        %get3A_1177 = arith.index_cast %get3A_1176 : i32 to index
        %get3A_1178 = arith.index_cast %mul3A_1175 : i32 to index
        %get3A_1179 = arith.constant 32 : index
        %get3A_1180 = tpu.vector_load %arg12[%get3A_1177, %get3A_1178, %get3A_1179] {strides = array<i32>} : memref<2x128x128xf32, #tpu.memory_space<vmem>>, vector<1x1x16xf32>,
        %get3A_1181 = vector.shape_cast %get3A_1180 : vector<1x1x16xf32> to vector<16xf32>
        %mul3A_1182 = arith.constant 4 : i32
        %mul3A_1183 = arith.muli %mul3A_1182, %add3A_1077 : i32
        %add3A_1184 = arith.constant 1 : i32
        %add3A_1185 = arith.addi %mul3A_1183, %add3A_1184 : i32
        %get3A_1186 = arith.constant 0 : i32
        %get3A_1187 = arith.index_cast %get3A_1186 : i32 to index
        %get3A_1188 = arith.index_cast %add3A_1185 : i32 to index
        %get3A_1189 = arith.constant 32 : index
        %get3A_1190 = tpu.vector_load %arg12[%get3A_1187, %get3A_1188, %get3A_1189] {strides = array<i32>} : memref<2x128x128xf32, #tpu.memory_space<vmem>>, vector<1x1x16xf32>,
        %get3A_1191 = vector.shape_cast %get3A_1190 : vector<1x1x16xf32> to vector<16xf32>
        %add3A_1192 = arith.addf %get3A_1181, %get3A_1191 : vector<16xf32>
        %mul3A_1193 = arith.constant 4 : i32
        %mul3A_1194 = arith.muli %mul3A_1193, %add3A_1077 : i32
        %add3A_1195 = arith.constant 2 : i32
        %add3A_1196 = arith.addi %mul3A_1194, %add3A_1195 : i32
        %get3A_1197 = arith.constant 0 : i32
        %get3A_1198 = arith.index_cast %get3A_1197 : i32 to index
        %get3A_1199 = arith.index_cast %add3A_1196 : i32 to index
        %get3A_1200 = arith.constant 32 : index
        %get3A_1201 = tpu.vector_load %arg12[%get3A_1198, %get3A_1199, %get3A_1200] {strides = array<i32>} : memref<2x128x128xf32, #tpu.memory_space<vmem>>, vector<1x1x16xf32>,
        %get3A_1202 = vector.shape_cast %get3A_1201 : vector<1x1x16xf32> to vector<16xf32>
        %add3A_1203 = arith.addf %add3A_1192, %get3A_1202 : vector<16xf32>
        %mul3A_1204 = arith.constant 4 : i32
        %mul3A_1205 = arith.muli %mul3A_1204, %add3A_1077 : i32
        %add3A_1206 = arith.constant 3 : i32
        %add3A_1207 = arith.addi %mul3A_1205, %add3A_1206 : i32
        %get3A_1208 = arith.constant 0 : i32
        %get3A_1209 = arith.index_cast %get3A_1208 : i32 to index
        %get3A_1210 = arith.index_cast %add3A_1207 : i32 to index
        %get3A_1211 = arith.constant 32 : index
        %get3A_1212 = tpu.vector_load %arg12[%get3A_1209, %get3A_1210, %get3A_1211] {strides = array<i32>} : memref<2x128x128xf32, #tpu.memory_space<vmem>>, vector<1x1x16xf32>,
        %get3A_1213 = vector.shape_cast %get3A_1212 : vector<1x1x16xf32> to vector<16xf32>
        %add3A_1214 = arith.addf %add3A_1203, %get3A_1213 : vector<16xf32>
        %add3A_1215 = arith.constant 0 : i32
        %add3A_1216 = arith.addi %add3A_1215, %add3A_1077 : i32
        %swap3A_1217 = arith.index_cast %add3A_1216 : i32 to index
        %swap3A_1218 = arith.constant 32 : index
        %swap3A_1219 = tpu.vector_load %arg14[%swap3A_1217, %swap3A_1218] {strides = array<i32>} : memref<64x128xf32, #tpu.memory_space<vmem>>, vector<1x16xf32>,
        %swap3A_1220 = vector.shape_cast %swap3A_1219 : vector<1x16xf32> to vector<16xf32>
        %swap3A_1221 = vector.shape_cast %add3A_1214 : vector<16xf32> to vector<1x16xf32>
        tpu.vector_store %arg14[%swap3A_1217, %swap3A_1218], %swap3A_1221 {strides = array<i32>} : memref<64x128xf32, #tpu.memory_space<vmem>>, vector<1x16xf32>,
        %mul3A_1222 = arith.constant 4 : i32
        %mul3A_1223 = arith.muli %mul3A_1222, %add3A_1077 : i32
        %get3A_1224 = arith.constant 0 : i32
        %get3A_1225 = arith.index_cast %get3A_1224 : i32 to index
        %get3A_1226 = arith.index_cast %mul3A_1223 : i32 to index
        %get3A_1227 = arith.constant 48 : index
        %get3A_1228 = tpu.vector_load %arg12[%get3A_1225, %get3A_1226, %get3A_1227] {strides = array<i32>} : memref<2x128x128xf32, #tpu.memory_space<vmem>>, vector<1x1x16xf32>,
        %get3A_1229 = vector.shape_cast %get3A_1228 : vector<1x1x16xf32> to vector<16xf32>
        %mul3A_1230 = arith.constant 4 : i32
        %mul3A_1231 = arith.muli %mul3A_1230, %add3A_1077 : i32
        %add3A_1232 = arith.constant 1 : i32
        %add3A_1233 = arith.addi %mul3A_1231, %add3A_1232 : i32
        %get3A_1234 = arith.constant 0 : i32
        %get3A_1235 = arith.index_cast %get3A_1234 : i32 to index
        %get3A_1236 = arith.index_cast %add3A_1233 : i32 to index
        %get3A_1237 = arith.constant 48 : index
        %get3A_1238 = tpu.vector_load %arg12[%get3A_1235, %get3A_1236, %get3A_1237] {strides = array<i32>} : memref<2x128x128xf32, #tpu.memory_space<vmem>>, vector<1x1x16xf32>,
        %get3A_1239 = vector.shape_cast %get3A_1238 : vector<1x1x16xf32> to vector<16xf32>
        %add3A_1240 = arith.addf %get3A_1229, %get3A_1239 : vector<16xf32>
        %mul3A_1241 = arith.constant 4 : i32
        %mul3A_1242 = arith.muli %mul3A_1241, %add3A_1077 : i32
        %add3A_1243 = arith.constant 2 : i32
        %add3A_1244 = arith.addi %mul3A_1242, %add3A_1243 : i32
        %get3A_1245 = arith.constant 0 : i32
        %get3A_1246 = arith.index_cast %get3A_1245 : i32 to index
        %get3A_1247 = arith.index_cast %add3A_1244 : i32 to index
        %get3A_1248 = arith.constant 48 : index
        %get3A_1249 = tpu.vector_load %arg12[%get3A_1246, %get3A_1247, %get3A_1248] {strides = array<i32>} : memref<2x128x128xf32, #tpu.memory_space<vmem>>, vector<1x1x16xf32>,
        %get3A_1250 = vector.shape_cast %get3A_1249 : vector<1x1x16xf32> to vector<16xf32>
        %add3A_1251 = arith.addf %add3A_1240, %get3A_1250 : vector<16xf32>
        %mul3A_1252 = arith.constant 4 : i32
        %mul3A_1253 = arith.muli %mul3A_1252, %add3A_1077 : i32
        %add3A_1254 = arith.constant 3 : i32
        %add3A_1255 = arith.addi %mul3A_1253, %add3A_1254 : i32
        %get3A_1256 = arith.constant 0 : i32
        %get3A_1257 = arith.index_cast %get3A_1256 : i32 to index
        %get3A_1258 = arith.index_cast %add3A_1255 : i32 to index
        %get3A_1259 = arith.constant 48 : index
        %get3A_1260 = tpu.vector_load %arg12[%get3A_1257, %get3A_1258, %get3A_1259] {strides = array<i32>} : memref<2x128x128xf32, #tpu.memory_space<vmem>>, vector<1x1x16xf32>,
        %get3A_1261 = vector.shape_cast %get3A_1260 : vector<1x1x16xf32> to vector<16xf32>
        %add3A_1262 = arith.addf %add3A_1251, %get3A_1261 : vector<16xf32>
        %add3A_1263 = arith.constant 0 : i32
        %add3A_1264 = arith.addi %add3A_1263, %add3A_1077 : i32
        %swap3A_1265 = arith.index_cast %add3A_1264 : i32 to index
        %swap3A_1266 = arith.constant 48 : index
        %swap3A_1267 = tpu.vector_load %arg14[%swap3A_1265, %swap3A_1266] {strides = array<i32>} : memref<64x128xf32, #tpu.memory_space<vmem>>, vector<1x16xf32>,
        %swap3A_1268 = vector.shape_cast %swap3A_1267 : vector<1x16xf32> to vector<16xf32>
        %swap3A_1269 = vector.shape_cast %add3A_1262 : vector<16xf32> to vector<1x16xf32>
        tpu.vector_store %arg14[%swap3A_1265, %swap3A_1266], %swap3A_1269 {strides = array<i32>} : memref<64x128xf32, #tpu.memory_space<vmem>>, vector<1x16xf32>,
        %mul3A_1270 = arith.constant 4 : i32
        %mul3A_1271 = arith.muli %mul3A_1270, %add3A_1077 : i32
        %get3A_1272 = arith.constant 0 : i32
        %get3A_1273 = arith.index_cast %get3A_1272 : i32 to index
        %get3A_1274 = arith.index_cast %mul3A_1271 : i32 to index
        %get3A_1275 = arith.constant 64 : index
        %get3A_1276 = tpu.vector_load %arg12[%get3A_1273, %get3A_1274, %get3A_1275] {strides = array<i32>} : memref<2x128x128xf32, #tpu.memory_space<vmem>>, vector<1x1x16xf32>,
        %get3A_1277 = vector.shape_cast %get3A_1276 : vector<1x1x16xf32> to vector<16xf32>
        %mul3A_1278 = arith.constant 4 : i32
        %mul3A_1279 = arith.muli %mul3A_1278, %add3A_1077 : i32
        %add3A_1280 = arith.constant 1 : i32
        %add3A_1281 = arith.addi %mul3A_1279, %add3A_1280 : i32
        %get3A_1282 = arith.constant 0 : i32
        %get3A_1283 = arith.index_cast %get3A_1282 : i32 to index
        %get3A_1284 = arith.index_cast %add3A_1281 : i32 to index
        %get3A_1285 = arith.constant 64 : index
        %get3A_1286 = tpu.vector_load %arg12[%get3A_1283, %get3A_1284, %get3A_1285] {strides = array<i32>} : memref<2x128x128xf32, #tpu.memory_space<vmem>>, vector<1x1x16xf32>,
        %get3A_1287 = vector.shape_cast %get3A_1286 : vector<1x1x16xf32> to vector<16xf32>
        %add3A_1288 = arith.addf %get3A_1277, %get3A_1287 : vector<16xf32>
        %mul3A_1289 = arith.constant 4 : i32
        %mul3A_1290 = arith.muli %mul3A_1289, %add3A_1077 : i32
        %add3A_1291 = arith.constant 2 : i32
        %add3A_1292 = arith.addi %mul3A_1290, %add3A_1291 : i32
        %get3A_1293 = arith.constant 0 : i32
        %get3A_1294 = arith.index_cast %get3A_1293 : i32 to index
        %get3A_1295 = arith.index_cast %add3A_1292 : i32 to index
        %get3A_1296 = arith.constant 64 : index
        %get3A_1297 = tpu.vector_load %arg12[%get3A_1294, %get3A_1295, %get3A_1296] {strides = array<i32>} : memref<2x128x128xf32, #tpu.memory_space<vmem>>, vector<1x1x16xf32>,
        %get3A_1298 = vector.shape_cast %get3A_1297 : vector<1x1x16xf32> to vector<16xf32>
        %add3A_1299 = arith.addf %add3A_1288, %get3A_1298 : vector<16xf32>
        %mul3A_1300 = arith.constant 4 : i32
        %mul3A_1301 = arith.muli %mul3A_1300, %add3A_1077 : i32
        %add3A_1302 = arith.constant 3 : i32
        %add3A_1303 = arith.addi %mul3A_1301, %add3A_1302 : i32
        %get3A_1304 = arith.constant 0 : i32
        %get3A_1305 = arith.index_cast %get3A_1304 : i32 to index
        %get3A_1306 = arith.index_cast %add3A_1303 : i32 to index
        %get3A_1307 = arith.constant 64 : index
        %get3A_1308 = tpu.vector_load %arg12[%get3A_1305, %get3A_1306, %get3A_1307] {strides = array<i32>} : memref<2x128x128xf32, #tpu.memory_space<vmem>>, vector<1x1x16xf32>,
        %get3A_1309 = vector.shape_cast %get3A_1308 : vector<1x1x16xf32> to vector<16xf32>
        %add3A_1310 = arith.addf %add3A_1299, %get3A_1309 : vector<16xf32>
        %add3A_1311 = arith.constant 0 : i32
        %add3A_1312 = arith.addi %add3A_1311, %add3A_1077 : i32
        %swap3A_1313 = arith.index_cast %add3A_1312 : i32 to index
        %swap3A_1314 = arith.constant 64 : index
        %swap3A_1315 = tpu.vector_load %arg14[%swap3A_1313, %swap3A_1314] {strides = array<i32>} : memref<64x128xf32, #tpu.memory_space<vmem>>, vector<1x16xf32>,
        %swap3A_1316 = vector.shape_cast %swap3A_1315 : vector<1x16xf32> to vector<16xf32>
        %swap3A_1317 = vector.shape_cast %add3A_1310 : vector<16xf32> to vector<1x16xf32>
        tpu.vector_store %arg14[%swap3A_1313, %swap3A_1314], %swap3A_1317 {strides = array<i32>} : memref<64x128xf32, #tpu.memory_space<vmem>>, vector<1x16xf32>,
        %mul3A_1318 = arith.constant 4 : i32
        %mul3A_1319 = arith.muli %mul3A_1318, %add3A_1077 : i32
        %get3A_1320 = arith.constant 0 : i32
        %get3A_1321 = arith.index_cast %get3A_1320 : i32 to index
        %get3A_1322 = arith.index_cast %mul3A_1319 : i32 to index
        %get3A_1323 = arith.constant 80 : index
        %get3A_1324 = tpu.vector_load %arg12[%get3A_1321, %get3A_1322, %get3A_1323] {strides = array<i32>} : memref<2x128x128xf32, #tpu.memory_space<vmem>>, vector<1x1x16xf32>,
        %get3A_1325 = vector.shape_cast %get3A_1324 : vector<1x1x16xf32> to vector<16xf32>
        %mul3A_1326 = arith.constant 4 : i32
        %mul3A_1327 = arith.muli %mul3A_1326, %add3A_1077 : i32
        %add3A_1328 = arith.constant 1 : i32
        %add3A_1329 = arith.addi %mul3A_1327, %add3A_1328 : i32
        %get3A_1330 = arith.constant 0 : i32
        %get3A_1331 = arith.index_cast %get3A_1330 : i32 to index
        %get3A_1332 = arith.index_cast %add3A_1329 : i32 to index
        %get3A_1333 = arith.constant 80 : index
        %get3A_1334 = tpu.vector_load %arg12[%get3A_1331, %get3A_1332, %get3A_1333] {strides = array<i32>} : memref<2x128x128xf32, #tpu.memory_space<vmem>>, vector<1x1x16xf32>,
        %get3A_1335 = vector.shape_cast %get3A_1334 : vector<1x1x16xf32> to vector<16xf32>
        %add3A_1336 = arith.addf %get3A_1325, %get3A_1335 : vector<16xf32>
        %mul3A_1337 = arith.constant 4 : i32
        %mul3A_1338 = arith.muli %mul3A_1337, %add3A_1077 : i32
        %add3A_1339 = arith.constant 2 : i32
        %add3A_1340 = arith.addi %mul3A_1338, %add3A_1339 : i32
        %get3A_1341 = arith.constant 0 : i32
        %get3A_1342 = arith.index_cast %get3A_1341 : i32 to index
        %get3A_1343 = arith.index_cast %add3A_1340 : i32 to index
        %get3A_1344 = arith.constant 80 : index
        %get3A_1345 = tpu.vector_load %arg12[%get3A_1342, %get3A_1343, %get3A_1344] {strides = array<i32>} : memref<2x128x128xf32, #tpu.memory_space<vmem>>, vector<1x1x16xf32>,
        %get3A_1346 = vector.shape_cast %get3A_1345 : vector<1x1x16xf32> to vector<16xf32>
        %add3A_1347 = arith.addf %add3A_1336, %get3A_1346 : vector<16xf32>
        %mul3A_1348 = arith.constant 4 : i32
        %mul3A_1349 = arith.muli %mul3A_1348, %add3A_1077 : i32
        %add3A_1350 = arith.constant 3 : i32
        %add3A_1351 = arith.addi %mul3A_1349, %add3A_1350 : i32
        %get3A_1352 = arith.constant 0 : i32
        %get3A_1353 = arith.index_cast %get3A_1352 : i32 to index
        %get3A_1354 = arith.index_cast %add3A_1351 : i32 to index
        %get3A_1355 = arith.constant 80 : index
        %get3A_1356 = tpu.vector_load %arg12[%get3A_1353, %get3A_1354, %get3A_1355] {strides = array<i32>} : memref<2x128x128xf32, #tpu.memory_space<vmem>>, vector<1x1x16xf32>,
        %get3A_1357 = vector.shape_cast %get3A_1356 : vector<1x1x16xf32> to vector<16xf32>
        %add3A_1358 = arith.addf %add3A_1347, %get3A_1357 : vector<16xf32>
        %add3A_1359 = arith.constant 0 : i32
        %add3A_1360 = arith.addi %add3A_1359, %add3A_1077 : i32
        %swap3A_1361 = arith.index_cast %add3A_1360 : i32 to index
        %swap3A_1362 = arith.constant 80 : index
        %swap3A_1363 = tpu.vector_load %arg14[%swap3A_1361, %swap3A_1362] {strides = array<i32>} : memref<64x128xf32, #tpu.memory_space<vmem>>, vector<1x16xf32>,
        %swap3A_1364 = vector.shape_cast %swap3A_1363 : vector<1x16xf32> to vector<16xf32>
        %swap3A_1365 = vector.shape_cast %add3A_1358 : vector<16xf32> to vector<1x16xf32>
        tpu.vector_store %arg14[%swap3A_1361, %swap3A_1362], %swap3A_1365 {strides = array<i32>} : memref<64x128xf32, #tpu.memory_space<vmem>>, vector<1x16xf32>,
        %mul3A_1366 = arith.constant 4 : i32
        %mul3A_1367 = arith.muli %mul3A_1366, %add3A_1077 : i32
        %get3A_1368 = arith.constant 0 : i32
        %get3A_1369 = arith.index_cast %get3A_1368 : i32 to index
        %get3A_1370 = arith.index_cast %mul3A_1367 : i32 to index
        %get3A_1371 = arith.constant 96 : index
        %get3A_1372 = tpu.vector_load %arg12[%get3A_1369, %get3A_1370, %get3A_1371] {strides = array<i32>} : memref<2x128x128xf32, #tpu.memory_space<vmem>>, vector<1x1x16xf32>,
        %get3A_1373 = vector.shape_cast %get3A_1372 : vector<1x1x16xf32> to vector<16xf32>
        %mul3A_1374 = arith.constant 4 : i32
        %mul3A_1375 = arith.muli %mul3A_1374, %add3A_1077 : i32
        %add3A_1376 = arith.constant 1 : i32
        %add3A_1377 = arith.addi %mul3A_1375, %add3A_1376 : i32
        %get3A_1378 = arith.constant 0 : i32
        %get3A_1379 = arith.index_cast %get3A_1378 : i32 to index
        %get3A_1380 = arith.index_cast %add3A_1377 : i32 to index
        %get3A_1381 = arith.constant 96 : index
        %get3A_1382 = tpu.vector_load %arg12[%get3A_1379, %get3A_1380, %get3A_1381] {strides = array<i32>} : memref<2x128x128xf32, #tpu.memory_space<vmem>>, vector<1x1x16xf32>,
        %get3A_1383 = vector.shape_cast %get3A_1382 : vector<1x1x16xf32> to vector<16xf32>
        %add3A_1384 = arith.addf %get3A_1373, %get3A_1383 : vector<16xf32>
        %mul3A_1385 = arith.constant 4 : i32
        %mul3A_1386 = arith.muli %mul3A_1385, %add3A_1077 : i32
        %add3A_1387 = arith.constant 2 : i32
        %add3A_1388 = arith.addi %mul3A_1386, %add3A_1387 : i32
        %get3A_1389 = arith.constant 0 : i32
        %get3A_1390 = arith.index_cast %get3A_1389 : i32 to index
        %get3A_1391 = arith.index_cast %add3A_1388 : i32 to index
        %get3A_1392 = arith.constant 96 : index
        %get3A_1393 = tpu.vector_load %arg12[%get3A_1390, %get3A_1391, %get3A_1392] {strides = array<i32>} : memref<2x128x128xf32, #tpu.memory_space<vmem>>, vector<1x1x16xf32>,
        %get3A_1394 = vector.shape_cast %get3A_1393 : vector<1x1x16xf32> to vector<16xf32>
        %add3A_1395 = arith.addf %add3A_1384, %get3A_1394 : vector<16xf32>
        %mul3A_1396 = arith.constant 4 : i32
        %mul3A_1397 = arith.muli %mul3A_1396, %add3A_1077 : i32
        %add3A_1398 = arith.constant 3 : i32
        %add3A_1399 = arith.addi %mul3A_1397, %add3A_1398 : i32
        %get3A_1400 = arith.constant 0 : i32
        %get3A_1401 = arith.index_cast %get3A_1400 : i32 to index
        %get3A_1402 = arith.index_cast %add3A_1399 : i32 to index
        %get3A_1403 = arith.constant 96 : index
        %get3A_1404 = tpu.vector_load %arg12[%get3A_1401, %get3A_1402, %get3A_1403] {strides = array<i32>} : memref<2x128x128xf32, #tpu.memory_space<vmem>>, vector<1x1x16xf32>,
        %get3A_1405 = vector.shape_cast %get3A_1404 : vector<1x1x16xf32> to vector<16xf32>
        %add3A_1406 = arith.addf %add3A_1395, %get3A_1405 : vector<16xf32>
        %add3A_1407 = arith.constant 0 : i32
        %add3A_1408 = arith.addi %add3A_1407, %add3A_1077 : i32
        %swap3A_1409 = arith.index_cast %add3A_1408 : i32 to index
        %swap3A_1410 = arith.constant 96 : index
        %swap3A_1411 = tpu.vector_load %arg14[%swap3A_1409, %swap3A_1410] {strides = array<i32>} : memref<64x128xf32, #tpu.memory_space<vmem>>, vector<1x16xf32>,
        %swap3A_1412 = vector.shape_cast %swap3A_1411 : vector<1x16xf32> to vector<16xf32>
        %swap3A_1413 = vector.shape_cast %add3A_1406 : vector<16xf32> to vector<1x16xf32>
        tpu.vector_store %arg14[%swap3A_1409, %swap3A_1410], %swap3A_1413 {strides = array<i32>} : memref<64x128xf32, #tpu.memory_space<vmem>>, vector<1x16xf32>,
        %mul3A_1414 = arith.constant 4 : i32
        %mul3A_1415 = arith.muli %mul3A_1414, %add3A_1077 : i32
        %get3A_1416 = arith.constant 0 : i32
        %get3A_1417 = arith.index_cast %get3A_1416 : i32 to index
        %get3A_1418 = arith.index_cast %mul3A_1415 : i32 to index
        %get3A_1419 = arith.constant 112 : index
        %get3A_1420 = tpu.vector_load %arg12[%get3A_1417, %get3A_1418, %get3A_1419] {strides = array<i32>} : memref<2x128x128xf32, #tpu.memory_space<vmem>>, vector<1x1x16xf32>,
        %get3A_1421 = vector.shape_cast %get3A_1420 : vector<1x1x16xf32> to vector<16xf32>
        %mul3A_1422 = arith.constant 4 : i32
        %mul3A_1423 = arith.muli %mul3A_1422, %add3A_1077 : i32
        %add3A_1424 = arith.constant 1 : i32
        %add3A_1425 = arith.addi %mul3A_1423, %add3A_1424 : i32
        %get3A_1426 = arith.constant 0 : i32
        %get3A_1427 = arith.index_cast %get3A_1426 : i32 to index
        %get3A_1428 = arith.index_cast %add3A_1425 : i32 to index
        %get3A_1429 = arith.constant 112 : index
        %get3A_1430 = tpu.vector_load %arg12[%get3A_1427, %get3A_1428, %get3A_1429] {strides = array<i32>} : memref<2x128x128xf32, #tpu.memory_space<vmem>>, vector<1x1x16xf32>,
        %get3A_1431 = vector.shape_cast %get3A_1430 : vector<1x1x16xf32> to vector<16xf32>
        %add3A_1432 = arith.addf %get3A_1421, %get3A_1431 : vector<16xf32>
        %mul3A_1433 = arith.constant 4 : i32
        %mul3A_1434 = arith.muli %mul3A_1433, %add3A_1077 : i32
        %add3A_1435 = arith.constant 2 : i32
        %add3A_1436 = arith.addi %mul3A_1434, %add3A_1435 : i32
        %get3A_1437 = arith.constant 0 : i32
        %get3A_1438 = arith.index_cast %get3A_1437 : i32 to index
        %get3A_1439 = arith.index_cast %add3A_1436 : i32 to index
        %get3A_1440 = arith.constant 112 : index
        %get3A_1441 = tpu.vector_load %arg12[%get3A_1438, %get3A_1439, %get3A_1440] {strides = array<i32>} : memref<2x128x128xf32, #tpu.memory_space<vmem>>, vector<1x1x16xf32>,
        %get3A_1442 = vector.shape_cast %get3A_1441 : vector<1x1x16xf32> to vector<16xf32>
        %add3A_1443 = arith.addf %add3A_1432, %get3A_1442 : vector<16xf32>
        %mul3A_1444 = arith.constant 4 : i32
        %mul3A_1445 = arith.muli %mul3A_1444, %add3A_1077 : i32
        %add3A_1446 = arith.constant 3 : i32
        %add3A_1447 = arith.addi %mul3A_1445, %add3A_1446 : i32
        %get3A_1448 = arith.constant 0 : i32
        %get3A_1449 = arith.index_cast %get3A_1448 : i32 to index
        %get3A_1450 = arith.index_cast %add3A_1447 : i32 to index
        %get3A_1451 = arith.constant 112 : index
        %get3A_1452 = tpu.vector_load %arg12[%get3A_1449, %get3A_1450, %get3A_1451] {strides = array<i32>} : memref<2x128x128xf32, #tpu.memory_space<vmem>>, vector<1x1x16xf32>,
        %get3A_1453 = vector.shape_cast %get3A_1452 : vector<1x1x16xf32> to vector<16xf32>
        %add3A_1454 = arith.addf %add3A_1443, %get3A_1453 : vector<16xf32>
        %add3A_1455 = arith.constant 0 : i32
        %add3A_1456 = arith.addi %add3A_1455, %add3A_1077 : i32
        %swap3A_1457 = arith.index_cast %add3A_1456 : i32 to index
        %swap3A_1458 = arith.constant 112 : index
        %swap3A_1459 = tpu.vector_load %arg14[%swap3A_1457, %swap3A_1458] {strides = array<i32>} : memref<64x128xf32, #tpu.memory_space<vmem>>, vector<1x16xf32>,
        %swap3A_1460 = vector.shape_cast %swap3A_1459 : vector<1x16xf32> to vector<16xf32>
        %swap3A_1461 = vector.shape_cast %add3A_1454 : vector<16xf32> to vector<1x16xf32>
        tpu.vector_store %arg14[%swap3A_1457, %swap3A_1458], %swap3A_1461 {strides = array<i32>} : memref<64x128xf32, #tpu.memory_space<vmem>>, vector<1x16xf32>,
        %scan3A_1462 = arith.constant 0 : i32
        scf.yield %scan3A_1462 : i32
      }
      %scan3A_427 = arith.constant 16 : i32
      %scan3A_428 = arith.constant 0 : i32
      %scan3A_429 = arith.constant 0 : i32
      %scan3A_430 = arith.constant 16 : i32
      %scan3A_431 = arith.addi %scan3A_429, %scan3A_430 : i32
      %scan3A_432 = arith.constant 1 : i32
      %scan3A_433 = scf.for %scan3A_684 = %scan3A_429 to %scan3A_431 step %scan3A_432 iter_args(%scan3A_685 = %scan3A_428) -> (i32)  : i32 {
        %mul3A_686 = arith.constant 2 : i32
        %mul3A_687 = arith.muli %mul3A_686, %scan3A_684 : i32
        %add3A_688 = arith.constant 0 : i32
        %add3A_689 = arith.addi %mul3A_687, %add3A_688 : i32
        %mul3A_690 = arith.constant 4 : i32
        %mul3A_691 = arith.muli %mul3A_690, %add3A_689 : i32
        %get3A_692 = arith.constant 1 : i32
        %get3A_693 = arith.index_cast %get3A_692 : i32 to index
        %get3A_694 = arith.index_cast %mul3A_691 : i32 to index
        %get3A_695 = arith.constant 0 : index
        %get3A_696 = tpu.vector_load %arg12[%get3A_693, %get3A_694, %get3A_695] {strides = array<i32>} : memref<2x128x128xf32, #tpu.memory_space<vmem>>, vector<1x1x16xf32>,
        %get3A_697 = vector.shape_cast %get3A_696 : vector<1x1x16xf32> to vector<16xf32>
        %mul3A_698 = arith.constant 4 : i32
        %mul3A_699 = arith.muli %mul3A_698, %add3A_689 : i32
        %add3A_700 = arith.constant 1 : i32
        %add3A_701 = arith.addi %mul3A_699, %add3A_700 : i32
        %get3A_702 = arith.constant 1 : i32
        %get3A_703 = arith.index_cast %get3A_702 : i32 to index
        %get3A_704 = arith.index_cast %add3A_701 : i32 to index
        %get3A_705 = arith.constant 0 : index
        %get3A_706 = tpu.vector_load %arg12[%get3A_703, %get3A_704, %get3A_705] {strides = array<i32>} : memref<2x128x128xf32, #tpu.memory_space<vmem>>, vector<1x1x16xf32>,
        %get3A_707 = vector.shape_cast %get3A_706 : vector<1x1x16xf32> to vector<16xf32>
        %add3A_708 = arith.addf %get3A_697, %get3A_707 : vector<16xf32>
        %mul3A_709 = arith.constant 4 : i32
        %mul3A_710 = arith.muli %mul3A_709, %add3A_689 : i32
        %add3A_711 = arith.constant 2 : i32
        %add3A_712 = arith.addi %mul3A_710, %add3A_711 : i32
        %get3A_713 = arith.constant 1 : i32
        %get3A_714 = arith.index_cast %get3A_713 : i32 to index
        %get3A_715 = arith.index_cast %add3A_712 : i32 to index
        %get3A_716 = arith.constant 0 : index
        %get3A_717 = tpu.vector_load %arg12[%get3A_714, %get3A_715, %get3A_716] {strides = array<i32>} : memref<2x128x128xf32, #tpu.memory_space<vmem>>, vector<1x1x16xf32>,
        %get3A_718 = vector.shape_cast %get3A_717 : vector<1x1x16xf32> to vector<16xf32>
        %add3A_719 = arith.addf %add3A_708, %get3A_718 : vector<16xf32>
        %mul3A_720 = arith.constant 4 : i32
        %mul3A_721 = arith.muli %mul3A_720, %add3A_689 : i32
        %add3A_722 = arith.constant 3 : i32
        %add3A_723 = arith.addi %mul3A_721, %add3A_722 : i32
        %get3A_724 = arith.constant 1 : i32
        %get3A_725 = arith.index_cast %get3A_724 : i32 to index
        %get3A_726 = arith.index_cast %add3A_723 : i32 to index
        %get3A_727 = arith.constant 0 : index
        %get3A_728 = tpu.vector_load %arg12[%get3A_725, %get3A_726, %get3A_727] {strides = array<i32>} : memref<2x128x128xf32, #tpu.memory_space<vmem>>, vector<1x1x16xf32>,
        %get3A_729 = vector.shape_cast %get3A_728 : vector<1x1x16xf32> to vector<16xf32>
        %add3A_730 = arith.addf %add3A_719, %get3A_729 : vector<16xf32>
        %add3A_731 = arith.constant 32 : i32
        %add3A_732 = arith.addi %add3A_731, %add3A_689 : i32
        %swap3A_733 = arith.index_cast %add3A_732 : i32 to index
        %swap3A_734 = arith.constant 0 : index
        %swap3A_735 = tpu.vector_load %arg14[%swap3A_733, %swap3A_734] {strides = array<i32>} : memref<64x128xf32, #tpu.memory_space<vmem>>, vector<1x16xf32>,
        %swap3A_736 = vector.shape_cast %swap3A_735 : vector<1x16xf32> to vector<16xf32>
        %swap3A_737 = vector.shape_cast %add3A_730 : vector<16xf32> to vector<1x16xf32>
        tpu.vector_store %arg14[%swap3A_733, %swap3A_734], %swap3A_737 {strides = array<i32>} : memref<64x128xf32, #tpu.memory_space<vmem>>, vector<1x16xf32>,
        %mul3A_738 = arith.constant 4 : i32
        %mul3A_739 = arith.muli %mul3A_738, %add3A_689 : i32
        %get3A_740 = arith.constant 1 : i32
        %get3A_741 = arith.index_cast %get3A_740 : i32 to index
        %get3A_742 = arith.index_cast %mul3A_739 : i32 to index
        %get3A_743 = arith.constant 16 : index
        %get3A_744 = tpu.vector_load %arg12[%get3A_741, %get3A_742, %get3A_743] {strides = array<i32>} : memref<2x128x128xf32, #tpu.memory_space<vmem>>, vector<1x1x16xf32>,
        %get3A_745 = vector.shape_cast %get3A_744 : vector<1x1x16xf32> to vector<16xf32>
        %mul3A_746 = arith.constant 4 : i32
        %mul3A_747 = arith.muli %mul3A_746, %add3A_689 : i32
        %add3A_748 = arith.constant 1 : i32
        %add3A_749 = arith.addi %mul3A_747, %add3A_748 : i32
        %get3A_750 = arith.constant 1 : i32
        %get3A_751 = arith.index_cast %get3A_750 : i32 to index
        %get3A_752 = arith.index_cast %add3A_749 : i32 to index
        %get3A_753 = arith.constant 16 : index
        %get3A_754 = tpu.vector_load %arg12[%get3A_751, %get3A_752, %get3A_753] {strides = array<i32>} : memref<2x128x128xf32, #tpu.memory_space<vmem>>, vector<1x1x16xf32>,
        %get3A_755 = vector.shape_cast %get3A_754 : vector<1x1x16xf32> to vector<16xf32>
        %add3A_756 = arith.addf %get3A_745, %get3A_755 : vector<16xf32>
        %mul3A_757 = arith.constant 4 : i32
        %mul3A_758 = arith.muli %mul3A_757, %add3A_689 : i32
        %add3A_759 = arith.constant 2 : i32
        %add3A_760 = arith.addi %mul3A_758, %add3A_759 : i32
        %get3A_761 = arith.constant 1 : i32
        %get3A_762 = arith.index_cast %get3A_761 : i32 to index
        %get3A_763 = arith.index_cast %add3A_760 : i32 to index
        %get3A_764 = arith.constant 16 : index
        %get3A_765 = tpu.vector_load %arg12[%get3A_762, %get3A_763, %get3A_764] {strides = array<i32>} : memref<2x128x128xf32, #tpu.memory_space<vmem>>, vector<1x1x16xf32>,
        %get3A_766 = vector.shape_cast %get3A_765 : vector<1x1x16xf32> to vector<16xf32>
        %add3A_767 = arith.addf %add3A_756, %get3A_766 : vector<16xf32>
        %mul3A_768 = arith.constant 4 : i32
        %mul3A_769 = arith.muli %mul3A_768, %add3A_689 : i32
        %add3A_770 = arith.constant 3 : i32
        %add3A_771 = arith.addi %mul3A_769, %add3A_770 : i32
        %get3A_772 = arith.constant 1 : i32
        %get3A_773 = arith.index_cast %get3A_772 : i32 to index
        %get3A_774 = arith.index_cast %add3A_771 : i32 to index
        %get3A_775 = arith.constant 16 : index
        %get3A_776 = tpu.vector_load %arg12[%get3A_773, %get3A_774, %get3A_775] {strides = array<i32>} : memref<2x128x128xf32, #tpu.memory_space<vmem>>, vector<1x1x16xf32>,
        %get3A_777 = vector.shape_cast %get3A_776 : vector<1x1x16xf32> to vector<16xf32>
        %add3A_778 = arith.addf %add3A_767, %get3A_777 : vector<16xf32>
        %add3A_779 = arith.constant 32 : i32
        %add3A_780 = arith.addi %add3A_779, %add3A_689 : i32
        %swap3A_781 = arith.index_cast %add3A_780 : i32 to index
        %swap3A_782 = arith.constant 16 : index
        %swap3A_783 = tpu.vector_load %arg14[%swap3A_781, %swap3A_782] {strides = array<i32>} : memref<64x128xf32, #tpu.memory_space<vmem>>, vector<1x16xf32>,
        %swap3A_784 = vector.shape_cast %swap3A_783 : vector<1x16xf32> to vector<16xf32>
        %swap3A_785 = vector.shape_cast %add3A_778 : vector<16xf32> to vector<1x16xf32>
        tpu.vector_store %arg14[%swap3A_781, %swap3A_782], %swap3A_785 {strides = array<i32>} : memref<64x128xf32, #tpu.memory_space<vmem>>, vector<1x16xf32>,
        %mul3A_786 = arith.constant 4 : i32
        %mul3A_787 = arith.muli %mul3A_786, %add3A_689 : i32
        %get3A_788 = arith.constant 1 : i32
        %get3A_789 = arith.index_cast %get3A_788 : i32 to index
        %get3A_790 = arith.index_cast %mul3A_787 : i32 to index
        %get3A_791 = arith.constant 32 : index
        %get3A_792 = tpu.vector_load %arg12[%get3A_789, %get3A_790, %get3A_791] {strides = array<i32>} : memref<2x128x128xf32, #tpu.memory_space<vmem>>, vector<1x1x16xf32>,
        %get3A_793 = vector.shape_cast %get3A_792 : vector<1x1x16xf32> to vector<16xf32>
        %mul3A_794 = arith.constant 4 : i32
        %mul3A_795 = arith.muli %mul3A_794, %add3A_689 : i32
        %add3A_796 = arith.constant 1 : i32
        %add3A_797 = arith.addi %mul3A_795, %add3A_796 : i32
        %get3A_798 = arith.constant 1 : i32
        %get3A_799 = arith.index_cast %get3A_798 : i32 to index
        %get3A_800 = arith.index_cast %add3A_797 : i32 to index
        %get3A_801 = arith.constant 32 : index
        %get3A_802 = tpu.vector_load %arg12[%get3A_799, %get3A_800, %get3A_801] {strides = array<i32>} : memref<2x128x128xf32, #tpu.memory_space<vmem>>, vector<1x1x16xf32>,
        %get3A_803 = vector.shape_cast %get3A_802 : vector<1x1x16xf32> to vector<16xf32>
        %add3A_804 = arith.addf %get3A_793, %get3A_803 : vector<16xf32>
        %mul3A_805 = arith.constant 4 : i32
        %mul3A_806 = arith.muli %mul3A_805, %add3A_689 : i32
        %add3A_807 = arith.constant 2 : i32
        %add3A_808 = arith.addi %mul3A_806, %add3A_807 : i32
        %get3A_809 = arith.constant 1 : i32
        %get3A_810 = arith.index_cast %get3A_809 : i32 to index
        %get3A_811 = arith.index_cast %add3A_808 : i32 to index
        %get3A_812 = arith.constant 32 : index
        %get3A_813 = tpu.vector_load %arg12[%get3A_810, %get3A_811, %get3A_812] {strides = array<i32>} : memref<2x128x128xf32, #tpu.memory_space<vmem>>, vector<1x1x16xf32>,
        %get3A_814 = vector.shape_cast %get3A_813 : vector<1x1x16xf32> to vector<16xf32>
        %add3A_815 = arith.addf %add3A_804, %get3A_814 : vector<16xf32>
        %mul3A_816 = arith.constant 4 : i32
        %mul3A_817 = arith.muli %mul3A_816, %add3A_689 : i32
        %add3A_818 = arith.constant 3 : i32
        %add3A_819 = arith.addi %mul3A_817, %add3A_818 : i32
        %get3A_820 = arith.constant 1 : i32
        %get3A_821 = arith.index_cast %get3A_820 : i32 to index
        %get3A_822 = arith.index_cast %add3A_819 : i32 to index
        %get3A_823 = arith.constant 32 : index
        %get3A_824 = tpu.vector_load %arg12[%get3A_821, %get3A_822, %get3A_823] {strides = array<i32>} : memref<2x128x128xf32, #tpu.memory_space<vmem>>, vector<1x1x16xf32>,
        %get3A_825 = vector.shape_cast %get3A_824 : vector<1x1x16xf32> to vector<16xf32>
        %add3A_826 = arith.addf %add3A_815, %get3A_825 : vector<16xf32>
        %add3A_827 = arith.constant 32 : i32
        %add3A_828 = arith.addi %add3A_827, %add3A_689 : i32
        %swap3A_829 = arith.index_cast %add3A_828 : i32 to index
        %swap3A_830 = arith.constant 32 : index
        %swap3A_831 = tpu.vector_load %arg14[%swap3A_829, %swap3A_830] {strides = array<i32>} : memref<64x128xf32, #tpu.memory_space<vmem>>, vector<1x16xf32>,
        %swap3A_832 = vector.shape_cast %swap3A_831 : vector<1x16xf32> to vector<16xf32>
        %swap3A_833 = vector.shape_cast %add3A_826 : vector<16xf32> to vector<1x16xf32>
        tpu.vector_store %arg14[%swap3A_829, %swap3A_830], %swap3A_833 {strides = array<i32>} : memref<64x128xf32, #tpu.memory_space<vmem>>, vector<1x16xf32>,
        %mul3A_834 = arith.constant 4 : i32
        %mul3A_835 = arith.muli %mul3A_834, %add3A_689 : i32
        %get3A_836 = arith.constant 1 : i32
        %get3A_837 = arith.index_cast %get3A_836 : i32 to index
        %get3A_838 = arith.index_cast %mul3A_835 : i32 to index
        %get3A_839 = arith.constant 48 : index
        %get3A_840 = tpu.vector_load %arg12[%get3A_837, %get3A_838, %get3A_839] {strides = array<i32>} : memref<2x128x128xf32, #tpu.memory_space<vmem>>, vector<1x1x16xf32>,
        %get3A_841 = vector.shape_cast %get3A_840 : vector<1x1x16xf32> to vector<16xf32>
        %mul3A_842 = arith.constant 4 : i32
        %mul3A_843 = arith.muli %mul3A_842, %add3A_689 : i32
        %add3A_844 = arith.constant 1 : i32
        %add3A_845 = arith.addi %mul3A_843, %add3A_844 : i32
        %get3A_846 = arith.constant 1 : i32
        %get3A_847 = arith.index_cast %get3A_846 : i32 to index
        %get3A_848 = arith.index_cast %add3A_845 : i32 to index
        %get3A_849 = arith.constant 48 : index
        %get3A_850 = tpu.vector_load %arg12[%get3A_847, %get3A_848, %get3A_849] {strides = array<i32>} : memref<2x128x128xf32, #tpu.memory_space<vmem>>, vector<1x1x16xf32>,
        %get3A_851 = vector.shape_cast %get3A_850 : vector<1x1x16xf32> to vector<16xf32>
        %add3A_852 = arith.addf %get3A_841, %get3A_851 : vector<16xf32>
        %mul3A_853 = arith.constant 4 : i32
        %mul3A_854 = arith.muli %mul3A_853, %add3A_689 : i32
        %add3A_855 = arith.constant 2 : i32
        %add3A_856 = arith.addi %mul3A_854, %add3A_855 : i32
        %get3A_857 = arith.constant 1 : i32
        %get3A_858 = arith.index_cast %get3A_857 : i32 to index
        %get3A_859 = arith.index_cast %add3A_856 : i32 to index
        %get3A_860 = arith.constant 48 : index
        %get3A_861 = tpu.vector_load %arg12[%get3A_858, %get3A_859, %get3A_860] {strides = array<i32>} : memref<2x128x128xf32, #tpu.memory_space<vmem>>, vector<1x1x16xf32>,
        %get3A_862 = vector.shape_cast %get3A_861 : vector<1x1x16xf32> to vector<16xf32>
        %add3A_863 = arith.addf %add3A_852, %get3A_862 : vector<16xf32>
        %mul3A_864 = arith.constant 4 : i32
        %mul3A_865 = arith.muli %mul3A_864, %add3A_689 : i32
        %add3A_866 = arith.constant 3 : i32
        %add3A_867 = arith.addi %mul3A_865, %add3A_866 : i32
        %get3A_868 = arith.constant 1 : i32
        %get3A_869 = arith.index_cast %get3A_868 : i32 to index
        %get3A_870 = arith.index_cast %add3A_867 : i32 to index
        %get3A_871 = arith.constant 48 : index
        %get3A_872 = tpu.vector_load %arg12[%get3A_869, %get3A_870, %get3A_871] {strides = array<i32>} : memref<2x128x128xf32, #tpu.memory_space<vmem>>, vector<1x1x16xf32>,
        %get3A_873 = vector.shape_cast %get3A_872 : vector<1x1x16xf32> to vector<16xf32>
        %add3A_874 = arith.addf %add3A_863, %get3A_873 : vector<16xf32>
        %add3A_875 = arith.constant 32 : i32
        %add3A_876 = arith.addi %add3A_875, %add3A_689 : i32
        %swap3A_877 = arith.index_cast %add3A_876 : i32 to index
        %swap3A_878 = arith.constant 48 : index
        %swap3A_879 = tpu.vector_load %arg14[%swap3A_877, %swap3A_878] {strides = array<i32>} : memref<64x128xf32, #tpu.memory_space<vmem>>, vector<1x16xf32>,
        %swap3A_880 = vector.shape_cast %swap3A_879 : vector<1x16xf32> to vector<16xf32>
        %swap3A_881 = vector.shape_cast %add3A_874 : vector<16xf32> to vector<1x16xf32>
        tpu.vector_store %arg14[%swap3A_877, %swap3A_878], %swap3A_881 {strides = array<i32>} : memref<64x128xf32, #tpu.memory_space<vmem>>, vector<1x16xf32>,
        %mul3A_882 = arith.constant 4 : i32
        %mul3A_883 = arith.muli %mul3A_882, %add3A_689 : i32
        %get3A_884 = arith.constant 1 : i32
        %get3A_885 = arith.index_cast %get3A_884 : i32 to index
        %get3A_886 = arith.index_cast %mul3A_883 : i32 to index
        %get3A_887 = arith.constant 64 : index
        %get3A_888 = tpu.vector_load %arg12[%get3A_885, %get3A_886, %get3A_887] {strides = array<i32>} : memref<2x128x128xf32, #tpu.memory_space<vmem>>, vector<1x1x16xf32>,
        %get3A_889 = vector.shape_cast %get3A_888 : vector<1x1x16xf32> to vector<16xf32>
        %mul3A_890 = arith.constant 4 : i32
        %mul3A_891 = arith.muli %mul3A_890, %add3A_689 : i32
        %add3A_892 = arith.constant 1 : i32
        %add3A_893 = arith.addi %mul3A_891, %add3A_892 : i32
        %get3A_894 = arith.constant 1 : i32
        %get3A_895 = arith.index_cast %get3A_894 : i32 to index
        %get3A_896 = arith.index_cast %add3A_893 : i32 to index
        %get3A_897 = arith.constant 64 : index
        %get3A_898 = tpu.vector_load %arg12[%get3A_895, %get3A_896, %get3A_897] {strides = array<i32>} : memref<2x128x128xf32, #tpu.memory_space<vmem>>, vector<1x1x16xf32>,
        %get3A_899 = vector.shape_cast %get3A_898 : vector<1x1x16xf32> to vector<16xf32>
        %add3A_900 = arith.addf %get3A_889, %get3A_899 : vector<16xf32>
        %mul3A_901 = arith.constant 4 : i32
        %mul3A_902 = arith.muli %mul3A_901, %add3A_689 : i32
        %add3A_903 = arith.constant 2 : i32
        %add3A_904 = arith.addi %mul3A_902, %add3A_903 : i32
        %get3A_905 = arith.constant 1 : i32
        %get3A_906 = arith.index_cast %get3A_905 : i32 to index
        %get3A_907 = arith.index_cast %add3A_904 : i32 to index
        %get3A_908 = arith.constant 64 : index
        %get3A_909 = tpu.vector_load %arg12[%get3A_906, %get3A_907, %get3A_908] {strides = array<i32>} : memref<2x128x128xf32, #tpu.memory_space<vmem>>, vector<1x1x16xf32>,
        %get3A_910 = vector.shape_cast %get3A_909 : vector<1x1x16xf32> to vector<16xf32>
        %add3A_911 = arith.addf %add3A_900, %get3A_910 : vector<16xf32>
        %mul3A_912 = arith.constant 4 : i32
        %mul3A_913 = arith.muli %mul3A_912, %add3A_689 : i32
        %add3A_914 = arith.constant 3 : i32
        %add3A_915 = arith.addi %mul3A_913, %add3A_914 : i32
        %get3A_916 = arith.constant 1 : i32
        %get3A_917 = arith.index_cast %get3A_916 : i32 to index
        %get3A_918 = arith.index_cast %add3A_915 : i32 to index
        %get3A_919 = arith.constant 64 : index
        %get3A_920 = tpu.vector_load %arg12[%get3A_917, %get3A_918, %get3A_919] {strides = array<i32>} : memref<2x128x128xf32, #tpu.memory_space<vmem>>, vector<1x1x16xf32>,
        %get3A_921 = vector.shape_cast %get3A_920 : vector<1x1x16xf32> to vector<16xf32>
        %add3A_922 = arith.addf %add3A_911, %get3A_921 : vector<16xf32>
        %add3A_923 = arith.constant 32 : i32
        %add3A_924 = arith.addi %add3A_923, %add3A_689 : i32
        %swap3A_925 = arith.index_cast %add3A_924 : i32 to index
        %swap3A_926 = arith.constant 64 : index
        %swap3A_927 = tpu.vector_load %arg14[%swap3A_925, %swap3A_926] {strides = array<i32>} : memref<64x128xf32, #tpu.memory_space<vmem>>, vector<1x16xf32>,
        %swap3A_928 = vector.shape_cast %swap3A_927 : vector<1x16xf32> to vector<16xf32>
        %swap3A_929 = vector.shape_cast %add3A_922 : vector<16xf32> to vector<1x16xf32>
        tpu.vector_store %arg14[%swap3A_925, %swap3A_926], %swap3A_929 {strides = array<i32>} : memref<64x128xf32, #tpu.memory_space<vmem>>, vector<1x16xf32>,
        %mul3A_930 = arith.constant 4 : i32
        %mul3A_931 = arith.muli %mul3A_930, %add3A_689 : i32
        %get3A_932 = arith.constant 1 : i32
        %get3A_933 = arith.index_cast %get3A_932 : i32 to index
        %get3A_934 = arith.index_cast %mul3A_931 : i32 to index
        %get3A_935 = arith.constant 80 : index
        %get3A_936 = tpu.vector_load %arg12[%get3A_933, %get3A_934, %get3A_935] {strides = array<i32>} : memref<2x128x128xf32, #tpu.memory_space<vmem>>, vector<1x1x16xf32>,
        %get3A_937 = vector.shape_cast %get3A_936 : vector<1x1x16xf32> to vector<16xf32>
        %mul3A_938 = arith.constant 4 : i32
        %mul3A_939 = arith.muli %mul3A_938, %add3A_689 : i32
        %add3A_940 = arith.constant 1 : i32
        %add3A_941 = arith.addi %mul3A_939, %add3A_940 : i32
        %get3A_942 = arith.constant 1 : i32
        %get3A_943 = arith.index_cast %get3A_942 : i32 to index
        %get3A_944 = arith.index_cast %add3A_941 : i32 to index
        %get3A_945 = arith.constant 80 : index
        %get3A_946 = tpu.vector_load %arg12[%get3A_943, %get3A_944, %get3A_945] {strides = array<i32>} : memref<2x128x128xf32, #tpu.memory_space<vmem>>, vector<1x1x16xf32>,
        %get3A_947 = vector.shape_cast %get3A_946 : vector<1x1x16xf32> to vector<16xf32>
        %add3A_948 = arith.addf %get3A_937, %get3A_947 : vector<16xf32>
        %mul3A_949 = arith.constant 4 : i32
        %mul3A_950 = arith.muli %mul3A_949, %add3A_689 : i32
        %add3A_951 = arith.constant 2 : i32
        %add3A_952 = arith.addi %mul3A_950, %add3A_951 : i32
        %get3A_953 = arith.constant 1 : i32
        %get3A_954 = arith.index_cast %get3A_953 : i32 to index
        %get3A_955 = arith.index_cast %add3A_952 : i32 to index
        %get3A_956 = arith.constant 80 : index
        %get3A_957 = tpu.vector_load %arg12[%get3A_954, %get3A_955, %get3A_956] {strides = array<i32>} : memref<2x128x128xf32, #tpu.memory_space<vmem>>, vector<1x1x16xf32>,
        %get3A_958 = vector.shape_cast %get3A_957 : vector<1x1x16xf32> to vector<16xf32>
        %add3A_959 = arith.addf %add3A_948, %get3A_958 : vector<16xf32>
        %mul3A_960 = arith.constant 4 : i32
        %mul3A_961 = arith.muli %mul3A_960, %add3A_689 : i32
        %add3A_962 = arith.constant 3 : i32
        %add3A_963 = arith.addi %mul3A_961, %add3A_962 : i32
        %get3A_964 = arith.constant 1 : i32
        %get3A_965 = arith.index_cast %get3A_964 : i32 to index
        %get3A_966 = arith.index_cast %add3A_963 : i32 to index
        %get3A_967 = arith.constant 80 : index
        %get3A_968 = tpu.vector_load %arg12[%get3A_965, %get3A_966, %get3A_967] {strides = array<i32>} : memref<2x128x128xf32, #tpu.memory_space<vmem>>, vector<1x1x16xf32>,
        %get3A_969 = vector.shape_cast %get3A_968 : vector<1x1x16xf32> to vector<16xf32>
        %add3A_970 = arith.addf %add3A_959, %get3A_969 : vector<16xf32>
        %add3A_971 = arith.constant 32 : i32
        %add3A_972 = arith.addi %add3A_971, %add3A_689 : i32
        %swap3A_973 = arith.index_cast %add3A_972 : i32 to index
        %swap3A_974 = arith.constant 80 : index
        %swap3A_975 = tpu.vector_load %arg14[%swap3A_973, %swap3A_974] {strides = array<i32>} : memref<64x128xf32, #tpu.memory_space<vmem>>, vector<1x16xf32>,
        %swap3A_976 = vector.shape_cast %swap3A_975 : vector<1x16xf32> to vector<16xf32>
        %swap3A_977 = vector.shape_cast %add3A_970 : vector<16xf32> to vector<1x16xf32>
        tpu.vector_store %arg14[%swap3A_973, %swap3A_974], %swap3A_977 {strides = array<i32>} : memref<64x128xf32, #tpu.memory_space<vmem>>, vector<1x16xf32>,
        %mul3A_978 = arith.constant 4 : i32
        %mul3A_979 = arith.muli %mul3A_978, %add3A_689 : i32
        %get3A_980 = arith.constant 1 : i32
        %get3A_981 = arith.index_cast %get3A_980 : i32 to index
        %get3A_982 = arith.index_cast %mul3A_979 : i32 to index
        %get3A_983 = arith.constant 96 : index
        %get3A_984 = tpu.vector_load %arg12[%get3A_981, %get3A_982, %get3A_983] {strides = array<i32>} : memref<2x128x128xf32, #tpu.memory_space<vmem>>, vector<1x1x16xf32>,
        %get3A_985 = vector.shape_cast %get3A_984 : vector<1x1x16xf32> to vector<16xf32>
        %mul3A_986 = arith.constant 4 : i32
        %mul3A_987 = arith.muli %mul3A_986, %add3A_689 : i32
        %add3A_988 = arith.constant 1 : i32
        %add3A_989 = arith.addi %mul3A_987, %add3A_988 : i32
        %get3A_990 = arith.constant 1 : i32
        %get3A_991 = arith.index_cast %get3A_990 : i32 to index
        %get3A_992 = arith.index_cast %add3A_989 : i32 to index
        %get3A_993 = arith.constant 96 : index
        %get3A_994 = tpu.vector_load %arg12[%get3A_991, %get3A_992, %get3A_993] {strides = array<i32>} : memref<2x128x128xf32, #tpu.memory_space<vmem>>, vector<1x1x16xf32>,
        %get3A_995 = vector.shape_cast %get3A_994 : vector<1x1x16xf32> to vector<16xf32>
        %add3A_996 = arith.addf %get3A_985, %get3A_995 : vector<16xf32>
        %mul3A_997 = arith.constant 4 : i32
        %mul3A_998 = arith.muli %mul3A_997, %add3A_689 : i32
        %add3A_999 = arith.constant 2 : i32
        %add3A_1000 = arith.addi %mul3A_998, %add3A_999 : i32
        %get3A_1001 = arith.constant 1 : i32
        %get3A_1002 = arith.index_cast %get3A_1001 : i32 to index
        %get3A_1003 = arith.index_cast %add3A_1000 : i32 to index
        %get3A_1004 = arith.constant 96 : index
        %get3A_1005 = tpu.vector_load %arg12[%get3A_1002, %get3A_1003, %get3A_1004] {strides = array<i32>} : memref<2x128x128xf32, #tpu.memory_space<vmem>>, vector<1x1x16xf32>,
        %get3A_1006 = vector.shape_cast %get3A_1005 : vector<1x1x16xf32> to vector<16xf32>
        %add3A_1007 = arith.addf %add3A_996, %get3A_1006 : vector<16xf32>
        %mul3A_1008 = arith.constant 4 : i32
        %mul3A_1009 = arith.muli %mul3A_1008, %add3A_689 : i32
        %add3A_1010 = arith.constant 3 : i32
        %add3A_1011 = arith.addi %mul3A_1009, %add3A_1010 : i32
        %get3A_1012 = arith.constant 1 : i32
        %get3A_1013 = arith.index_cast %get3A_1012 : i32 to index
        %get3A_1014 = arith.index_cast %add3A_1011 : i32 to index
        %get3A_1015 = arith.constant 96 : index
        %get3A_1016 = tpu.vector_load %arg12[%get3A_1013, %get3A_1014, %get3A_1015] {strides = array<i32>} : memref<2x128x128xf32, #tpu.memory_space<vmem>>, vector<1x1x16xf32>,
        %get3A_1017 = vector.shape_cast %get3A_1016 : vector<1x1x16xf32> to vector<16xf32>
        %add3A_1018 = arith.addf %add3A_1007, %get3A_1017 : vector<16xf32>
        %add3A_1019 = arith.constant 32 : i32
        %add3A_1020 = arith.addi %add3A_1019, %add3A_689 : i32
        %swap3A_1021 = arith.index_cast %add3A_1020 : i32 to index
        %swap3A_1022 = arith.constant 96 : index
        %swap3A_1023 = tpu.vector_load %arg14[%swap3A_1021, %swap3A_1022] {strides = array<i32>} : memref<64x128xf32, #tpu.memory_space<vmem>>, vector<1x16xf32>,
        %swap3A_1024 = vector.shape_cast %swap3A_1023 : vector<1x16xf32> to vector<16xf32>
        %swap3A_1025 = vector.shape_cast %add3A_1018 : vector<16xf32> to vector<1x16xf32>
        tpu.vector_store %arg14[%swap3A_1021, %swap3A_1022], %swap3A_1025 {strides = array<i32>} : memref<64x128xf32, #tpu.memory_space<vmem>>, vector<1x16xf32>,
        %mul3A_1026 = arith.constant 4 : i32
        %mul3A_1027 = arith.muli %mul3A_1026, %add3A_689 : i32
        %get3A_1028 = arith.constant 1 : i32
        %get3A_1029 = arith.index_cast %get3A_1028 : i32 to index
        %get3A_1030 = arith.index_cast %mul3A_1027 : i32 to index
        %get3A_1031 = arith.constant 112 : index
        %get3A_1032 = tpu.vector_load %arg12[%get3A_1029, %get3A_1030, %get3A_1031] {strides = array<i32>} : memref<2x128x128xf32, #tpu.memory_space<vmem>>, vector<1x1x16xf32>,
        %get3A_1033 = vector.shape_cast %get3A_1032 : vector<1x1x16xf32> to vector<16xf32>
        %mul3A_1034 = arith.constant 4 : i32
        %mul3A_1035 = arith.muli %mul3A_1034, %add3A_689 : i32
        %add3A_1036 = arith.constant 1 : i32
        %add3A_1037 = arith.addi %mul3A_1035, %add3A_1036 : i32
        %get3A_1038 = arith.constant 1 : i32
        %get3A_1039 = arith.index_cast %get3A_1038 : i32 to index
        %get3A_1040 = arith.index_cast %add3A_1037 : i32 to index
        %get3A_1041 = arith.constant 112 : index
        %get3A_1042 = tpu.vector_load %arg12[%get3A_1039, %get3A_1040, %get3A_1041] {strides = array<i32>} : memref<2x128x128xf32, #tpu.memory_space<vmem>>, vector<1x1x16xf32>,
        %get3A_1043 = vector.shape_cast %get3A_1042 : vector<1x1x16xf32> to vector<16xf32>
        %add3A_1044 = arith.addf %get3A_1033, %get3A_1043 : vector<16xf32>
        %mul3A_1045 = arith.constant 4 : i32
        %mul3A_1046 = arith.muli %mul3A_1045, %add3A_689 : i32
        %add3A_1047 = arith.constant 2 : i32
        %add3A_1048 = arith.addi %mul3A_1046, %add3A_1047 : i32
        %get3A_1049 = arith.constant 1 : i32
        %get3A_1050 = arith.index_cast %get3A_1049 : i32 to index
        %get3A_1051 = arith.index_cast %add3A_1048 : i32 to index
        %get3A_1052 = arith.constant 112 : index
        %get3A_1053 = tpu.vector_load %arg12[%get3A_1050, %get3A_1051, %get3A_1052] {strides = array<i32>} : memref<2x128x128xf32, #tpu.memory_space<vmem>>, vector<1x1x16xf32>,
        %get3A_1054 = vector.shape_cast %get3A_1053 : vector<1x1x16xf32> to vector<16xf32>
        %add3A_1055 = arith.addf %add3A_1044, %get3A_1054 : vector<16xf32>
        %mul3A_1056 = arith.constant 4 : i32
        %mul3A_1057 = arith.muli %mul3A_1056, %add3A_689 : i32
        %add3A_1058 = arith.constant 3 : i32
        %add3A_1059 = arith.addi %mul3A_1057, %add3A_1058 : i32
        %get3A_1060 = arith.constant 1 : i32
        %get3A_1061 = arith.index_cast %get3A_1060 : i32 to index
        %get3A_1062 = arith.index_cast %add3A_1059 : i32 to index
        %get3A_1063 = arith.constant 112 : index
        %get3A_1064 = tpu.vector_load %arg12[%get3A_1061, %get3A_1062, %get3A_1063] {strides = array<i32>} : memref<2x128x128xf32, #tpu.memory_space<vmem>>, vector<1x1x16xf32>,
        %get3A_1065 = vector.shape_cast %get3A_1064 : vector<1x1x16xf32> to vector<16xf32>
        %add3A_1066 = arith.addf %add3A_1055, %get3A_1065 : vector<16xf32>
        %add3A_1067 = arith.constant 32 : i32
        %add3A_1068 = arith.addi %add3A_1067, %add3A_689 : i32
        %swap3A_1069 = arith.index_cast %add3A_1068 : i32 to index
        %swap3A_1070 = arith.constant 112 : index
        %swap3A_1071 = tpu.vector_load %arg14[%swap3A_1069, %swap3A_1070] {strides = array<i32>} : memref<64x128xf32, #tpu.memory_space<vmem>>, vector<1x16xf32>,
        %swap3A_1072 = vector.shape_cast %swap3A_1071 : vector<1x16xf32> to vector<16xf32>
        %swap3A_1073 = vector.shape_cast %add3A_1066 : vector<16xf32> to vector<1x16xf32>
        tpu.vector_store %arg14[%swap3A_1069, %swap3A_1070], %swap3A_1073 {strides = array<i32>} : memref<64x128xf32, #tpu.memory_space<vmem>>, vector<1x16xf32>,
        %mul3A_1074 = arith.constant 2 : i32
        %mul3A_1075 = arith.muli %mul3A_1074, %scan3A_684 : i32
        %add3A_1076 = arith.constant 1 : i32
        %add3A_1077 = arith.addi %mul3A_1075, %add3A_1076 : i32
        %mul3A_1078 = arith.constant 4 : i32
        %mul3A_1079 = arith.muli %mul3A_1078, %add3A_1077 : i32
        %get3A_1080 = arith.constant 1 : i32
        %get3A_1081 = arith.index_cast %get3A_1080 : i32 to index
        %get3A_1082 = arith.index_cast %mul3A_1079 : i32 to index
        %get3A_1083 = arith.constant 0 : index
        %get3A_1084 = tpu.vector_load %arg12[%get3A_1081, %get3A_1082, %get3A_1083] {strides = array<i32>} : memref<2x128x128xf32, #tpu.memory_space<vmem>>, vector<1x1x16xf32>,
        %get3A_1085 = vector.shape_cast %get3A_1084 : vector<1x1x16xf32> to vector<16xf32>
        %mul3A_1086 = arith.constant 4 : i32
        %mul3A_1087 = arith.muli %mul3A_1086, %add3A_1077 : i32
        %add3A_1088 = arith.constant 1 : i32
        %add3A_1089 = arith.addi %mul3A_1087, %add3A_1088 : i32
        %get3A_1090 = arith.constant 1 : i32
        %get3A_1091 = arith.index_cast %get3A_1090 : i32 to index
        %get3A_1092 = arith.index_cast %add3A_1089 : i32 to index
        %get3A_1093 = arith.constant 0 : index
        %get3A_1094 = tpu.vector_load %arg12[%get3A_1091, %get3A_1092, %get3A_1093] {strides = array<i32>} : memref<2x128x128xf32, #tpu.memory_space<vmem>>, vector<1x1x16xf32>,
        %get3A_1095 = vector.shape_cast %get3A_1094 : vector<1x1x16xf32> to vector<16xf32>
        %add3A_1096 = arith.addf %get3A_1085, %get3A_1095 : vector<16xf32>
        %mul3A_1097 = arith.constant 4 : i32
        %mul3A_1098 = arith.muli %mul3A_1097, %add3A_1077 : i32
        %add3A_1099 = arith.constant 2 : i32
        %add3A_1100 = arith.addi %mul3A_1098, %add3A_1099 : i32
        %get3A_1101 = arith.constant 1 : i32
        %get3A_1102 = arith.index_cast %get3A_1101 : i32 to index
        %get3A_1103 = arith.index_cast %add3A_1100 : i32 to index
        %get3A_1104 = arith.constant 0 : index
        %get3A_1105 = tpu.vector_load %arg12[%get3A_1102, %get3A_1103, %get3A_1104] {strides = array<i32>} : memref<2x128x128xf32, #tpu.memory_space<vmem>>, vector<1x1x16xf32>,
        %get3A_1106 = vector.shape_cast %get3A_1105 : vector<1x1x16xf32> to vector<16xf32>
        %add3A_1107 = arith.addf %add3A_1096, %get3A_1106 : vector<16xf32>
        %mul3A_1108 = arith.constant 4 : i32
        %mul3A_1109 = arith.muli %mul3A_1108, %add3A_1077 : i32
        %add3A_1110 = arith.constant 3 : i32
        %add3A_1111 = arith.addi %mul3A_1109, %add3A_1110 : i32
        %get3A_1112 = arith.constant 1 : i32
        %get3A_1113 = arith.index_cast %get3A_1112 : i32 to index
        %get3A_1114 = arith.index_cast %add3A_1111 : i32 to index
        %get3A_1115 = arith.constant 0 : index
        %get3A_1116 = tpu.vector_load %arg12[%get3A_1113, %get3A_1114, %get3A_1115] {strides = array<i32>} : memref<2x128x128xf32, #tpu.memory_space<vmem>>, vector<1x1x16xf32>,
        %get3A_1117 = vector.shape_cast %get3A_1116 : vector<1x1x16xf32> to vector<16xf32>
        %add3A_1118 = arith.addf %add3A_1107, %get3A_1117 : vector<16xf32>
        %add3A_1119 = arith.constant 32 : i32
        %add3A_1120 = arith.addi %add3A_1119, %add3A_1077 : i32
        %swap3A_1121 = arith.index_cast %add3A_1120 : i32 to index
        %swap3A_1122 = arith.constant 0 : index
        %swap3A_1123 = tpu.vector_load %arg14[%swap3A_1121, %swap3A_1122] {strides = array<i32>} : memref<64x128xf32, #tpu.memory_space<vmem>>, vector<1x16xf32>,
        %swap3A_1124 = vector.shape_cast %swap3A_1123 : vector<1x16xf32> to vector<16xf32>
        %swap3A_1125 = vector.shape_cast %add3A_1118 : vector<16xf32> to vector<1x16xf32>
        tpu.vector_store %arg14[%swap3A_1121, %swap3A_1122], %swap3A_1125 {strides = array<i32>} : memref<64x128xf32, #tpu.memory_space<vmem>>, vector<1x16xf32>,
        %mul3A_1126 = arith.constant 4 : i32
        %mul3A_1127 = arith.muli %mul3A_1126, %add3A_1077 : i32
        %get3A_1128 = arith.constant 1 : i32
        %get3A_1129 = arith.index_cast %get3A_1128 : i32 to index
        %get3A_1130 = arith.index_cast %mul3A_1127 : i32 to index
        %get3A_1131 = arith.constant 16 : index
        %get3A_1132 = tpu.vector_load %arg12[%get3A_1129, %get3A_1130, %get3A_1131] {strides = array<i32>} : memref<2x128x128xf32, #tpu.memory_space<vmem>>, vector<1x1x16xf32>,
        %get3A_1133 = vector.shape_cast %get3A_1132 : vector<1x1x16xf32> to vector<16xf32>
        %mul3A_1134 = arith.constant 4 : i32
        %mul3A_1135 = arith.muli %mul3A_1134, %add3A_1077 : i32
        %add3A_1136 = arith.constant 1 : i32
        %add3A_1137 = arith.addi %mul3A_1135, %add3A_1136 : i32
        %get3A_1138 = arith.constant 1 : i32
        %get3A_1139 = arith.index_cast %get3A_1138 : i32 to index
        %get3A_1140 = arith.index_cast %add3A_1137 : i32 to index
        %get3A_1141 = arith.constant 16 : index
        %get3A_1142 = tpu.vector_load %arg12[%get3A_1139, %get3A_1140, %get3A_1141] {strides = array<i32>} : memref<2x128x128xf32, #tpu.memory_space<vmem>>, vector<1x1x16xf32>,
        %get3A_1143 = vector.shape_cast %get3A_1142 : vector<1x1x16xf32> to vector<16xf32>
        %add3A_1144 = arith.addf %get3A_1133, %get3A_1143 : vector<16xf32>
        %mul3A_1145 = arith.constant 4 : i32
        %mul3A_1146 = arith.muli %mul3A_1145, %add3A_1077 : i32
        %add3A_1147 = arith.constant 2 : i32
        %add3A_1148 = arith.addi %mul3A_1146, %add3A_1147 : i32
        %get3A_1149 = arith.constant 1 : i32
        %get3A_1150 = arith.index_cast %get3A_1149 : i32 to index
        %get3A_1151 = arith.index_cast %add3A_1148 : i32 to index
        %get3A_1152 = arith.constant 16 : index
        %get3A_1153 = tpu.vector_load %arg12[%get3A_1150, %get3A_1151, %get3A_1152] {strides = array<i32>} : memref<2x128x128xf32, #tpu.memory_space<vmem>>, vector<1x1x16xf32>,
        %get3A_1154 = vector.shape_cast %get3A_1153 : vector<1x1x16xf32> to vector<16xf32>
        %add3A_1155 = arith.addf %add3A_1144, %get3A_1154 : vector<16xf32>
        %mul3A_1156 = arith.constant 4 : i32
        %mul3A_1157 = arith.muli %mul3A_1156, %add3A_1077 : i32
        %add3A_1158 = arith.constant 3 : i32
        %add3A_1159 = arith.addi %mul3A_1157, %add3A_1158 : i32
        %get3A_1160 = arith.constant 1 : i32
        %get3A_1161 = arith.index_cast %get3A_1160 : i32 to index
        %get3A_1162 = arith.index_cast %add3A_1159 : i32 to index
        %get3A_1163 = arith.constant 16 : index
        %get3A_1164 = tpu.vector_load %arg12[%get3A_1161, %get3A_1162, %get3A_1163] {strides = array<i32>} : memref<2x128x128xf32, #tpu.memory_space<vmem>>, vector<1x1x16xf32>,
        %get3A_1165 = vector.shape_cast %get3A_1164 : vector<1x1x16xf32> to vector<16xf32>
        %add3A_1166 = arith.addf %add3A_1155, %get3A_1165 : vector<16xf32>
        %add3A_1167 = arith.constant 32 : i32
        %add3A_1168 = arith.addi %add3A_1167, %add3A_1077 : i32
        %swap3A_1169 = arith.index_cast %add3A_1168 : i32 to index
        %swap3A_1170 = arith.constant 16 : index
        %swap3A_1171 = tpu.vector_load %arg14[%swap3A_1169, %swap3A_1170] {strides = array<i32>} : memref<64x128xf32, #tpu.memory_space<vmem>>, vector<1x16xf32>,
        %swap3A_1172 = vector.shape_cast %swap3A_1171 : vector<1x16xf32> to vector<16xf32>
        %swap3A_1173 = vector.shape_cast %add3A_1166 : vector<16xf32> to vector<1x16xf32>
        tpu.vector_store %arg14[%swap3A_1169, %swap3A_1170], %swap3A_1173 {strides = array<i32>} : memref<64x128xf32, #tpu.memory_space<vmem>>, vector<1x16xf32>,
        %mul3A_1174 = arith.constant 4 : i32
        %mul3A_1175 = arith.muli %mul3A_1174, %add3A_1077 : i32
        %get3A_1176 = arith.constant 1 : i32
        %get3A_1177 = arith.index_cast %get3A_1176 : i32 to index
        %get3A_1178 = arith.index_cast %mul3A_1175 : i32 to index
        %get3A_1179 = arith.constant 32 : index
        %get3A_1180 = tpu.vector_load %arg12[%get3A_1177, %get3A_1178, %get3A_1179] {strides = array<i32>} : memref<2x128x128xf32, #tpu.memory_space<vmem>>, vector<1x1x16xf32>,
        %get3A_1181 = vector.shape_cast %get3A_1180 : vector<1x1x16xf32> to vector<16xf32>
        %mul3A_1182 = arith.constant 4 : i32
        %mul3A_1183 = arith.muli %mul3A_1182, %add3A_1077 : i32
        %add3A_1184 = arith.constant 1 : i32
        %add3A_1185 = arith.addi %mul3A_1183, %add3A_1184 : i32
        %get3A_1186 = arith.constant 1 : i32
        %get3A_1187 = arith.index_cast %get3A_1186 : i32 to index
        %get3A_1188 = arith.index_cast %add3A_1185 : i32 to index
        %get3A_1189 = arith.constant 32 : index
        %get3A_1190 = tpu.vector_load %arg12[%get3A_1187, %get3A_1188, %get3A_1189] {strides = array<i32>} : memref<2x128x128xf32, #tpu.memory_space<vmem>>, vector<1x1x16xf32>,
        %get3A_1191 = vector.shape_cast %get3A_1190 : vector<1x1x16xf32> to vector<16xf32>
        %add3A_1192 = arith.addf %get3A_1181, %get3A_1191 : vector<16xf32>
        %mul3A_1193 = arith.constant 4 : i32
        %mul3A_1194 = arith.muli %mul3A_1193, %add3A_1077 : i32
        %add3A_1195 = arith.constant 2 : i32
        %add3A_1196 = arith.addi %mul3A_1194, %add3A_1195 : i32
        %get3A_1197 = arith.constant 1 : i32
        %get3A_1198 = arith.index_cast %get3A_1197 : i32 to index
        %get3A_1199 = arith.index_cast %add3A_1196 : i32 to index
        %get3A_1200 = arith.constant 32 : index
        %get3A_1201 = tpu.vector_load %arg12[%get3A_1198, %get3A_1199, %get3A_1200] {strides = array<i32>} : memref<2x128x128xf32, #tpu.memory_space<vmem>>, vector<1x1x16xf32>,
        %get3A_1202 = vector.shape_cast %get3A_1201 : vector<1x1x16xf32> to vector<16xf32>
        %add3A_1203 = arith.addf %add3A_1192, %get3A_1202 : vector<16xf32>
        %mul3A_1204 = arith.constant 4 : i32
        %mul3A_1205 = arith.muli %mul3A_1204, %add3A_1077 : i32
        %add3A_1206 = arith.constant 3 : i32
        %add3A_1207 = arith.addi %mul3A_1205, %add3A_1206 : i32
        %get3A_1208 = arith.constant 1 : i32
        %get3A_1209 = arith.index_cast %get3A_1208 : i32 to index
        %get3A_1210 = arith.index_cast %add3A_1207 : i32 to index
        %get3A_1211 = arith.constant 32 : index
        %get3A_1212 = tpu.vector_load %arg12[%get3A_1209, %get3A_1210, %get3A_1211] {strides = array<i32>} : memref<2x128x128xf32, #tpu.memory_space<vmem>>, vector<1x1x16xf32>,
        %get3A_1213 = vector.shape_cast %get3A_1212 : vector<1x1x16xf32> to vector<16xf32>
        %add3A_1214 = arith.addf %add3A_1203, %get3A_1213 : vector<16xf32>
        %add3A_1215 = arith.constant 32 : i32
        %add3A_1216 = arith.addi %add3A_1215, %add3A_1077 : i32
        %swap3A_1217 = arith.index_cast %add3A_1216 : i32 to index
        %swap3A_1218 = arith.constant 32 : index
        %swap3A_1219 = tpu.vector_load %arg14[%swap3A_1217, %swap3A_1218] {strides = array<i32>} : memref<64x128xf32, #tpu.memory_space<vmem>>, vector<1x16xf32>,
        %swap3A_1220 = vector.shape_cast %swap3A_1219 : vector<1x16xf32> to vector<16xf32>
        %swap3A_1221 = vector.shape_cast %add3A_1214 : vector<16xf32> to vector<1x16xf32>
        tpu.vector_store %arg14[%swap3A_1217, %swap3A_1218], %swap3A_1221 {strides = array<i32>} : memref<64x128xf32, #tpu.memory_space<vmem>>, vector<1x16xf32>,
        %mul3A_1222 = arith.constant 4 : i32
        %mul3A_1223 = arith.muli %mul3A_1222, %add3A_1077 : i32
        %get3A_1224 = arith.constant 1 : i32
        %get3A_1225 = arith.index_cast %get3A_1224 : i32 to index
        %get3A_1226 = arith.index_cast %mul3A_1223 : i32 to index
        %get3A_1227 = arith.constant 48 : index
        %get3A_1228 = tpu.vector_load %arg12[%get3A_1225, %get3A_1226, %get3A_1227] {strides = array<i32>} : memref<2x128x128xf32, #tpu.memory_space<vmem>>, vector<1x1x16xf32>,
        %get3A_1229 = vector.shape_cast %get3A_1228 : vector<1x1x16xf32> to vector<16xf32>
        %mul3A_1230 = arith.constant 4 : i32
        %mul3A_1231 = arith.muli %mul3A_1230, %add3A_1077 : i32
        %add3A_1232 = arith.constant 1 : i32
        %add3A_1233 = arith.addi %mul3A_1231, %add3A_1232 : i32
        %get3A_1234 = arith.constant 1 : i32
        %get3A_1235 = arith.index_cast %get3A_1234 : i32 to index
        %get3A_1236 = arith.index_cast %add3A_1233 : i32 to index
        %get3A_1237 = arith.constant 48 : index
        %get3A_1238 = tpu.vector_load %arg12[%get3A_1235, %get3A_1236, %get3A_1237] {strides = array<i32>} : memref<2x128x128xf32, #tpu.memory_space<vmem>>, vector<1x1x16xf32>,
        %get3A_1239 = vector.shape_cast %get3A_1238 : vector<1x1x16xf32> to vector<16xf32>
        %add3A_1240 = arith.addf %get3A_1229, %get3A_1239 : vector<16xf32>
        %mul3A_1241 = arith.constant 4 : i32
        %mul3A_1242 = arith.muli %mul3A_1241, %add3A_1077 : i32
        %add3A_1243 = arith.constant 2 : i32
        %add3A_1244 = arith.addi %mul3A_1242, %add3A_1243 : i32
        %get3A_1245 = arith.constant 1 : i32
        %get3A_1246 = arith.index_cast %get3A_1245 : i32 to index
        %get3A_1247 = arith.index_cast %add3A_1244 : i32 to index
        %get3A_1248 = arith.constant 48 : index
        %get3A_1249 = tpu.vector_load %arg12[%get3A_1246, %get3A_1247, %get3A_1248] {strides = array<i32>} : memref<2x128x128xf32, #tpu.memory_space<vmem>>, vector<1x1x16xf32>,
        %get3A_1250 = vector.shape_cast %get3A_1249 : vector<1x1x16xf32> to vector<16xf32>
        %add3A_1251 = arith.addf %add3A_1240, %get3A_1250 : vector<16xf32>
        %mul3A_1252 = arith.constant 4 : i32
        %mul3A_1253 = arith.muli %mul3A_1252, %add3A_1077 : i32
        %add3A_1254 = arith.constant 3 : i32
        %add3A_1255 = arith.addi %mul3A_1253, %add3A_1254 : i32
        %get3A_1256 = arith.constant 1 : i32
        %get3A_1257 = arith.index_cast %get3A_1256 : i32 to index
        %get3A_1258 = arith.index_cast %add3A_1255 : i32 to index
        %get3A_1259 = arith.constant 48 : index
        %get3A_1260 = tpu.vector_load %arg12[%get3A_1257, %get3A_1258, %get3A_1259] {strides = array<i32>} : memref<2x128x128xf32, #tpu.memory_space<vmem>>, vector<1x1x16xf32>,
        %get3A_1261 = vector.shape_cast %get3A_1260 : vector<1x1x16xf32> to vector<16xf32>
        %add3A_1262 = arith.addf %add3A_1251, %get3A_1261 : vector<16xf32>
        %add3A_1263 = arith.constant 32 : i32
        %add3A_1264 = arith.addi %add3A_1263, %add3A_1077 : i32
        %swap3A_1265 = arith.index_cast %add3A_1264 : i32 to index
        %swap3A_1266 = arith.constant 48 : index
        %swap3A_1267 = tpu.vector_load %arg14[%swap3A_1265, %swap3A_1266] {strides = array<i32>} : memref<64x128xf32, #tpu.memory_space<vmem>>, vector<1x16xf32>,
        %swap3A_1268 = vector.shape_cast %swap3A_1267 : vector<1x16xf32> to vector<16xf32>
        %swap3A_1269 = vector.shape_cast %add3A_1262 : vector<16xf32> to vector<1x16xf32>
        tpu.vector_store %arg14[%swap3A_1265, %swap3A_1266], %swap3A_1269 {strides = array<i32>} : memref<64x128xf32, #tpu.memory_space<vmem>>, vector<1x16xf32>,
        %mul3A_1270 = arith.constant 4 : i32
        %mul3A_1271 = arith.muli %mul3A_1270, %add3A_1077 : i32
        %get3A_1272 = arith.constant 1 : i32
        %get3A_1273 = arith.index_cast %get3A_1272 : i32 to index
        %get3A_1274 = arith.index_cast %mul3A_1271 : i32 to index
        %get3A_1275 = arith.constant 64 : index
        %get3A_1276 = tpu.vector_load %arg12[%get3A_1273, %get3A_1274, %get3A_1275] {strides = array<i32>} : memref<2x128x128xf32, #tpu.memory_space<vmem>>, vector<1x1x16xf32>,
        %get3A_1277 = vector.shape_cast %get3A_1276 : vector<1x1x16xf32> to vector<16xf32>
        %mul3A_1278 = arith.constant 4 : i32
        %mul3A_1279 = arith.muli %mul3A_1278, %add3A_1077 : i32
        %add3A_1280 = arith.constant 1 : i32
        %add3A_1281 = arith.addi %mul3A_1279, %add3A_1280 : i32
        %get3A_1282 = arith.constant 1 : i32
        %get3A_1283 = arith.index_cast %get3A_1282 : i32 to index
        %get3A_1284 = arith.index_cast %add3A_1281 : i32 to index
        %get3A_1285 = arith.constant 64 : index
        %get3A_1286 = tpu.vector_load %arg12[%get3A_1283, %get3A_1284, %get3A_1285] {strides = array<i32>} : memref<2x128x128xf32, #tpu.memory_space<vmem>>, vector<1x1x16xf32>,
        %get3A_1287 = vector.shape_cast %get3A_1286 : vector<1x1x16xf32> to vector<16xf32>
        %add3A_1288 = arith.addf %get3A_1277, %get3A_1287 : vector<16xf32>
        %mul3A_1289 = arith.constant 4 : i32
        %mul3A_1290 = arith.muli %mul3A_1289, %add3A_1077 : i32
        %add3A_1291 = arith.constant 2 : i32
        %add3A_1292 = arith.addi %mul3A_1290, %add3A_1291 : i32
        %get3A_1293 = arith.constant 1 : i32
        %get3A_1294 = arith.index_cast %get3A_1293 : i32 to index
        %get3A_1295 = arith.index_cast %add3A_1292 : i32 to index
        %get3A_1296 = arith.constant 64 : index
        %get3A_1297 = tpu.vector_load %arg12[%get3A_1294, %get3A_1295, %get3A_1296] {strides = array<i32>} : memref<2x128x128xf32, #tpu.memory_space<vmem>>, vector<1x1x16xf32>,
        %get3A_1298 = vector.shape_cast %get3A_1297 : vector<1x1x16xf32> to vector<16xf32>
        %add3A_1299 = arith.addf %add3A_1288, %get3A_1298 : vector<16xf32>
        %mul3A_1300 = arith.constant 4 : i32
        %mul3A_1301 = arith.muli %mul3A_1300, %add3A_1077 : i32
        %add3A_1302 = arith.constant 3 : i32
        %add3A_1303 = arith.addi %mul3A_1301, %add3A_1302 : i32
        %get3A_1304 = arith.constant 1 : i32
        %get3A_1305 = arith.index_cast %get3A_1304 : i32 to index
        %get3A_1306 = arith.index_cast %add3A_1303 : i32 to index
        %get3A_1307 = arith.constant 64 : index
        %get3A_1308 = tpu.vector_load %arg12[%get3A_1305, %get3A_1306, %get3A_1307] {strides = array<i32>} : memref<2x128x128xf32, #tpu.memory_space<vmem>>, vector<1x1x16xf32>,
        %get3A_1309 = vector.shape_cast %get3A_1308 : vector<1x1x16xf32> to vector<16xf32>
        %add3A_1310 = arith.addf %add3A_1299, %get3A_1309 : vector<16xf32>
        %add3A_1311 = arith.constant 32 : i32
        %add3A_1312 = arith.addi %add3A_1311, %add3A_1077 : i32
        %swap3A_1313 = arith.index_cast %add3A_1312 : i32 to index
        %swap3A_1314 = arith.constant 64 : index
        %swap3A_1315 = tpu.vector_load %arg14[%swap3A_1313, %swap3A_1314] {strides = array<i32>} : memref<64x128xf32, #tpu.memory_space<vmem>>, vector<1x16xf32>,
        %swap3A_1316 = vector.shape_cast %swap3A_1315 : vector<1x16xf32> to vector<16xf32>
        %swap3A_1317 = vector.shape_cast %add3A_1310 : vector<16xf32> to vector<1x16xf32>
        tpu.vector_store %arg14[%swap3A_1313, %swap3A_1314], %swap3A_1317 {strides = array<i32>} : memref<64x128xf32, #tpu.memory_space<vmem>>, vector<1x16xf32>,
        %mul3A_1318 = arith.constant 4 : i32
        %mul3A_1319 = arith.muli %mul3A_1318, %add3A_1077 : i32
        %get3A_1320 = arith.constant 1 : i32
        %get3A_1321 = arith.index_cast %get3A_1320 : i32 to index
        %get3A_1322 = arith.index_cast %mul3A_1319 : i32 to index
        %get3A_1323 = arith.constant 80 : index
        %get3A_1324 = tpu.vector_load %arg12[%get3A_1321, %get3A_1322, %get3A_1323] {strides = array<i32>} : memref<2x128x128xf32, #tpu.memory_space<vmem>>, vector<1x1x16xf32>,
        %get3A_1325 = vector.shape_cast %get3A_1324 : vector<1x1x16xf32> to vector<16xf32>
        %mul3A_1326 = arith.constant 4 : i32
        %mul3A_1327 = arith.muli %mul3A_1326, %add3A_1077 : i32
        %add3A_1328 = arith.constant 1 : i32
        %add3A_1329 = arith.addi %mul3A_1327, %add3A_1328 : i32
        %get3A_1330 = arith.constant 1 : i32
        %get3A_1331 = arith.index_cast %get3A_1330 : i32 to index
        %get3A_1332 = arith.index_cast %add3A_1329 : i32 to index
        %get3A_1333 = arith.constant 80 : index
        %get3A_1334 = tpu.vector_load %arg12[%get3A_1331, %get3A_1332, %get3A_1333] {strides = array<i32>} : memref<2x128x128xf32, #tpu.memory_space<vmem>>, vector<1x1x16xf32>,
        %get3A_1335 = vector.shape_cast %get3A_1334 : vector<1x1x16xf32> to vector<16xf32>
        %add3A_1336 = arith.addf %get3A_1325, %get3A_1335 : vector<16xf32>
        %mul3A_1337 = arith.constant 4 : i32
        %mul3A_1338 = arith.muli %mul3A_1337, %add3A_1077 : i32
        %add3A_1339 = arith.constant 2 : i32
        %add3A_1340 = arith.addi %mul3A_1338, %add3A_1339 : i32
        %get3A_1341 = arith.constant 1 : i32
        %get3A_1342 = arith.index_cast %get3A_1341 : i32 to index
        %get3A_1343 = arith.index_cast %add3A_1340 : i32 to index
        %get3A_1344 = arith.constant 80 : index
        %get3A_1345 = tpu.vector_load %arg12[%get3A_1342, %get3A_1343, %get3A_1344] {strides = array<i32>} : memref<2x128x128xf32, #tpu.memory_space<vmem>>, vector<1x1x16xf32>,
        %get3A_1346 = vector.shape_cast %get3A_1345 : vector<1x1x16xf32> to vector<16xf32>
        %add3A_1347 = arith.addf %add3A_1336, %get3A_1346 : vector<16xf32>
        %mul3A_1348 = arith.constant 4 : i32
        %mul3A_1349 = arith.muli %mul3A_1348, %add3A_1077 : i32
        %add3A_1350 = arith.constant 3 : i32
        %add3A_1351 = arith.addi %mul3A_1349, %add3A_1350 : i32
        %get3A_1352 = arith.constant 1 : i32
        %get3A_1353 = arith.index_cast %get3A_1352 : i32 to index
        %get3A_1354 = arith.index_cast %add3A_1351 : i32 to index
        %get3A_1355 = arith.constant 80 : index
        %get3A_1356 = tpu.vector_load %arg12[%get3A_1353, %get3A_1354, %get3A_1355] {strides = array<i32>} : memref<2x128x128xf32, #tpu.memory_space<vmem>>, vector<1x1x16xf32>,
        %get3A_1357 = vector.shape_cast %get3A_1356 : vector<1x1x16xf32> to vector<16xf32>
        %add3A_1358 = arith.addf %add3A_1347, %get3A_1357 : vector<16xf32>
        %add3A_1359 = arith.constant 32 : i32
        %add3A_1360 = arith.addi %add3A_1359, %add3A_1077 : i32
        %swap3A_1361 = arith.index_cast %add3A_1360 : i32 to index
        %swap3A_1362 = arith.constant 80 : index
        %swap3A_1363 = tpu.vector_load %arg14[%swap3A_1361, %swap3A_1362] {strides = array<i32>} : memref<64x128xf32, #tpu.memory_space<vmem>>, vector<1x16xf32>,
        %swap3A_1364 = vector.shape_cast %swap3A_1363 : vector<1x16xf32> to vector<16xf32>
        %swap3A_1365 = vector.shape_cast %add3A_1358 : vector<16xf32> to vector<1x16xf32>
        tpu.vector_store %arg14[%swap3A_1361, %swap3A_1362], %swap3A_1365 {strides = array<i32>} : memref<64x128xf32, #tpu.memory_space<vmem>>, vector<1x16xf32>,
        %mul3A_1366 = arith.constant 4 : i32
        %mul3A_1367 = arith.muli %mul3A_1366, %add3A_1077 : i32
        %get3A_1368 = arith.constant 1 : i32
        %get3A_1369 = arith.index_cast %get3A_1368 : i32 to index
        %get3A_1370 = arith.index_cast %mul3A_1367 : i32 to index
        %get3A_1371 = arith.constant 96 : index
        %get3A_1372 = tpu.vector_load %arg12[%get3A_1369, %get3A_1370, %get3A_1371] {strides = array<i32>} : memref<2x128x128xf32, #tpu.memory_space<vmem>>, vector<1x1x16xf32>,
        %get3A_1373 = vector.shape_cast %get3A_1372 : vector<1x1x16xf32> to vector<16xf32>
        %mul3A_1374 = arith.constant 4 : i32
        %mul3A_1375 = arith.muli %mul3A_1374, %add3A_1077 : i32
        %add3A_1376 = arith.constant 1 : i32
        %add3A_1377 = arith.addi %mul3A_1375, %add3A_1376 : i32
        %get3A_1378 = arith.constant 1 : i32
        %get3A_1379 = arith.index_cast %get3A_1378 : i32 to index
        %get3A_1380 = arith.index_cast %add3A_1377 : i32 to index
        %get3A_1381 = arith.constant 96 : index
        %get3A_1382 = tpu.vector_load %arg12[%get3A_1379, %get3A_1380, %get3A_1381] {strides = array<i32>} : memref<2x128x128xf32, #tpu.memory_space<vmem>>, vector<1x1x16xf32>,
        %get3A_1383 = vector.shape_cast %get3A_1382 : vector<1x1x16xf32> to vector<16xf32>
        %add3A_1384 = arith.addf %get3A_1373, %get3A_1383 : vector<16xf32>
        %mul3A_1385 = arith.constant 4 : i32
        %mul3A_1386 = arith.muli %mul3A_1385, %add3A_1077 : i32
        %add3A_1387 = arith.constant 2 : i32
        %add3A_1388 = arith.addi %mul3A_1386, %add3A_1387 : i32
        %get3A_1389 = arith.constant 1 : i32
        %get3A_1390 = arith.index_cast %get3A_1389 : i32 to index
        %get3A_1391 = arith.index_cast %add3A_1388 : i32 to index
        %get3A_1392 = arith.constant 96 : index
        %get3A_1393 = tpu.vector_load %arg12[%get3A_1390, %get3A_1391, %get3A_1392] {strides = array<i32>} : memref<2x128x128xf32, #tpu.memory_space<vmem>>, vector<1x1x16xf32>,
        %get3A_1394 = vector.shape_cast %get3A_1393 : vector<1x1x16xf32> to vector<16xf32>
        %add3A_1395 = arith.addf %add3A_1384, %get3A_1394 : vector<16xf32>
        %mul3A_1396 = arith.constant 4 : i32
        %mul3A_1397 = arith.muli %mul3A_1396, %add3A_1077 : i32
        %add3A_1398 = arith.constant 3 : i32
        %add3A_1399 = arith.addi %mul3A_1397, %add3A_1398 : i32
        %get3A_1400 = arith.constant 1 : i32
        %get3A_1401 = arith.index_cast %get3A_1400 : i32 to index
        %get3A_1402 = arith.index_cast %add3A_1399 : i32 to index
        %get3A_1403 = arith.constant 96 : index
        %get3A_1404 = tpu.vector_load %arg12[%get3A_1401, %get3A_1402, %get3A_1403] {strides = array<i32>} : memref<2x128x128xf32, #tpu.memory_space<vmem>>, vector<1x1x16xf32>,
        %get3A_1405 = vector.shape_cast %get3A_1404 : vector<1x1x16xf32> to vector<16xf32>
        %add3A_1406 = arith.addf %add3A_1395, %get3A_1405 : vector<16xf32>
        %add3A_1407 = arith.constant 32 : i32
        %add3A_1408 = arith.addi %add3A_1407, %add3A_1077 : i32
        %swap3A_1409 = arith.index_cast %add3A_1408 : i32 to index
        %swap3A_1410 = arith.constant 96 : index
        %swap3A_1411 = tpu.vector_load %arg14[%swap3A_1409, %swap3A_1410] {strides = array<i32>} : memref<64x128xf32, #tpu.memory_space<vmem>>, vector<1x16xf32>,
        %swap3A_1412 = vector.shape_cast %swap3A_1411 : vector<1x16xf32> to vector<16xf32>
        %swap3A_1413 = vector.shape_cast %add3A_1406 : vector<16xf32> to vector<1x16xf32>
        tpu.vector_store %arg14[%swap3A_1409, %swap3A_1410], %swap3A_1413 {strides = array<i32>} : memref<64x128xf32, #tpu.memory_space<vmem>>, vector<1x16xf32>,
        %mul3A_1414 = arith.constant 4 : i32
        %mul3A_1415 = arith.muli %mul3A_1414, %add3A_1077 : i32
        %get3A_1416 = arith.constant 1 : i32
        %get3A_1417 = arith.index_cast %get3A_1416 : i32 to index
        %get3A_1418 = arith.index_cast %mul3A_1415 : i32 to index
        %get3A_1419 = arith.constant 112 : index
        %get3A_1420 = tpu.vector_load %arg12[%get3A_1417, %get3A_1418, %get3A_1419] {strides = array<i32>} : memref<2x128x128xf32, #tpu.memory_space<vmem>>, vector<1x1x16xf32>,
        %get3A_1421 = vector.shape_cast %get3A_1420 : vector<1x1x16xf32> to vector<16xf32>
        %mul3A_1422 = arith.constant 4 : i32
        %mul3A_1423 = arith.muli %mul3A_1422, %add3A_1077 : i32
        %add3A_1424 = arith.constant 1 : i32
        %add3A_1425 = arith.addi %mul3A_1423, %add3A_1424 : i32
        %get3A_1426 = arith.constant 1 : i32
        %get3A_1427 = arith.index_cast %get3A_1426 : i32 to index
        %get3A_1428 = arith.index_cast %add3A_1425 : i32 to index
        %get3A_1429 = arith.constant 112 : index
        %get3A_1430 = tpu.vector_load %arg12[%get3A_1427, %get3A_1428, %get3A_1429] {strides = array<i32>} : memref<2x128x128xf32, #tpu.memory_space<vmem>>, vector<1x1x16xf32>,
        %get3A_1431 = vector.shape_cast %get3A_1430 : vector<1x1x16xf32> to vector<16xf32>
        %add3A_1432 = arith.addf %get3A_1421, %get3A_1431 : vector<16xf32>
        %mul3A_1433 = arith.constant 4 : i32
        %mul3A_1434 = arith.muli %mul3A_1433, %add3A_1077 : i32
        %add3A_1435 = arith.constant 2 : i32
        %add3A_1436 = arith.addi %mul3A_1434, %add3A_1435 : i32
        %get3A_1437 = arith.constant 1 : i32
        %get3A_1438 = arith.index_cast %get3A_1437 : i32 to index
        %get3A_1439 = arith.index_cast %add3A_1436 : i32 to index
        %get3A_1440 = arith.constant 112 : index
        %get3A_1441 = tpu.vector_load %arg12[%get3A_1438, %get3A_1439, %get3A_1440] {strides = array<i32>} : memref<2x128x128xf32, #tpu.memory_space<vmem>>, vector<1x1x16xf32>,
        %get3A_1442 = vector.shape_cast %get3A_1441 : vector<1x1x16xf32> to vector<16xf32>
        %add3A_1443 = arith.addf %add3A_1432, %get3A_1442 : vector<16xf32>
        %mul3A_1444 = arith.constant 4 : i32
        %mul3A_1445 = arith.muli %mul3A_1444, %add3A_1077 : i32
        %add3A_1446 = arith.constant 3 : i32
        %add3A_1447 = arith.addi %mul3A_1445, %add3A_1446 : i32
        %get3A_1448 = arith.constant 1 : i32
        %get3A_1449 = arith.index_cast %get3A_1448 : i32 to index
        %get3A_1450 = arith.index_cast %add3A_1447 : i32 to index
        %get3A_1451 = arith.constant 112 : index
        %get3A_1452 = tpu.vector_load %arg12[%get3A_1449, %get3A_1450, %get3A_1451] {strides = array<i32>} : memref<2x128x128xf32, #tpu.memory_space<vmem>>, vector<1x1x16xf32>,
        %get3A_1453 = vector.shape_cast %get3A_1452 : vector<1x1x16xf32> to vector<16xf32>
        %add3A_1454 = arith.addf %add3A_1443, %get3A_1453 : vector<16xf32>
        %add3A_1455 = arith.constant 32 : i32
        %add3A_1456 = arith.addi %add3A_1455, %add3A_1077 : i32
        %swap3A_1457 = arith.index_cast %add3A_1456 : i32 to index
        %swap3A_1458 = arith.constant 112 : index
        %swap3A_1459 = tpu.vector_load %arg14[%swap3A_1457, %swap3A_1458] {strides = array<i32>} : memref<64x128xf32, #tpu.memory_space<vmem>>, vector<1x16xf32>,
        %swap3A_1460 = vector.shape_cast %swap3A_1459 : vector<1x16xf32> to vector<16xf32>
        %swap3A_1461 = vector.shape_cast %add3A_1454 : vector<16xf32> to vector<1x16xf32>
        tpu.vector_store %arg14[%swap3A_1457, %swap3A_1458], %swap3A_1461 {strides = array<i32>} : memref<64x128xf32, #tpu.memory_space<vmem>>, vector<1x16xf32>,
        %scan3A_1462 = arith.constant 0 : i32
        scf.yield %scan3A_1462 : i32
      }
      %scan3A_434 = arith.constant 16 : i32
      %mul3A_435 = arith.constant 3136 : i32
      %mul3A_436 = arith.muli %add3A, %mul3A_435 : i32
      %mul3A_437 = arith.constant 64 : i32
      %mul3A_438 = arith.muli %mul3A_214, %mul3A_437 : i32
      %min3A_439 = arith.constant 3072 : i32
      %min3A_440 = arith.minsi %mul3A_438, %min3A_439 : i32
      %add3A_441 = arith.addi %mul3A_436, %min3A_440 : i32
      %min3A_442 = arith.constant 99936 : i32
      %min3A_443 = arith.minsi %add3A_441, %min3A_442 : i32
      %dma_start3A_444 = arith.constant 0 : i32
      %dma_start3A_445 = tpu.memref_slice %arg5[%min3A_443, %dma_start3A_444] : memref<100000x128xf32, #tpu.memory_space<hbm>> -> memref<64x128xf32, #tpu.memory_space<hbm>>
      %dma_start3A_446 = arith.constant 0 : i32
      %dma_start3A_447 = tpu.memref_slice %arg5[%min3A_443, %dma_start3A_446] : memref<100000x128xf32, #tpu.memory_space<hbm>> -> memref<64x128xf32, #tpu.memory_space<hbm>>
      tpu.enqueue_dma source(%arg14 : memref<64x128xf32, #tpu.memory_space<vmem>>) target(%dma_start3A_447 : memref<64x128xf32, #tpu.memory_space<hbm>>) target_semaphore(%arg19 : memref<!tpu.dma_semaphore, #tpu.memory_space<semaphore_mem>>)
      %add3A_448 = arith.constant 2 : i32
      %add3A_449 = arith.addi %mul3A_214, %add3A_448 : i32
      %mul3A_450 = arith.constant 3136 : i32
      %mul3A_451 = arith.muli %add3A, %mul3A_450 : i32
      %mul3A_452 = arith.constant 64 : i32
      %mul3A_453 = arith.muli %add3A_449, %mul3A_452 : i32
      %min3A_454 = arith.constant 3072 : i32
      %min3A_455 = arith.minsi %mul3A_453, %min3A_454 : i32
      %add3A_456 = arith.addi %mul3A_451, %min3A_455 : i32
      %min3A_457 = arith.constant 99936 : i32
      %min3A_458 = arith.minsi %add3A_456, %min3A_457 : i32
      %mul3A_459 = arith.constant 4 : i32
      %mul3A_460 = arith.muli %mul3A_459, %min3A_458 : i32
      %sub3A_461 = arith.subi %mul3A_460, %min3A_5 : i32
      %add3A_462 = arith.constant 0 : i32
      %add3A_463 = arith.addi %sub3A_461, %add3A_462 : i32
      %get3A_464 = arith.index_cast %add3A_463 : i32 to index
      %get3A_465 = tpu.vector_load %arg7[%get3A_464] {strides = array<i32>} : memref<12544xi32, #tpu.memory_space<vmem>>, vector<16xi32>,
      %get3A_466 = vector.shape_cast %get3A_465 : vector<16xi32> to vector<16xi32>
      %add3A_467 = arith.addi %get3A_466, %get3A_2 : vector<16xi32>
      %swap3A_468 = arith.constant 0 : index
      %swap3A_469 = tpu.vector_load %arg8[%swap3A_468] {strides = array<i32>} : memref<128xi32, #tpu.memory_space<vmem>>, vector<16xi32>,
      %swap3A_470 = vector.shape_cast %swap3A_469 : vector<16xi32> to vector<16xi32>
      %swap3A_471 = vector.shape_cast %add3A_467 : vector<16xi32> to vector<16xi32>
      tpu.vector_store %arg8[%swap3A_468], %swap3A_471 {strides = array<i32>} : memref<128xi32, #tpu.memory_space<vmem>>, vector<16xi32>,
      %add3A_472 = arith.constant 16 : i32
      %add3A_473 = arith.addi %sub3A_461, %add3A_472 : i32
      %get3A_474 = arith.index_cast %add3A_473 : i32 to index
      %get3A_475 = tpu.vector_load %arg7[%get3A_474] {strides = array<i32>} : memref<12544xi32, #tpu.memory_space<vmem>>, vector<16xi32>,
      %get3A_476 = vector.shape_cast %get3A_475 : vector<16xi32> to vector<16xi32>
      %add3A_477 = arith.addi %get3A_476, %get3A_2 : vector<16xi32>
      %swap3A_478 = arith.constant 16 : index
      %swap3A_479 = tpu.vector_load %arg8[%swap3A_478] {strides = array<i32>} : memref<128xi32, #tpu.memory_space<vmem>>, vector<16xi32>,
      %swap3A_480 = vector.shape_cast %swap3A_479 : vector<16xi32> to vector<16xi32>
      %swap3A_481 = vector.shape_cast %add3A_477 : vector<16xi32> to vector<16xi32>
      tpu.vector_store %arg8[%swap3A_478], %swap3A_481 {strides = array<i32>} : memref<128xi32, #tpu.memory_space<vmem>>, vector<16xi32>,
      %add3A_482 = arith.constant 32 : i32
      %add3A_483 = arith.addi %sub3A_461, %add3A_482 : i32
      %get3A_484 = arith.index_cast %add3A_483 : i32 to index
      %get3A_485 = tpu.vector_load %arg7[%get3A_484] {strides = array<i32>} : memref<12544xi32, #tpu.memory_space<vmem>>, vector<16xi32>,
      %get3A_486 = vector.shape_cast %get3A_485 : vector<16xi32> to vector<16xi32>
      %add3A_487 = arith.addi %get3A_486, %get3A_2 : vector<16xi32>
      %swap3A_488 = arith.constant 32 : index
      %swap3A_489 = tpu.vector_load %arg8[%swap3A_488] {strides = array<i32>} : memref<128xi32, #tpu.memory_space<vmem>>, vector<16xi32>,
      %swap3A_490 = vector.shape_cast %swap3A_489 : vector<16xi32> to vector<16xi32>
      %swap3A_491 = vector.shape_cast %add3A_487 : vector<16xi32> to vector<16xi32>
      tpu.vector_store %arg8[%swap3A_488], %swap3A_491 {strides = array<i32>} : memref<128xi32, #tpu.memory_space<vmem>>, vector<16xi32>,
      %add3A_492 = arith.constant 48 : i32
      %add3A_493 = arith.addi %sub3A_461, %add3A_492 : i32
      %get3A_494 = arith.index_cast %add3A_493 : i32 to index
      %get3A_495 = tpu.vector_load %arg7[%get3A_494] {strides = array<i32>} : memref<12544xi32, #tpu.memory_space<vmem>>, vector<16xi32>,
      %get3A_496 = vector.shape_cast %get3A_495 : vector<16xi32> to vector<16xi32>
      %add3A_497 = arith.addi %get3A_496, %get3A_2 : vector<16xi32>
      %swap3A_498 = arith.constant 48 : index
      %swap3A_499 = tpu.vector_load %arg8[%swap3A_498] {strides = array<i32>} : memref<128xi32, #tpu.memory_space<vmem>>, vector<16xi32>,
      %swap3A_500 = vector.shape_cast %swap3A_499 : vector<16xi32> to vector<16xi32>
      %swap3A_501 = vector.shape_cast %add3A_497 : vector<16xi32> to vector<16xi32>
      tpu.vector_store %arg8[%swap3A_498], %swap3A_501 {strides = array<i32>} : memref<128xi32, #tpu.memory_space<vmem>>, vector<16xi32>,
      %add3A_502 = arith.constant 64 : i32
      %add3A_503 = arith.addi %sub3A_461, %add3A_502 : i32
      %get3A_504 = arith.index_cast %add3A_503 : i32 to index
      %get3A_505 = tpu.vector_load %arg7[%get3A_504] {strides = array<i32>} : memref<12544xi32, #tpu.memory_space<vmem>>, vector<16xi32>,
      %get3A_506 = vector.shape_cast %get3A_505 : vector<16xi32> to vector<16xi32>
      %add3A_507 = arith.addi %get3A_506, %get3A_2 : vector<16xi32>
      %swap3A_508 = arith.constant 64 : index
      %swap3A_509 = tpu.vector_load %arg8[%swap3A_508] {strides = array<i32>} : memref<128xi32, #tpu.memory_space<vmem>>, vector<16xi32>,
      %swap3A_510 = vector.shape_cast %swap3A_509 : vector<16xi32> to vector<16xi32>
      %swap3A_511 = vector.shape_cast %add3A_507 : vector<16xi32> to vector<16xi32>
      tpu.vector_store %arg8[%swap3A_508], %swap3A_511 {strides = array<i32>} : memref<128xi32, #tpu.memory_space<vmem>>, vector<16xi32>,
      %add3A_512 = arith.constant 80 : i32
      %add3A_513 = arith.addi %sub3A_461, %add3A_512 : i32
      %get3A_514 = arith.index_cast %add3A_513 : i32 to index
      %get3A_515 = tpu.vector_load %arg7[%get3A_514] {strides = array<i32>} : memref<12544xi32, #tpu.memory_space<vmem>>, vector<16xi32>,
      %get3A_516 = vector.shape_cast %get3A_515 : vector<16xi32> to vector<16xi32>
      %add3A_517 = arith.addi %get3A_516, %get3A_2 : vector<16xi32>
      %swap3A_518 = arith.constant 80 : index
      %swap3A_519 = tpu.vector_load %arg8[%swap3A_518] {strides = array<i32>} : memref<128xi32, #tpu.memory_space<vmem>>, vector<16xi32>,
      %swap3A_520 = vector.shape_cast %swap3A_519 : vector<16xi32> to vector<16xi32>
      %swap3A_521 = vector.shape_cast %add3A_517 : vector<16xi32> to vector<16xi32>
      tpu.vector_store %arg8[%swap3A_518], %swap3A_521 {strides = array<i32>} : memref<128xi32, #tpu.memory_space<vmem>>, vector<16xi32>,
      %add3A_522 = arith.constant 96 : i32
      %add3A_523 = arith.addi %sub3A_461, %add3A_522 : i32
      %get3A_524 = arith.index_cast %add3A_523 : i32 to index
      %get3A_525 = tpu.vector_load %arg7[%get3A_524] {strides = array<i32>} : memref<12544xi32, #tpu.memory_space<vmem>>, vector<16xi32>,
      %get3A_526 = vector.shape_cast %get3A_525 : vector<16xi32> to vector<16xi32>
      %add3A_527 = arith.addi %get3A_526, %get3A_2 : vector<16xi32>
      %swap3A_528 = arith.constant 96 : index
      %swap3A_529 = tpu.vector_load %arg8[%swap3A_528] {strides = array<i32>} : memref<128xi32, #tpu.memory_space<vmem>>, vector<16xi32>,
      %swap3A_530 = vector.shape_cast %swap3A_529 : vector<16xi32> to vector<16xi32>
      %swap3A_531 = vector.shape_cast %add3A_527 : vector<16xi32> to vector<16xi32>
      tpu.vector_store %arg8[%swap3A_528], %swap3A_531 {strides = array<i32>} : memref<128xi32, #tpu.memory_space<vmem>>, vector<16xi32>,
      %add3A_532 = arith.constant 112 : i32
      %add3A_533 = arith.addi %sub3A_461, %add3A_532 : i32
      %get3A_534 = arith.index_cast %add3A_533 : i32 to index
      %get3A_535 = tpu.vector_load %arg7[%get3A_534] {strides = array<i32>} : memref<12544xi32, #tpu.memory_space<vmem>>, vector<16xi32>,
      %get3A_536 = vector.shape_cast %get3A_535 : vector<16xi32> to vector<16xi32>
      %add3A_537 = arith.addi %get3A_536, %get3A_2 : vector<16xi32>
      %swap3A_538 = arith.constant 112 : index
      %swap3A_539 = tpu.vector_load %arg8[%swap3A_538] {strides = array<i32>} : memref<128xi32, #tpu.memory_space<vmem>>, vector<16xi32>,
      %swap3A_540 = vector.shape_cast %swap3A_539 : vector<16xi32> to vector<16xi32>
      %swap3A_541 = vector.shape_cast %add3A_537 : vector<16xi32> to vector<16xi32>
      tpu.vector_store %arg8[%swap3A_538], %swap3A_541 {strides = array<i32>} : memref<128xi32, #tpu.memory_space<vmem>>, vector<16xi32>,
      %add3A_542 = arith.constant 128 : i32
      %add3A_543 = arith.addi %sub3A_461, %add3A_542 : i32
      %get3A_544 = arith.index_cast %add3A_543 : i32 to index
      %get3A_545 = tpu.vector_load %arg7[%get3A_544] {strides = array<i32>} : memref<12544xi32, #tpu.memory_space<vmem>>, vector<16xi32>,
      %get3A_546 = vector.shape_cast %get3A_545 : vector<16xi32> to vector<16xi32>
      %add3A_547 = arith.addi %get3A_546, %get3A_2 : vector<16xi32>
      %swap3A_548 = arith.constant 0 : index
      %swap3A_549 = tpu.vector_load %arg9[%swap3A_548] {strides = array<i32>} : memref<128xi32, #tpu.memory_space<vmem>>, vector<16xi32>,
      %swap3A_550 = vector.shape_cast %swap3A_549 : vector<16xi32> to vector<16xi32>
      %swap3A_551 = vector.shape_cast %add3A_547 : vector<16xi32> to vector<16xi32>
      tpu.vector_store %arg9[%swap3A_548], %swap3A_551 {strides = array<i32>} : memref<128xi32, #tpu.memory_space<vmem>>, vector<16xi32>,
      %add3A_552 = arith.constant 144 : i32
      %add3A_553 = arith.addi %sub3A_461, %add3A_552 : i32
      %get3A_554 = arith.index_cast %add3A_553 : i32 to index
      %get3A_555 = tpu.vector_load %arg7[%get3A_554] {strides = array<i32>} : memref<12544xi32, #tpu.memory_space<vmem>>, vector<16xi32>,
      %get3A_556 = vector.shape_cast %get3A_555 : vector<16xi32> to vector<16xi32>
      %add3A_557 = arith.addi %get3A_556, %get3A_2 : vector<16xi32>
      %swap3A_558 = arith.constant 16 : index
      %swap3A_559 = tpu.vector_load %arg9[%swap3A_558] {strides = array<i32>} : memref<128xi32, #tpu.memory_space<vmem>>, vector<16xi32>,
      %swap3A_560 = vector.shape_cast %swap3A_559 : vector<16xi32> to vector<16xi32>
      %swap3A_561 = vector.shape_cast %add3A_557 : vector<16xi32> to vector<16xi32>
      tpu.vector_store %arg9[%swap3A_558], %swap3A_561 {strides = array<i32>} : memref<128xi32, #tpu.memory_space<vmem>>, vector<16xi32>,
      %add3A_562 = arith.constant 160 : i32
      %add3A_563 = arith.addi %sub3A_461, %add3A_562 : i32
      %get3A_564 = arith.index_cast %add3A_563 : i32 to index
      %get3A_565 = tpu.vector_load %arg7[%get3A_564] {strides = array<i32>} : memref<12544xi32, #tpu.memory_space<vmem>>, vector<16xi32>,
      %get3A_566 = vector.shape_cast %get3A_565 : vector<16xi32> to vector<16xi32>
      %add3A_567 = arith.addi %get3A_566, %get3A_2 : vector<16xi32>
      %swap3A_568 = arith.constant 32 : index
      %swap3A_569 = tpu.vector_load %arg9[%swap3A_568] {strides = array<i32>} : memref<128xi32, #tpu.memory_space<vmem>>, vector<16xi32>,
      %swap3A_570 = vector.shape_cast %swap3A_569 : vector<16xi32> to vector<16xi32>
      %swap3A_571 = vector.shape_cast %add3A_567 : vector<16xi32> to vector<16xi32>
      tpu.vector_store %arg9[%swap3A_568], %swap3A_571 {strides = array<i32>} : memref<128xi32, #tpu.memory_space<vmem>>, vector<16xi32>,
      %add3A_572 = arith.constant 176 : i32
      %add3A_573 = arith.addi %sub3A_461, %add3A_572 : i32
      %get3A_574 = arith.index_cast %add3A_573 : i32 to index
      %get3A_575 = tpu.vector_load %arg7[%get3A_574] {strides = array<i32>} : memref<12544xi32, #tpu.memory_space<vmem>>, vector<16xi32>,
      %get3A_576 = vector.shape_cast %get3A_575 : vector<16xi32> to vector<16xi32>
      %add3A_577 = arith.addi %get3A_576, %get3A_2 : vector<16xi32>
      %swap3A_578 = arith.constant 48 : index
      %swap3A_579 = tpu.vector_load %arg9[%swap3A_578] {strides = array<i32>} : memref<128xi32, #tpu.memory_space<vmem>>, vector<16xi32>,
      %swap3A_580 = vector.shape_cast %swap3A_579 : vector<16xi32> to vector<16xi32>
      %swap3A_581 = vector.shape_cast %add3A_577 : vector<16xi32> to vector<16xi32>
      tpu.vector_store %arg9[%swap3A_578], %swap3A_581 {strides = array<i32>} : memref<128xi32, #tpu.memory_space<vmem>>, vector<16xi32>,
      %add3A_582 = arith.constant 192 : i32
      %add3A_583 = arith.addi %sub3A_461, %add3A_582 : i32
      %get3A_584 = arith.index_cast %add3A_583 : i32 to index
      %get3A_585 = tpu.vector_load %arg7[%get3A_584] {strides = array<i32>} : memref<12544xi32, #tpu.memory_space<vmem>>, vector<16xi32>,
      %get3A_586 = vector.shape_cast %get3A_585 : vector<16xi32> to vector<16xi32>
      %add3A_587 = arith.addi %get3A_586, %get3A_2 : vector<16xi32>
      %swap3A_588 = arith.constant 64 : index
      %swap3A_589 = tpu.vector_load %arg9[%swap3A_588] {strides = array<i32>} : memref<128xi32, #tpu.memory_space<vmem>>, vector<16xi32>,
      %swap3A_590 = vector.shape_cast %swap3A_589 : vector<16xi32> to vector<16xi32>
      %swap3A_591 = vector.shape_cast %add3A_587 : vector<16xi32> to vector<16xi32>
      tpu.vector_store %arg9[%swap3A_588], %swap3A_591 {strides = array<i32>} : memref<128xi32, #tpu.memory_space<vmem>>, vector<16xi32>,
      %add3A_592 = arith.constant 208 : i32
      %add3A_593 = arith.addi %sub3A_461, %add3A_592 : i32
      %get3A_594 = arith.index_cast %add3A_593 : i32 to index
      %get3A_595 = tpu.vector_load %arg7[%get3A_594] {strides = array<i32>} : memref<12544xi32, #tpu.memory_space<vmem>>, vector<16xi32>,
      %get3A_596 = vector.shape_cast %get3A_595 : vector<16xi32> to vector<16xi32>
      %add3A_597 = arith.addi %get3A_596, %get3A_2 : vector<16xi32>
      %swap3A_598 = arith.constant 80 : index
      %swap3A_599 = tpu.vector_load %arg9[%swap3A_598] {strides = array<i32>} : memref<128xi32, #tpu.memory_space<vmem>>, vector<16xi32>,
      %swap3A_600 = vector.shape_cast %swap3A_599 : vector<16xi32> to vector<16xi32>
      %swap3A_601 = vector.shape_cast %add3A_597 : vector<16xi32> to vector<16xi32>
      tpu.vector_store %arg9[%swap3A_598], %swap3A_601 {strides = array<i32>} : memref<128xi32, #tpu.memory_space<vmem>>, vector<16xi32>,
      %add3A_602 = arith.constant 224 : i32
      %add3A_603 = arith.addi %sub3A_461, %add3A_602 : i32
      %get3A_604 = arith.index_cast %add3A_603 : i32 to index
      %get3A_605 = tpu.vector_load %arg7[%get3A_604] {strides = array<i32>} : memref<12544xi32, #tpu.memory_space<vmem>>, vector<16xi32>,
      %get3A_606 = vector.shape_cast %get3A_605 : vector<16xi32> to vector<16xi32>
      %add3A_607 = arith.addi %get3A_606, %get3A_2 : vector<16xi32>
      %swap3A_608 = arith.constant 96 : index
      %swap3A_609 = tpu.vector_load %arg9[%swap3A_608] {strides = array<i32>} : memref<128xi32, #tpu.memory_space<vmem>>, vector<16xi32>,
      %swap3A_610 = vector.shape_cast %swap3A_609 : vector<16xi32> to vector<16xi32>
      %swap3A_611 = vector.shape_cast %add3A_607 : vector<16xi32> to vector<16xi32>
      tpu.vector_store %arg9[%swap3A_608], %swap3A_611 {strides = array<i32>} : memref<128xi32, #tpu.memory_space<vmem>>, vector<16xi32>,
      %add3A_612 = arith.constant 240 : i32
      %add3A_613 = arith.addi %sub3A_461, %add3A_612 : i32
      %get3A_614 = arith.index_cast %add3A_613 : i32 to index
      %get3A_615 = tpu.vector_load %arg7[%get3A_614] {strides = array<i32>} : memref<12544xi32, #tpu.memory_space<vmem>>, vector<16xi32>,
      %get3A_616 = vector.shape_cast %get3A_615 : vector<16xi32> to vector<16xi32>
      %add3A_617 = arith.addi %get3A_616, %get3A_2 : vector<16xi32>
      %swap3A_618 = arith.constant 112 : index
      %swap3A_619 = tpu.vector_load %arg9[%swap3A_618] {strides = array<i32>} : memref<128xi32, #tpu.memory_space<vmem>>, vector<16xi32>,
      %swap3A_620 = vector.shape_cast %swap3A_619 : vector<16xi32> to vector<16xi32>
      %swap3A_621 = vector.shape_cast %add3A_617 : vector<16xi32> to vector<16xi32>
      tpu.vector_store %arg9[%swap3A_618], %swap3A_621 {strides = array<i32>} : memref<128xi32, #tpu.memory_space<vmem>>, vector<16xi32>,
      %dma_start3A_622 = arith.constant 0 : i32
      %dma_start3A_623 = arith.constant 0 : i32
      %dma_start3A_624 = arith.constant 0 : i32
      %dma_start3A_625 = tpu.memref_slice %arg12[%dma_start3A_622, %dma_start3A_623, %dma_start3A_624] : memref<2x128x128xf32, #tpu.memory_space<vmem>> -> memref<1x128x128xf32, #tpu.memory_space<vmem>>
      %dma_start3A_626 = tpu.memref_squeeze %dma_start3A_625 : memref<1x128x128xf32, #tpu.memory_space<vmem>> -> memref<128x128xf32, #tpu.memory_space<vmem>>
      %dma_start3A_627 = arith.constant 0 : i32
      %dma_start3A_628 = arith.constant 0 : i32
      %dma_start3A_629 = tpu.memref_slice %arg2[%dma_start3A_627, %dma_start3A_628] : memref<200704x128xf32, #tpu.memory_space<hbm>> -> memref<200704x128xf32, #tpu.memory_space<hbm>>
      tpu.enqueue_indirect_dma source(%dma_start3A_629 : memref<200704x128xf32, #tpu.memory_space<hbm>>) target(%dma_start3A_626 : memref<128x128xf32, #tpu.memory_space<vmem>>) offsets(%arg8 : memref<128xi32, #tpu.memory_space<vmem>>) semaphore(%arg17 : memref<!tpu.dma_semaphore, #tpu.memory_space<semaphore_mem>>)
      %dma_start3A_630 = arith.constant 1 : i32
      %dma_start3A_631 = arith.constant 0 : i32
      %dma_start3A_632 = arith.constant 0 : i32
      %dma_start3A_633 = tpu.memref_slice %arg12[%dma_start3A_630, %dma_start3A_631, %dma_start3A_632] : memref<2x128x128xf32, #tpu.memory_space<vmem>> -> memref<1x128x128xf32, #tpu.memory_space<vmem>>
      %dma_start3A_634 = tpu.memref_squeeze %dma_start3A_633 : memref<1x128x128xf32, #tpu.memory_space<vmem>> -> memref<128x128xf32, #tpu.memory_space<vmem>>
      %dma_start3A_635 = arith.constant 0 : i32
      %dma_start3A_636 = arith.constant 0 : i32
      %dma_start3A_637 = tpu.memref_slice %arg2[%dma_start3A_635, %dma_start3A_636] : memref<200704x128xf32, #tpu.memory_space<hbm>> -> memref<200704x128xf32, #tpu.memory_space<hbm>>
      tpu.enqueue_indirect_dma source(%dma_start3A_637 : memref<200704x128xf32, #tpu.memory_space<hbm>>) target(%dma_start3A_634 : memref<128x128xf32, #tpu.memory_space<vmem>>) offsets(%arg9 : memref<128xi32, #tpu.memory_space<vmem>>) semaphore(%arg17 : memref<!tpu.dma_semaphore, #tpu.memory_space<semaphore_mem>>)
      %dma_wait3A_638 = arith.constant 0 : i32
      %dma_wait3A_639 = arith.constant 0 : i32
      %dma_wait3A_640 = arith.constant 0 : i32
      %dma_wait3A_641 = tpu.memref_slice %arg13[%dma_wait3A_638, %dma_wait3A_639, %dma_wait3A_640] : memref<2x128x128xf32, #tpu.memory_space<vmem>> -> memref<1x128x128xf32, #tpu.memory_space<vmem>>
      %dma_wait3A_642 = tpu.memref_squeeze %dma_wait3A_641 : memref<1x128x128xf32, #tpu.memory_space<vmem>> -> memref<128x128xf32, #tpu.memory_space<vmem>>
      %dma_wait3A_643 = arith.constant 0 : i32
      %dma_wait3A_644 = arith.constant 0 : i32
      %dma_wait3A_645 = tpu.memref_slice %arg2[%dma_wait3A_643, %dma_wait3A_644] : memref<200704x128xf32, #tpu.memory_space<hbm>> -> memref<200704x128xf32, #tpu.memory_space<hbm>>
      tpu.wait_indirect_dma semaphore(%arg18 : memref<!tpu.dma_semaphore, #tpu.memory_space<semaphore_mem>>) src(%dma_wait3A_645 : memref<200704x128xf32, #tpu.memory_space<hbm>>) dst(%dma_wait3A_642 : memref<128x128xf32, #tpu.memory_space<vmem>>)
      %dma_wait3A_646 = arith.constant 1 : i32
      %dma_wait3A_647 = arith.constant 0 : i32
      %dma_wait3A_648 = arith.constant 0 : i32
      %dma_wait3A_649 = tpu.memref_slice %arg13[%dma_wait3A_646, %dma_wait3A_647, %dma_wait3A_648] : memref<2x128x128xf32, #tpu.memory_space<vmem>> -> memref<1x128x128xf32, #tpu.memory_space<vmem>>
      %dma_wait3A_650 = tpu.memref_squeeze %dma_wait3A_649 : memref<1x128x128xf32, #tpu.memory_space<vmem>> -> memref<128x128xf32, #tpu.memory_space<vmem>>
      %dma_wait3A_651 = arith.constant 0 : i32
      %dma_wait3A_652 = arith.constant 0 : i32
      %dma_wait3A_653 = tpu.memref_slice %arg2[%dma_wait3A_651, %dma_wait3A_652] : memref<200704x128xf32, #tpu.memory_space<hbm>> -> memref<200704x128xf32, #tpu.memory_space<hbm>>
      tpu.wait_indirect_dma semaphore(%arg18 : memref<!tpu.dma_semaphore, #tpu.memory_space<semaphore_mem>>) src(%dma_wait3A_653 : memref<200704x128xf32, #tpu.memory_space<hbm>>) dst(%dma_wait3A_650 : memref<128x128xf32, #tpu.memory_space<vmem>>)
      %add3A_654 = arith.constant 1 : i32
      %add3A_655 = arith.addi %mul3A_214, %add3A_654 : i32
      tpu.wait_dma2 semaphore(%arg20 : memref<!tpu.dma_semaphore, #tpu.memory_space<semaphore_mem>>) src(%arg15 : memref<64x128xf32, #tpu.memory_space<vmem>>) dst(%arg6 : memref<64x128xf32, #tpu.memory_space<hbm>>)
      %scan3A_656 = arith.constant 0 : i32
      %scan3A_657 = arith.constant 0 : i32
      %scan3A_658 = arith.constant 16 : i32
      %scan3A_659 = arith.addi %scan3A_657, %scan3A_658 : i32
      %scan3A_660 = arith.constant 1 : i32
      %scan3A_661 = scf.for %scan3A_684 = %scan3A_657 to %scan3A_659 step %scan3A_660 iter_args(%scan3A_685 = %scan3A_656) -> (i32)  : i32 {
        %mul3A_686 = arith.constant 2 : i32
        %mul3A_687 = arith.muli %mul3A_686, %scan3A_684 : i32
        %add3A_688 = arith.constant 0 : i32
        %add3A_689 = arith.addi %mul3A_687, %add3A_688 : i32
        %mul3A_690 = arith.constant 4 : i32
        %mul3A_691 = arith.muli %mul3A_690, %add3A_689 : i32
        %get3A_692 = arith.constant 0 : i32
        %get3A_693 = arith.index_cast %get3A_692 : i32 to index
        %get3A_694 = arith.index_cast %mul3A_691 : i32 to index
        %get3A_695 = arith.constant 0 : index
        %get3A_696 = tpu.vector_load %arg13[%get3A_693, %get3A_694, %get3A_695] {strides = array<i32>} : memref<2x128x128xf32, #tpu.memory_space<vmem>>, vector<1x1x16xf32>,
        %get3A_697 = vector.shape_cast %get3A_696 : vector<1x1x16xf32> to vector<16xf32>
        %mul3A_698 = arith.constant 4 : i32
        %mul3A_699 = arith.muli %mul3A_698, %add3A_689 : i32
        %add3A_700 = arith.constant 1 : i32
        %add3A_701 = arith.addi %mul3A_699, %add3A_700 : i32
        %get3A_702 = arith.constant 0 : i32
        %get3A_703 = arith.index_cast %get3A_702 : i32 to index
        %get3A_704 = arith.index_cast %add3A_701 : i32 to index
        %get3A_705 = arith.constant 0 : index
        %get3A_706 = tpu.vector_load %arg13[%get3A_703, %get3A_704, %get3A_705] {strides = array<i32>} : memref<2x128x128xf32, #tpu.memory_space<vmem>>, vector<1x1x16xf32>,
        %get3A_707 = vector.shape_cast %get3A_706 : vector<1x1x16xf32> to vector<16xf32>
        %add3A_708 = arith.addf %get3A_697, %get3A_707 : vector<16xf32>
        %mul3A_709 = arith.constant 4 : i32
        %mul3A_710 = arith.muli %mul3A_709, %add3A_689 : i32
        %add3A_711 = arith.constant 2 : i32
        %add3A_712 = arith.addi %mul3A_710, %add3A_711 : i32
        %get3A_713 = arith.constant 0 : i32
        %get3A_714 = arith.index_cast %get3A_713 : i32 to index
        %get3A_715 = arith.index_cast %add3A_712 : i32 to index
        %get3A_716 = arith.constant 0 : index
        %get3A_717 = tpu.vector_load %arg13[%get3A_714, %get3A_715, %get3A_716] {strides = array<i32>} : memref<2x128x128xf32, #tpu.memory_space<vmem>>, vector<1x1x16xf32>,
        %get3A_718 = vector.shape_cast %get3A_717 : vector<1x1x16xf32> to vector<16xf32>
        %add3A_719 = arith.addf %add3A_708, %get3A_718 : vector<16xf32>
        %mul3A_720 = arith.constant 4 : i32
        %mul3A_721 = arith.muli %mul3A_720, %add3A_689 : i32
        %add3A_722 = arith.constant 3 : i32
        %add3A_723 = arith.addi %mul3A_721, %add3A_722 : i32
        %get3A_724 = arith.constant 0 : i32
        %get3A_725 = arith.index_cast %get3A_724 : i32 to index
        %get3A_726 = arith.index_cast %add3A_723 : i32 to index
        %get3A_727 = arith.constant 0 : index
        %get3A_728 = tpu.vector_load %arg13[%get3A_725, %get3A_726, %get3A_727] {strides = array<i32>} : memref<2x128x128xf32, #tpu.memory_space<vmem>>, vector<1x1x16xf32>,
        %get3A_729 = vector.shape_cast %get3A_728 : vector<1x1x16xf32> to vector<16xf32>
        %add3A_730 = arith.addf %add3A_719, %get3A_729 : vector<16xf32>
        %add3A_731 = arith.constant 0 : i32
        %add3A_732 = arith.addi %add3A_731, %add3A_689 : i32
        %swap3A_733 = arith.index_cast %add3A_732 : i32 to index
        %swap3A_734 = arith.constant 0 : index
        %swap3A_735 = tpu.vector_load %arg15[%swap3A_733, %swap3A_734] {strides = array<i32>} : memref<64x128xf32, #tpu.memory_space<vmem>>, vector<1x16xf32>,
        %swap3A_736 = vector.shape_cast %swap3A_735 : vector<1x16xf32> to vector<16xf32>
        %swap3A_737 = vector.shape_cast %add3A_730 : vector<16xf32> to vector<1x16xf32>
        tpu.vector_store %arg15[%swap3A_733, %swap3A_734], %swap3A_737 {strides = array<i32>} : memref<64x128xf32, #tpu.memory_space<vmem>>, vector<1x16xf32>,
        %mul3A_738 = arith.constant 4 : i32
        %mul3A_739 = arith.muli %mul3A_738, %add3A_689 : i32
        %get3A_740 = arith.constant 0 : i32
        %get3A_741 = arith.index_cast %get3A_740 : i32 to index
        %get3A_742 = arith.index_cast %mul3A_739 : i32 to index
        %get3A_743 = arith.constant 16 : index
        %get3A_744 = tpu.vector_load %arg13[%get3A_741, %get3A_742, %get3A_743] {strides = array<i32>} : memref<2x128x128xf32, #tpu.memory_space<vmem>>, vector<1x1x16xf32>,
        %get3A_745 = vector.shape_cast %get3A_744 : vector<1x1x16xf32> to vector<16xf32>
        %mul3A_746 = arith.constant 4 : i32
        %mul3A_747 = arith.muli %mul3A_746, %add3A_689 : i32
        %add3A_748 = arith.constant 1 : i32
        %add3A_749 = arith.addi %mul3A_747, %add3A_748 : i32
        %get3A_750 = arith.constant 0 : i32
        %get3A_751 = arith.index_cast %get3A_750 : i32 to index
        %get3A_752 = arith.index_cast %add3A_749 : i32 to index
        %get3A_753 = arith.constant 16 : index
        %get3A_754 = tpu.vector_load %arg13[%get3A_751, %get3A_752, %get3A_753] {strides = array<i32>} : memref<2x128x128xf32, #tpu.memory_space<vmem>>, vector<1x1x16xf32>,
        %get3A_755 = vector.shape_cast %get3A_754 : vector<1x1x16xf32> to vector<16xf32>
        %add3A_756 = arith.addf %get3A_745, %get3A_755 : vector<16xf32>
        %mul3A_757 = arith.constant 4 : i32
        %mul3A_758 = arith.muli %mul3A_757, %add3A_689 : i32
        %add3A_759 = arith.constant 2 : i32
        %add3A_760 = arith.addi %mul3A_758, %add3A_759 : i32
        %get3A_761 = arith.constant 0 : i32
        %get3A_762 = arith.index_cast %get3A_761 : i32 to index
        %get3A_763 = arith.index_cast %add3A_760 : i32 to index
        %get3A_764 = arith.constant 16 : index
        %get3A_765 = tpu.vector_load %arg13[%get3A_762, %get3A_763, %get3A_764] {strides = array<i32>} : memref<2x128x128xf32, #tpu.memory_space<vmem>>, vector<1x1x16xf32>,
        %get3A_766 = vector.shape_cast %get3A_765 : vector<1x1x16xf32> to vector<16xf32>
        %add3A_767 = arith.addf %add3A_756, %get3A_766 : vector<16xf32>
        %mul3A_768 = arith.constant 4 : i32
        %mul3A_769 = arith.muli %mul3A_768, %add3A_689 : i32
        %add3A_770 = arith.constant 3 : i32
        %add3A_771 = arith.addi %mul3A_769, %add3A_770 : i32
        %get3A_772 = arith.constant 0 : i32
        %get3A_773 = arith.index_cast %get3A_772 : i32 to index
        %get3A_774 = arith.index_cast %add3A_771 : i32 to index
        %get3A_775 = arith.constant 16 : index
        %get3A_776 = tpu.vector_load %arg13[%get3A_773, %get3A_774, %get3A_775] {strides = array<i32>} : memref<2x128x128xf32, #tpu.memory_space<vmem>>, vector<1x1x16xf32>,
        %get3A_777 = vector.shape_cast %get3A_776 : vector<1x1x16xf32> to vector<16xf32>
        %add3A_778 = arith.addf %add3A_767, %get3A_777 : vector<16xf32>
        %add3A_779 = arith.constant 0 : i32
        %add3A_780 = arith.addi %add3A_779, %add3A_689 : i32
        %swap3A_781 = arith.index_cast %add3A_780 : i32 to index
        %swap3A_782 = arith.constant 16 : index
        %swap3A_783 = tpu.vector_load %arg15[%swap3A_781, %swap3A_782] {strides = array<i32>} : memref<64x128xf32, #tpu.memory_space<vmem>>, vector<1x16xf32>,
        %swap3A_784 = vector.shape_cast %swap3A_783 : vector<1x16xf32> to vector<16xf32>
        %swap3A_785 = vector.shape_cast %add3A_778 : vector<16xf32> to vector<1x16xf32>
        tpu.vector_store %arg15[%swap3A_781, %swap3A_782], %swap3A_785 {strides = array<i32>} : memref<64x128xf32, #tpu.memory_space<vmem>>, vector<1x16xf32>,
        %mul3A_786 = arith.constant 4 : i32
        %mul3A_787 = arith.muli %mul3A_786, %add3A_689 : i32
        %get3A_788 = arith.constant 0 : i32
        %get3A_789 = arith.index_cast %get3A_788 : i32 to index
        %get3A_790 = arith.index_cast %mul3A_787 : i32 to index
        %get3A_791 = arith.constant 32 : index
        %get3A_792 = tpu.vector_load %arg13[%get3A_789, %get3A_790, %get3A_791] {strides = array<i32>} : memref<2x128x128xf32, #tpu.memory_space<vmem>>, vector<1x1x16xf32>,
        %get3A_793 = vector.shape_cast %get3A_792 : vector<1x1x16xf32> to vector<16xf32>
        %mul3A_794 = arith.constant 4 : i32
        %mul3A_795 = arith.muli %mul3A_794, %add3A_689 : i32
        %add3A_796 = arith.constant 1 : i32
        %add3A_797 = arith.addi %mul3A_795, %add3A_796 : i32
        %get3A_798 = arith.constant 0 : i32
        %get3A_799 = arith.index_cast %get3A_798 : i32 to index
        %get3A_800 = arith.index_cast %add3A_797 : i32 to index
        %get3A_801 = arith.constant 32 : index
        %get3A_802 = tpu.vector_load %arg13[%get3A_799, %get3A_800, %get3A_801] {strides = array<i32>} : memref<2x128x128xf32, #tpu.memory_space<vmem>>, vector<1x1x16xf32>,
        %get3A_803 = vector.shape_cast %get3A_802 : vector<1x1x16xf32> to vector<16xf32>
        %add3A_804 = arith.addf %get3A_793, %get3A_803 : vector<16xf32>
        %mul3A_805 = arith.constant 4 : i32
        %mul3A_806 = arith.muli %mul3A_805, %add3A_689 : i32
        %add3A_807 = arith.constant 2 : i32
        %add3A_808 = arith.addi %mul3A_806, %add3A_807 : i32
        %get3A_809 = arith.constant 0 : i32
        %get3A_810 = arith.index_cast %get3A_809 : i32 to index
        %get3A_811 = arith.index_cast %add3A_808 : i32 to index
        %get3A_812 = arith.constant 32 : index
        %get3A_813 = tpu.vector_load %arg13[%get3A_810, %get3A_811, %get3A_812] {strides = array<i32>} : memref<2x128x128xf32, #tpu.memory_space<vmem>>, vector<1x1x16xf32>,
        %get3A_814 = vector.shape_cast %get3A_813 : vector<1x1x16xf32> to vector<16xf32>
        %add3A_815 = arith.addf %add3A_804, %get3A_814 : vector<16xf32>
        %mul3A_816 = arith.constant 4 : i32
        %mul3A_817 = arith.muli %mul3A_816, %add3A_689 : i32
        %add3A_818 = arith.constant 3 : i32
        %add3A_819 = arith.addi %mul3A_817, %add3A_818 : i32
        %get3A_820 = arith.constant 0 : i32
        %get3A_821 = arith.index_cast %get3A_820 : i32 to index
        %get3A_822 = arith.index_cast %add3A_819 : i32 to index
        %get3A_823 = arith.constant 32 : index
        %get3A_824 = tpu.vector_load %arg13[%get3A_821, %get3A_822, %get3A_823] {strides = array<i32>} : memref<2x128x128xf32, #tpu.memory_space<vmem>>, vector<1x1x16xf32>,
        %get3A_825 = vector.shape_cast %get3A_824 : vector<1x1x16xf32> to vector<16xf32>
        %add3A_826 = arith.addf %add3A_815, %get3A_825 : vector<16xf32>
        %add3A_827 = arith.constant 0 : i32
        %add3A_828 = arith.addi %add3A_827, %add3A_689 : i32
        %swap3A_829 = arith.index_cast %add3A_828 : i32 to index
        %swap3A_830 = arith.constant 32 : index
        %swap3A_831 = tpu.vector_load %arg15[%swap3A_829, %swap3A_830] {strides = array<i32>} : memref<64x128xf32, #tpu.memory_space<vmem>>, vector<1x16xf32>,
        %swap3A_832 = vector.shape_cast %swap3A_831 : vector<1x16xf32> to vector<16xf32>
        %swap3A_833 = vector.shape_cast %add3A_826 : vector<16xf32> to vector<1x16xf32>
        tpu.vector_store %arg15[%swap3A_829, %swap3A_830], %swap3A_833 {strides = array<i32>} : memref<64x128xf32, #tpu.memory_space<vmem>>, vector<1x16xf32>,
        %mul3A_834 = arith.constant 4 : i32
        %mul3A_835 = arith.muli %mul3A_834, %add3A_689 : i32
        %get3A_836 = arith.constant 0 : i32
        %get3A_837 = arith.index_cast %get3A_836 : i32 to index
        %get3A_838 = arith.index_cast %mul3A_835 : i32 to index
        %get3A_839 = arith.constant 48 : index
        %get3A_840 = tpu.vector_load %arg13[%get3A_837, %get3A_838, %get3A_839] {strides = array<i32>} : memref<2x128x128xf32, #tpu.memory_space<vmem>>, vector<1x1x16xf32>,
        %get3A_841 = vector.shape_cast %get3A_840 : vector<1x1x16xf32> to vector<16xf32>
        %mul3A_842 = arith.constant 4 : i32
        %mul3A_843 = arith.muli %mul3A_842, %add3A_689 : i32
        %add3A_844 = arith.constant 1 : i32
        %add3A_845 = arith.addi %mul3A_843, %add3A_844 : i32
        %get3A_846 = arith.constant 0 : i32
        %get3A_847 = arith.index_cast %get3A_846 : i32 to index
        %get3A_848 = arith.index_cast %add3A_845 : i32 to index
        %get3A_849 = arith.constant 48 : index
        %get3A_850 = tpu.vector_load %arg13[%get3A_847, %get3A_848, %get3A_849] {strides = array<i32>} : memref<2x128x128xf32, #tpu.memory_space<vmem>>, vector<1x1x16xf32>,
        %get3A_851 = vector.shape_cast %get3A_850 : vector<1x1x16xf32> to vector<16xf32>
        %add3A_852 = arith.addf %get3A_841, %get3A_851 : vector<16xf32>
        %mul3A_853 = arith.constant 4 : i32
        %mul3A_854 = arith.muli %mul3A_853, %add3A_689 : i32
        %add3A_855 = arith.constant 2 : i32
        %add3A_856 = arith.addi %mul3A_854, %add3A_855 : i32
        %get3A_857 = arith.constant 0 : i32
        %get3A_858 = arith.index_cast %get3A_857 : i32 to index
        %get3A_859 = arith.index_cast %add3A_856 : i32 to index
        %get3A_860 = arith.constant 48 : index
        %get3A_861 = tpu.vector_load %arg13[%get3A_858, %get3A_859, %get3A_860] {strides = array<i32>} : memref<2x128x128xf32, #tpu.memory_space<vmem>>, vector<1x1x16xf32>,
        %get3A_862 = vector.shape_cast %get3A_861 : vector<1x1x16xf32> to vector<16xf32>
        %add3A_863 = arith.addf %add3A_852, %get3A_862 : vector<16xf32>
        %mul3A_864 = arith.constant 4 : i32
        %mul3A_865 = arith.muli %mul3A_864, %add3A_689 : i32
        %add3A_866 = arith.constant 3 : i32
        %add3A_867 = arith.addi %mul3A_865, %add3A_866 : i32
        %get3A_868 = arith.constant 0 : i32
        %get3A_869 = arith.index_cast %get3A_868 : i32 to index
        %get3A_870 = arith.index_cast %add3A_867 : i32 to index
        %get3A_871 = arith.constant 48 : index
        %get3A_872 = tpu.vector_load %arg13[%get3A_869, %get3A_870, %get3A_871] {strides = array<i32>} : memref<2x128x128xf32, #tpu.memory_space<vmem>>, vector<1x1x16xf32>,
        %get3A_873 = vector.shape_cast %get3A_872 : vector<1x1x16xf32> to vector<16xf32>
        %add3A_874 = arith.addf %add3A_863, %get3A_873 : vector<16xf32>
        %add3A_875 = arith.constant 0 : i32
        %add3A_876 = arith.addi %add3A_875, %add3A_689 : i32
        %swap3A_877 = arith.index_cast %add3A_876 : i32 to index
        %swap3A_878 = arith.constant 48 : index
        %swap3A_879 = tpu.vector_load %arg15[%swap3A_877, %swap3A_878] {strides = array<i32>} : memref<64x128xf32, #tpu.memory_space<vmem>>, vector<1x16xf32>,
        %swap3A_880 = vector.shape_cast %swap3A_879 : vector<1x16xf32> to vector<16xf32>
        %swap3A_881 = vector.shape_cast %add3A_874 : vector<16xf32> to vector<1x16xf32>
        tpu.vector_store %arg15[%swap3A_877, %swap3A_878], %swap3A_881 {strides = array<i32>} : memref<64x128xf32, #tpu.memory_space<vmem>>, vector<1x16xf32>,
        %mul3A_882 = arith.constant 4 : i32
        %mul3A_883 = arith.muli %mul3A_882, %add3A_689 : i32
        %get3A_884 = arith.constant 0 : i32
        %get3A_885 = arith.index_cast %get3A_884 : i32 to index
        %get3A_886 = arith.index_cast %mul3A_883 : i32 to index
        %get3A_887 = arith.constant 64 : index
        %get3A_888 = tpu.vector_load %arg13[%get3A_885, %get3A_886, %get3A_887] {strides = array<i32>} : memref<2x128x128xf32, #tpu.memory_space<vmem>>, vector<1x1x16xf32>,
        %get3A_889 = vector.shape_cast %get3A_888 : vector<1x1x16xf32> to vector<16xf32>
        %mul3A_890 = arith.constant 4 : i32
        %mul3A_891 = arith.muli %mul3A_890, %add3A_689 : i32
        %add3A_892 = arith.constant 1 : i32
        %add3A_893 = arith.addi %mul3A_891, %add3A_892 : i32
        %get3A_894 = arith.constant 0 : i32
        %get3A_895 = arith.index_cast %get3A_894 : i32 to index
        %get3A_896 = arith.index_cast %add3A_893 : i32 to index
        %get3A_897 = arith.constant 64 : index
        %get3A_898 = tpu.vector_load %arg13[%get3A_895, %get3A_896, %get3A_897] {strides = array<i32>} : memref<2x128x128xf32, #tpu.memory_space<vmem>>, vector<1x1x16xf32>,
        %get3A_899 = vector.shape_cast %get3A_898 : vector<1x1x16xf32> to vector<16xf32>
        %add3A_900 = arith.addf %get3A_889, %get3A_899 : vector<16xf32>
        %mul3A_901 = arith.constant 4 : i32
        %mul3A_902 = arith.muli %mul3A_901, %add3A_689 : i32
        %add3A_903 = arith.constant 2 : i32
        %add3A_904 = arith.addi %mul3A_902, %add3A_903 : i32
        %get3A_905 = arith.constant 0 : i32
        %get3A_906 = arith.index_cast %get3A_905 : i32 to index
        %get3A_907 = arith.index_cast %add3A_904 : i32 to index
        %get3A_908 = arith.constant 64 : index
        %get3A_909 = tpu.vector_load %arg13[%get3A_906, %get3A_907, %get3A_908] {strides = array<i32>} : memref<2x128x128xf32, #tpu.memory_space<vmem>>, vector<1x1x16xf32>,
        %get3A_910 = vector.shape_cast %get3A_909 : vector<1x1x16xf32> to vector<16xf32>
        %add3A_911 = arith.addf %add3A_900, %get3A_910 : vector<16xf32>
        %mul3A_912 = arith.constant 4 : i32
        %mul3A_913 = arith.muli %mul3A_912, %add3A_689 : i32
        %add3A_914 = arith.constant 3 : i32
        %add3A_915 = arith.addi %mul3A_913, %add3A_914 : i32
        %get3A_916 = arith.constant 0 : i32
        %get3A_917 = arith.index_cast %get3A_916 : i32 to index
        %get3A_918 = arith.index_cast %add3A_915 : i32 to index
        %get3A_919 = arith.constant 64 : index
        %get3A_920 = tpu.vector_load %arg13[%get3A_917, %get3A_918, %get3A_919] {strides = array<i32>} : memref<2x128x128xf32, #tpu.memory_space<vmem>>, vector<1x1x16xf32>,
        %get3A_921 = vector.shape_cast %get3A_920 : vector<1x1x16xf32> to vector<16xf32>
        %add3A_922 = arith.addf %add3A_911, %get3A_921 : vector<16xf32>
        %add3A_923 = arith.constant 0 : i32
        %add3A_924 = arith.addi %add3A_923, %add3A_689 : i32
        %swap3A_925 = arith.index_cast %add3A_924 : i32 to index
        %swap3A_926 = arith.constant 64 : index
        %swap3A_927 = tpu.vector_load %arg15[%swap3A_925, %swap3A_926] {strides = array<i32>} : memref<64x128xf32, #tpu.memory_space<vmem>>, vector<1x16xf32>,
        %swap3A_928 = vector.shape_cast %swap3A_927 : vector<1x16xf32> to vector<16xf32>
        %swap3A_929 = vector.shape_cast %add3A_922 : vector<16xf32> to vector<1x16xf32>
        tpu.vector_store %arg15[%swap3A_925, %swap3A_926], %swap3A_929 {strides = array<i32>} : memref<64x128xf32, #tpu.memory_space<vmem>>, vector<1x16xf32>,
        %mul3A_930 = arith.constant 4 : i32
        %mul3A_931 = arith.muli %mul3A_930, %add3A_689 : i32
        %get3A_932 = arith.constant 0 : i32
        %get3A_933 = arith.index_cast %get3A_932 : i32 to index
        %get3A_934 = arith.index_cast %mul3A_931 : i32 to index
        %get3A_935 = arith.constant 80 : index
        %get3A_936 = tpu.vector_load %arg13[%get3A_933, %get3A_934, %get3A_935] {strides = array<i32>} : memref<2x128x128xf32, #tpu.memory_space<vmem>>, vector<1x1x16xf32>,
        %get3A_937 = vector.shape_cast %get3A_936 : vector<1x1x16xf32> to vector<16xf32>
        %mul3A_938 = arith.constant 4 : i32
        %mul3A_939 = arith.muli %mul3A_938, %add3A_689 : i32
        %add3A_940 = arith.constant 1 : i32
        %add3A_941 = arith.addi %mul3A_939, %add3A_940 : i32
        %get3A_942 = arith.constant 0 : i32
        %get3A_943 = arith.index_cast %get3A_942 : i32 to index
        %get3A_944 = arith.index_cast %add3A_941 : i32 to index
        %get3A_945 = arith.constant 80 : index
        %get3A_946 = tpu.vector_load %arg13[%get3A_943, %get3A_944, %get3A_945] {strides = array<i32>} : memref<2x128x128xf32, #tpu.memory_space<vmem>>, vector<1x1x16xf32>,
        %get3A_947 = vector.shape_cast %get3A_946 : vector<1x1x16xf32> to vector<16xf32>
        %add3A_948 = arith.addf %get3A_937, %get3A_947 : vector<16xf32>
        %mul3A_949 = arith.constant 4 : i32
        %mul3A_950 = arith.muli %mul3A_949, %add3A_689 : i32
        %add3A_951 = arith.constant 2 : i32
        %add3A_952 = arith.addi %mul3A_950, %add3A_951 : i32
        %get3A_953 = arith.constant 0 : i32
        %get3A_954 = arith.index_cast %get3A_953 : i32 to index
        %get3A_955 = arith.index_cast %add3A_952 : i32 to index
        %get3A_956 = arith.constant 80 : index
        %get3A_957 = tpu.vector_load %arg13[%get3A_954, %get3A_955, %get3A_956] {strides = array<i32>} : memref<2x128x128xf32, #tpu.memory_space<vmem>>, vector<1x1x16xf32>,
        %get3A_958 = vector.shape_cast %get3A_957 : vector<1x1x16xf32> to vector<16xf32>
        %add3A_959 = arith.addf %add3A_948, %get3A_958 : vector<16xf32>
        %mul3A_960 = arith.constant 4 : i32
        %mul3A_961 = arith.muli %mul3A_960, %add3A_689 : i32
        %add3A_962 = arith.constant 3 : i32
        %add3A_963 = arith.addi %mul3A_961, %add3A_962 : i32
        %get3A_964 = arith.constant 0 : i32
        %get3A_965 = arith.index_cast %get3A_964 : i32 to index
        %get3A_966 = arith.index_cast %add3A_963 : i32 to index
        %get3A_967 = arith.constant 80 : index
        %get3A_968 = tpu.vector_load %arg13[%get3A_965, %get3A_966, %get3A_967] {strides = array<i32>} : memref<2x128x128xf32, #tpu.memory_space<vmem>>, vector<1x1x16xf32>,
        %get3A_969 = vector.shape_cast %get3A_968 : vector<1x1x16xf32> to vector<16xf32>
        %add3A_970 = arith.addf %add3A_959, %get3A_969 : vector<16xf32>
        %add3A_971 = arith.constant 0 : i32
        %add3A_972 = arith.addi %add3A_971, %add3A_689 : i32
        %swap3A_973 = arith.index_cast %add3A_972 : i32 to index
        %swap3A_974 = arith.constant 80 : index
        %swap3A_975 = tpu.vector_load %arg15[%swap3A_973, %swap3A_974] {strides = array<i32>} : memref<64x128xf32, #tpu.memory_space<vmem>>, vector<1x16xf32>,
        %swap3A_976 = vector.shape_cast %swap3A_975 : vector<1x16xf32> to vector<16xf32>
        %swap3A_977 = vector.shape_cast %add3A_970 : vector<16xf32> to vector<1x16xf32>
        tpu.vector_store %arg15[%swap3A_973, %swap3A_974], %swap3A_977 {strides = array<i32>} : memref<64x128xf32, #tpu.memory_space<vmem>>, vector<1x16xf32>,
        %mul3A_978 = arith.constant 4 : i32
        %mul3A_979 = arith.muli %mul3A_978, %add3A_689 : i32
        %get3A_980 = arith.constant 0 : i32
        %get3A_981 = arith.index_cast %get3A_980 : i32 to index
        %get3A_982 = arith.index_cast %mul3A_979 : i32 to index
        %get3A_983 = arith.constant 96 : index
        %get3A_984 = tpu.vector_load %arg13[%get3A_981, %get3A_982, %get3A_983] {strides = array<i32>} : memref<2x128x128xf32, #tpu.memory_space<vmem>>, vector<1x1x16xf32>,
        %get3A_985 = vector.shape_cast %get3A_984 : vector<1x1x16xf32> to vector<16xf32>
        %mul3A_986 = arith.constant 4 : i32
        %mul3A_987 = arith.muli %mul3A_986, %add3A_689 : i32
        %add3A_988 = arith.constant 1 : i32
        %add3A_989 = arith.addi %mul3A_987, %add3A_988 : i32
        %get3A_990 = arith.constant 0 : i32
        %get3A_991 = arith.index_cast %get3A_990 : i32 to index
        %get3A_992 = arith.index_cast %add3A_989 : i32 to index
        %get3A_993 = arith.constant 96 : index
        %get3A_994 = tpu.vector_load %arg13[%get3A_991, %get3A_992, %get3A_993] {strides = array<i32>} : memref<2x128x128xf32, #tpu.memory_space<vmem>>, vector<1x1x16xf32>,
        %get3A_995 = vector.shape_cast %get3A_994 : vector<1x1x16xf32> to vector<16xf32>
        %add3A_996 = arith.addf %get3A_985, %get3A_995 : vector<16xf32>
        %mul3A_997 = arith.constant 4 : i32
        %mul3A_998 = arith.muli %mul3A_997, %add3A_689 : i32
        %add3A_999 = arith.constant 2 : i32
        %add3A_1000 = arith.addi %mul3A_998, %add3A_999 : i32
        %get3A_1001 = arith.constant 0 : i32
        %get3A_1002 = arith.index_cast %get3A_1001 : i32 to index
        %get3A_1003 = arith.index_cast %add3A_1000 : i32 to index
        %get3A_1004 = arith.constant 96 : index
        %get3A_1005 = tpu.vector_load %arg13[%get3A_1002, %get3A_1003, %get3A_1004] {strides = array<i32>} : memref<2x128x128xf32, #tpu.memory_space<vmem>>, vector<1x1x16xf32>,
        %get3A_1006 = vector.shape_cast %get3A_1005 : vector<1x1x16xf32> to vector<16xf32>
        %add3A_1007 = arith.addf %add3A_996, %get3A_1006 : vector<16xf32>
        %mul3A_1008 = arith.constant 4 : i32
        %mul3A_1009 = arith.muli %mul3A_1008, %add3A_689 : i32
        %add3A_1010 = arith.constant 3 : i32
        %add3A_1011 = arith.addi %mul3A_1009, %add3A_1010 : i32
        %get3A_1012 = arith.constant 0 : i32
        %get3A_1013 = arith.index_cast %get3A_1012 : i32 to index
        %get3A_1014 = arith.index_cast %add3A_1011 : i32 to index
        %get3A_1015 = arith.constant 96 : index
        %get3A_1016 = tpu.vector_load %arg13[%get3A_1013, %get3A_1014, %get3A_1015] {strides = array<i32>} : memref<2x128x128xf32, #tpu.memory_space<vmem>>, vector<1x1x16xf32>,
        %get3A_1017 = vector.shape_cast %get3A_1016 : vector<1x1x16xf32> to vector<16xf32>
        %add3A_1018 = arith.addf %add3A_1007, %get3A_1017 : vector<16xf32>
        %add3A_1019 = arith.constant 0 : i32
        %add3A_1020 = arith.addi %add3A_1019, %add3A_689 : i32
        %swap3A_1021 = arith.index_cast %add3A_1020 : i32 to index
        %swap3A_1022 = arith.constant 96 : index
        %swap3A_1023 = tpu.vector_load %arg15[%swap3A_1021, %swap3A_1022] {strides = array<i32>} : memref<64x128xf32, #tpu.memory_space<vmem>>, vector<1x16xf32>,
        %swap3A_1024 = vector.shape_cast %swap3A_1023 : vector<1x16xf32> to vector<16xf32>
        %swap3A_1025 = vector.shape_cast %add3A_1018 : vector<16xf32> to vector<1x16xf32>
        tpu.vector_store %arg15[%swap3A_1021, %swap3A_1022], %swap3A_1025 {strides = array<i32>} : memref<64x128xf32, #tpu.memory_space<vmem>>, vector<1x16xf32>,
        %mul3A_1026 = arith.constant 4 : i32
        %mul3A_1027 = arith.muli %mul3A_1026, %add3A_689 : i32
        %get3A_1028 = arith.constant 0 : i32
        %get3A_1029 = arith.index_cast %get3A_1028 : i32 to index
        %get3A_1030 = arith.index_cast %mul3A_1027 : i32 to index
        %get3A_1031 = arith.constant 112 : index
        %get3A_1032 = tpu.vector_load %arg13[%get3A_1029, %get3A_1030, %get3A_1031] {strides = array<i32>} : memref<2x128x128xf32, #tpu.memory_space<vmem>>, vector<1x1x16xf32>,
        %get3A_1033 = vector.shape_cast %get3A_1032 : vector<1x1x16xf32> to vector<16xf32>
        %mul3A_1034 = arith.constant 4 : i32
        %mul3A_1035 = arith.muli %mul3A_1034, %add3A_689 : i32
        %add3A_1036 = arith.constant 1 : i32
        %add3A_1037 = arith.addi %mul3A_1035, %add3A_1036 : i32
        %get3A_1038 = arith.constant 0 : i32
        %get3A_1039 = arith.index_cast %get3A_1038 : i32 to index
        %get3A_1040 = arith.index_cast %add3A_1037 : i32 to index
        %get3A_1041 = arith.constant 112 : index
        %get3A_1042 = tpu.vector_load %arg13[%get3A_1039, %get3A_1040, %get3A_1041] {strides = array<i32>} : memref<2x128x128xf32, #tpu.memory_space<vmem>>, vector<1x1x16xf32>,
        %get3A_1043 = vector.shape_cast %get3A_1042 : vector<1x1x16xf32> to vector<16xf32>
        %add3A_1044 = arith.addf %get3A_1033, %get3A_1043 : vector<16xf32>
        %mul3A_1045 = arith.constant 4 : i32
        %mul3A_1046 = arith.muli %mul3A_1045, %add3A_689 : i32
        %add3A_1047 = arith.constant 2 : i32
        %add3A_1048 = arith.addi %mul3A_1046, %add3A_1047 : i32
        %get3A_1049 = arith.constant 0 : i32
        %get3A_1050 = arith.index_cast %get3A_1049 : i32 to index
        %get3A_1051 = arith.index_cast %add3A_1048 : i32 to index
        %get3A_1052 = arith.constant 112 : index
        %get3A_1053 = tpu.vector_load %arg13[%get3A_1050, %get3A_1051, %get3A_1052] {strides = array<i32>} : memref<2x128x128xf32, #tpu.memory_space<vmem>>, vector<1x1x16xf32>,
        %get3A_1054 = vector.shape_cast %get3A_1053 : vector<1x1x16xf32> to vector<16xf32>
        %add3A_1055 = arith.addf %add3A_1044, %get3A_1054 : vector<16xf32>
        %mul3A_1056 = arith.constant 4 : i32
        %mul3A_1057 = arith.muli %mul3A_1056, %add3A_689 : i32
        %add3A_1058 = arith.constant 3 : i32
        %add3A_1059 = arith.addi %mul3A_1057, %add3A_1058 : i32
        %get3A_1060 = arith.constant 0 : i32
        %get3A_1061 = arith.index_cast %get3A_1060 : i32 to index
        %get3A_1062 = arith.index_cast %add3A_1059 : i32 to index
        %get3A_1063 = arith.constant 112 : index
        %get3A_1064 = tpu.vector_load %arg13[%get3A_1061, %get3A_1062, %get3A_1063] {strides = array<i32>} : memref<2x128x128xf32, #tpu.memory_space<vmem>>, vector<1x1x16xf32>,
        %get3A_1065 = vector.shape_cast %get3A_1064 : vector<1x1x16xf32> to vector<16xf32>
        %add3A_1066 = arith.addf %add3A_1055, %get3A_1065 : vector<16xf32>
        %add3A_1067 = arith.constant 0 : i32
        %add3A_1068 = arith.addi %add3A_1067, %add3A_689 : i32
        %swap3A_1069 = arith.index_cast %add3A_1068 : i32 to index
        %swap3A_1070 = arith.constant 112 : index
        %swap3A_1071 = tpu.vector_load %arg15[%swap3A_1069, %swap3A_1070] {strides = array<i32>} : memref<64x128xf32, #tpu.memory_space<vmem>>, vector<1x16xf32>,
        %swap3A_1072 = vector.shape_cast %swap3A_1071 : vector<1x16xf32> to vector<16xf32>
        %swap3A_1073 = vector.shape_cast %add3A_1066 : vector<16xf32> to vector<1x16xf32>
        tpu.vector_store %arg15[%swap3A_1069, %swap3A_1070], %swap3A_1073 {strides = array<i32>} : memref<64x128xf32, #tpu.memory_space<vmem>>, vector<1x16xf32>,
        %mul3A_1074 = arith.constant 2 : i32
        %mul3A_1075 = arith.muli %mul3A_1074, %scan3A_684 : i32
        %add3A_1076 = arith.constant 1 : i32
        %add3A_1077 = arith.addi %mul3A_1075, %add3A_1076 : i32
        %mul3A_1078 = arith.constant 4 : i32
        %mul3A_1079 = arith.muli %mul3A_1078, %add3A_1077 : i32
        %get3A_1080 = arith.constant 0 : i32
        %get3A_1081 = arith.index_cast %get3A_1080 : i32 to index
        %get3A_1082 = arith.index_cast %mul3A_1079 : i32 to index
        %get3A_1083 = arith.constant 0 : index
        %get3A_1084 = tpu.vector_load %arg13[%get3A_1081, %get3A_1082, %get3A_1083] {strides = array<i32>} : memref<2x128x128xf32, #tpu.memory_space<vmem>>, vector<1x1x16xf32>,
        %get3A_1085 = vector.shape_cast %get3A_1084 : vector<1x1x16xf32> to vector<16xf32>
        %mul3A_1086 = arith.constant 4 : i32
        %mul3A_1087 = arith.muli %mul3A_1086, %add3A_1077 : i32
        %add3A_1088 = arith.constant 1 : i32
        %add3A_1089 = arith.addi %mul3A_1087, %add3A_1088 : i32
        %get3A_1090 = arith.constant 0 : i32
        %get3A_1091 = arith.index_cast %get3A_1090 : i32 to index
        %get3A_1092 = arith.index_cast %add3A_1089 : i32 to index
        %get3A_1093 = arith.constant 0 : index
        %get3A_1094 = tpu.vector_load %arg13[%get3A_1091, %get3A_1092, %get3A_1093] {strides = array<i32>} : memref<2x128x128xf32, #tpu.memory_space<vmem>>, vector<1x1x16xf32>,
        %get3A_1095 = vector.shape_cast %get3A_1094 : vector<1x1x16xf32> to vector<16xf32>
        %add3A_1096 = arith.addf %get3A_1085, %get3A_1095 : vector<16xf32>
        %mul3A_1097 = arith.constant 4 : i32
        %mul3A_1098 = arith.muli %mul3A_1097, %add3A_1077 : i32
        %add3A_1099 = arith.constant 2 : i32
        %add3A_1100 = arith.addi %mul3A_1098, %add3A_1099 : i32
        %get3A_1101 = arith.constant 0 : i32
        %get3A_1102 = arith.index_cast %get3A_1101 : i32 to index
        %get3A_1103 = arith.index_cast %add3A_1100 : i32 to index
        %get3A_1104 = arith.constant 0 : index
        %get3A_1105 = tpu.vector_load %arg13[%get3A_1102, %get3A_1103, %get3A_1104] {strides = array<i32>} : memref<2x128x128xf32, #tpu.memory_space<vmem>>, vector<1x1x16xf32>,
        %get3A_1106 = vector.shape_cast %get3A_1105 : vector<1x1x16xf32> to vector<16xf32>
        %add3A_1107 = arith.addf %add3A_1096, %get3A_1106 : vector<16xf32>
        %mul3A_1108 = arith.constant 4 : i32
        %mul3A_1109 = arith.muli %mul3A_1108, %add3A_1077 : i32
        %add3A_1110 = arith.constant 3 : i32
        %add3A_1111 = arith.addi %mul3A_1109, %add3A_1110 : i32
        %get3A_1112 = arith.constant 0 : i32
        %get3A_1113 = arith.index_cast %get3A_1112 : i32 to index
        %get3A_1114 = arith.index_cast %add3A_1111 : i32 to index
        %get3A_1115 = arith.constant 0 : index
        %get3A_1116 = tpu.vector_load %arg13[%get3A_1113, %get3A_1114, %get3A_1115] {strides = array<i32>} : memref<2x128x128xf32, #tpu.memory_space<vmem>>, vector<1x1x16xf32>,
        %get3A_1117 = vector.shape_cast %get3A_1116 : vector<1x1x16xf32> to vector<16xf32>
        %add3A_1118 = arith.addf %add3A_1107, %get3A_1117 : vector<16xf32>
        %add3A_1119 = arith.constant 0 : i32
        %add3A_1120 = arith.addi %add3A_1119, %add3A_1077 : i32
        %swap3A_1121 = arith.index_cast %add3A_1120 : i32 to index
        %swap3A_1122 = arith.constant 0 : index
        %swap3A_1123 = tpu.vector_load %arg15[%swap3A_1121, %swap3A_1122] {strides = array<i32>} : memref<64x128xf32, #tpu.memory_space<vmem>>, vector<1x16xf32>,
        %swap3A_1124 = vector.shape_cast %swap3A_1123 : vector<1x16xf32> to vector<16xf32>
        %swap3A_1125 = vector.shape_cast %add3A_1118 : vector<16xf32> to vector<1x16xf32>
        tpu.vector_store %arg15[%swap3A_1121, %swap3A_1122], %swap3A_1125 {strides = array<i32>} : memref<64x128xf32, #tpu.memory_space<vmem>>, vector<1x16xf32>,
        %mul3A_1126 = arith.constant 4 : i32
        %mul3A_1127 = arith.muli %mul3A_1126, %add3A_1077 : i32
        %get3A_1128 = arith.constant 0 : i32
        %get3A_1129 = arith.index_cast %get3A_1128 : i32 to index
        %get3A_1130 = arith.index_cast %mul3A_1127 : i32 to index
        %get3A_1131 = arith.constant 16 : index
        %get3A_1132 = tpu.vector_load %arg13[%get3A_1129, %get3A_1130, %get3A_1131] {strides = array<i32>} : memref<2x128x128xf32, #tpu.memory_space<vmem>>, vector<1x1x16xf32>,
        %get3A_1133 = vector.shape_cast %get3A_1132 : vector<1x1x16xf32> to vector<16xf32>
        %mul3A_1134 = arith.constant 4 : i32
        %mul3A_1135 = arith.muli %mul3A_1134, %add3A_1077 : i32
        %add3A_1136 = arith.constant 1 : i32
        %add3A_1137 = arith.addi %mul3A_1135, %add3A_1136 : i32
        %get3A_1138 = arith.constant 0 : i32
        %get3A_1139 = arith.index_cast %get3A_1138 : i32 to index
        %get3A_1140 = arith.index_cast %add3A_1137 : i32 to index
        %get3A_1141 = arith.constant 16 : index
        %get3A_1142 = tpu.vector_load %arg13[%get3A_1139, %get3A_1140, %get3A_1141] {strides = array<i32>} : memref<2x128x128xf32, #tpu.memory_space<vmem>>, vector<1x1x16xf32>,
        %get3A_1143 = vector.shape_cast %get3A_1142 : vector<1x1x16xf32> to vector<16xf32>
        %add3A_1144 = arith.addf %get3A_1133, %get3A_1143 : vector<16xf32>
        %mul3A_1145 = arith.constant 4 : i32
        %mul3A_1146 = arith.muli %mul3A_1145, %add3A_1077 : i32
        %add3A_1147 = arith.constant 2 : i32
        %add3A_1148 = arith.addi %mul3A_1146, %add3A_1147 : i32
        %get3A_1149 = arith.constant 0 : i32
        %get3A_1150 = arith.index_cast %get3A_1149 : i32 to index
        %get3A_1151 = arith.index_cast %add3A_1148 : i32 to index
        %get3A_1152 = arith.constant 16 : index
        %get3A_1153 = tpu.vector_load %arg13[%get3A_1150, %get3A_1151, %get3A_1152] {strides = array<i32>} : memref<2x128x128xf32, #tpu.memory_space<vmem>>, vector<1x1x16xf32>,
        %get3A_1154 = vector.shape_cast %get3A_1153 : vector<1x1x16xf32> to vector<16xf32>
        %add3A_1155 = arith.addf %add3A_1144, %get3A_1154 : vector<16xf32>
        %mul3A_1156 = arith.constant 4 : i32
        %mul3A_1157 = arith.muli %mul3A_1156, %add3A_1077 : i32
        %add3A_1158 = arith.constant 3 : i32
        %add3A_1159 = arith.addi %mul3A_1157, %add3A_1158 : i32
        %get3A_1160 = arith.constant 0 : i32
        %get3A_1161 = arith.index_cast %get3A_1160 : i32 to index
        %get3A_1162 = arith.index_cast %add3A_1159 : i32 to index
        %get3A_1163 = arith.constant 16 : index
        %get3A_1164 = tpu.vector_load %arg13[%get3A_1161, %get3A_1162, %get3A_1163] {strides = array<i32>} : memref<2x128x128xf32, #tpu.memory_space<vmem>>, vector<1x1x16xf32>,
        %get3A_1165 = vector.shape_cast %get3A_1164 : vector<1x1x16xf32> to vector<16xf32>
        %add3A_1166 = arith.addf %add3A_1155, %get3A_1165 : vector<16xf32>
        %add3A_1167 = arith.constant 0 : i32
        %add3A_1168 = arith.addi %add3A_1167, %add3A_1077 : i32
        %swap3A_1169 = arith.index_cast %add3A_1168 : i32 to index
        %swap3A_1170 = arith.constant 16 : index
        %swap3A_1171 = tpu.vector_load %arg15[%swap3A_1169, %swap3A_1170] {strides = array<i32>} : memref<64x128xf32, #tpu.memory_space<vmem>>, vector<1x16xf32>,
        %swap3A_1172 = vector.shape_cast %swap3A_1171 : vector<1x16xf32> to vector<16xf32>
        %swap3A_1173 = vector.shape_cast %add3A_1166 : vector<16xf32> to vector<1x16xf32>
        tpu.vector_store %arg15[%swap3A_1169, %swap3A_1170], %swap3A_1173 {strides = array<i32>} : memref<64x128xf32, #tpu.memory_space<vmem>>, vector<1x16xf32>,
        %mul3A_1174 = arith.constant 4 : i32
        %mul3A_1175 = arith.muli %mul3A_1174, %add3A_1077 : i32
        %get3A_1176 = arith.constant 0 : i32
        %get3A_1177 = arith.index_cast %get3A_1176 : i32 to index
        %get3A_1178 = arith.index_cast %mul3A_1175 : i32 to index
        %get3A_1179 = arith.constant 32 : index
        %get3A_1180 = tpu.vector_load %arg13[%get3A_1177, %get3A_1178, %get3A_1179] {strides = array<i32>} : memref<2x128x128xf32, #tpu.memory_space<vmem>>, vector<1x1x16xf32>,
        %get3A_1181 = vector.shape_cast %get3A_1180 : vector<1x1x16xf32> to vector<16xf32>
        %mul3A_1182 = arith.constant 4 : i32
        %mul3A_1183 = arith.muli %mul3A_1182, %add3A_1077 : i32
        %add3A_1184 = arith.constant 1 : i32
        %add3A_1185 = arith.addi %mul3A_1183, %add3A_1184 : i32
        %get3A_1186 = arith.constant 0 : i32
        %get3A_1187 = arith.index_cast %get3A_1186 : i32 to index
        %get3A_1188 = arith.index_cast %add3A_1185 : i32 to index
        %get3A_1189 = arith.constant 32 : index
        %get3A_1190 = tpu.vector_load %arg13[%get3A_1187, %get3A_1188, %get3A_1189] {strides = array<i32>} : memref<2x128x128xf32, #tpu.memory_space<vmem>>, vector<1x1x16xf32>,
        %get3A_1191 = vector.shape_cast %get3A_1190 : vector<1x1x16xf32> to vector<16xf32>
        %add3A_1192 = arith.addf %get3A_1181, %get3A_1191 : vector<16xf32>
        %mul3A_1193 = arith.constant 4 : i32
        %mul3A_1194 = arith.muli %mul3A_1193, %add3A_1077 : i32
        %add3A_1195 = arith.constant 2 : i32
        %add3A_1196 = arith.addi %mul3A_1194, %add3A_1195 : i32
        %get3A_1197 = arith.constant 0 : i32
        %get3A_1198 = arith.index_cast %get3A_1197 : i32 to index
        %get3A_1199 = arith.index_cast %add3A_1196 : i32 to index
        %get3A_1200 = arith.constant 32 : index
        %get3A_1201 = tpu.vector_load %arg13[%get3A_1198, %get3A_1199, %get3A_1200] {strides = array<i32>} : memref<2x128x128xf32, #tpu.memory_space<vmem>>, vector<1x1x16xf32>,
        %get3A_1202 = vector.shape_cast %get3A_1201 : vector<1x1x16xf32> to vector<16xf32>
        %add3A_1203 = arith.addf %add3A_1192, %get3A_1202 : vector<16xf32>
        %mul3A_1204 = arith.constant 4 : i32
        %mul3A_1205 = arith.muli %mul3A_1204, %add3A_1077 : i32
        %add3A_1206 = arith.constant 3 : i32
        %add3A_1207 = arith.addi %mul3A_1205, %add3A_1206 : i32
        %get3A_1208 = arith.constant 0 : i32
        %get3A_1209 = arith.index_cast %get3A_1208 : i32 to index
        %get3A_1210 = arith.index_cast %add3A_1207 : i32 to index
        %get3A_1211 = arith.constant 32 : index
        %get3A_1212 = tpu.vector_load %arg13[%get3A_1209, %get3A_1210, %get3A_1211] {strides = array<i32>} : memref<2x128x128xf32, #tpu.memory_space<vmem>>, vector<1x1x16xf32>,
        %get3A_1213 = vector.shape_cast %get3A_1212 : vector<1x1x16xf32> to vector<16xf32>
        %add3A_1214 = arith.addf %add3A_1203, %get3A_1213 : vector<16xf32>
        %add3A_1215 = arith.constant 0 : i32
        %add3A_1216 = arith.addi %add3A_1215, %add3A_1077 : i32
        %swap3A_1217 = arith.index_cast %add3A_1216 : i32 to index
        %swap3A_1218 = arith.constant 32 : index
        %swap3A_1219 = tpu.vector_load %arg15[%swap3A_1217, %swap3A_1218] {strides = array<i32>} : memref<64x128xf32, #tpu.memory_space<vmem>>, vector<1x16xf32>,
        %swap3A_1220 = vector.shape_cast %swap3A_1219 : vector<1x16xf32> to vector<16xf32>
        %swap3A_1221 = vector.shape_cast %add3A_1214 : vector<16xf32> to vector<1x16xf32>
        tpu.vector_store %arg15[%swap3A_1217, %swap3A_1218], %swap3A_1221 {strides = array<i32>} : memref<64x128xf32, #tpu.memory_space<vmem>>, vector<1x16xf32>,
        %mul3A_1222 = arith.constant 4 : i32
        %mul3A_1223 = arith.muli %mul3A_1222, %add3A_1077 : i32
        %get3A_1224 = arith.constant 0 : i32
        %get3A_1225 = arith.index_cast %get3A_1224 : i32 to index
        %get3A_1226 = arith.index_cast %mul3A_1223 : i32 to index
        %get3A_1227 = arith.constant 48 : index
        %get3A_1228 = tpu.vector_load %arg13[%get3A_1225, %get3A_1226, %get3A_1227] {strides = array<i32>} : memref<2x128x128xf32, #tpu.memory_space<vmem>>, vector<1x1x16xf32>,
        %get3A_1229 = vector.shape_cast %get3A_1228 : vector<1x1x16xf32> to vector<16xf32>
        %mul3A_1230 = arith.constant 4 : i32
        %mul3A_1231 = arith.muli %mul3A_1230, %add3A_1077 : i32
        %add3A_1232 = arith.constant 1 : i32
        %add3A_1233 = arith.addi %mul3A_1231, %add3A_1232 : i32
        %get3A_1234 = arith.constant 0 : i32
        %get3A_1235 = arith.index_cast %get3A_1234 : i32 to index
        %get3A_1236 = arith.index_cast %add3A_1233 : i32 to index
        %get3A_1237 = arith.constant 48 : index
        %get3A_1238 = tpu.vector_load %arg13[%get3A_1235, %get3A_1236, %get3A_1237] {strides = array<i32>} : memref<2x128x128xf32, #tpu.memory_space<vmem>>, vector<1x1x16xf32>,
        %get3A_1239 = vector.shape_cast %get3A_1238 : vector<1x1x16xf32> to vector<16xf32>
        %add3A_1240 = arith.addf %get3A_1229, %get3A_1239 : vector<16xf32>
        %mul3A_1241 = arith.constant 4 : i32
        %mul3A_1242 = arith.muli %mul3A_1241, %add3A_1077 : i32
        %add3A_1243 = arith.constant 2 : i32
        %add3A_1244 = arith.addi %mul3A_1242, %add3A_1243 : i32
        %get3A_1245 = arith.constant 0 : i32
        %get3A_1246 = arith.index_cast %get3A_1245 : i32 to index
        %get3A_1247 = arith.index_cast %add3A_1244 : i32 to index
        %get3A_1248 = arith.constant 48 : index
        %get3A_1249 = tpu.vector_load %arg13[%get3A_1246, %get3A_1247, %get3A_1248] {strides = array<i32>} : memref<2x128x128xf32, #tpu.memory_space<vmem>>, vector<1x1x16xf32>,
        %get3A_1250 = vector.shape_cast %get3A_1249 : vector<1x1x16xf32> to vector<16xf32>
        %add3A_1251 = arith.addf %add3A_1240, %get3A_1250 : vector<16xf32>
        %mul3A_1252 = arith.constant 4 : i32
        %mul3A_1253 = arith.muli %mul3A_1252, %add3A_1077 : i32
        %add3A_1254 = arith.constant 3 : i32
        %add3A_1255 = arith.addi %mul3A_1253, %add3A_1254 : i32
        %get3A_1256 = arith.constant 0 : i32
        %get3A_1257 = arith.index_cast %get3A_1256 : i32 to index
        %get3A_1258 = arith.index_cast %add3A_1255 : i32 to index
        %get3A_1259 = arith.constant 48 : index
        %get3A_1260 = tpu.vector_load %arg13[%get3A_1257, %get3A_1258, %get3A_1259] {strides = array<i32>} : memref<2x128x128xf32, #tpu.memory_space<vmem>>, vector<1x1x16xf32>,
        %get3A_1261 = vector.shape_cast %get3A_1260 : vector<1x1x16xf32> to vector<16xf32>
        %add3A_1262 = arith.addf %add3A_1251, %get3A_1261 : vector<16xf32>
        %add3A_1263 = arith.constant 0 : i32
        %add3A_1264 = arith.addi %add3A_1263, %add3A_1077 : i32
        %swap3A_1265 = arith.index_cast %add3A_1264 : i32 to index
        %swap3A_1266 = arith.constant 48 : index
        %swap3A_1267 = tpu.vector_load %arg15[%swap3A_1265, %swap3A_1266] {strides = array<i32>} : memref<64x128xf32, #tpu.memory_space<vmem>>, vector<1x16xf32>,
        %swap3A_1268 = vector.shape_cast %swap3A_1267 : vector<1x16xf32> to vector<16xf32>
        %swap3A_1269 = vector.shape_cast %add3A_1262 : vector<16xf32> to vector<1x16xf32>
        tpu.vector_store %arg15[%swap3A_1265, %swap3A_1266], %swap3A_1269 {strides = array<i32>} : memref<64x128xf32, #tpu.memory_space<vmem>>, vector<1x16xf32>,
        %mul3A_1270 = arith.constant 4 : i32
        %mul3A_1271 = arith.muli %mul3A_1270, %add3A_1077 : i32
        %get3A_1272 = arith.constant 0 : i32
        %get3A_1273 = arith.index_cast %get3A_1272 : i32 to index
        %get3A_1274 = arith.index_cast %mul3A_1271 : i32 to index
        %get3A_1275 = arith.constant 64 : index
        %get3A_1276 = tpu.vector_load %arg13[%get3A_1273, %get3A_1274, %get3A_1275] {strides = array<i32>} : memref<2x128x128xf32, #tpu.memory_space<vmem>>, vector<1x1x16xf32>,
        %get3A_1277 = vector.shape_cast %get3A_1276 : vector<1x1x16xf32> to vector<16xf32>
        %mul3A_1278 = arith.constant 4 : i32
        %mul3A_1279 = arith.muli %mul3A_1278, %add3A_1077 : i32
        %add3A_1280 = arith.constant 1 : i32
        %add3A_1281 = arith.addi %mul3A_1279, %add3A_1280 : i32
        %get3A_1282 = arith.constant 0 : i32
        %get3A_1283 = arith.index_cast %get3A_1282 : i32 to index
        %get3A_1284 = arith.index_cast %add3A_1281 : i32 to index
        %get3A_1285 = arith.constant 64 : index
        %get3A_1286 = tpu.vector_load %arg13[%get3A_1283, %get3A_1284, %get3A_1285] {strides = array<i32>} : memref<2x128x128xf32, #tpu.memory_space<vmem>>, vector<1x1x16xf32>,
        %get3A_1287 = vector.shape_cast %get3A_1286 : vector<1x1x16xf32> to vector<16xf32>
        %add3A_1288 = arith.addf %get3A_1277, %get3A_1287 : vector<16xf32>
        %mul3A_1289 = arith.constant 4 : i32
        %mul3A_1290 = arith.muli %mul3A_1289, %add3A_1077 : i32
        %add3A_1291 = arith.constant 2 : i32
        %add3A_1292 = arith.addi %mul3A_1290, %add3A_1291 : i32
        %get3A_1293 = arith.constant 0 : i32
        %get3A_1294 = arith.index_cast %get3A_1293 : i32 to index
        %get3A_1295 = arith.index_cast %add3A_1292 : i32 to index
        %get3A_1296 = arith.constant 64 : index
        %get3A_1297 = tpu.vector_load %arg13[%get3A_1294, %get3A_1295, %get3A_1296] {strides = array<i32>} : memref<2x128x128xf32, #tpu.memory_space<vmem>>, vector<1x1x16xf32>,
        %get3A_1298 = vector.shape_cast %get3A_1297 : vector<1x1x16xf32> to vector<16xf32>
        %add3A_1299 = arith.addf %add3A_1288, %get3A_1298 : vector<16xf32>
        %mul3A_1300 = arith.constant 4 : i32
        %mul3A_1301 = arith.muli %mul3A_1300, %add3A_1077 : i32
        %add3A_1302 = arith.constant 3 : i32
        %add3A_1303 = arith.addi %mul3A_1301, %add3A_1302 : i32
        %get3A_1304 = arith.constant 0 : i32
        %get3A_1305 = arith.index_cast %get3A_1304 : i32 to index
        %get3A_1306 = arith.index_cast %add3A_1303 : i32 to index
        %get3A_1307 = arith.constant 64 : index
        %get3A_1308 = tpu.vector_load %arg13[%get3A_1305, %get3A_1306, %get3A_1307] {strides = array<i32>} : memref<2x128x128xf32, #tpu.memory_space<vmem>>, vector<1x1x16xf32>,
        %get3A_1309 = vector.shape_cast %get3A_1308 : vector<1x1x16xf32> to vector<16xf32>
        %add3A_1310 = arith.addf %add3A_1299, %get3A_1309 : vector<16xf32>
        %add3A_1311 = arith.constant 0 : i32
        %add3A_1312 = arith.addi %add3A_1311, %add3A_1077 : i32
        %swap3A_1313 = arith.index_cast %add3A_1312 : i32 to index
        %swap3A_1314 = arith.constant 64 : index
        %swap3A_1315 = tpu.vector_load %arg15[%swap3A_1313, %swap3A_1314] {strides = array<i32>} : memref<64x128xf32, #tpu.memory_space<vmem>>, vector<1x16xf32>,
        %swap3A_1316 = vector.shape_cast %swap3A_1315 : vector<1x16xf32> to vector<16xf32>
        %swap3A_1317 = vector.shape_cast %add3A_1310 : vector<16xf32> to vector<1x16xf32>
        tpu.vector_store %arg15[%swap3A_1313, %swap3A_1314], %swap3A_1317 {strides = array<i32>} : memref<64x128xf32, #tpu.memory_space<vmem>>, vector<1x16xf32>,
        %mul3A_1318 = arith.constant 4 : i32
        %mul3A_1319 = arith.muli %mul3A_1318, %add3A_1077 : i32
        %get3A_1320 = arith.constant 0 : i32
        %get3A_1321 = arith.index_cast %get3A_1320 : i32 to index
        %get3A_1322 = arith.index_cast %mul3A_1319 : i32 to index
        %get3A_1323 = arith.constant 80 : index
        %get3A_1324 = tpu.vector_load %arg13[%get3A_1321, %get3A_1322, %get3A_1323] {strides = array<i32>} : memref<2x128x128xf32, #tpu.memory_space<vmem>>, vector<1x1x16xf32>,
        %get3A_1325 = vector.shape_cast %get3A_1324 : vector<1x1x16xf32> to vector<16xf32>
        %mul3A_1326 = arith.constant 4 : i32
        %mul3A_1327 = arith.muli %mul3A_1326, %add3A_1077 : i32
        %add3A_1328 = arith.constant 1 : i32
        %add3A_1329 = arith.addi %mul3A_1327, %add3A_1328 : i32
        %get3A_1330 = arith.constant 0 : i32
        %get3A_1331 = arith.index_cast %get3A_1330 : i32 to index
        %get3A_1332 = arith.index_cast %add3A_1329 : i32 to index
        %get3A_1333 = arith.constant 80 : index
        %get3A_1334 = tpu.vector_load %arg13[%get3A_1331, %get3A_1332, %get3A_1333] {strides = array<i32>} : memref<2x128x128xf32, #tpu.memory_space<vmem>>, vector<1x1x16xf32>,
        %get3A_1335 = vector.shape_cast %get3A_1334 : vector<1x1x16xf32> to vector<16xf32>
        %add3A_1336 = arith.addf %get3A_1325, %get3A_1335 : vector<16xf32>
        %mul3A_1337 = arith.constant 4 : i32
        %mul3A_1338 = arith.muli %mul3A_1337, %add3A_1077 : i32
        %add3A_1339 = arith.constant 2 : i32
        %add3A_1340 = arith.addi %mul3A_1338, %add3A_1339 : i32
        %get3A_1341 = arith.constant 0 : i32
        %get3A_1342 = arith.index_cast %get3A_1341 : i32 to index
        %get3A_1343 = arith.index_cast %add3A_1340 : i32 to index
        %get3A_1344 = arith.constant 80 : index
        %get3A_1345 = tpu.vector_load %arg13[%get3A_1342, %get3A_1343, %get3A_1344] {strides = array<i32>} : memref<2x128x128xf32, #tpu.memory_space<vmem>>, vector<1x1x16xf32>,
        %get3A_1346 = vector.shape_cast %get3A_1345 : vector<1x1x16xf32> to vector<16xf32>
        %add3A_1347 = arith.addf %add3A_1336, %get3A_1346 : vector<16xf32>
        %mul3A_1348 = arith.constant 4 : i32
        %mul3A_1349 = arith.muli %mul3A_1348, %add3A_1077 : i32
        %add3A_1350 = arith.constant 3 : i32
        %add3A_1351 = arith.addi %mul3A_1349, %add3A_1350 : i32
        %get3A_1352 = arith.constant 0 : i32
        %get3A_1353 = arith.index_cast %get3A_1352 : i32 to index
        %get3A_1354 = arith.index_cast %add3A_1351 : i32 to index
        %get3A_1355 = arith.constant 80 : index
        %get3A_1356 = tpu.vector_load %arg13[%get3A_1353, %get3A_1354, %get3A_1355] {strides = array<i32>} : memref<2x128x128xf32, #tpu.memory_space<vmem>>, vector<1x1x16xf32>,
        %get3A_1357 = vector.shape_cast %get3A_1356 : vector<1x1x16xf32> to vector<16xf32>
        %add3A_1358 = arith.addf %add3A_1347, %get3A_1357 : vector<16xf32>
        %add3A_1359 = arith.constant 0 : i32
        %add3A_1360 = arith.addi %add3A_1359, %add3A_1077 : i32
        %swap3A_1361 = arith.index_cast %add3A_1360 : i32 to index
        %swap3A_1362 = arith.constant 80 : index
        %swap3A_1363 = tpu.vector_load %arg15[%swap3A_1361, %swap3A_1362] {strides = array<i32>} : memref<64x128xf32, #tpu.memory_space<vmem>>, vector<1x16xf32>,
        %swap3A_1364 = vector.shape_cast %swap3A_1363 : vector<1x16xf32> to vector<16xf32>
        %swap3A_1365 = vector.shape_cast %add3A_1358 : vector<16xf32> to vector<1x16xf32>
        tpu.vector_store %arg15[%swap3A_1361, %swap3A_1362], %swap3A_1365 {strides = array<i32>} : memref<64x128xf32, #tpu.memory_space<vmem>>, vector<1x16xf32>,
        %mul3A_1366 = arith.constant 4 : i32
        %mul3A_1367 = arith.muli %mul3A_1366, %add3A_1077 : i32
        %get3A_1368 = arith.constant 0 : i32
        %get3A_1369 = arith.index_cast %get3A_1368 : i32 to index
        %get3A_1370 = arith.index_cast %mul3A_1367 : i32 to index
        %get3A_1371 = arith.constant 96 : index
        %get3A_1372 = tpu.vector_load %arg13[%get3A_1369, %get3A_1370, %get3A_1371] {strides = array<i32>} : memref<2x128x128xf32, #tpu.memory_space<vmem>>, vector<1x1x16xf32>,
        %get3A_1373 = vector.shape_cast %get3A_1372 : vector<1x1x16xf32> to vector<16xf32>
        %mul3A_1374 = arith.constant 4 : i32
        %mul3A_1375 = arith.muli %mul3A_1374, %add3A_1077 : i32
        %add3A_1376 = arith.constant 1 : i32
        %add3A_1377 = arith.addi %mul3A_1375, %add3A_1376 : i32
        %get3A_1378 = arith.constant 0 : i32
        %get3A_1379 = arith.index_cast %get3A_1378 : i32 to index
        %get3A_1380 = arith.index_cast %add3A_1377 : i32 to index
        %get3A_1381 = arith.constant 96 : index
        %get3A_1382 = tpu.vector_load %arg13[%get3A_1379, %get3A_1380, %get3A_1381] {strides = array<i32>} : memref<2x128x128xf32, #tpu.memory_space<vmem>>, vector<1x1x16xf32>,
        %get3A_1383 = vector.shape_cast %get3A_1382 : vector<1x1x16xf32> to vector<16xf32>
        %add3A_1384 = arith.addf %get3A_1373, %get3A_1383 : vector<16xf32>
        %mul3A_1385 = arith.constant 4 : i32
        %mul3A_1386 = arith.muli %mul3A_1385, %add3A_1077 : i32
        %add3A_1387 = arith.constant 2 : i32
        %add3A_1388 = arith.addi %mul3A_1386, %add3A_1387 : i32
        %get3A_1389 = arith.constant 0 : i32
        %get3A_1390 = arith.index_cast %get3A_1389 : i32 to index
        %get3A_1391 = arith.index_cast %add3A_1388 : i32 to index
        %get3A_1392 = arith.constant 96 : index
        %get3A_1393 = tpu.vector_load %arg13[%get3A_1390, %get3A_1391, %get3A_1392] {strides = array<i32>} : memref<2x128x128xf32, #tpu.memory_space<vmem>>, vector<1x1x16xf32>,
        %get3A_1394 = vector.shape_cast %get3A_1393 : vector<1x1x16xf32> to vector<16xf32>
        %add3A_1395 = arith.addf %add3A_1384, %get3A_1394 : vector<16xf32>
        %mul3A_1396 = arith.constant 4 : i32
        %mul3A_1397 = arith.muli %mul3A_1396, %add3A_1077 : i32
        %add3A_1398 = arith.constant 3 : i32
        %add3A_1399 = arith.addi %mul3A_1397, %add3A_1398 : i32
        %get3A_1400 = arith.constant 0 : i32
        %get3A_1401 = arith.index_cast %get3A_1400 : i32 to index
        %get3A_1402 = arith.index_cast %add3A_1399 : i32 to index
        %get3A_1403 = arith.constant 96 : index
        %get3A_1404 = tpu.vector_load %arg13[%get3A_1401, %get3A_1402, %get3A_1403] {strides = array<i32>} : memref<2x128x128xf32, #tpu.memory_space<vmem>>, vector<1x1x16xf32>,
        %get3A_1405 = vector.shape_cast %get3A_1404 : vector<1x1x16xf32> to vector<16xf32>
        %add3A_1406 = arith.addf %add3A_1395, %get3A_1405 : vector<16xf32>
        %add3A_1407 = arith.constant 0 : i32
        %add3A_1408 = arith.addi %add3A_1407, %add3A_1077 : i32
        %swap3A_1409 = arith.index_cast %add3A_1408 : i32 to index
        %swap3A_1410 = arith.constant 96 : index
        %swap3A_1411 = tpu.vector_load %arg15[%swap3A_1409, %swap3A_1410] {strides = array<i32>} : memref<64x128xf32, #tpu.memory_space<vmem>>, vector<1x16xf32>,
        %swap3A_1412 = vector.shape_cast %swap3A_1411 : vector<1x16xf32> to vector<16xf32>
        %swap3A_1413 = vector.shape_cast %add3A_1406 : vector<16xf32> to vector<1x16xf32>
        tpu.vector_store %arg15[%swap3A_1409, %swap3A_1410], %swap3A_1413 {strides = array<i32>} : memref<64x128xf32, #tpu.memory_space<vmem>>, vector<1x16xf32>,
        %mul3A_1414 = arith.constant 4 : i32
        %mul3A_1415 = arith.muli %mul3A_1414, %add3A_1077 : i32
        %get3A_1416 = arith.constant 0 : i32
        %get3A_1417 = arith.index_cast %get3A_1416 : i32 to index
        %get3A_1418 = arith.index_cast %mul3A_1415 : i32 to index
        %get3A_1419 = arith.constant 112 : index
        %get3A_1420 = tpu.vector_load %arg13[%get3A_1417, %get3A_1418, %get3A_1419] {strides = array<i32>} : memref<2x128x128xf32, #tpu.memory_space<vmem>>, vector<1x1x16xf32>,
        %get3A_1421 = vector.shape_cast %get3A_1420 : vector<1x1x16xf32> to vector<16xf32>
        %mul3A_1422 = arith.constant 4 : i32
        %mul3A_1423 = arith.muli %mul3A_1422, %add3A_1077 : i32
        %add3A_1424 = arith.constant 1 : i32
        %add3A_1425 = arith.addi %mul3A_1423, %add3A_1424 : i32
        %get3A_1426 = arith.constant 0 : i32
        %get3A_1427 = arith.index_cast %get3A_1426 : i32 to index
        %get3A_1428 = arith.index_cast %add3A_1425 : i32 to index
        %get3A_1429 = arith.constant 112 : index
        %get3A_1430 = tpu.vector_load %arg13[%get3A_1427, %get3A_1428, %get3A_1429] {strides = array<i32>} : memref<2x128x128xf32, #tpu.memory_space<vmem>>, vector<1x1x16xf32>,
        %get3A_1431 = vector.shape_cast %get3A_1430 : vector<1x1x16xf32> to vector<16xf32>
        %add3A_1432 = arith.addf %get3A_1421, %get3A_1431 : vector<16xf32>
        %mul3A_1433 = arith.constant 4 : i32
        %mul3A_1434 = arith.muli %mul3A_1433, %add3A_1077 : i32
        %add3A_1435 = arith.constant 2 : i32
        %add3A_1436 = arith.addi %mul3A_1434, %add3A_1435 : i32
        %get3A_1437 = arith.constant 0 : i32
        %get3A_1438 = arith.index_cast %get3A_1437 : i32 to index
        %get3A_1439 = arith.index_cast %add3A_1436 : i32 to index
        %get3A_1440 = arith.constant 112 : index
        %get3A_1441 = tpu.vector_load %arg13[%get3A_1438, %get3A_1439, %get3A_1440] {strides = array<i32>} : memref<2x128x128xf32, #tpu.memory_space<vmem>>, vector<1x1x16xf32>,
        %get3A_1442 = vector.shape_cast %get3A_1441 : vector<1x1x16xf32> to vector<16xf32>
        %add3A_1443 = arith.addf %add3A_1432, %get3A_1442 : vector<16xf32>
        %mul3A_1444 = arith.constant 4 : i32
        %mul3A_1445 = arith.muli %mul3A_1444, %add3A_1077 : i32
        %add3A_1446 = arith.constant 3 : i32
        %add3A_1447 = arith.addi %mul3A_1445, %add3A_1446 : i32
        %get3A_1448 = arith.constant 0 : i32
        %get3A_1449 = arith.index_cast %get3A_1448 : i32 to index
        %get3A_1450 = arith.index_cast %add3A_1447 : i32 to index
        %get3A_1451 = arith.constant 112 : index
        %get3A_1452 = tpu.vector_load %arg13[%get3A_1449, %get3A_1450, %get3A_1451] {strides = array<i32>} : memref<2x128x128xf32, #tpu.memory_space<vmem>>, vector<1x1x16xf32>,
        %get3A_1453 = vector.shape_cast %get3A_1452 : vector<1x1x16xf32> to vector<16xf32>
        %add3A_1454 = arith.addf %add3A_1443, %get3A_1453 : vector<16xf32>
        %add3A_1455 = arith.constant 0 : i32
        %add3A_1456 = arith.addi %add3A_1455, %add3A_1077 : i32
        %swap3A_1457 = arith.index_cast %add3A_1456 : i32 to index
        %swap3A_1458 = arith.constant 112 : index
        %swap3A_1459 = tpu.vector_load %arg15[%swap3A_1457, %swap3A_1458] {strides = array<i32>} : memref<64x128xf32, #tpu.memory_space<vmem>>, vector<1x16xf32>,
        %swap3A_1460 = vector.shape_cast %swap3A_1459 : vector<1x16xf32> to vector<16xf32>
        %swap3A_1461 = vector.shape_cast %add3A_1454 : vector<16xf32> to vector<1x16xf32>
        tpu.vector_store %arg15[%swap3A_1457, %swap3A_1458], %swap3A_1461 {strides = array<i32>} : memref<64x128xf32, #tpu.memory_space<vmem>>, vector<1x16xf32>,
        %scan3A_1462 = arith.constant 0 : i32
        scf.yield %scan3A_1462 : i32
      }
      %scan3A_662 = arith.constant 16 : i32
      %scan3A_663 = arith.constant 0 : i32
      %scan3A_664 = arith.constant 0 : i32
      %scan3A_665 = arith.constant 16 : i32
      %scan3A_666 = arith.addi %scan3A_664, %scan3A_665 : i32
      %scan3A_667 = arith.constant 1 : i32
      %scan3A_668 = scf.for %scan3A_684 = %scan3A_664 to %scan3A_666 step %scan3A_667 iter_args(%scan3A_685 = %scan3A_663) -> (i32)  : i32 {
        %mul3A_686 = arith.constant 2 : i32
        %mul3A_687 = arith.muli %mul3A_686, %scan3A_684 : i32
        %add3A_688 = arith.constant 0 : i32
        %add3A_689 = arith.addi %mul3A_687, %add3A_688 : i32
        %mul3A_690 = arith.constant 4 : i32
        %mul3A_691 = arith.muli %mul3A_690, %add3A_689 : i32
        %get3A_692 = arith.constant 1 : i32
        %get3A_693 = arith.index_cast %get3A_692 : i32 to index
        %get3A_694 = arith.index_cast %mul3A_691 : i32 to index
        %get3A_695 = arith.constant 0 : index
        %get3A_696 = tpu.vector_load %arg13[%get3A_693, %get3A_694, %get3A_695] {strides = array<i32>} : memref<2x128x128xf32, #tpu.memory_space<vmem>>, vector<1x1x16xf32>,
        %get3A_697 = vector.shape_cast %get3A_696 : vector<1x1x16xf32> to vector<16xf32>
        %mul3A_698 = arith.constant 4 : i32
        %mul3A_699 = arith.muli %mul3A_698, %add3A_689 : i32
        %add3A_700 = arith.constant 1 : i32
        %add3A_701 = arith.addi %mul3A_699, %add3A_700 : i32
        %get3A_702 = arith.constant 1 : i32
        %get3A_703 = arith.index_cast %get3A_702 : i32 to index
        %get3A_704 = arith.index_cast %add3A_701 : i32 to index
        %get3A_705 = arith.constant 0 : index
        %get3A_706 = tpu.vector_load %arg13[%get3A_703, %get3A_704, %get3A_705] {strides = array<i32>} : memref<2x128x128xf32, #tpu.memory_space<vmem>>, vector<1x1x16xf32>,
        %get3A_707 = vector.shape_cast %get3A_706 : vector<1x1x16xf32> to vector<16xf32>
        %add3A_708 = arith.addf %get3A_697, %get3A_707 : vector<16xf32>
        %mul3A_709 = arith.constant 4 : i32
        %mul3A_710 = arith.muli %mul3A_709, %add3A_689 : i32
        %add3A_711 = arith.constant 2 : i32
        %add3A_712 = arith.addi %mul3A_710, %add3A_711 : i32
        %get3A_713 = arith.constant 1 : i32
        %get3A_714 = arith.index_cast %get3A_713 : i32 to index
        %get3A_715 = arith.index_cast %add3A_712 : i32 to index
        %get3A_716 = arith.constant 0 : index
        %get3A_717 = tpu.vector_load %arg13[%get3A_714, %get3A_715, %get3A_716] {strides = array<i32>} : memref<2x128x128xf32, #tpu.memory_space<vmem>>, vector<1x1x16xf32>,
        %get3A_718 = vector.shape_cast %get3A_717 : vector<1x1x16xf32> to vector<16xf32>
        %add3A_719 = arith.addf %add3A_708, %get3A_718 : vector<16xf32>
        %mul3A_720 = arith.constant 4 : i32
        %mul3A_721 = arith.muli %mul3A_720, %add3A_689 : i32
        %add3A_722 = arith.constant 3 : i32
        %add3A_723 = arith.addi %mul3A_721, %add3A_722 : i32
        %get3A_724 = arith.constant 1 : i32
        %get3A_725 = arith.index_cast %get3A_724 : i32 to index
        %get3A_726 = arith.index_cast %add3A_723 : i32 to index
        %get3A_727 = arith.constant 0 : index
        %get3A_728 = tpu.vector_load %arg13[%get3A_725, %get3A_726, %get3A_727] {strides = array<i32>} : memref<2x128x128xf32, #tpu.memory_space<vmem>>, vector<1x1x16xf32>,
        %get3A_729 = vector.shape_cast %get3A_728 : vector<1x1x16xf32> to vector<16xf32>
        %add3A_730 = arith.addf %add3A_719, %get3A_729 : vector<16xf32>
        %add3A_731 = arith.constant 32 : i32
        %add3A_732 = arith.addi %add3A_731, %add3A_689 : i32
        %swap3A_733 = arith.index_cast %add3A_732 : i32 to index
        %swap3A_734 = arith.constant 0 : index
        %swap3A_735 = tpu.vector_load %arg15[%swap3A_733, %swap3A_734] {strides = array<i32>} : memref<64x128xf32, #tpu.memory_space<vmem>>, vector<1x16xf32>,
        %swap3A_736 = vector.shape_cast %swap3A_735 : vector<1x16xf32> to vector<16xf32>
        %swap3A_737 = vector.shape_cast %add3A_730 : vector<16xf32> to vector<1x16xf32>
        tpu.vector_store %arg15[%swap3A_733, %swap3A_734], %swap3A_737 {strides = array<i32>} : memref<64x128xf32, #tpu.memory_space<vmem>>, vector<1x16xf32>,
        %mul3A_738 = arith.constant 4 : i32
        %mul3A_739 = arith.muli %mul3A_738, %add3A_689 : i32
        %get3A_740 = arith.constant 1 : i32
        %get3A_741 = arith.index_cast %get3A_740 : i32 to index
        %get3A_742 = arith.index_cast %mul3A_739 : i32 to index
        %get3A_743 = arith.constant 16 : index
        %get3A_744 = tpu.vector_load %arg13[%get3A_741, %get3A_742, %get3A_743] {strides = array<i32>} : memref<2x128x128xf32, #tpu.memory_space<vmem>>, vector<1x1x16xf32>,
        %get3A_745 = vector.shape_cast %get3A_744 : vector<1x1x16xf32> to vector<16xf32>
        %mul3A_746 = arith.constant 4 : i32
        %mul3A_747 = arith.muli %mul3A_746, %add3A_689 : i32
        %add3A_748 = arith.constant 1 : i32
        %add3A_749 = arith.addi %mul3A_747, %add3A_748 : i32
        %get3A_750 = arith.constant 1 : i32
        %get3A_751 = arith.index_cast %get3A_750 : i32 to index
        %get3A_752 = arith.index_cast %add3A_749 : i32 to index
        %get3A_753 = arith.constant 16 : index
        %get3A_754 = tpu.vector_load %arg13[%get3A_751, %get3A_752, %get3A_753] {strides = array<i32>} : memref<2x128x128xf32, #tpu.memory_space<vmem>>, vector<1x1x16xf32>,
        %get3A_755 = vector.shape_cast %get3A_754 : vector<1x1x16xf32> to vector<16xf32>
        %add3A_756 = arith.addf %get3A_745, %get3A_755 : vector<16xf32>
        %mul3A_757 = arith.constant 4 : i32
        %mul3A_758 = arith.muli %mul3A_757, %add3A_689 : i32
        %add3A_759 = arith.constant 2 : i32
        %add3A_760 = arith.addi %mul3A_758, %add3A_759 : i32
        %get3A_761 = arith.constant 1 : i32
        %get3A_762 = arith.index_cast %get3A_761 : i32 to index
        %get3A_763 = arith.index_cast %add3A_760 : i32 to index
        %get3A_764 = arith.constant 16 : index
        %get3A_765 = tpu.vector_load %arg13[%get3A_762, %get3A_763, %get3A_764] {strides = array<i32>} : memref<2x128x128xf32, #tpu.memory_space<vmem>>, vector<1x1x16xf32>,
        %get3A_766 = vector.shape_cast %get3A_765 : vector<1x1x16xf32> to vector<16xf32>
        %add3A_767 = arith.addf %add3A_756, %get3A_766 : vector<16xf32>
        %mul3A_768 = arith.constant 4 : i32
        %mul3A_769 = arith.muli %mul3A_768, %add3A_689 : i32
        %add3A_770 = arith.constant 3 : i32
        %add3A_771 = arith.addi %mul3A_769, %add3A_770 : i32
        %get3A_772 = arith.constant 1 : i32
        %get3A_773 = arith.index_cast %get3A_772 : i32 to index
        %get3A_774 = arith.index_cast %add3A_771 : i32 to index
        %get3A_775 = arith.constant 16 : index
        %get3A_776 = tpu.vector_load %arg13[%get3A_773, %get3A_774, %get3A_775] {strides = array<i32>} : memref<2x128x128xf32, #tpu.memory_space<vmem>>, vector<1x1x16xf32>,
        %get3A_777 = vector.shape_cast %get3A_776 : vector<1x1x16xf32> to vector<16xf32>
        %add3A_778 = arith.addf %add3A_767, %get3A_777 : vector<16xf32>
        %add3A_779 = arith.constant 32 : i32
        %add3A_780 = arith.addi %add3A_779, %add3A_689 : i32
        %swap3A_781 = arith.index_cast %add3A_780 : i32 to index
        %swap3A_782 = arith.constant 16 : index
        %swap3A_783 = tpu.vector_load %arg15[%swap3A_781, %swap3A_782] {strides = array<i32>} : memref<64x128xf32, #tpu.memory_space<vmem>>, vector<1x16xf32>,
        %swap3A_784 = vector.shape_cast %swap3A_783 : vector<1x16xf32> to vector<16xf32>
        %swap3A_785 = vector.shape_cast %add3A_778 : vector<16xf32> to vector<1x16xf32>
        tpu.vector_store %arg15[%swap3A_781, %swap3A_782], %swap3A_785 {strides = array<i32>} : memref<64x128xf32, #tpu.memory_space<vmem>>, vector<1x16xf32>,
        %mul3A_786 = arith.constant 4 : i32
        %mul3A_787 = arith.muli %mul3A_786, %add3A_689 : i32
        %get3A_788 = arith.constant 1 : i32
        %get3A_789 = arith.index_cast %get3A_788 : i32 to index
        %get3A_790 = arith.index_cast %mul3A_787 : i32 to index
        %get3A_791 = arith.constant 32 : index
        %get3A_792 = tpu.vector_load %arg13[%get3A_789, %get3A_790, %get3A_791] {strides = array<i32>} : memref<2x128x128xf32, #tpu.memory_space<vmem>>, vector<1x1x16xf32>,
        %get3A_793 = vector.shape_cast %get3A_792 : vector<1x1x16xf32> to vector<16xf32>
        %mul3A_794 = arith.constant 4 : i32
        %mul3A_795 = arith.muli %mul3A_794, %add3A_689 : i32
        %add3A_796 = arith.constant 1 : i32
        %add3A_797 = arith.addi %mul3A_795, %add3A_796 : i32
        %get3A_798 = arith.constant 1 : i32
        %get3A_799 = arith.index_cast %get3A_798 : i32 to index
        %get3A_800 = arith.index_cast %add3A_797 : i32 to index
        %get3A_801 = arith.constant 32 : index
        %get3A_802 = tpu.vector_load %arg13[%get3A_799, %get3A_800, %get3A_801] {strides = array<i32>} : memref<2x128x128xf32, #tpu.memory_space<vmem>>, vector<1x1x16xf32>,
        %get3A_803 = vector.shape_cast %get3A_802 : vector<1x1x16xf32> to vector<16xf32>
        %add3A_804 = arith.addf %get3A_793, %get3A_803 : vector<16xf32>
        %mul3A_805 = arith.constant 4 : i32
        %mul3A_806 = arith.muli %mul3A_805, %add3A_689 : i32
        %add3A_807 = arith.constant 2 : i32
        %add3A_808 = arith.addi %mul3A_806, %add3A_807 : i32
        %get3A_809 = arith.constant 1 : i32
        %get3A_810 = arith.index_cast %get3A_809 : i32 to index
        %get3A_811 = arith.index_cast %add3A_808 : i32 to index
        %get3A_812 = arith.constant 32 : index
        %get3A_813 = tpu.vector_load %arg13[%get3A_810, %get3A_811, %get3A_812] {strides = array<i32>} : memref<2x128x128xf32, #tpu.memory_space<vmem>>, vector<1x1x16xf32>,
        %get3A_814 = vector.shape_cast %get3A_813 : vector<1x1x16xf32> to vector<16xf32>
        %add3A_815 = arith.addf %add3A_804, %get3A_814 : vector<16xf32>
        %mul3A_816 = arith.constant 4 : i32
        %mul3A_817 = arith.muli %mul3A_816, %add3A_689 : i32
        %add3A_818 = arith.constant 3 : i32
        %add3A_819 = arith.addi %mul3A_817, %add3A_818 : i32
        %get3A_820 = arith.constant 1 : i32
        %get3A_821 = arith.index_cast %get3A_820 : i32 to index
        %get3A_822 = arith.index_cast %add3A_819 : i32 to index
        %get3A_823 = arith.constant 32 : index
        %get3A_824 = tpu.vector_load %arg13[%get3A_821, %get3A_822, %get3A_823] {strides = array<i32>} : memref<2x128x128xf32, #tpu.memory_space<vmem>>, vector<1x1x16xf32>,
        %get3A_825 = vector.shape_cast %get3A_824 : vector<1x1x16xf32> to vector<16xf32>
        %add3A_826 = arith.addf %add3A_815, %get3A_825 : vector<16xf32>
        %add3A_827 = arith.constant 32 : i32
        %add3A_828 = arith.addi %add3A_827, %add3A_689 : i32
        %swap3A_829 = arith.index_cast %add3A_828 : i32 to index
        %swap3A_830 = arith.constant 32 : index
        %swap3A_831 = tpu.vector_load %arg15[%swap3A_829, %swap3A_830] {strides = array<i32>} : memref<64x128xf32, #tpu.memory_space<vmem>>, vector<1x16xf32>,
        %swap3A_832 = vector.shape_cast %swap3A_831 : vector<1x16xf32> to vector<16xf32>
        %swap3A_833 = vector.shape_cast %add3A_826 : vector<16xf32> to vector<1x16xf32>
        tpu.vector_store %arg15[%swap3A_829, %swap3A_830], %swap3A_833 {strides = array<i32>} : memref<64x128xf32, #tpu.memory_space<vmem>>, vector<1x16xf32>,
        %mul3A_834 = arith.constant 4 : i32
        %mul3A_835 = arith.muli %mul3A_834, %add3A_689 : i32
        %get3A_836 = arith.constant 1 : i32
        %get3A_837 = arith.index_cast %get3A_836 : i32 to index
        %get3A_838 = arith.index_cast %mul3A_835 : i32 to index
        %get3A_839 = arith.constant 48 : index
        %get3A_840 = tpu.vector_load %arg13[%get3A_837, %get3A_838, %get3A_839] {strides = array<i32>} : memref<2x128x128xf32, #tpu.memory_space<vmem>>, vector<1x1x16xf32>,
        %get3A_841 = vector.shape_cast %get3A_840 : vector<1x1x16xf32> to vector<16xf32>
        %mul3A_842 = arith.constant 4 : i32
        %mul3A_843 = arith.muli %mul3A_842, %add3A_689 : i32
        %add3A_844 = arith.constant 1 : i32
        %add3A_845 = arith.addi %mul3A_843, %add3A_844 : i32
        %get3A_846 = arith.constant 1 : i32
        %get3A_847 = arith.index_cast %get3A_846 : i32 to index
        %get3A_848 = arith.index_cast %add3A_845 : i32 to index
        %get3A_849 = arith.constant 48 : index
        %get3A_850 = tpu.vector_load %arg13[%get3A_847, %get3A_848, %get3A_849] {strides = array<i32>} : memref<2x128x128xf32, #tpu.memory_space<vmem>>, vector<1x1x16xf32>,
        %get3A_851 = vector.shape_cast %get3A_850 : vector<1x1x16xf32> to vector<16xf32>
        %add3A_852 = arith.addf %get3A_841, %get3A_851 : vector<16xf32>
        %mul3A_853 = arith.constant 4 : i32
        %mul3A_854 = arith.muli %mul3A_853, %add3A_689 : i32
        %add3A_855 = arith.constant 2 : i32
        %add3A_856 = arith.addi %mul3A_854, %add3A_855 : i32
        %get3A_857 = arith.constant 1 : i32
        %get3A_858 = arith.index_cast %get3A_857 : i32 to index
        %get3A_859 = arith.index_cast %add3A_856 : i32 to index
        %get3A_860 = arith.constant 48 : index
        %get3A_861 = tpu.vector_load %arg13[%get3A_858, %get3A_859, %get3A_860] {strides = array<i32>} : memref<2x128x128xf32, #tpu.memory_space<vmem>>, vector<1x1x16xf32>,
        %get3A_862 = vector.shape_cast %get3A_861 : vector<1x1x16xf32> to vector<16xf32>
        %add3A_863 = arith.addf %add3A_852, %get3A_862 : vector<16xf32>
        %mul3A_864 = arith.constant 4 : i32
        %mul3A_865 = arith.muli %mul3A_864, %add3A_689 : i32
        %add3A_866 = arith.constant 3 : i32
        %add3A_867 = arith.addi %mul3A_865, %add3A_866 : i32
        %get3A_868 = arith.constant 1 : i32
        %get3A_869 = arith.index_cast %get3A_868 : i32 to index
        %get3A_870 = arith.index_cast %add3A_867 : i32 to index
        %get3A_871 = arith.constant 48 : index
        %get3A_872 = tpu.vector_load %arg13[%get3A_869, %get3A_870, %get3A_871] {strides = array<i32>} : memref<2x128x128xf32, #tpu.memory_space<vmem>>, vector<1x1x16xf32>,
        %get3A_873 = vector.shape_cast %get3A_872 : vector<1x1x16xf32> to vector<16xf32>
        %add3A_874 = arith.addf %add3A_863, %get3A_873 : vector<16xf32>
        %add3A_875 = arith.constant 32 : i32
        %add3A_876 = arith.addi %add3A_875, %add3A_689 : i32
        %swap3A_877 = arith.index_cast %add3A_876 : i32 to index
        %swap3A_878 = arith.constant 48 : index
        %swap3A_879 = tpu.vector_load %arg15[%swap3A_877, %swap3A_878] {strides = array<i32>} : memref<64x128xf32, #tpu.memory_space<vmem>>, vector<1x16xf32>,
        %swap3A_880 = vector.shape_cast %swap3A_879 : vector<1x16xf32> to vector<16xf32>
        %swap3A_881 = vector.shape_cast %add3A_874 : vector<16xf32> to vector<1x16xf32>
        tpu.vector_store %arg15[%swap3A_877, %swap3A_878], %swap3A_881 {strides = array<i32>} : memref<64x128xf32, #tpu.memory_space<vmem>>, vector<1x16xf32>,
        %mul3A_882 = arith.constant 4 : i32
        %mul3A_883 = arith.muli %mul3A_882, %add3A_689 : i32
        %get3A_884 = arith.constant 1 : i32
        %get3A_885 = arith.index_cast %get3A_884 : i32 to index
        %get3A_886 = arith.index_cast %mul3A_883 : i32 to index
        %get3A_887 = arith.constant 64 : index
        %get3A_888 = tpu.vector_load %arg13[%get3A_885, %get3A_886, %get3A_887] {strides = array<i32>} : memref<2x128x128xf32, #tpu.memory_space<vmem>>, vector<1x1x16xf32>,
        %get3A_889 = vector.shape_cast %get3A_888 : vector<1x1x16xf32> to vector<16xf32>
        %mul3A_890 = arith.constant 4 : i32
        %mul3A_891 = arith.muli %mul3A_890, %add3A_689 : i32
        %add3A_892 = arith.constant 1 : i32
        %add3A_893 = arith.addi %mul3A_891, %add3A_892 : i32
        %get3A_894 = arith.constant 1 : i32
        %get3A_895 = arith.index_cast %get3A_894 : i32 to index
        %get3A_896 = arith.index_cast %add3A_893 : i32 to index
        %get3A_897 = arith.constant 64 : index
        %get3A_898 = tpu.vector_load %arg13[%get3A_895, %get3A_896, %get3A_897] {strides = array<i32>} : memref<2x128x128xf32, #tpu.memory_space<vmem>>, vector<1x1x16xf32>,
        %get3A_899 = vector.shape_cast %get3A_898 : vector<1x1x16xf32> to vector<16xf32>
        %add3A_900 = arith.addf %get3A_889, %get3A_899 : vector<16xf32>
        %mul3A_901 = arith.constant 4 : i32
        %mul3A_902 = arith.muli %mul3A_901, %add3A_689 : i32
        %add3A_903 = arith.constant 2 : i32
        %add3A_904 = arith.addi %mul3A_902, %add3A_903 : i32
        %get3A_905 = arith.constant 1 : i32
        %get3A_906 = arith.index_cast %get3A_905 : i32 to index
        %get3A_907 = arith.index_cast %add3A_904 : i32 to index
        %get3A_908 = arith.constant 64 : index
        %get3A_909 = tpu.vector_load %arg13[%get3A_906, %get3A_907, %get3A_908] {strides = array<i32>} : memref<2x128x128xf32, #tpu.memory_space<vmem>>, vector<1x1x16xf32>,
        %get3A_910 = vector.shape_cast %get3A_909 : vector<1x1x16xf32> to vector<16xf32>
        %add3A_911 = arith.addf %add3A_900, %get3A_910 : vector<16xf32>
        %mul3A_912 = arith.constant 4 : i32
        %mul3A_913 = arith.muli %mul3A_912, %add3A_689 : i32
        %add3A_914 = arith.constant 3 : i32
        %add3A_915 = arith.addi %mul3A_913, %add3A_914 : i32
        %get3A_916 = arith.constant 1 : i32
        %get3A_917 = arith.index_cast %get3A_916 : i32 to index
        %get3A_918 = arith.index_cast %add3A_915 : i32 to index
        %get3A_919 = arith.constant 64 : index
        %get3A_920 = tpu.vector_load %arg13[%get3A_917, %get3A_918, %get3A_919] {strides = array<i32>} : memref<2x128x128xf32, #tpu.memory_space<vmem>>, vector<1x1x16xf32>,
        %get3A_921 = vector.shape_cast %get3A_920 : vector<1x1x16xf32> to vector<16xf32>
        %add3A_922 = arith.addf %add3A_911, %get3A_921 : vector<16xf32>
        %add3A_923 = arith.constant 32 : i32
        %add3A_924 = arith.addi %add3A_923, %add3A_689 : i32
        %swap3A_925 = arith.index_cast %add3A_924 : i32 to index
        %swap3A_926 = arith.constant 64 : index
        %swap3A_927 = tpu.vector_load %arg15[%swap3A_925, %swap3A_926] {strides = array<i32>} : memref<64x128xf32, #tpu.memory_space<vmem>>, vector<1x16xf32>,
        %swap3A_928 = vector.shape_cast %swap3A_927 : vector<1x16xf32> to vector<16xf32>
        %swap3A_929 = vector.shape_cast %add3A_922 : vector<16xf32> to vector<1x16xf32>
        tpu.vector_store %arg15[%swap3A_925, %swap3A_926], %swap3A_929 {strides = array<i32>} : memref<64x128xf32, #tpu.memory_space<vmem>>, vector<1x16xf32>,
        %mul3A_930 = arith.constant 4 : i32
        %mul3A_931 = arith.muli %mul3A_930, %add3A_689 : i32
        %get3A_932 = arith.constant 1 : i32
        %get3A_933 = arith.index_cast %get3A_932 : i32 to index
        %get3A_934 = arith.index_cast %mul3A_931 : i32 to index
        %get3A_935 = arith.constant 80 : index
        %get3A_936 = tpu.vector_load %arg13[%get3A_933, %get3A_934, %get3A_935] {strides = array<i32>} : memref<2x128x128xf32, #tpu.memory_space<vmem>>, vector<1x1x16xf32>,
        %get3A_937 = vector.shape_cast %get3A_936 : vector<1x1x16xf32> to vector<16xf32>
        %mul3A_938 = arith.constant 4 : i32
        %mul3A_939 = arith.muli %mul3A_938, %add3A_689 : i32
        %add3A_940 = arith.constant 1 : i32
        %add3A_941 = arith.addi %mul3A_939, %add3A_940 : i32
        %get3A_942 = arith.constant 1 : i32
        %get3A_943 = arith.index_cast %get3A_942 : i32 to index
        %get3A_944 = arith.index_cast %add3A_941 : i32 to index
        %get3A_945 = arith.constant 80 : index
        %get3A_946 = tpu.vector_load %arg13[%get3A_943, %get3A_944, %get3A_945] {strides = array<i32>} : memref<2x128x128xf32, #tpu.memory_space<vmem>>, vector<1x1x16xf32>,
        %get3A_947 = vector.shape_cast %get3A_946 : vector<1x1x16xf32> to vector<16xf32>
        %add3A_948 = arith.addf %get3A_937, %get3A_947 : vector<16xf32>
        %mul3A_949 = arith.constant 4 : i32
        %mul3A_950 = arith.muli %mul3A_949, %add3A_689 : i32
        %add3A_951 = arith.constant 2 : i32
        %add3A_952 = arith.addi %mul3A_950, %add3A_951 : i32
        %get3A_953 = arith.constant 1 : i32
        %get3A_954 = arith.index_cast %get3A_953 : i32 to index
        %get3A_955 = arith.index_cast %add3A_952 : i32 to index
        %get3A_956 = arith.constant 80 : index
        %get3A_957 = tpu.vector_load %arg13[%get3A_954, %get3A_955, %get3A_956] {strides = array<i32>} : memref<2x128x128xf32, #tpu.memory_space<vmem>>, vector<1x1x16xf32>,
        %get3A_958 = vector.shape_cast %get3A_957 : vector<1x1x16xf32> to vector<16xf32>
        %add3A_959 = arith.addf %add3A_948, %get3A_958 : vector<16xf32>
        %mul3A_960 = arith.constant 4 : i32
        %mul3A_961 = arith.muli %mul3A_960, %add3A_689 : i32
        %add3A_962 = arith.constant 3 : i32
        %add3A_963 = arith.addi %mul3A_961, %add3A_962 : i32
        %get3A_964 = arith.constant 1 : i32
        %get3A_965 = arith.index_cast %get3A_964 : i32 to index
        %get3A_966 = arith.index_cast %add3A_963 : i32 to index
        %get3A_967 = arith.constant 80 : index
        %get3A_968 = tpu.vector_load %arg13[%get3A_965, %get3A_966, %get3A_967] {strides = array<i32>} : memref<2x128x128xf32, #tpu.memory_space<vmem>>, vector<1x1x16xf32>,
        %get3A_969 = vector.shape_cast %get3A_968 : vector<1x1x16xf32> to vector<16xf32>
        %add3A_970 = arith.addf %add3A_959, %get3A_969 : vector<16xf32>
        %add3A_971 = arith.constant 32 : i32
        %add3A_972 = arith.addi %add3A_971, %add3A_689 : i32
        %swap3A_973 = arith.index_cast %add3A_972 : i32 to index
        %swap3A_974 = arith.constant 80 : index
        %swap3A_975 = tpu.vector_load %arg15[%swap3A_973, %swap3A_974] {strides = array<i32>} : memref<64x128xf32, #tpu.memory_space<vmem>>, vector<1x16xf32>,
        %swap3A_976 = vector.shape_cast %swap3A_975 : vector<1x16xf32> to vector<16xf32>
        %swap3A_977 = vector.shape_cast %add3A_970 : vector<16xf32> to vector<1x16xf32>
        tpu.vector_store %arg15[%swap3A_973, %swap3A_974], %swap3A_977 {strides = array<i32>} : memref<64x128xf32, #tpu.memory_space<vmem>>, vector<1x16xf32>,
        %mul3A_978 = arith.constant 4 : i32
        %mul3A_979 = arith.muli %mul3A_978, %add3A_689 : i32
        %get3A_980 = arith.constant 1 : i32
        %get3A_981 = arith.index_cast %get3A_980 : i32 to index
        %get3A_982 = arith.index_cast %mul3A_979 : i32 to index
        %get3A_983 = arith.constant 96 : index
        %get3A_984 = tpu.vector_load %arg13[%get3A_981, %get3A_982, %get3A_983] {strides = array<i32>} : memref<2x128x128xf32, #tpu.memory_space<vmem>>, vector<1x1x16xf32>,
        %get3A_985 = vector.shape_cast %get3A_984 : vector<1x1x16xf32> to vector<16xf32>
        %mul3A_986 = arith.constant 4 : i32
        %mul3A_987 = arith.muli %mul3A_986, %add3A_689 : i32
        %add3A_988 = arith.constant 1 : i32
        %add3A_989 = arith.addi %mul3A_987, %add3A_988 : i32
        %get3A_990 = arith.constant 1 : i32
        %get3A_991 = arith.index_cast %get3A_990 : i32 to index
        %get3A_992 = arith.index_cast %add3A_989 : i32 to index
        %get3A_993 = arith.constant 96 : index
        %get3A_994 = tpu.vector_load %arg13[%get3A_991, %get3A_992, %get3A_993] {strides = array<i32>} : memref<2x128x128xf32, #tpu.memory_space<vmem>>, vector<1x1x16xf32>,
        %get3A_995 = vector.shape_cast %get3A_994 : vector<1x1x16xf32> to vector<16xf32>
        %add3A_996 = arith.addf %get3A_985, %get3A_995 : vector<16xf32>
        %mul3A_997 = arith.constant 4 : i32
        %mul3A_998 = arith.muli %mul3A_997, %add3A_689 : i32
        %add3A_999 = arith.constant 2 : i32
        %add3A_1000 = arith.addi %mul3A_998, %add3A_999 : i32
        %get3A_1001 = arith.constant 1 : i32
        %get3A_1002 = arith.index_cast %get3A_1001 : i32 to index
        %get3A_1003 = arith.index_cast %add3A_1000 : i32 to index
        %get3A_1004 = arith.constant 96 : index
        %get3A_1005 = tpu.vector_load %arg13[%get3A_1002, %get3A_1003, %get3A_1004] {strides = array<i32>} : memref<2x128x128xf32, #tpu.memory_space<vmem>>, vector<1x1x16xf32>,
        %get3A_1006 = vector.shape_cast %get3A_1005 : vector<1x1x16xf32> to vector<16xf32>
        %add3A_1007 = arith.addf %add3A_996, %get3A_1006 : vector<16xf32>
        %mul3A_1008 = arith.constant 4 : i32
        %mul3A_1009 = arith.muli %mul3A_1008, %add3A_689 : i32
        %add3A_1010 = arith.constant 3 : i32
        %add3A_1011 = arith.addi %mul3A_1009, %add3A_1010 : i32
        %get3A_1012 = arith.constant 1 : i32
        %get3A_1013 = arith.index_cast %get3A_1012 : i32 to index
        %get3A_1014 = arith.index_cast %add3A_1011 : i32 to index
        %get3A_1015 = arith.constant 96 : index
        %get3A_1016 = tpu.vector_load %arg13[%get3A_1013, %get3A_1014, %get3A_1015] {strides = array<i32>} : memref<2x128x128xf32, #tpu.memory_space<vmem>>, vector<1x1x16xf32>,
        %get3A_1017 = vector.shape_cast %get3A_1016 : vector<1x1x16xf32> to vector<16xf32>
        %add3A_1018 = arith.addf %add3A_1007, %get3A_1017 : vector<16xf32>
        %add3A_1019 = arith.constant 32 : i32
        %add3A_1020 = arith.addi %add3A_1019, %add3A_689 : i32
        %swap3A_1021 = arith.index_cast %add3A_1020 : i32 to index
        %swap3A_1022 = arith.constant 96 : index
        %swap3A_1023 = tpu.vector_load %arg15[%swap3A_1021, %swap3A_1022] {strides = array<i32>} : memref<64x128xf32, #tpu.memory_space<vmem>>, vector<1x16xf32>,
        %swap3A_1024 = vector.shape_cast %swap3A_1023 : vector<1x16xf32> to vector<16xf32>
        %swap3A_1025 = vector.shape_cast %add3A_1018 : vector<16xf32> to vector<1x16xf32>
        tpu.vector_store %arg15[%swap3A_1021, %swap3A_1022], %swap3A_1025 {strides = array<i32>} : memref<64x128xf32, #tpu.memory_space<vmem>>, vector<1x16xf32>,
        %mul3A_1026 = arith.constant 4 : i32
        %mul3A_1027 = arith.muli %mul3A_1026, %add3A_689 : i32
        %get3A_1028 = arith.constant 1 : i32
        %get3A_1029 = arith.index_cast %get3A_1028 : i32 to index
        %get3A_1030 = arith.index_cast %mul3A_1027 : i32 to index
        %get3A_1031 = arith.constant 112 : index
        %get3A_1032 = tpu.vector_load %arg13[%get3A_1029, %get3A_1030, %get3A_1031] {strides = array<i32>} : memref<2x128x128xf32, #tpu.memory_space<vmem>>, vector<1x1x16xf32>,
        %get3A_1033 = vector.shape_cast %get3A_1032 : vector<1x1x16xf32> to vector<16xf32>
        %mul3A_1034 = arith.constant 4 : i32
        %mul3A_1035 = arith.muli %mul3A_1034, %add3A_689 : i32
        %add3A_1036 = arith.constant 1 : i32
        %add3A_1037 = arith.addi %mul3A_1035, %add3A_1036 : i32
        %get3A_1038 = arith.constant 1 : i32
        %get3A_1039 = arith.index_cast %get3A_1038 : i32 to index
        %get3A_1040 = arith.index_cast %add3A_1037 : i32 to index
        %get3A_1041 = arith.constant 112 : index
        %get3A_1042 = tpu.vector_load %arg13[%get3A_1039, %get3A_1040, %get3A_1041] {strides = array<i32>} : memref<2x128x128xf32, #tpu.memory_space<vmem>>, vector<1x1x16xf32>,
        %get3A_1043 = vector.shape_cast %get3A_1042 : vector<1x1x16xf32> to vector<16xf32>
        %add3A_1044 = arith.addf %get3A_1033, %get3A_1043 : vector<16xf32>
        %mul3A_1045 = arith.constant 4 : i32
        %mul3A_1046 = arith.muli %mul3A_1045, %add3A_689 : i32
        %add3A_1047 = arith.constant 2 : i32
        %add3A_1048 = arith.addi %mul3A_1046, %add3A_1047 : i32
        %get3A_1049 = arith.constant 1 : i32
        %get3A_1050 = arith.index_cast %get3A_1049 : i32 to index
        %get3A_1051 = arith.index_cast %add3A_1048 : i32 to index
        %get3A_1052 = arith.constant 112 : index
        %get3A_1053 = tpu.vector_load %arg13[%get3A_1050, %get3A_1051, %get3A_1052] {strides = array<i32>} : memref<2x128x128xf32, #tpu.memory_space<vmem>>, vector<1x1x16xf32>,
        %get3A_1054 = vector.shape_cast %get3A_1053 : vector<1x1x16xf32> to vector<16xf32>
        %add3A_1055 = arith.addf %add3A_1044, %get3A_1054 : vector<16xf32>
        %mul3A_1056 = arith.constant 4 : i32
        %mul3A_1057 = arith.muli %mul3A_1056, %add3A_689 : i32
        %add3A_1058 = arith.constant 3 : i32
        %add3A_1059 = arith.addi %mul3A_1057, %add3A_1058 : i32
        %get3A_1060 = arith.constant 1 : i32
        %get3A_1061 = arith.index_cast %get3A_1060 : i32 to index
        %get3A_1062 = arith.index_cast %add3A_1059 : i32 to index
        %get3A_1063 = arith.constant 112 : index
        %get3A_1064 = tpu.vector_load %arg13[%get3A_1061, %get3A_1062, %get3A_1063] {strides = array<i32>} : memref<2x128x128xf32, #tpu.memory_space<vmem>>, vector<1x1x16xf32>,
        %get3A_1065 = vector.shape_cast %get3A_1064 : vector<1x1x16xf32> to vector<16xf32>
        %add3A_1066 = arith.addf %add3A_1055, %get3A_1065 : vector<16xf32>
        %add3A_1067 = arith.constant 32 : i32
        %add3A_1068 = arith.addi %add3A_1067, %add3A_689 : i32
        %swap3A_1069 = arith.index_cast %add3A_1068 : i32 to index
        %swap3A_1070 = arith.constant 112 : index
        %swap3A_1071 = tpu.vector_load %arg15[%swap3A_1069, %swap3A_1070] {strides = array<i32>} : memref<64x128xf32, #tpu.memory_space<vmem>>, vector<1x16xf32>,
        %swap3A_1072 = vector.shape_cast %swap3A_1071 : vector<1x16xf32> to vector<16xf32>
        %swap3A_1073 = vector.shape_cast %add3A_1066 : vector<16xf32> to vector<1x16xf32>
        tpu.vector_store %arg15[%swap3A_1069, %swap3A_1070], %swap3A_1073 {strides = array<i32>} : memref<64x128xf32, #tpu.memory_space<vmem>>, vector<1x16xf32>,
        %mul3A_1074 = arith.constant 2 : i32
        %mul3A_1075 = arith.muli %mul3A_1074, %scan3A_684 : i32
        %add3A_1076 = arith.constant 1 : i32
        %add3A_1077 = arith.addi %mul3A_1075, %add3A_1076 : i32
        %mul3A_1078 = arith.constant 4 : i32
        %mul3A_1079 = arith.muli %mul3A_1078, %add3A_1077 : i32
        %get3A_1080 = arith.constant 1 : i32
        %get3A_1081 = arith.index_cast %get3A_1080 : i32 to index
        %get3A_1082 = arith.index_cast %mul3A_1079 : i32 to index
        %get3A_1083 = arith.constant 0 : index
        %get3A_1084 = tpu.vector_load %arg13[%get3A_1081, %get3A_1082, %get3A_1083] {strides = array<i32>} : memref<2x128x128xf32, #tpu.memory_space<vmem>>, vector<1x1x16xf32>,
        %get3A_1085 = vector.shape_cast %get3A_1084 : vector<1x1x16xf32> to vector<16xf32>
        %mul3A_1086 = arith.constant 4 : i32
        %mul3A_1087 = arith.muli %mul3A_1086, %add3A_1077 : i32
        %add3A_1088 = arith.constant 1 : i32
        %add3A_1089 = arith.addi %mul3A_1087, %add3A_1088 : i32
        %get3A_1090 = arith.constant 1 : i32
        %get3A_1091 = arith.index_cast %get3A_1090 : i32 to index
        %get3A_1092 = arith.index_cast %add3A_1089 : i32 to index
        %get3A_1093 = arith.constant 0 : index
        %get3A_1094 = tpu.vector_load %arg13[%get3A_1091, %get3A_1092, %get3A_1093] {strides = array<i32>} : memref<2x128x128xf32, #tpu.memory_space<vmem>>, vector<1x1x16xf32>,
        %get3A_1095 = vector.shape_cast %get3A_1094 : vector<1x1x16xf32> to vector<16xf32>
        %add3A_1096 = arith.addf %get3A_1085, %get3A_1095 : vector<16xf32>
        %mul3A_1097 = arith.constant 4 : i32
        %mul3A_1098 = arith.muli %mul3A_1097, %add3A_1077 : i32
        %add3A_1099 = arith.constant 2 : i32
        %add3A_1100 = arith.addi %mul3A_1098, %add3A_1099 : i32
        %get3A_1101 = arith.constant 1 : i32
        %get3A_1102 = arith.index_cast %get3A_1101 : i32 to index
        %get3A_1103 = arith.index_cast %add3A_1100 : i32 to index
        %get3A_1104 = arith.constant 0 : index
        %get3A_1105 = tpu.vector_load %arg13[%get3A_1102, %get3A_1103, %get3A_1104] {strides = array<i32>} : memref<2x128x128xf32, #tpu.memory_space<vmem>>, vector<1x1x16xf32>,
        %get3A_1106 = vector.shape_cast %get3A_1105 : vector<1x1x16xf32> to vector<16xf32>
        %add3A_1107 = arith.addf %add3A_1096, %get3A_1106 : vector<16xf32>
        %mul3A_1108 = arith.constant 4 : i32
        %mul3A_1109 = arith.muli %mul3A_1108, %add3A_1077 : i32
        %add3A_1110 = arith.constant 3 : i32
        %add3A_1111 = arith.addi %mul3A_1109, %add3A_1110 : i32
        %get3A_1112 = arith.constant 1 : i32
        %get3A_1113 = arith.index_cast %get3A_1112 : i32 to index
        %get3A_1114 = arith.index_cast %add3A_1111 : i32 to index
        %get3A_1115 = arith.constant 0 : index
        %get3A_1116 = tpu.vector_load %arg13[%get3A_1113, %get3A_1114, %get3A_1115] {strides = array<i32>} : memref<2x128x128xf32, #tpu.memory_space<vmem>>, vector<1x1x16xf32>,
        %get3A_1117 = vector.shape_cast %get3A_1116 : vector<1x1x16xf32> to vector<16xf32>
        %add3A_1118 = arith.addf %add3A_1107, %get3A_1117 : vector<16xf32>
        %add3A_1119 = arith.constant 32 : i32
        %add3A_1120 = arith.addi %add3A_1119, %add3A_1077 : i32
        %swap3A_1121 = arith.index_cast %add3A_1120 : i32 to index
        %swap3A_1122 = arith.constant 0 : index
        %swap3A_1123 = tpu.vector_load %arg15[%swap3A_1121, %swap3A_1122] {strides = array<i32>} : memref<64x128xf32, #tpu.memory_space<vmem>>, vector<1x16xf32>,
        %swap3A_1124 = vector.shape_cast %swap3A_1123 : vector<1x16xf32> to vector<16xf32>
        %swap3A_1125 = vector.shape_cast %add3A_1118 : vector<16xf32> to vector<1x16xf32>
        tpu.vector_store %arg15[%swap3A_1121, %swap3A_1122], %swap3A_1125 {strides = array<i32>} : memref<64x128xf32, #tpu.memory_space<vmem>>, vector<1x16xf32>,
        %mul3A_1126 = arith.constant 4 : i32
        %mul3A_1127 = arith.muli %mul3A_1126, %add3A_1077 : i32
        %get3A_1128 = arith.constant 1 : i32
        %get3A_1129 = arith.index_cast %get3A_1128 : i32 to index
        %get3A_1130 = arith.index_cast %mul3A_1127 : i32 to index
        %get3A_1131 = arith.constant 16 : index
        %get3A_1132 = tpu.vector_load %arg13[%get3A_1129, %get3A_1130, %get3A_1131] {strides = array<i32>} : memref<2x128x128xf32, #tpu.memory_space<vmem>>, vector<1x1x16xf32>,
        %get3A_1133 = vector.shape_cast %get3A_1132 : vector<1x1x16xf32> to vector<16xf32>
        %mul3A_1134 = arith.constant 4 : i32
        %mul3A_1135 = arith.muli %mul3A_1134, %add3A_1077 : i32
        %add3A_1136 = arith.constant 1 : i32
        %add3A_1137 = arith.addi %mul3A_1135, %add3A_1136 : i32
        %get3A_1138 = arith.constant 1 : i32
        %get3A_1139 = arith.index_cast %get3A_1138 : i32 to index
        %get3A_1140 = arith.index_cast %add3A_1137 : i32 to index
        %get3A_1141 = arith.constant 16 : index
        %get3A_1142 = tpu.vector_load %arg13[%get3A_1139, %get3A_1140, %get3A_1141] {strides = array<i32>} : memref<2x128x128xf32, #tpu.memory_space<vmem>>, vector<1x1x16xf32>,
        %get3A_1143 = vector.shape_cast %get3A_1142 : vector<1x1x16xf32> to vector<16xf32>
        %add3A_1144 = arith.addf %get3A_1133, %get3A_1143 : vector<16xf32>
        %mul3A_1145 = arith.constant 4 : i32
        %mul3A_1146 = arith.muli %mul3A_1145, %add3A_1077 : i32
        %add3A_1147 = arith.constant 2 : i32
        %add3A_1148 = arith.addi %mul3A_1146, %add3A_1147 : i32
        %get3A_1149 = arith.constant 1 : i32
        %get3A_1150 = arith.index_cast %get3A_1149 : i32 to index
        %get3A_1151 = arith.index_cast %add3A_1148 : i32 to index
        %get3A_1152 = arith.constant 16 : index
        %get3A_1153 = tpu.vector_load %arg13[%get3A_1150, %get3A_1151, %get3A_1152] {strides = array<i32>} : memref<2x128x128xf32, #tpu.memory_space<vmem>>, vector<1x1x16xf32>,
        %get3A_1154 = vector.shape_cast %get3A_1153 : vector<1x1x16xf32> to vector<16xf32>
        %add3A_1155 = arith.addf %add3A_1144, %get3A_1154 : vector<16xf32>
        %mul3A_1156 = arith.constant 4 : i32
        %mul3A_1157 = arith.muli %mul3A_1156, %add3A_1077 : i32
        %add3A_1158 = arith.constant 3 : i32
        %add3A_1159 = arith.addi %mul3A_1157, %add3A_1158 : i32
        %get3A_1160 = arith.constant 1 : i32
        %get3A_1161 = arith.index_cast %get3A_1160 : i32 to index
        %get3A_1162 = arith.index_cast %add3A_1159 : i32 to index
        %get3A_1163 = arith.constant 16 : index
        %get3A_1164 = tpu.vector_load %arg13[%get3A_1161, %get3A_1162, %get3A_1163] {strides = array<i32>} : memref<2x128x128xf32, #tpu.memory_space<vmem>>, vector<1x1x16xf32>,
        %get3A_1165 = vector.shape_cast %get3A_1164 : vector<1x1x16xf32> to vector<16xf32>
        %add3A_1166 = arith.addf %add3A_1155, %get3A_1165 : vector<16xf32>
        %add3A_1167 = arith.constant 32 : i32
        %add3A_1168 = arith.addi %add3A_1167, %add3A_1077 : i32
        %swap3A_1169 = arith.index_cast %add3A_1168 : i32 to index
        %swap3A_1170 = arith.constant 16 : index
        %swap3A_1171 = tpu.vector_load %arg15[%swap3A_1169, %swap3A_1170] {strides = array<i32>} : memref<64x128xf32, #tpu.memory_space<vmem>>, vector<1x16xf32>,
        %swap3A_1172 = vector.shape_cast %swap3A_1171 : vector<1x16xf32> to vector<16xf32>
        %swap3A_1173 = vector.shape_cast %add3A_1166 : vector<16xf32> to vector<1x16xf32>
        tpu.vector_store %arg15[%swap3A_1169, %swap3A_1170], %swap3A_1173 {strides = array<i32>} : memref<64x128xf32, #tpu.memory_space<vmem>>, vector<1x16xf32>,
        %mul3A_1174 = arith.constant 4 : i32
        %mul3A_1175 = arith.muli %mul3A_1174, %add3A_1077 : i32
        %get3A_1176 = arith.constant 1 : i32
        %get3A_1177 = arith.index_cast %get3A_1176 : i32 to index
        %get3A_1178 = arith.index_cast %mul3A_1175 : i32 to index
        %get3A_1179 = arith.constant 32 : index
        %get3A_1180 = tpu.vector_load %arg13[%get3A_1177, %get3A_1178, %get3A_1179] {strides = array<i32>} : memref<2x128x128xf32, #tpu.memory_space<vmem>>, vector<1x1x16xf32>,
        %get3A_1181 = vector.shape_cast %get3A_1180 : vector<1x1x16xf32> to vector<16xf32>
        %mul3A_1182 = arith.constant 4 : i32
        %mul3A_1183 = arith.muli %mul3A_1182, %add3A_1077 : i32
        %add3A_1184 = arith.constant 1 : i32
        %add3A_1185 = arith.addi %mul3A_1183, %add3A_1184 : i32
        %get3A_1186 = arith.constant 1 : i32
        %get3A_1187 = arith.index_cast %get3A_1186 : i32 to index
        %get3A_1188 = arith.index_cast %add3A_1185 : i32 to index
        %get3A_1189 = arith.constant 32 : index
        %get3A_1190 = tpu.vector_load %arg13[%get3A_1187, %get3A_1188, %get3A_1189] {strides = array<i32>} : memref<2x128x128xf32, #tpu.memory_space<vmem>>, vector<1x1x16xf32>,
        %get3A_1191 = vector.shape_cast %get3A_1190 : vector<1x1x16xf32> to vector<16xf32>
        %add3A_1192 = arith.addf %get3A_1181, %get3A_1191 : vector<16xf32>
        %mul3A_1193 = arith.constant 4 : i32
        %mul3A_1194 = arith.muli %mul3A_1193, %add3A_1077 : i32
        %add3A_1195 = arith.constant 2 : i32
        %add3A_1196 = arith.addi %mul3A_1194, %add3A_1195 : i32
        %get3A_1197 = arith.constant 1 : i32
        %get3A_1198 = arith.index_cast %get3A_1197 : i32 to index
        %get3A_1199 = arith.index_cast %add3A_1196 : i32 to index
        %get3A_1200 = arith.constant 32 : index
        %get3A_1201 = tpu.vector_load %arg13[%get3A_1198, %get3A_1199, %get3A_1200] {strides = array<i32>} : memref<2x128x128xf32, #tpu.memory_space<vmem>>, vector<1x1x16xf32>,
        %get3A_1202 = vector.shape_cast %get3A_1201 : vector<1x1x16xf32> to vector<16xf32>
        %add3A_1203 = arith.addf %add3A_1192, %get3A_1202 : vector<16xf32>
        %mul3A_1204 = arith.constant 4 : i32
        %mul3A_1205 = arith.muli %mul3A_1204, %add3A_1077 : i32
        %add3A_1206 = arith.constant 3 : i32
        %add3A_1207 = arith.addi %mul3A_1205, %add3A_1206 : i32
        %get3A_1208 = arith.constant 1 : i32
        %get3A_1209 = arith.index_cast %get3A_1208 : i32 to index
        %get3A_1210 = arith.index_cast %add3A_1207 : i32 to index
        %get3A_1211 = arith.constant 32 : index
        %get3A_1212 = tpu.vector_load %arg13[%get3A_1209, %get3A_1210, %get3A_1211] {strides = array<i32>} : memref<2x128x128xf32, #tpu.memory_space<vmem>>, vector<1x1x16xf32>,
        %get3A_1213 = vector.shape_cast %get3A_1212 : vector<1x1x16xf32> to vector<16xf32>
        %add3A_1214 = arith.addf %add3A_1203, %get3A_1213 : vector<16xf32>
        %add3A_1215 = arith.constant 32 : i32
        %add3A_1216 = arith.addi %add3A_1215, %add3A_1077 : i32
        %swap3A_1217 = arith.index_cast %add3A_1216 : i32 to index
        %swap3A_1218 = arith.constant 32 : index
        %swap3A_1219 = tpu.vector_load %arg15[%swap3A_1217, %swap3A_1218] {strides = array<i32>} : memref<64x128xf32, #tpu.memory_space<vmem>>, vector<1x16xf32>,
        %swap3A_1220 = vector.shape_cast %swap3A_1219 : vector<1x16xf32> to vector<16xf32>
        %swap3A_1221 = vector.shape_cast %add3A_1214 : vector<16xf32> to vector<1x16xf32>
        tpu.vector_store %arg15[%swap3A_1217, %swap3A_1218], %swap3A_1221 {strides = array<i32>} : memref<64x128xf32, #tpu.memory_space<vmem>>, vector<1x16xf32>,
        %mul3A_1222 = arith.constant 4 : i32
        %mul3A_1223 = arith.muli %mul3A_1222, %add3A_1077 : i32
        %get3A_1224 = arith.constant 1 : i32
        %get3A_1225 = arith.index_cast %get3A_1224 : i32 to index
        %get3A_1226 = arith.index_cast %mul3A_1223 : i32 to index
        %get3A_1227 = arith.constant 48 : index
        %get3A_1228 = tpu.vector_load %arg13[%get3A_1225, %get3A_1226, %get3A_1227] {strides = array<i32>} : memref<2x128x128xf32, #tpu.memory_space<vmem>>, vector<1x1x16xf32>,
        %get3A_1229 = vector.shape_cast %get3A_1228 : vector<1x1x16xf32> to vector<16xf32>
        %mul3A_1230 = arith.constant 4 : i32
        %mul3A_1231 = arith.muli %mul3A_1230, %add3A_1077 : i32
        %add3A_1232 = arith.constant 1 : i32
        %add3A_1233 = arith.addi %mul3A_1231, %add3A_1232 : i32
        %get3A_1234 = arith.constant 1 : i32
        %get3A_1235 = arith.index_cast %get3A_1234 : i32 to index
        %get3A_1236 = arith.index_cast %add3A_1233 : i32 to index
        %get3A_1237 = arith.constant 48 : index
        %get3A_1238 = tpu.vector_load %arg13[%get3A_1235, %get3A_1236, %get3A_1237] {strides = array<i32>} : memref<2x128x128xf32, #tpu.memory_space<vmem>>, vector<1x1x16xf32>,
        %get3A_1239 = vector.shape_cast %get3A_1238 : vector<1x1x16xf32> to vector<16xf32>
        %add3A_1240 = arith.addf %get3A_1229, %get3A_1239 : vector<16xf32>
        %mul3A_1241 = arith.constant 4 : i32
        %mul3A_1242 = arith.muli %mul3A_1241, %add3A_1077 : i32
        %add3A_1243 = arith.constant 2 : i32
        %add3A_1244 = arith.addi %mul3A_1242, %add3A_1243 : i32
        %get3A_1245 = arith.constant 1 : i32
        %get3A_1246 = arith.index_cast %get3A_1245 : i32 to index
        %get3A_1247 = arith.index_cast %add3A_1244 : i32 to index
        %get3A_1248 = arith.constant 48 : index
        %get3A_1249 = tpu.vector_load %arg13[%get3A_1246, %get3A_1247, %get3A_1248] {strides = array<i32>} : memref<2x128x128xf32, #tpu.memory_space<vmem>>, vector<1x1x16xf32>,
        %get3A_1250 = vector.shape_cast %get3A_1249 : vector<1x1x16xf32> to vector<16xf32>
        %add3A_1251 = arith.addf %add3A_1240, %get3A_1250 : vector<16xf32>
        %mul3A_1252 = arith.constant 4 : i32
        %mul3A_1253 = arith.muli %mul3A_1252, %add3A_1077 : i32
        %add3A_1254 = arith.constant 3 : i32
        %add3A_1255 = arith.addi %mul3A_1253, %add3A_1254 : i32
        %get3A_1256 = arith.constant 1 : i32
        %get3A_1257 = arith.index_cast %get3A_1256 : i32 to index
        %get3A_1258 = arith.index_cast %add3A_1255 : i32 to index
        %get3A_1259 = arith.constant 48 : index
        %get3A_1260 = tpu.vector_load %arg13[%get3A_1257, %get3A_1258, %get3A_1259] {strides = array<i32>} : memref<2x128x128xf32, #tpu.memory_space<vmem>>, vector<1x1x16xf32>,
        %get3A_1261 = vector.shape_cast %get3A_1260 : vector<1x1x16xf32> to vector<16xf32>
        %add3A_1262 = arith.addf %add3A_1251, %get3A_1261 : vector<16xf32>
        %add3A_1263 = arith.constant 32 : i32
        %add3A_1264 = arith.addi %add3A_1263, %add3A_1077 : i32
        %swap3A_1265 = arith.index_cast %add3A_1264 : i32 to index
        %swap3A_1266 = arith.constant 48 : index
        %swap3A_1267 = tpu.vector_load %arg15[%swap3A_1265, %swap3A_1266] {strides = array<i32>} : memref<64x128xf32, #tpu.memory_space<vmem>>, vector<1x16xf32>,
        %swap3A_1268 = vector.shape_cast %swap3A_1267 : vector<1x16xf32> to vector<16xf32>
        %swap3A_1269 = vector.shape_cast %add3A_1262 : vector<16xf32> to vector<1x16xf32>
        tpu.vector_store %arg15[%swap3A_1265, %swap3A_1266], %swap3A_1269 {strides = array<i32>} : memref<64x128xf32, #tpu.memory_space<vmem>>, vector<1x16xf32>,
        %mul3A_1270 = arith.constant 4 : i32
        %mul3A_1271 = arith.muli %mul3A_1270, %add3A_1077 : i32
        %get3A_1272 = arith.constant 1 : i32
        %get3A_1273 = arith.index_cast %get3A_1272 : i32 to index
        %get3A_1274 = arith.index_cast %mul3A_1271 : i32 to index
        %get3A_1275 = arith.constant 64 : index
        %get3A_1276 = tpu.vector_load %arg13[%get3A_1273, %get3A_1274, %get3A_1275] {strides = array<i32>} : memref<2x128x128xf32, #tpu.memory_space<vmem>>, vector<1x1x16xf32>,
        %get3A_1277 = vector.shape_cast %get3A_1276 : vector<1x1x16xf32> to vector<16xf32>
        %mul3A_1278 = arith.constant 4 : i32
        %mul3A_1279 = arith.muli %mul3A_1278, %add3A_1077 : i32
        %add3A_1280 = arith.constant 1 : i32
        %add3A_1281 = arith.addi %mul3A_1279, %add3A_1280 : i32
        %get3A_1282 = arith.constant 1 : i32
        %get3A_1283 = arith.index_cast %get3A_1282 : i32 to index
        %get3A_1284 = arith.index_cast %add3A_1281 : i32 to index
        %get3A_1285 = arith.constant 64 : index
        %get3A_1286 = tpu.vector_load %arg13[%get3A_1283, %get3A_1284, %get3A_1285] {strides = array<i32>} : memref<2x128x128xf32, #tpu.memory_space<vmem>>, vector<1x1x16xf32>,
        %get3A_1287 = vector.shape_cast %get3A_1286 : vector<1x1x16xf32> to vector<16xf32>
        %add3A_1288 = arith.addf %get3A_1277, %get3A_1287 : vector<16xf32>
        %mul3A_1289 = arith.constant 4 : i32
        %mul3A_1290 = arith.muli %mul3A_1289, %add3A_1077 : i32
        %add3A_1291 = arith.constant 2 : i32
        %add3A_1292 = arith.addi %mul3A_1290, %add3A_1291 : i32
        %get3A_1293 = arith.constant 1 : i32
        %get3A_1294 = arith.index_cast %get3A_1293 : i32 to index
        %get3A_1295 = arith.index_cast %add3A_1292 : i32 to index
        %get3A_1296 = arith.constant 64 : index
        %get3A_1297 = tpu.vector_load %arg13[%get3A_1294, %get3A_1295, %get3A_1296] {strides = array<i32>} : memref<2x128x128xf32, #tpu.memory_space<vmem>>, vector<1x1x16xf32>,
        %get3A_1298 = vector.shape_cast %get3A_1297 : vector<1x1x16xf32> to vector<16xf32>
        %add3A_1299 = arith.addf %add3A_1288, %get3A_1298 : vector<16xf32>
        %mul3A_1300 = arith.constant 4 : i32
        %mul3A_1301 = arith.muli %mul3A_1300, %add3A_1077 : i32
        %add3A_1302 = arith.constant 3 : i32
        %add3A_1303 = arith.addi %mul3A_1301, %add3A_1302 : i32
        %get3A_1304 = arith.constant 1 : i32
        %get3A_1305 = arith.index_cast %get3A_1304 : i32 to index
        %get3A_1306 = arith.index_cast %add3A_1303 : i32 to index
        %get3A_1307 = arith.constant 64 : index
        %get3A_1308 = tpu.vector_load %arg13[%get3A_1305, %get3A_1306, %get3A_1307] {strides = array<i32>} : memref<2x128x128xf32, #tpu.memory_space<vmem>>, vector<1x1x16xf32>,
        %get3A_1309 = vector.shape_cast %get3A_1308 : vector<1x1x16xf32> to vector<16xf32>
        %add3A_1310 = arith.addf %add3A_1299, %get3A_1309 : vector<16xf32>
        %add3A_1311 = arith.constant 32 : i32
        %add3A_1312 = arith.addi %add3A_1311, %add3A_1077 : i32
        %swap3A_1313 = arith.index_cast %add3A_1312 : i32 to index
        %swap3A_1314 = arith.constant 64 : index
        %swap3A_1315 = tpu.vector_load %arg15[%swap3A_1313, %swap3A_1314] {strides = array<i32>} : memref<64x128xf32, #tpu.memory_space<vmem>>, vector<1x16xf32>,
        %swap3A_1316 = vector.shape_cast %swap3A_1315 : vector<1x16xf32> to vector<16xf32>
        %swap3A_1317 = vector.shape_cast %add3A_1310 : vector<16xf32> to vector<1x16xf32>
        tpu.vector_store %arg15[%swap3A_1313, %swap3A_1314], %swap3A_1317 {strides = array<i32>} : memref<64x128xf32, #tpu.memory_space<vmem>>, vector<1x16xf32>,
        %mul3A_1318 = arith.constant 4 : i32
        %mul3A_1319 = arith.muli %mul3A_1318, %add3A_1077 : i32
        %get3A_1320 = arith.constant 1 : i32
        %get3A_1321 = arith.index_cast %get3A_1320 : i32 to index
        %get3A_1322 = arith.index_cast %mul3A_1319 : i32 to index
        %get3A_1323 = arith.constant 80 : index
        %get3A_1324 = tpu.vector_load %arg13[%get3A_1321, %get3A_1322, %get3A_1323] {strides = array<i32>} : memref<2x128x128xf32, #tpu.memory_space<vmem>>, vector<1x1x16xf32>,
        %get3A_1325 = vector.shape_cast %get3A_1324 : vector<1x1x16xf32> to vector<16xf32>
        %mul3A_1326 = arith.constant 4 : i32
        %mul3A_1327 = arith.muli %mul3A_1326, %add3A_1077 : i32
        %add3A_1328 = arith.constant 1 : i32
        %add3A_1329 = arith.addi %mul3A_1327, %add3A_1328 : i32
        %get3A_1330 = arith.constant 1 : i32
        %get3A_1331 = arith.index_cast %get3A_1330 : i32 to index
        %get3A_1332 = arith.index_cast %add3A_1329 : i32 to index
        %get3A_1333 = arith.constant 80 : index
        %get3A_1334 = tpu.vector_load %arg13[%get3A_1331, %get3A_1332, %get3A_1333] {strides = array<i32>} : memref<2x128x128xf32, #tpu.memory_space<vmem>>, vector<1x1x16xf32>,
        %get3A_1335 = vector.shape_cast %get3A_1334 : vector<1x1x16xf32> to vector<16xf32>
        %add3A_1336 = arith.addf %get3A_1325, %get3A_1335 : vector<16xf32>
        %mul3A_1337 = arith.constant 4 : i32
        %mul3A_1338 = arith.muli %mul3A_1337, %add3A_1077 : i32
        %add3A_1339 = arith.constant 2 : i32
        %add3A_1340 = arith.addi %mul3A_1338, %add3A_1339 : i32
        %get3A_1341 = arith.constant 1 : i32
        %get3A_1342 = arith.index_cast %get3A_1341 : i32 to index
        %get3A_1343 = arith.index_cast %add3A_1340 : i32 to index
        %get3A_1344 = arith.constant 80 : index
        %get3A_1345 = tpu.vector_load %arg13[%get3A_1342, %get3A_1343, %get3A_1344] {strides = array<i32>} : memref<2x128x128xf32, #tpu.memory_space<vmem>>, vector<1x1x16xf32>,
        %get3A_1346 = vector.shape_cast %get3A_1345 : vector<1x1x16xf32> to vector<16xf32>
        %add3A_1347 = arith.addf %add3A_1336, %get3A_1346 : vector<16xf32>
        %mul3A_1348 = arith.constant 4 : i32
        %mul3A_1349 = arith.muli %mul3A_1348, %add3A_1077 : i32
        %add3A_1350 = arith.constant 3 : i32
        %add3A_1351 = arith.addi %mul3A_1349, %add3A_1350 : i32
        %get3A_1352 = arith.constant 1 : i32
        %get3A_1353 = arith.index_cast %get3A_1352 : i32 to index
        %get3A_1354 = arith.index_cast %add3A_1351 : i32 to index
        %get3A_1355 = arith.constant 80 : index
        %get3A_1356 = tpu.vector_load %arg13[%get3A_1353, %get3A_1354, %get3A_1355] {strides = array<i32>} : memref<2x128x128xf32, #tpu.memory_space<vmem>>, vector<1x1x16xf32>,
        %get3A_1357 = vector.shape_cast %get3A_1356 : vector<1x1x16xf32> to vector<16xf32>
        %add3A_1358 = arith.addf %add3A_1347, %get3A_1357 : vector<16xf32>
        %add3A_1359 = arith.constant 32 : i32
        %add3A_1360 = arith.addi %add3A_1359, %add3A_1077 : i32
        %swap3A_1361 = arith.index_cast %add3A_1360 : i32 to index
        %swap3A_1362 = arith.constant 80 : index
        %swap3A_1363 = tpu.vector_load %arg15[%swap3A_1361, %swap3A_1362] {strides = array<i32>} : memref<64x128xf32, #tpu.memory_space<vmem>>, vector<1x16xf32>,
        %swap3A_1364 = vector.shape_cast %swap3A_1363 : vector<1x16xf32> to vector<16xf32>
        %swap3A_1365 = vector.shape_cast %add3A_1358 : vector<16xf32> to vector<1x16xf32>
        tpu.vector_store %arg15[%swap3A_1361, %swap3A_1362], %swap3A_1365 {strides = array<i32>} : memref<64x128xf32, #tpu.memory_space<vmem>>, vector<1x16xf32>,
        %mul3A_1366 = arith.constant 4 : i32
        %mul3A_1367 = arith.muli %mul3A_1366, %add3A_1077 : i32
        %get3A_1368 = arith.constant 1 : i32
        %get3A_1369 = arith.index_cast %get3A_1368 : i32 to index
        %get3A_1370 = arith.index_cast %mul3A_1367 : i32 to index
        %get3A_1371 = arith.constant 96 : index
        %get3A_1372 = tpu.vector_load %arg13[%get3A_1369, %get3A_1370, %get3A_1371] {strides = array<i32>} : memref<2x128x128xf32, #tpu.memory_space<vmem>>, vector<1x1x16xf32>,
        %get3A_1373 = vector.shape_cast %get3A_1372 : vector<1x1x16xf32> to vector<16xf32>
        %mul3A_1374 = arith.constant 4 : i32
        %mul3A_1375 = arith.muli %mul3A_1374, %add3A_1077 : i32
        %add3A_1376 = arith.constant 1 : i32
        %add3A_1377 = arith.addi %mul3A_1375, %add3A_1376 : i32
        %get3A_1378 = arith.constant 1 : i32
        %get3A_1379 = arith.index_cast %get3A_1378 : i32 to index
        %get3A_1380 = arith.index_cast %add3A_1377 : i32 to index
        %get3A_1381 = arith.constant 96 : index
        %get3A_1382 = tpu.vector_load %arg13[%get3A_1379, %get3A_1380, %get3A_1381] {strides = array<i32>} : memref<2x128x128xf32, #tpu.memory_space<vmem>>, vector<1x1x16xf32>,
        %get3A_1383 = vector.shape_cast %get3A_1382 : vector<1x1x16xf32> to vector<16xf32>
        %add3A_1384 = arith.addf %get3A_1373, %get3A_1383 : vector<16xf32>
        %mul3A_1385 = arith.constant 4 : i32
        %mul3A_1386 = arith.muli %mul3A_1385, %add3A_1077 : i32
        %add3A_1387 = arith.constant 2 : i32
        %add3A_1388 = arith.addi %mul3A_1386, %add3A_1387 : i32
        %get3A_1389 = arith.constant 1 : i32
        %get3A_1390 = arith.index_cast %get3A_1389 : i32 to index
        %get3A_1391 = arith.index_cast %add3A_1388 : i32 to index
        %get3A_1392 = arith.constant 96 : index
        %get3A_1393 = tpu.vector_load %arg13[%get3A_1390, %get3A_1391, %get3A_1392] {strides = array<i32>} : memref<2x128x128xf32, #tpu.memory_space<vmem>>, vector<1x1x16xf32>,
        %get3A_1394 = vector.shape_cast %get3A_1393 : vector<1x1x16xf32> to vector<16xf32>
        %add3A_1395 = arith.addf %add3A_1384, %get3A_1394 : vector<16xf32>
        %mul3A_1396 = arith.constant 4 : i32
        %mul3A_1397 = arith.muli %mul3A_1396, %add3A_1077 : i32
        %add3A_1398 = arith.constant 3 : i32
        %add3A_1399 = arith.addi %mul3A_1397, %add3A_1398 : i32
        %get3A_1400 = arith.constant 1 : i32
        %get3A_1401 = arith.index_cast %get3A_1400 : i32 to index
        %get3A_1402 = arith.index_cast %add3A_1399 : i32 to index
        %get3A_1403 = arith.constant 96 : index
        %get3A_1404 = tpu.vector_load %arg13[%get3A_1401, %get3A_1402, %get3A_1403] {strides = array<i32>} : memref<2x128x128xf32, #tpu.memory_space<vmem>>, vector<1x1x16xf32>,
        %get3A_1405 = vector.shape_cast %get3A_1404 : vector<1x1x16xf32> to vector<16xf32>
        %add3A_1406 = arith.addf %add3A_1395, %get3A_1405 : vector<16xf32>
        %add3A_1407 = arith.constant 32 : i32
        %add3A_1408 = arith.addi %add3A_1407, %add3A_1077 : i32
        %swap3A_1409 = arith.index_cast %add3A_1408 : i32 to index
        %swap3A_1410 = arith.constant 96 : index
        %swap3A_1411 = tpu.vector_load %arg15[%swap3A_1409, %swap3A_1410] {strides = array<i32>} : memref<64x128xf32, #tpu.memory_space<vmem>>, vector<1x16xf32>,
        %swap3A_1412 = vector.shape_cast %swap3A_1411 : vector<1x16xf32> to vector<16xf32>
        %swap3A_1413 = vector.shape_cast %add3A_1406 : vector<16xf32> to vector<1x16xf32>
        tpu.vector_store %arg15[%swap3A_1409, %swap3A_1410], %swap3A_1413 {strides = array<i32>} : memref<64x128xf32, #tpu.memory_space<vmem>>, vector<1x16xf32>,
        %mul3A_1414 = arith.constant 4 : i32
        %mul3A_1415 = arith.muli %mul3A_1414, %add3A_1077 : i32
        %get3A_1416 = arith.constant 1 : i32
        %get3A_1417 = arith.index_cast %get3A_1416 : i32 to index
        %get3A_1418 = arith.index_cast %mul3A_1415 : i32 to index
        %get3A_1419 = arith.constant 112 : index
        %get3A_1420 = tpu.vector_load %arg13[%get3A_1417, %get3A_1418, %get3A_1419] {strides = array<i32>} : memref<2x128x128xf32, #tpu.memory_space<vmem>>, vector<1x1x16xf32>,
        %get3A_1421 = vector.shape_cast %get3A_1420 : vector<1x1x16xf32> to vector<16xf32>
        %mul3A_1422 = arith.constant 4 : i32
        %mul3A_1423 = arith.muli %mul3A_1422, %add3A_1077 : i32
        %add3A_1424 = arith.constant 1 : i32
        %add3A_1425 = arith.addi %mul3A_1423, %add3A_1424 : i32
        %get3A_1426 = arith.constant 1 : i32
        %get3A_1427 = arith.index_cast %get3A_1426 : i32 to index
        %get3A_1428 = arith.index_cast %add3A_1425 : i32 to index
        %get3A_1429 = arith.constant 112 : index
        %get3A_1430 = tpu.vector_load %arg13[%get3A_1427, %get3A_1428, %get3A_1429] {strides = array<i32>} : memref<2x128x128xf32, #tpu.memory_space<vmem>>, vector<1x1x16xf32>,
        %get3A_1431 = vector.shape_cast %get3A_1430 : vector<1x1x16xf32> to vector<16xf32>
        %add3A_1432 = arith.addf %get3A_1421, %get3A_1431 : vector<16xf32>
        %mul3A_1433 = arith.constant 4 : i32
        %mul3A_1434 = arith.muli %mul3A_1433, %add3A_1077 : i32
        %add3A_1435 = arith.constant 2 : i32
        %add3A_1436 = arith.addi %mul3A_1434, %add3A_1435 : i32
        %get3A_1437 = arith.constant 1 : i32
        %get3A_1438 = arith.index_cast %get3A_1437 : i32 to index
        %get3A_1439 = arith.index_cast %add3A_1436 : i32 to index
        %get3A_1440 = arith.constant 112 : index
        %get3A_1441 = tpu.vector_load %arg13[%get3A_1438, %get3A_1439, %get3A_1440] {strides = array<i32>} : memref<2x128x128xf32, #tpu.memory_space<vmem>>, vector<1x1x16xf32>,
        %get3A_1442 = vector.shape_cast %get3A_1441 : vector<1x1x16xf32> to vector<16xf32>
        %add3A_1443 = arith.addf %add3A_1432, %get3A_1442 : vector<16xf32>
        %mul3A_1444 = arith.constant 4 : i32
        %mul3A_1445 = arith.muli %mul3A_1444, %add3A_1077 : i32
        %add3A_1446 = arith.constant 3 : i32
        %add3A_1447 = arith.addi %mul3A_1445, %add3A_1446 : i32
        %get3A_1448 = arith.constant 1 : i32
        %get3A_1449 = arith.index_cast %get3A_1448 : i32 to index
        %get3A_1450 = arith.index_cast %add3A_1447 : i32 to index
        %get3A_1451 = arith.constant 112 : index
        %get3A_1452 = tpu.vector_load %arg13[%get3A_1449, %get3A_1450, %get3A_1451] {strides = array<i32>} : memref<2x128x128xf32, #tpu.memory_space<vmem>>, vector<1x1x16xf32>,
        %get3A_1453 = vector.shape_cast %get3A_1452 : vector<1x1x16xf32> to vector<16xf32>
        %add3A_1454 = arith.addf %add3A_1443, %get3A_1453 : vector<16xf32>
        %add3A_1455 = arith.constant 32 : i32
        %add3A_1456 = arith.addi %add3A_1455, %add3A_1077 : i32
        %swap3A_1457 = arith.index_cast %add3A_1456 : i32 to index
        %swap3A_1458 = arith.constant 112 : index
        %swap3A_1459 = tpu.vector_load %arg15[%swap3A_1457, %swap3A_1458] {strides = array<i32>} : memref<64x128xf32, #tpu.memory_space<vmem>>, vector<1x16xf32>,
        %swap3A_1460 = vector.shape_cast %swap3A_1459 : vector<1x16xf32> to vector<16xf32>
        %swap3A_1461 = vector.shape_cast %add3A_1454 : vector<16xf32> to vector<1x16xf32>
        tpu.vector_store %arg15[%swap3A_1457, %swap3A_1458], %swap3A_1461 {strides = array<i32>} : memref<64x128xf32, #tpu.memory_space<vmem>>, vector<1x16xf32>,
        %scan3A_1462 = arith.constant 0 : i32
        scf.yield %scan3A_1462 : i32
      }
      %scan3A_669 = arith.constant 16 : i32
      %mul3A_670 = arith.constant 3136 : i32
      %mul3A_671 = arith.muli %add3A, %mul3A_670 : i32
      %mul3A_672 = arith.constant 64 : i32
      %mul3A_673 = arith.muli %add3A_655, %mul3A_672 : i32
      %min3A_674 = arith.constant 3072 : i32
      %min3A_675 = arith.minsi %mul3A_673, %min3A_674 : i32
      %add3A_676 = arith.addi %mul3A_671, %min3A_675 : i32
      %min3A_677 = arith.constant 99936 : i32
      %min3A_678 = arith.minsi %add3A_676, %min3A_677 : i32
      %dma_start3A_679 = arith.constant 0 : i32
      %dma_start3A_680 = tpu.memref_slice %arg5[%min3A_678, %dma_start3A_679] : memref<100000x128xf32, #tpu.memory_space<hbm>> -> memref<64x128xf32, #tpu.memory_space<hbm>>
      %dma_start3A_681 = arith.constant 0 : i32
      %dma_start3A_682 = tpu.memref_slice %arg5[%min3A_678, %dma_start3A_681] : memref<100000x128xf32, #tpu.memory_space<hbm>> -> memref<64x128xf32, #tpu.memory_space<hbm>>
      tpu.enqueue_dma source(%arg15 : memref<64x128xf32, #tpu.memory_space<vmem>>) target(%dma_start3A_682 : memref<64x128xf32, #tpu.memory_space<hbm>>) target_semaphore(%arg20 : memref<!tpu.dma_semaphore, #tpu.memory_space<semaphore_mem>>)
      %scan3A_683 = arith.constant 0 : i32
      scf.yield %scan3A_683 : i32
    }
    %scan3A_195 = arith.constant 25 : i32
    %dma_wait3A = arith.constant 0 : i32
    %dma_wait3A_196 = arith.constant 0 : i32
    %dma_wait3A_197 = arith.constant 0 : i32
    %dma_wait3A_198 = tpu.memref_slice %arg12[%dma_wait3A, %dma_wait3A_196, %dma_wait3A_197] : memref<2x128x128xf32, #tpu.memory_space<vmem>> -> memref<1x128x128xf32, #tpu.memory_space<vmem>>
    %dma_wait3A_199 = tpu.memref_squeeze %dma_wait3A_198 : memref<1x128x128xf32, #tpu.memory_space<vmem>> -> memref<128x128xf32, #tpu.memory_space<vmem>>
    %dma_wait3A_200 = arith.constant 0 : i32
    %dma_wait3A_201 = arith.constant 0 : i32
    %dma_wait3A_202 = tpu.memref_slice %arg2[%dma_wait3A_200, %dma_wait3A_201] : memref<200704x128xf32, #tpu.memory_space<hbm>> -> memref<200704x128xf32, #tpu.memory_space<hbm>>
    tpu.wait_indirect_dma semaphore(%arg17 : memref<!tpu.dma_semaphore, #tpu.memory_space<semaphore_mem>>) src(%dma_wait3A_202 : memref<200704x128xf32, #tpu.memory_space<hbm>>) dst(%dma_wait3A_199 : memref<128x128xf32, #tpu.memory_space<vmem>>)
    %dma_wait3A_203 = arith.constant 1 : i32
    %dma_wait3A_204 = arith.constant 0 : i32
    %dma_wait3A_205 = arith.constant 0 : i32
    %dma_wait3A_206 = tpu.memref_slice %arg12[%dma_wait3A_203, %dma_wait3A_204, %dma_wait3A_205] : memref<2x128x128xf32, #tpu.memory_space<vmem>> -> memref<1x128x128xf32, #tpu.memory_space<vmem>>
    %dma_wait3A_207 = tpu.memref_squeeze %dma_wait3A_206 : memref<1x128x128xf32, #tpu.memory_space<vmem>> -> memref<128x128xf32, #tpu.memory_space<vmem>>
    %dma_wait3A_208 = arith.constant 0 : i32
    %dma_wait3A_209 = arith.constant 0 : i32
    %dma_wait3A_210 = tpu.memref_slice %arg2[%dma_wait3A_208, %dma_wait3A_209] : memref<200704x128xf32, #tpu.memory_space<hbm>> -> memref<200704x128xf32, #tpu.memory_space<hbm>>
    tpu.wait_indirect_dma semaphore(%arg17 : memref<!tpu.dma_semaphore, #tpu.memory_space<semaphore_mem>>) src(%dma_wait3A_210 : memref<200704x128xf32, #tpu.memory_space<hbm>>) dst(%dma_wait3A_207 : memref<128x128xf32, #tpu.memory_space<vmem>>)
    tpu.wait_dma2 semaphore(%arg19 : memref<!tpu.dma_semaphore, #tpu.memory_space<semaphore_mem>>) src(%arg14 : memref<64x128xf32, #tpu.memory_space<vmem>>) dst(%arg6 : memref<64x128xf32, #tpu.memory_space<hbm>>)
    tpu.wait_dma2 semaphore(%arg20 : memref<!tpu.dma_semaphore, #tpu.memory_space<semaphore_mem>>) src(%arg15 : memref<64x128xf32, #tpu.memory_space<vmem>>) dst(%arg6 : memref<64x128xf32, #tpu.memory_space<hbm>>)
    return
  }
}

module attributes {stable_mosaic.version = 14 : i64} {
  func.func @_mm_body(%arg0: i32, %arg1: memref<2048x128xf32, #tpu.memory_space<vmem>>, %arg2: memref<2x128x128xf32, #tpu.memory_space<vmem>>, %arg3: memref<1x128xf32, #tpu.memory_space<vmem>>, %arg4: memref<2x2048x128xf32, #tpu.memory_space<vmem>>) attributes {dimension_semantics = [#tpu.dimension_semantics<arbitrary>], iteration_bounds = array<i64: 49>, scalar_prefetch = 0 : i64, scratch_operands = 0 : i64, tpu.core_type = #tpu.core_type<tc>, window_params = [{transform_indices = @transform_0, window_bounds = array<i64: 2048, 128>}, {pipeline_mode = #tpu.pipeline_mode<synchronous>, transform_indices = @transform_1, window_bounds = array<i64: 2, 128, 128>}, {pipeline_mode = #tpu.pipeline_mode<synchronous>, transform_indices = @transform_2, window_bounds = array<i64: 1, 128>}, {transform_indices = @transform_3, window_bounds = array<i64: 2, 2048, 128>}]} {
    %get3A = arith.constant 0 : index
    %get3A_0 = arith.constant 0 : index
    %get3A_1 = vector.load %arg1[%get3A, %get3A_0] : memref<2048x128xf32, #tpu.memory_space<vmem>>, vector<2048x128xf32>
    %get3A_2 = arith.constant 0 : index
    %get3A_3 = arith.constant 0 : index
    %get3A_4 = arith.constant 0 : index
    %get3A_5 = vector.load %arg2[%get3A_2, %get3A_3, %get3A_4] : memref<2x128x128xf32, #tpu.memory_space<vmem>>, vector<1x128x128xf32>
    %get3A_6 = vector.shape_cast %get3A_5 : vector<1x128x128xf32> to vector<128x128xf32>
    %dot_general3A = arith.constant dense<0.000000e+00> : vector<2048x128xf32>
    %dot_general3A_7 = tpu.matmul %get3A_1, %get3A_6, %dot_general3A {dimension_numbers = #tpu.dot_dimension_numbers<[1], [1], [0], [0], [0, 0, 1, 0], [], []>, transpose_lhs_hint = false} : vector<2048x128xf32>, vector<128x128xf32>, vector<2048x128xf32> -> vector<2048x128xf32>
    %get3A_8 = arith.constant 1 : index
    %get3A_9 = arith.constant 0 : index
    %get3A_10 = arith.constant 0 : index
    %get3A_11 = vector.load %arg2[%get3A_8, %get3A_9, %get3A_10] : memref<2x128x128xf32, #tpu.memory_space<vmem>>, vector<1x128x128xf32>
    %get3A_12 = vector.shape_cast %get3A_11 : vector<1x128x128xf32> to vector<128x128xf32>
    %dot_general3A_13 = arith.constant dense<0.000000e+00> : vector<2048x128xf32>
    %dot_general3A_14 = tpu.matmul %get3A_1, %get3A_12, %dot_general3A_13 {dimension_numbers = #tpu.dot_dimension_numbers<[1], [1], [0], [0], [0, 0, 1, 0], [], []>, transpose_lhs_hint = false} : vector<2048x128xf32>, vector<128x128xf32>, vector<2048x128xf32> -> vector<2048x128xf32>
    %get3A_15 = arith.constant 0 : index
    %get3A_16 = arith.constant 0 : index
    %get3A_17 = vector.load %arg3[%get3A_15, %get3A_16] : memref<1x128xf32, #tpu.memory_space<vmem>>, vector<1x128xf32>
    %add3A = vector.broadcast %get3A_17 : vector<1x128xf32> to vector<2048x128xf32>
    %add3A_18 = arith.addf %dot_general3A_7, %add3A : vector<2048x128xf32>
    %swap3A = arith.constant 0 : index
    %swap3A_19 = arith.constant 0 : index
    %swap3A_20 = arith.constant 0 : index
    %swap3A_21 = vector.load %arg4[%swap3A, %swap3A_19, %swap3A_20] : memref<2x2048x128xf32, #tpu.memory_space<vmem>>, vector<1x2048x128xf32>
    %swap3A_22 = vector.shape_cast %swap3A_21 : vector<1x2048x128xf32> to vector<2048x128xf32>
    %swap3A_23 = vector.shape_cast %add3A_18 : vector<2048x128xf32> to vector<1x2048x128xf32>
    tpu.vector_store %arg4[%swap3A, %swap3A_19, %swap3A_20], %swap3A_23 {strides = array<i32>} : memref<2x2048x128xf32, #tpu.memory_space<vmem>>, vector<1x2048x128xf32>,
    %swap3A_24 = arith.constant 1 : index
    %swap3A_25 = arith.constant 0 : index
    %swap3A_26 = arith.constant 0 : index
    %swap3A_27 = vector.load %arg4[%swap3A_24, %swap3A_25, %swap3A_26] : memref<2x2048x128xf32, #tpu.memory_space<vmem>>, vector<1x2048x128xf32>
    %swap3A_28 = vector.shape_cast %swap3A_27 : vector<1x2048x128xf32> to vector<2048x128xf32>
    %swap3A_29 = vector.shape_cast %dot_general3A_14 : vector<2048x128xf32> to vector<1x2048x128xf32>
    tpu.vector_store %arg4[%swap3A_24, %swap3A_25, %swap3A_26], %swap3A_29 {strides = array<i32>} : memref<2x2048x128xf32, #tpu.memory_space<vmem>>, vector<1x2048x128xf32>,
    return
  }
  func.func @transform_0(%arg0: i32) -> (i32, i32) {
    %c0_i32 = arith.constant 0 : i32
    %c0_i32_0 = arith.constant 0 : i32
    return %arg0, %c0_i32 : i32, i32
  }
  func.func @transform_1(%arg0: i32) -> (i32, i32, i32) {
    %c0_i32 = arith.constant 0 : i32
    %c0_i32_0 = arith.constant 0 : i32
    %c0_i32_1 = arith.constant 0 : i32
    %c0_i32_2 = arith.constant 0 : i32
    return %c0_i32, %c0_i32_0, %c0_i32_1 : i32, i32, i32
  }
  func.func @transform_2(%arg0: i32) -> (i32, i32) {
    %c0_i32 = arith.constant 0 : i32
    %c0_i32_0 = arith.constant 0 : i32
    %c0_i32_1 = arith.constant 0 : i32
    return %c0_i32, %c0_i32_0 : i32, i32
  }
  func.func @transform_3(%arg0: i32) -> (i32, i32, i32) {
    %c0_i32 = arith.constant 0 : i32
    %c0_i32_0 = arith.constant 0 : i32
    %c0_i32_1 = arith.constant 0 : i32
    return %c0_i32, %arg0, %c0_i32_0 : i32, i32, i32
  }
}

</mosaic_0001>

<sc_bundles>
// kernel: kernel.4.cloned.1.call-start
scs
__scs_entry_jumppad:
0x0: {  	(pc) =	sbr.rel $0x88, $3  }
0x1: {  	(tag) =	ssettag $0x0;
	lr =	simm.s32 $0x1  }
0x2: {  	[smem:$0x3F9D] =	sst lr;
	_ =	strace $0xD0000000  }
0x3: {  	_ = 	snop  }
0x4: {  	_ = 	snop  }
0x5: {  	_ = 	snop  }
0x6: {  	_ = 	snop  }
0x7: {  	_ = 	snop  }
__scs_overlays_trampoline_lowered:
0x8: {  	[smem:$0x3FAC] =	sst s0  }
0x9: {  	[smem:$0x3FAD] =	sst s1  }
0xa: {  	[smem:$0x3FAE] =	sst s2  }
0xb: {  	[smem:$0x3FAF] =	sst s3  }
0xc: {  	[smem:$0x3FB0] =	sst s4  }
0xd: {  	[smem:$0x3FB1] =	sst s5  }
0xe: {  	[smem:$0x3FB2] =	sst s6  }
0xf: {  	[smem:$0x3FB3] =	sst s7  }
0x10: {  	[smem:$0x3FB4] =	sst s8  }
0x11: {  	[smem:$0x3FB5] =	sst s9;
	s0 =	simm.s32 @!p0 $0x0  }
0x12: {  	s1 =	sld [smem:$0x3F9B];
	s0 =	simm.s32 @p0 $0x1  }
0x13: {  	[smem:$0x3FB6] =	sst s0;
	s0 =	simm.s32 @!p1 $0x0  }
0x14: {  	s2 =	sld [smem:$0x3F9A];
	s0 =	simm.s32 @p1 $0x1  }
0x15: {  	[smem:$0x3FB7] =	sst s0;
	s0 =	simm.s32 @!p2 $0x0  }
0x16: {  	s3 =	sld [smem:$0x3FDB];
	s0 =	simm.s32 @p2 $0x1  }
0x17: {  	s4 =	simm.s32 $0x1BF5;
	[smem:$0x3FB9] =	sst s0  }
0x18: {  	s0 =	sld [smem:$0x3F9C];
	_ =	swait.ge [sflag:s4], $0x0  }
0x19: {  	s7 =	sld [smem:$0x3F9D]  }
0x1a: {  	s8 =	sadd.s32 $0xFFFFE003, lr  }
0x1b: {  	s9 =	sadd.s32 $0xFFFFFEF7, lr;
	s5 =	simm.s32 $0xFFFFFFFF;
	p2 =	slt.u32 s8, $0xFFFFF086  }
0x1c: {  	p1 =	slt.u32 s9, $0xF7A;
	s5 =	simm.s32 @!p2 $0x0  }
0x1d: {  	s5 =	simm.s32 @p1 $0x1;
	p0 =	seq.s32 s7, s2  }
0x1e: {  	s7 =	smul.u32 @!p0 $0xF7A, s2;
	p2 =	seq.s32 @!p0 s5, $0x0  }
0x1f: {  	s9 =	smul.u32 $0xF7A, s1;
	s8 =	simm.s32 @!p0 $0x1BF5;
	p2 =	por !p2, p0  }
0x20: {  	[sflag:s8] =	ssyncset.s32 @!p0 $0xFFFFF086;
	s6 =	sadd.s32 @!p0 s3, s7;
	s7 =	simm.s32 @!p0 $0x108  }
0x21: {  	s3 =	sadd.s32 s3, s9;
	s6 =	sadd.s32 @!p0 $0x88, s6;
	s7 =	simm.s32 @p2 $0x1082  }
0x22: {  	[simem:s7], [sflag:s8] =	dma.local @!p0 [hbm:s6], $0xF7A  }
0x23: {  	s9 =	sor.u32 $0xD0000000, s2;
	s6 =	simm.s32 $0x108;
	_ =	swait.ge @!p0 [sflag:s8], $0x0  }
0x24: {  	s3 =	sadd.s32 $0x88, s3;
	s6 =	simm.s32 @!p1 $0x1082;
	[sflag:s4] =	ssyncset.s32 $0xFFFFF086  }
0x25: {  	[simem:s6], [sflag:s4] =	dma.local [hbm:s3], $0xF7A  }
0x26: {  	[smem:$0x3F9D] =	sst s1;
	(tag) =	ssettag s2;
	_ =	strace s9  }
0x27: {  	s1 =	sld [smem:$0x3FAD]  }
0x28: {  	s2 =	sld [smem:$0x3FAE]  }
0x29: {  	s4 =	sld [smem:$0x3FB0]  }
0x2a: {  	p0 =	seq.s32 s5, $0x0;
	s5 =	sld [smem:$0x3FB1]  }
0x2b: {  	s6 =	sld [smem:$0x3FB2]  }
0x2c: {  	s7 =	sld [smem:$0x3FB3]  }
0x2d: {  	s3 =	simm.s32 $0x108;
	s8 =	sld [smem:$0x3FB4]  }
0x2e: {  	s3 =	simm.s32 @!p0 $0x1082;
	s9 =	sld [smem:$0x3FB5]  }
0x2f: {  	lr =	sadd.s32 s0, s3;
	s0 =	sld [smem:$0x3FAC]  }
0x30: {  	s3 =	sld [smem:$0x3FAF]  }
0x31: {  	[smem:$0x3FB8] =	sst s10  }
0x32: {  	s10 =	sld [smem:$0x3FB6];
	_ =	sdelay $0x3  }
0x33: {  	p0 =	seq.s32 s10, $0x1;
	s10 =	sld [smem:$0x3FB8];
	_ =	sdelay $0x3  }
0x34: {  	[smem:$0x3FB8] =	sst s10  }
0x35: {  	s10 =	sld [smem:$0x3FB7];
	_ =	sdelay $0x3  }
0x36: {  	p1 =	seq.s32 s10, $0x1;
	s10 =	sld [smem:$0x3FB8];
	_ =	sdelay $0x3  }
0x37: {  	[smem:$0x3FB8] =	sst s10  }
0x38: {  	s10 =	sld [smem:$0x3FB9]  }
0x39: {  	_ = 	snop;
	(pc) =	sbr.ind lr, $3  }
0x3a: {  	_ = 	snop  }
0x3b: {  	_ = 	snop  }
0x3c: {  	p2 =	seq.s32 s10, $0x1;
	s10 =	sld [smem:$0x3FB8]  }
0x3d: {  	_ =	shalt  }
0x3e: {  	_ =	shalt  }
0x3f: {  	_ =	shalt  }
0x40: {  	_ =	shalt  }
0x41: {  	_ =	shalt  }
0x42: {  	_ =	shalt  }
0x43: {  	_ =	shalt  }
0x44: {  	_ =	shalt  }
0x45: {  	_ =	shalt  }
0x46: {  	_ =	shalt  }
0x47: {  	_ =	shalt  }
0x48: {  	_ =	shalt  }
0x49: {  	_ =	shalt  }
0x4a: {  	_ =	shalt  }
0x4b: {  	_ =	shalt  }
0x4c: {  	_ =	shalt  }
0x4d: {  	_ =	shalt  }
0x4e: {  	_ =	shalt  }
0x4f: {  	_ =	shalt  }
0x50: {  	_ =	shalt  }
0x51: {  	_ =	shalt  }
0x52: {  	_ =	shalt  }
0x53: {  	_ =	shalt  }
0x54: {  	_ =	shalt  }
0x55: {  	_ =	shalt  }
0x56: {  	_ =	shalt  }
0x57: {  	_ =	shalt  }
0x58: {  	_ =	shalt  }
0x59: {  	_ =	shalt  }
0x5a: {  	_ =	shalt  }
0x5b: {  	_ =	shalt  }
0x5c: {  	_ =	shalt  }
0x5d: {  	_ =	shalt  }
0x5e: {  	_ =	shalt  }
0x5f: {  	_ =	shalt  }
0x60: {  	_ =	shalt  }
0x61: {  	_ =	shalt  }
0x62: {  	_ =	shalt  }
0x63: {  	_ =	shalt  }
0x64: {  	_ =	shalt  }
0x65: {  	_ =	shalt  }
0x66: {  	_ =	shalt  }
0x67: {  	_ =	shalt  }
0x68: {  	_ =	shalt  }
0x69: {  	_ =	shalt  }
0x6a: {  	_ =	shalt  }
0x6b: {  	_ =	shalt  }
0x6c: {  	_ =	shalt  }
0x6d: {  	_ =	shalt  }
0x6e: {  	_ =	shalt  }
0x6f: {  	_ =	shalt  }
0x70: {  	_ =	shalt  }
0x71: {  	_ =	shalt  }
0x72: {  	_ =	shalt  }
0x73: {  	_ =	shalt  }
0x74: {  	_ =	shalt  }
0x75: {  	_ =	shalt  }
0x76: {  	_ =	shalt  }
0x77: {  	_ =	shalt  }
0x78: {  	_ =	shalt  }
0x79: {  	_ =	shalt  }
0x7a: {  	_ =	shalt  }
0x7b: {  	_ =	shalt  }
0x7c: {  	_ =	shalt  }
0x7d: {  	_ =	shalt  }
0x7e: {  	_ =	shalt  }
0x7f: {  	_ =	shalt  }
0x80: {  	_ =	shalt  }
0x81: {  	_ =	shalt  }
0x82: {  	_ =	shalt  }
0x83: {  	_ =	shalt  }
0x84: {  	_ =	shalt  }
0x85: {  	_ =	shalt  }
0x86: {  	_ =	shalt  }
0x87: {  	_ =	shalt  }
.Lfunc_end0:
.L_simem_size_0:
called_computation_lowered:
.L_overlay_start_0:
0x88: {  	s2 =	sld [smem:$0x3FD9]  }
0x89: {  	s3 =	sld [smem:$0x3FFE];
	_ =	sdelay $0x1  }
0x8a: {  	s1 =	srdreg.scid  }
0x8b: {  	s0 =	sand.u32 $0x1, s1  }
0x8c: {  	s17 =	sshll.u32 s0, $0xA;
	s2 =	sadd.s32 s3, s2  }
0x8d: {  	s2 =	sadd.s32 s2, s17  }
0x8e: {  	[smem:$0x3FC4] =	sst s2  }
0x8f: {  	_ = 	snop  }
0x90: {  	s2 =	sld [smem:$0x3FD0];
	(tm) =	ssettm $0x1  }
0x91: {  	s18 =	sld [smem:$0x3FFB];
	_ =	sdelay $0x3  }
0x92: {  	_ =	strace s18  }
0x93: {  	s3 =	sld [smem:$0x3FFC];
	_ =	sdelay $0x3  }
0x94: {  	_ =	strace s3  }
0x95: {  	s3 =	sld [smem:$0x3FFD];
	_ =	sdelay $0x3  }
0x96: {  	_ =	strace s3  }
0x97: {  	_ =	strace $0x8FFFFFFF  }
0x98: {  	s19 =	sld [smem:$0x3FDB];
	_ =	sdelay $0x1  }
0x99: {  	s4 =	simm.s32 $_scs_section_size  }
0x9a: {  	s5 =	simm.s32 $_size__tile_overlayer_lowered;
	s6 =	simm.s32 $_tile_overlayer_lowered  }
0x9b: {  	s22 =	simm.s32 $0x1BFF;
	s21 =	sshll.u32 s6, $0x1;
	s3 =	sadd.s32 s4, s19  }
0x9c: {  	s7 =	simm.s32 $0x0;
	s20 =	sshll.u32 s5, $0x1;
	s5 =	sadd.s32 s21, s3  }
0x9d: {  	[timem:s7], [sflag:s22] =	dma.local [hbm:s5], s20  }
0x9e: {  	_ =	swait.ge [sflag:s22], s20  }
0x9f: {  	s4 =	ssub.s32 $0x0, s20;
	[sflag:s22] =	ssyncset.done $0x0  }
0xa0: {  	[sflag:s22] =	ssyncadd.s32 s4;
	_ =	sdelay $0x1  }
0xa1: {  	s23 =	simm.s32 $0x1B8B  }
0xa2: {  	_ =	swait.ge [sflag:s23], $0x1  }
0xa3: {  	[sflag:s23] =	ssyncset.done $0x0  }
0xa4: {  	s25 =	simm.s32 $0x1B8E;
	s24 =	sld [smem:$0x3FFE];
	[sflag:s23] =	ssyncadd.s32 $0xFFFFFFFF  }
0xa5: {  	s26 =	simm.s32 $execute0_lowered;
	[smem:$0x3FD2] =	sst s25  }
0xa6: {  	s5 =	sshll.u32 s26, $0x1;
	_ =	strace $0x80000046;
	[dreg:$0x1] =	wrdreg $0xFFFFFFFF  }
0xa7: {  	s28 =	simm.s32 $_size_execute0_lowered;
	s3 =	sadd.s32 s3, s5;
	[dreg:$0x0] =	wrdreg $0x0  }
0xa8: {  	s5 =	sshll.u32 s28, $0x1;
	[dreg:$0x2] =	wrdreg s3  }
0xa9: {  	[dreg:$0x3] =	wrdreg s5  }
0xaa: {  	[dreg:$0x4] =	wrdreg $0xC0  }
0xab: {  	_ =	task [dreg:s7], $0x5FFFF  }
0xac: {  	[dreg:$0x1] =	wrdreg $0xFFFFFFFF  }
0xad: {  	[dreg:$0x0] =	wrdreg $0x60  }
0xae: {  	[dreg:$0x2] =	wrdreg s24  }
0xaf: {  	[dreg:$0x3] =	wrdreg s2  }
0xb0: {  	[dreg:$0x4] =	wrdreg $0x9  }
0xb1: {  	_ =	task.clear_ibuf [dreg:s7], $0x5FFFF;
	_ =	strace $0x90000046  }
0xb2: {  	s29 =	simm.s32 $0x9;
	_ =	strace $0x80000048  }
0xb3: {  	_ =	swait.ge [sflag:s29], $0x1  }
0xb4: {  	[sflag:s29] =	ssyncadd.s32 $0xFFFFFFFF  }
0xb5: {  	_ =	strace $0x90000048  }
0xb6: {  	_ =	sfence  }
0xb7: {  	s30 =	sld [smem:$0x0];
	_ =	sdelay $0x2  }
0xb8: {  	s31 =	sshll.u32 s1, $0xD;
	s1 =	sshrl.u32 s1, $0x2  }
0xb9: {  	s3 =	sand.u32 $0x4000, s31;
	s1 =	sadd.s32 s1, s30  }
0xba: {  	s0 =	sor.u32 s3, s0;
	s1 =	sshll.u32 s1, $0x11  }
0xbb: {  	s0 =	sor.u32 s1, s0  }
0xbc: {  	s0 =	sadd.s32 $0x8F2B, s0  }
0xbd: {  	[sflag:s0] =	ssyncadd.remote.s32 $0x1  }
0xbe: {  	_ =	sfence.sel $0xFFFF  }
0xbf: {  	[dreg:$0x0] =	wrdreg $0xFFFFFFFF;
	(pc) =	sbr.abs _section_cstart, $3  }
0xc0: {  	[dreg:$0x1] =	wrdreg $0xFFFFFFFF  }
0xc1: {  	_ =	task.clear_ibuf [dreg:s7], $0x2FFFF;
	_ =	strace $0x9FFFFFFF  }
0xc2: {  	(tm) =	ssettm $0x7FFFFFFF  }
0xc3: {  	_ =	shalt  }
tec
execute0_lowered:
.L_overlay_start_1:
0x0: {  	(tag) =	ssettag $0x1  }
0x1: {  	s0 =	srdreg.scid  }
0x2: {  	s1 =	stileid.u32;
	s6 =	rddreg [dreg:$0x0]  }
0x3: {  	s2 =	rddreg [dreg:$0x1];
	s3 =	simm.s32 $0x0;
	s15 =	simm.s32 $0x13300  }
0x4: {  	s16 =	simm.s32 $0x15300;
	s17 =	simm.s32 $0x80;
	s18 =	simm.s32 $0x3100  }
0x5: {  	s19 =	simm.s32 $0x3300;
	s20 =	simm.s32 $0x3180;
	s21 =	simm.s32 $0x7300  }
0x6: {  	s22 =	simm.s32 $0x3200;
	s23 =	simm.s32 $0xB300;
	s28 =	simm.s32 $0x3  }
0x7: {  	s29 =	simm.s32 $0x2;
	s30 =	simm.s32 $0x4;
	s31 =	simm.s32 $0x0  }
0x8: {  	s0 =	sand.u32 $0x1, s0;
	s1 =	sshll.u32 s1, $0x1;
	[smem:$0x7FF] =	sst s3  }
0x9: {  	s24 =	sadd.s32 $0xA00, s6;
	s25 =	sadd.s32 $0x31D000, s6;
	s1 =	sor.u32 s0, s1  }
0xa: {  	_ =	strace $0x80000047;
	[dreg:$0x3] =	wrdreg s24;
	s8 =	smul.u32 $0x3100, s1  }
0xb: {  	s5 =	sadd.s32 $0xD000, s6;
	s0 =	ssub.s32 $0x2, s0;
	[dreg:$0x4] =	wrdreg s25  }
0xc: {  	s24 =	simm.s32 $0x3280;
	s10 =	sshrl.u32 s0, $0x1;
	s4 =	smin.u32 s8, $0x5E980  }
0xd: {  	s25 =	simm.s32 $0xF300;
	s0 =	ssub.s32 s0, s10;
	s7 =	sshrl.u32 s4, $0x3  }
0xe: {  	s0 =	smax.u32 s0, $0x1;
	s9 =	sadd.s32 s7, s6;
	s7 =	smul.u32 $0xC40, s1  }
0xf: {  	s10 =	ssub.s32 s8, s4;
	[dreg:$0x6] =	wrdreg s0;
	s26 =	sadd.s32 $0xC00, s9  }
0x10: {  	[dreg:$0x5] =	wrdreg s26;
	s11 =	sadd.s32 $0x80, s7;
	s26 =	simm.s32 $0x1  }
.LBB2_1:
0x11: {  	s0 =	rddreg [dreg:$0x3];
	s1 =	simm.s32 $0x17300;
	s12 =	simm.s32 $0x5  }
0x12: {  	[tilespmem:s1], [sflag:$0x5] =	stream.linear.gather [hbm4b:s0+s3], $0x80, $0x38;
	[tilespmem:$0x17380] =	vst v63  }
0x13: {  	_ =	swait.ge [sflag:s12], $0x80  }
0x14: {  	[sflag:s12] =	ssyncset.done $0x0  }
0x15: {  	s13 =	rddreg [dreg:$0x5];
	[sflag:s12] =	ssyncadd.s32 $0xFFFFFF80  }
0x16: {  	v0 =	vld [tilespmem:$0x17300];
	[tilespmem:s3], [sflag:$0x5] =	stream.linear.gather [hbm4b:s13+s3], $0x3100, $0x38  }
0x17: {  	_ =	swait.ge [sflag:s12], $0x3100  }
0x18: {  	[sflag:s12] =	ssyncset.done $0x0  }
0x19: {  	s14 =	rddreg [dreg:$0x4];
	[sflag:s12] =	ssyncadd.s32 $0xFFFFCF00  }
0x1a: {  	[hbm4b:s14+s3] =	stream.linear.scatter [tilespmem:s15], [sflag:$0x3], $0x2000, $0x38;
	[tilespmem:$0x17380] =	vst v63  }
0x1b: {  	_ = 	snop  }
0x1c: {  	[hbm4b:s14+s3] =	stream.linear.scatter [tilespmem:s16], [sflag:$0x4], $0x2000, $0x38;
	[tilespmem:$0x17380] =	vst v63  }
0x1d: {  	v1 =	vld [tilespmem:s10+$0x0];
	_ =	sdelay $0x4  }
0x1e: {  	v1 =	vadd.s32 v0, v1  }
0x1f: {  	[tilespmem:$0x3100] =	vst v1  }
0x20: {  	v1 =	vld [tilespmem:s10+$0x10];
	_ =	sdelay $0x4  }
0x21: {  	v1 =	vadd.s32 v0, v1  }
0x22: {  	[tilespmem:$0x3110] =	vst v1  }
0x23: {  	v1 =	vld [tilespmem:s10+$0x20];
	_ =	sdelay $0x4  }
0x24: {  	v1 =	vadd.s32 v0, v1  }
0x25: {  	[tilespmem:$0x3120] =	vst v1  }
0x26: {  	v1 =	vld [tilespmem:s10+$0x30];
	_ =	sdelay $0x4  }
0x27: {  	v1 =	vadd.s32 v0, v1  }
0x28: {  	[tilespmem:$0x3130] =	vst v1  }
0x29: {  	v1 =	vld [tilespmem:s10+$0x40];
	_ =	sdelay $0x4  }
0x2a: {  	v1 =	vadd.s32 v0, v1  }
0x2b: {  	[tilespmem:$0x3140] =	vst v1  }
0x2c: {  	v1 =	vld [tilespmem:s10+$0x50];
	_ =	sdelay $0x4  }
0x2d: {  	v1 =	vadd.s32 v0, v1  }
0x2e: {  	[tilespmem:$0x3150] =	vst v1  }
0x2f: {  	v1 =	vld [tilespmem:s10+$0x60];
	_ =	sdelay $0x4  }
0x30: {  	v1 =	vadd.s32 v0, v1  }
0x31: {  	[tilespmem:$0x3160] =	vst v1  }
0x32: {  	v1 =	vld [tilespmem:s10+$0x70];
	_ =	sdelay $0x4  }
0x33: {  	v1 =	vadd.s32 v0, v1  }
0x34: {  	[tilespmem:$0x3170] =	vst v1  }
0x35: {  	v1 =	vld [tilespmem:s10+$0x80];
	_ =	sdelay $0x4  }
0x36: {  	v1 =	vadd.s32 v0, v1  }
0x37: {  	[tilespmem:$0x3180] =	vst v1  }
0x38: {  	v1 =	vld [tilespmem:s10+$0x90];
	_ =	sdelay $0x4  }
0x39: {  	v1 =	vadd.s32 v0, v1  }
0x3a: {  	[tilespmem:$0x3190] =	vst v1  }
0x3b: {  	v1 =	vld [tilespmem:s10+$0xA0];
	_ =	sdelay $0x4  }
0x3c: {  	v1 =	vadd.s32 v0, v1  }
0x3d: {  	[tilespmem:$0x31A0] =	vst v1  }
0x3e: {  	v1 =	vld [tilespmem:s10+$0xB0];
	_ =	sdelay $0x4  }
0x3f: {  	v1 =	vadd.s32 v0, v1  }
0x40: {  	[tilespmem:$0x31B0] =	vst v1  }
0x41: {  	v1 =	vld [tilespmem:s10+$0xC0];
	_ =	sdelay $0x4  }
0x42: {  	v1 =	vadd.s32 v0, v1  }
0x43: {  	[tilespmem:$0x31C0] =	vst v1  }
0x44: {  	v1 =	vld [tilespmem:s10+$0xD0];
	_ =	sdelay $0x4  }
0x45: {  	v1 =	vadd.s32 v0, v1  }
0x46: {  	[tilespmem:$0x31D0] =	vst v1  }
0x47: {  	v1 =	vld [tilespmem:s10+$0xE0];
	_ =	sdelay $0x4  }
0x48: {  	v1 =	vadd.s32 v0, v1  }
0x49: {  	[tilespmem:$0x31E0] =	vst v1  }
0x4a: {  	v1 =	vld [tilespmem:s10+$0xF0];
	_ =	sdelay $0x4  }
0x4b: {  	v1 =	vadd.s32 v0, v1  }
0x4c: {  	[tilespmem:$0x31F0] =	vst v1  }
0x4d: {  	[tilespmem:s19], [sflag:$0x1] =	stream.indirect.gather [hbm4b:s5+s17], $0x80, s18, s17, $0xb8;
	[tilespmem:$0x17380] =	vst v63  }
0x4e: {  	s1 =	simm.s32 $0x0  }
0x4f: {  	[tilespmem:s21], [sflag:$0x1] =	stream.indirect.gather [hbm4b:s5+s17], $0x80, s20, s17, $0xb8;
	[tilespmem:$0x17380] =	vst v63  }
.LBB2_2:
0x50: {  	s13 =	sshll.u32 s1, $0x7  }
0x51: {  	s0 =	sor.u32 $0x40, s13  }
0x52: {  	s0 =	smin.u32 s0, $0xC00  }
0x53: {  	s0 =	sadd.s32 s7, s0  }
0x54: {  	s0 =	smin.u32 s0, $0x18660  }
0x55: {  	s6 =	sshll.u32 s0, $0x2  }
0x56: {  	s8 =	ssub.s32 s6, s4  }
0x57: {  	s6 =	sand.u32 $0x7C, s6;
	s9 =	sand.u32 $0xFFFFFF80, s8  }
0x58: {  	s6 =	sor.u32 s6, s9  }
0x59: {  	v1 =	vld [tilespmem:s6+$0x0];
	_ =	sdelay $0x4  }
0x5a: {  	v1 =	vadd.s32 v0, v1  }
0x5b: {  	[tilespmem:$0x3200] =	vst v1  }
0x5c: {  	v1 =	vld [tilespmem:s8+$0x10];
	_ =	sdelay $0x4  }
0x5d: {  	v1 =	vadd.s32 v0, v1  }
0x5e: {  	[tilespmem:$0x3210] =	vst v1  }
0x5f: {  	v1 =	vld [tilespmem:s8+$0x20];
	_ =	sdelay $0x4  }
0x60: {  	v1 =	vadd.s32 v0, v1  }
0x61: {  	[tilespmem:$0x3220] =	vst v1  }
0x62: {  	v1 =	vld [tilespmem:s8+$0x30];
	_ =	sdelay $0x4  }
0x63: {  	v1 =	vadd.s32 v0, v1  }
0x64: {  	[tilespmem:$0x3230] =	vst v1  }
0x65: {  	v1 =	vld [tilespmem:s8+$0x40];
	_ =	sdelay $0x4  }
0x66: {  	v1 =	vadd.s32 v0, v1  }
0x67: {  	[tilespmem:$0x3240] =	vst v1  }
0x68: {  	v1 =	vld [tilespmem:s8+$0x50];
	_ =	sdelay $0x4  }
0x69: {  	v1 =	vadd.s32 v0, v1  }
0x6a: {  	[tilespmem:$0x3250] =	vst v1  }
0x6b: {  	v1 =	vld [tilespmem:s8+$0x60];
	_ =	sdelay $0x4  }
0x6c: {  	v1 =	vadd.s32 v0, v1  }
0x6d: {  	[tilespmem:$0x3260] =	vst v1  }
0x6e: {  	v1 =	vld [tilespmem:s8+$0x70];
	_ =	sdelay $0x4  }
0x6f: {  	v1 =	vadd.s32 v0, v1  }
0x70: {  	[tilespmem:$0x3270] =	vst v1  }
0x71: {  	v1 =	vld [tilespmem:s6+$0x80];
	_ =	sdelay $0x4  }
0x72: {  	v1 =	vadd.s32 v0, v1  }
0x73: {  	[tilespmem:$0x3280] =	vst v1  }
0x74: {  	v1 =	vld [tilespmem:s8+$0x90];
	_ =	sdelay $0x4  }
0x75: {  	v1 =	vadd.s32 v0, v1  }
0x76: {  	[tilespmem:$0x3290] =	vst v1  }
0x77: {  	v1 =	vld [tilespmem:s8+$0xA0];
	_ =	sdelay $0x4  }
0x78: {  	v1 =	vadd.s32 v0, v1  }
0x79: {  	[tilespmem:$0x32A0] =	vst v1  }
0x7a: {  	v1 =	vld [tilespmem:s8+$0xB0];
	_ =	sdelay $0x4  }
0x7b: {  	v1 =	vadd.s32 v0, v1  }
0x7c: {  	[tilespmem:$0x32B0] =	vst v1  }
0x7d: {  	v1 =	vld [tilespmem:s8+$0xC0];
	_ =	sdelay $0x4  }
0x7e: {  	v1 =	vadd.s32 v0, v1  }
0x7f: {  	[tilespmem:$0x32C0] =	vst v1  }
0x80: {  	v1 =	vld [tilespmem:s8+$0xD0];
	_ =	sdelay $0x4  }
0x81: {  	v1 =	vadd.s32 v0, v1  }
0x82: {  	[tilespmem:$0x32D0] =	vst v1  }
0x83: {  	v1 =	vld [tilespmem:s8+$0xE0];
	_ =	sdelay $0x4  }
0x84: {  	v1 =	vadd.s32 v0, v1  }
0x85: {  	[tilespmem:$0x32E0] =	vst v1  }
0x86: {  	v1 =	vld [tilespmem:s8+$0xF0];
	_ =	sdelay $0x4  }
0x87: {  	v1 =	vadd.s32 v0, v1  }
0x88: {  	[tilespmem:$0x32F0] =	vst v1  }
0x89: {  	[tilespmem:s23], [sflag:$0x2] =	stream.indirect.gather [hbm4b:s5+s17], $0x80, s22, s17, $0xb8;
	[tilespmem:$0x17380] =	vst v63  }
0x8a: {  	_ = 	snop  }
0x8b: {  	[tilespmem:s25], [sflag:$0x2] =	stream.indirect.gather [hbm4b:s5+s17], $0x80, s24, s17, $0xb8;
	[tilespmem:$0x17380] =	vst v63  }
0x8c: {  	_ =	swait.ge [sflag:s26], $0x4000  }
0x8d: {  	[sflag:s26] =	ssyncset.done $0x0  }
0x8e: {  	[sflag:s26] =	ssyncadd.s32 $0xFFFFC000  }
0x8f: {  	_ =	swait.ge [sflag:s26], $0x4000  }
0x90: {  	[sflag:s26] =	ssyncset.done $0x0  }
0x91: {  	[sflag:s26] =	ssyncadd.s32 $0xFFFFC000  }
0x92: {  	_ =	swait.ge [sflag:s28], $0x2000  }
0x93: {  	[sflag:s28] =	ssyncset.done $0x0  }
0x94: {  	s6 =	simm.s32 $0x3500;
	[sflag:s28] =	ssyncadd.s32 $0xFFFFE000  }
0x95: {  	v1 =	vld [tilespmem:s6+$0xFFFFFE80]  }
0x96: {  	v2 =	vld [tilespmem:s6+$0xFFFFFE00];
	_ =	sdelay $0x1  }
0x97: {  	v3 =	vld [tilespmem:s6+$0xFFFFFF00];
	_ =	sdelay $0x1  }
0x98: {  	v4 =	vld [tilespmem:s6+$0xFFFFFF80]  }
0x99: {  	v1 =	vadd.f32 v1, v2;
	_ =	sdelay $0x1  }
0x9a: {  	v1 =	vadd.f32 v3, v1;
	_ =	sdelay $0x1  }
0x9b: {  	v1 =	vadd.f32 v4, v1  }
0x9c: {  	s9 =	simm.s32 $0x0  }
0x9d: {  	[tilespmem:s9+$0x13300] =	vst v1  }
0x9e: {  	v1 =	vld [tilespmem:s6+$0xFFFFFE10]  }
0x9f: {  	v2 =	vld [tilespmem:s6+$0xFFFFFE90];
	_ =	sdelay $0x1  }
0xa0: {  	v3 =	vld [tilespmem:s6+$0xFFFFFF10];
	_ =	sdelay $0x1  }
0xa1: {  	v51 =	vld [tilespmem:s6+$0xFFFFFF90]  }
0xa2: {  	v1 =	vadd.f32 v2, v1;
	_ =	sdelay $0x1  }
0xa3: {  	v1 =	vadd.f32 v3, v1;
	_ =	sdelay $0x1  }
0xa4: {  	v1 =	vadd.f32 v51, v1;
	_ =	sdelay $0x1  }
0xa5: {  	[tilespmem:s9+$0x13310] =	vst v1  }
0xa6: {  	v1 =	vld [tilespmem:s6+$0xFFFFFE20]  }
0xa7: {  	v2 =	vld [tilespmem:s6+$0xFFFFFEA0];
	_ =	sdelay $0x1  }
0xa8: {  	v3 =	vld [tilespmem:s6+$0xFFFFFF20];
	_ =	sdelay $0x1  }
0xa9: {  	v52 =	vld [tilespmem:s6+$0xFFFFFFA0]  }
0xaa: {  	v1 =	vadd.f32 v2, v1;
	_ =	sdelay $0x1  }
0xab: {  	v1 =	vadd.f32 v3, v1;
	_ =	sdelay $0x1  }
0xac: {  	v1 =	vadd.f32 v52, v1;
	_ =	sdelay $0x1  }
0xad: {  	[tilespmem:s9+$0x13320] =	vst v1  }
0xae: {  	v1 =	vld [tilespmem:s6+$0xFFFFFE30]  }
0xaf: {  	v2 =	vld [tilespmem:s6+$0xFFFFFEB0];
	_ =	sdelay $0x1  }
0xb0: {  	v3 =	vld [tilespmem:s6+$0xFFFFFF30];
	_ =	sdelay $0x1  }
0xb1: {  	v53 =	vld [tilespmem:s6+$0xFFFFFFB0]  }
0xb2: {  	v1 =	vadd.f32 v2, v1;
	_ =	sdelay $0x1  }
0xb3: {  	v1 =	vadd.f32 v3, v1;
	_ =	sdelay $0x1  }
0xb4: {  	v1 =	vadd.f32 v53, v1;
	_ =	sdelay $0x1  }
0xb5: {  	[tilespmem:s9+$0x13330] =	vst v1  }
0xb6: {  	v1 =	vld [tilespmem:s6+$0xFFFFFE40]  }
0xb7: {  	v2 =	vld [tilespmem:s6+$0xFFFFFEC0];
	_ =	sdelay $0x1  }
0xb8: {  	v3 =	vld [tilespmem:s6+$0xFFFFFF40];
	_ =	sdelay $0x1  }
0xb9: {  	v54 =	vld [tilespmem:s6+$0xFFFFFFC0]  }
0xba: {  	v1 =	vadd.f32 v2, v1;
	_ =	sdelay $0x1  }
0xbb: {  	v1 =	vadd.f32 v3, v1;
	_ =	sdelay $0x1  }
0xbc: {  	v1 =	vadd.f32 v54, v1;
	_ =	sdelay $0x1  }
0xbd: {  	[tilespmem:s9+$0x13340] =	vst v1  }
0xbe: {  	v1 =	vld [tilespmem:s6+$0xFFFFFE50]  }
0xbf: {  	v2 =	vld [tilespmem:s6+$0xFFFFFED0];
	_ =	sdelay $0x1  }
0xc0: {  	v3 =	vld [tilespmem:s6+$0xFFFFFF50];
	_ =	sdelay $0x1  }
0xc1: {  	v55 =	vld [tilespmem:s6+$0xFFFFFFD0]  }
0xc2: {  	v1 =	vadd.f32 v2, v1;
	_ =	sdelay $0x1  }
0xc3: {  	v1 =	vadd.f32 v3, v1;
	_ =	sdelay $0x1  }
0xc4: {  	v1 =	vadd.f32 v55, v1;
	_ =	sdelay $0x1  }
0xc5: {  	[tilespmem:s9+$0x13350] =	vst v1  }
0xc6: {  	v1 =	vld [tilespmem:s6+$0xFFFFFE60]  }
0xc7: {  	v2 =	vld [tilespmem:s6+$0xFFFFFEE0];
	_ =	sdelay $0x1  }
0xc8: {  	v3 =	vld [tilespmem:s6+$0xFFFFFF60];
	_ =	sdelay $0x1  }
0xc9: {  	v56 =	vld [tilespmem:s6+$0xFFFFFFE0]  }
0xca: {  	v1 =	vadd.f32 v2, v1;
	_ =	sdelay $0x1  }
0xcb: {  	v1 =	vadd.f32 v3, v1;
	_ =	sdelay $0x1  }
0xcc: {  	v1 =	vadd.f32 v56, v1;
	_ =	sdelay $0x1  }
0xcd: {  	[tilespmem:s9+$0x13360] =	vst v1  }
0xce: {  	v1 =	vld [tilespmem:s6+$0xFFFFFE70]  }
0xcf: {  	v2 =	vld [tilespmem:s6+$0xFFFFFEF0];
	_ =	sdelay $0x1  }
0xd0: {  	v3 =	vld [tilespmem:s6+$0xFFFFFF70];
	_ =	sdelay $0x1  }
0xd1: {  	v57 =	vld [tilespmem:s6+$0xFFFFFFF0]  }
0xd2: {  	v1 =	vadd.f32 v2, v1;
	_ =	sdelay $0x1  }
0xd3: {  	v1 =	vadd.f32 v3, v1;
	_ =	sdelay $0x1  }
0xd4: {  	v1 =	vadd.f32 v57, v1;
	_ =	sdelay $0x1  }
0xd5: {  	[tilespmem:s9+$0x13370] =	vst v1  }
0xd6: {  	v1 =	vld [tilespmem:s6+$0x0]  }
0xd7: {  	v2 =	vld [tilespmem:s6+$0x80];
	_ =	sdelay $0x1  }
0xd8: {  	v3 =	vld [tilespmem:s6+$0x100];
	_ =	sdelay $0x1  }
0xd9: {  	v58 =	vld [tilespmem:s6+$0x180]  }
0xda: {  	v1 =	vadd.f32 v2, v1;
	_ =	sdelay $0x1  }
0xdb: {  	v1 =	vadd.f32 v3, v1;
	_ =	sdelay $0x1  }
0xdc: {  	v1 =	vadd.f32 v58, v1;
	_ =	sdelay $0x1  }
0xdd: {  	[tilespmem:s9+$0x13380] =	vst v1  }
0xde: {  	v1 =	vld [tilespmem:s6+$0x10]  }
0xdf: {  	v2 =	vld [tilespmem:s6+$0x90];
	_ =	sdelay $0x1  }
0xe0: {  	v3 =	vld [tilespmem:s6+$0x110];
	_ =	sdelay $0x1  }
0xe1: {  	v59 =	vld [tilespmem:s6+$0x190]  }
0xe2: {  	v1 =	vadd.f32 v2, v1;
	_ =	sdelay $0x1  }
0xe3: {  	v1 =	vadd.f32 v3, v1;
	_ =	sdelay $0x1  }
0xe4: {  	v1 =	vadd.f32 v59, v1;
	_ =	sdelay $0x1  }
0xe5: {  	[tilespmem:s9+$0x13390] =	vst v1  }
0xe6: {  	v1 =	vld [tilespmem:s6+$0x20]  }
0xe7: {  	v2 =	vld [tilespmem:s6+$0xA0];
	_ =	sdelay $0x1  }
0xe8: {  	v3 =	vld [tilespmem:s6+$0x120];
	_ =	sdelay $0x1  }
0xe9: {  	v60 =	vld [tilespmem:s6+$0x1A0]  }
0xea: {  	v1 =	vadd.f32 v2, v1;
	_ =	sdelay $0x1  }
0xeb: {  	v1 =	vadd.f32 v3, v1;
	_ =	sdelay $0x1  }
0xec: {  	v1 =	vadd.f32 v60, v1;
	_ =	sdelay $0x1  }
0xed: {  	[tilespmem:s9+$0x133A0] =	vst v1  }
0xee: {  	v1 =	vld [tilespmem:s6+$0x30]  }
0xef: {  	v2 =	vld [tilespmem:s6+$0xB0];
	_ =	sdelay $0x1  }
0xf0: {  	v3 =	vld [tilespmem:s6+$0x130];
	_ =	sdelay $0x1  }
0xf1: {  	v61 =	vld [tilespmem:s6+$0x1B0]  }
0xf2: {  	v1 =	vadd.f32 v2, v1;
	_ =	sdelay $0x1  }
0xf3: {  	v1 =	vadd.f32 v3, v1;
	_ =	sdelay $0x1  }
0xf4: {  	v1 =	vadd.f32 v61, v1;
	_ =	sdelay $0x1  }
0xf5: {  	[tilespmem:s9+$0x133B0] =	vst v1  }
0xf6: {  	v1 =	vld [tilespmem:s6+$0x40]  }
0xf7: {  	v2 =	vld [tilespmem:s6+$0xC0];
	_ =	sdelay $0x1  }
0xf8: {  	v3 =	vld [tilespmem:s6+$0x140];
	_ =	sdelay $0x1  }
0xf9: {  	v62 =	vld [tilespmem:s6+$0x1C0]  }
0xfa: {  	v1 =	vadd.f32 v2, v1;
	_ =	sdelay $0x1  }
0xfb: {  	v1 =	vadd.f32 v3, v1;
	_ =	sdelay $0x1  }
0xfc: {  	v1 =	vadd.f32 v62, v1;
	_ =	sdelay $0x1  }
0xfd: {  	[tilespmem:s9+$0x133C0] =	vst v1  }
0xfe: {  	v1 =	vld [tilespmem:s6+$0x50]  }
0xff: {  	v2 =	vld [tilespmem:s6+$0xD0];
	_ =	sdelay $0x1  }
0x100: {  	v3 =	vld [tilespmem:s6+$0x150];
	_ =	sdelay $0x1  }
0x101: {  	v63 =	vld [tilespmem:s6+$0x1D0]  }
0x102: {  	v1 =	vadd.f32 v2, v1;
	_ =	sdelay $0x1  }
0x103: {  	v1 =	vadd.f32 v3, v1;
	_ =	sdelay $0x1  }
0x104: {  	v1 =	vadd.f32 v63, v1;
	_ =	sdelay $0x1  }
0x105: {  	[tilespmem:s9+$0x133D0] =	vst v1  }
0x106: {  	v1 =	vld [tilespmem:s6+$0x60]  }
0x107: {  	v2 =	vld [tilespmem:s6+$0xE0];
	_ =	sdelay $0x1  }
0x108: {  	v3 =	vld [tilespmem:s6+$0x160];
	_ =	sdelay $0x2  }
0x109: {  	v2 =	vadd.f32 v2, v1;
	v1 =	vld [tilespmem:s6+$0x1E0];
	_ =	sdelay $0x1  }
0x10a: {  	s12 =	simm.s32 $0x3500;
	s8 =	simm.s32 $0x400;
	v2 =	vadd.f32 v3, v2  }
.LBB2_3:
0x10b: {  	p0 =	sne.s32 s8, $0x3C00  }
0x10c: {  	s6 =	sadd.s32 $0x400, s6;
	s14 =	smov.u32 s8;
	s8 =	sadd.s32 $0x400, s8  }
0x10d: {  	v1 =	vadd.f32 v1, v2;
	_ =	sdelay $0x1  }
0x10e: {  	[tilespmem:s9+$0x133E0] =	vst v1  }
0x10f: {  	v1 =	vld [tilespmem:s12+$0x70]  }
0x110: {  	v2 =	vld [tilespmem:s12+$0xF0]  }
0x111: {  	v3 =	vld [tilespmem:s12+$0x170]  }
0x112: {  	v4 =	vld [tilespmem:s12+$0x1F0];
	s12 =	smov.u32 s6;
	_ =	sdelay $0x2  }
0x113: {  	v1 =	vadd.f32 v2, v1;
	_ =	sdelay $0x1  }
0x114: {  	v1 =	vadd.f32 v3, v1;
	_ =	sdelay $0x1  }
0x115: {  	v1 =	vadd.f32 v4, v1;
	_ =	sdelay $0x1  }
0x116: {  	[tilespmem:s9+$0x133F0] =	vst v1  }
0x117: {  	v1 =	vld [tilespmem:s6+$0xFFFFFE80]  }
0x118: {  	v2 =	vld [tilespmem:s6+$0xFFFFFE00]  }
0x119: {  	v3 =	vld [tilespmem:s6+$0xFFFFFF00];
	_ =	sdelay $0x1  }
0x11a: {  	v4 =	vld [tilespmem:s6+$0xFFFFFF80];
	_ =	sdelay $0x1  }
0x11b: {  	v1 =	vadd.f32 v1, v2;
	_ =	sdelay $0x1  }
0x11c: {  	v1 =	vadd.f32 v3, v1;
	_ =	sdelay $0x1  }
0x11d: {  	v1 =	vadd.f32 v4, v1  }
0x11e: {  	s9 =	sshra.s32 s14, $0x2  }
0x11f: {  	[tilespmem:s9+$0x13300] =	vst v1  }
0x120: {  	v1 =	vld [tilespmem:s6+$0xFFFFFE10]  }
0x121: {  	v2 =	vld [tilespmem:s6+$0xFFFFFE90];
	_ =	sdelay $0x1  }
0x122: {  	v3 =	vld [tilespmem:s6+$0xFFFFFF10];
	_ =	sdelay $0x1  }
0x123: {  	v4 =	vld [tilespmem:s6+$0xFFFFFF90]  }
0x124: {  	v1 =	vadd.f32 v2, v1;
	_ =	sdelay $0x1  }
0x125: {  	v1 =	vadd.f32 v3, v1;
	_ =	sdelay $0x1  }
0x126: {  	v1 =	vadd.f32 v4, v1;
	_ =	sdelay $0x1  }
0x127: {  	[tilespmem:s9+$0x13310] =	vst v1  }
0x128: {  	v1 =	vld [tilespmem:s6+$0xFFFFFE20]  }
0x129: {  	v2 =	vld [tilespmem:s6+$0xFFFFFEA0];
	_ =	sdelay $0x1  }
0x12a: {  	v3 =	vld [tilespmem:s6+$0xFFFFFF20];
	_ =	sdelay $0x1  }
0x12b: {  	v4 =	vld [tilespmem:s6+$0xFFFFFFA0]  }
0x12c: {  	v1 =	vadd.f32 v2, v1;
	_ =	sdelay $0x1  }
0x12d: {  	v1 =	vadd.f32 v3, v1;
	_ =	sdelay $0x1  }
0x12e: {  	v1 =	vadd.f32 v4, v1;
	_ =	sdelay $0x1  }
0x12f: {  	[tilespmem:s9+$0x13320] =	vst v1  }
0x130: {  	v1 =	vld [tilespmem:s6+$0xFFFFFE30]  }
0x131: {  	v2 =	vld [tilespmem:s6+$0xFFFFFEB0]  }
0x132: {  	v3 =	vld [tilespmem:s6+$0xFFFFFFB0]  }
0x133: {  	v4 =	vld [tilespmem:s6+$0xFFFFFF30];
	_ =	sdelay $0x2  }
0x134: {  	v1 =	vadd.f32 v2, v1;
	_ =	sdelay $0x1  }
0x135: {  	v1 =	vadd.f32 v4, v1;
	_ =	sdelay $0x1  }
0x136: {  	v1 =	vadd.f32 v3, v1;
	_ =	sdelay $0x1  }
0x137: {  	[tilespmem:s9+$0x13330] =	vst v1  }
0x138: {  	v1 =	vld [tilespmem:s6+$0xFFFFFE40]  }
0x139: {  	v2 =	vld [tilespmem:s6+$0xFFFFFEC0];
	_ =	sdelay $0x1  }
0x13a: {  	v3 =	vld [tilespmem:s6+$0xFFFFFF40];
	_ =	sdelay $0x1  }
0x13b: {  	v4 =	vld [tilespmem:s6+$0xFFFFFFC0]  }
0x13c: {  	v1 =	vadd.f32 v2, v1;
	_ =	sdelay $0x1  }
0x13d: {  	v1 =	vadd.f32 v3, v1;
	_ =	sdelay $0x1  }
0x13e: {  	v1 =	vadd.f32 v4, v1;
	_ =	sdelay $0x1  }
0x13f: {  	[tilespmem:s9+$0x13340] =	vst v1  }
0x140: {  	v1 =	vld [tilespmem:s6+$0xFFFFFE50]  }
0x141: {  	v2 =	vld [tilespmem:s6+$0xFFFFFED0]  }
0x142: {  	v3 =	vld [tilespmem:s6+$0xFFFFFFD0]  }
0x143: {  	v4 =	vld [tilespmem:s6+$0xFFFFFF50];
	_ =	sdelay $0x2  }
0x144: {  	v1 =	vadd.f32 v2, v1;
	_ =	sdelay $0x1  }
0x145: {  	v1 =	vadd.f32 v4, v1;
	_ =	sdelay $0x1  }
0x146: {  	v1 =	vadd.f32 v3, v1;
	_ =	sdelay $0x1  }
0x147: {  	[tilespmem:s9+$0x13350] =	vst v1  }
0x148: {  	v1 =	vld [tilespmem:s6+$0xFFFFFE60]  }
0x149: {  	v2 =	vld [tilespmem:s6+$0xFFFFFEE0]  }
0x14a: {  	v3 =	vld [tilespmem:s6+$0xFFFFFFE0]  }
0x14b: {  	v4 =	vld [tilespmem:s6+$0xFFFFFF60];
	_ =	sdelay $0x2  }
0x14c: {  	v1 =	vadd.f32 v2, v1;
	_ =	sdelay $0x1  }
0x14d: {  	v1 =	vadd.f32 v4, v1;
	_ =	sdelay $0x1  }
0x14e: {  	v1 =	vadd.f32 v3, v1;
	_ =	sdelay $0x1  }
0x14f: {  	[tilespmem:s9+$0x13360] =	vst v1  }
0x150: {  	v1 =	vld [tilespmem:s6+$0xFFFFFE70]  }
0x151: {  	v2 =	vld [tilespmem:s6+$0xFFFFFEF0]  }
0x152: {  	v3 =	vld [tilespmem:s6+$0xFFFFFFF0]  }
0x153: {  	v4 =	vld [tilespmem:s6+$0xFFFFFF70];
	_ =	sdelay $0x2  }
0x154: {  	v1 =	vadd.f32 v2, v1;
	_ =	sdelay $0x1  }
0x155: {  	v1 =	vadd.f32 v4, v1;
	_ =	sdelay $0x1  }
0x156: {  	v1 =	vadd.f32 v3, v1;
	_ =	sdelay $0x1  }
0x157: {  	[tilespmem:s9+$0x13370] =	vst v1  }
0x158: {  	v1 =	vld [tilespmem:s6+$0x0]  }
0x159: {  	v2 =	vld [tilespmem:s6+$0x80]  }
0x15a: {  	v3 =	vld [tilespmem:s6+$0x180]  }
0x15b: {  	v4 =	vld [tilespmem:s6+$0x100];
	_ =	sdelay $0x2  }
0x15c: {  	v1 =	vadd.f32 v2, v1;
	_ =	sdelay $0x1  }
0x15d: {  	v1 =	vadd.f32 v4, v1;
	_ =	sdelay $0x1  }
0x15e: {  	v1 =	vadd.f32 v3, v1;
	_ =	sdelay $0x1  }
0x15f: {  	[tilespmem:s9+$0x13380] =	vst v1  }
0x160: {  	v1 =	vld [tilespmem:s6+$0x10]  }
0x161: {  	v2 =	vld [tilespmem:s6+$0x90]  }
0x162: {  	v3 =	vld [tilespmem:s6+$0x110]  }
0x163: {  	v4 =	vld [tilespmem:s6+$0x190];
	_ =	sdelay $0x2  }
0x164: {  	v1 =	vadd.f32 v2, v1;
	_ =	sdelay $0x1  }
0x165: {  	v1 =	vadd.f32 v3, v1;
	_ =	sdelay $0x1  }
0x166: {  	v1 =	vadd.f32 v4, v1;
	_ =	sdelay $0x1  }
0x167: {  	[tilespmem:s9+$0x13390] =	vst v1  }
0x168: {  	v1 =	vld [tilespmem:s6+$0x20]  }
0x169: {  	v2 =	vld [tilespmem:s6+$0xA0]  }
0x16a: {  	v3 =	vld [tilespmem:s6+$0x120]  }
0x16b: {  	v4 =	vld [tilespmem:s6+$0x1A0];
	_ =	sdelay $0x2  }
0x16c: {  	v1 =	vadd.f32 v2, v1;
	_ =	sdelay $0x1  }
0x16d: {  	v1 =	vadd.f32 v3, v1;
	_ =	sdelay $0x1  }
0x16e: {  	v1 =	vadd.f32 v4, v1;
	_ =	sdelay $0x1  }
0x16f: {  	[tilespmem:s9+$0x133A0] =	vst v1  }
0x170: {  	v1 =	vld [tilespmem:s6+$0x30]  }
0x171: {  	v2 =	vld [tilespmem:s6+$0xB0]  }
0x172: {  	v3 =	vld [tilespmem:s6+$0x130]  }
0x173: {  	v4 =	vld [tilespmem:s6+$0x1B0];
	_ =	sdelay $0x2  }
0x174: {  	v1 =	vadd.f32 v2, v1;
	_ =	sdelay $0x1  }
0x175: {  	v1 =	vadd.f32 v3, v1;
	_ =	sdelay $0x1  }
0x176: {  	v1 =	vadd.f32 v4, v1;
	_ =	sdelay $0x1  }
0x177: {  	[tilespmem:s9+$0x133B0] =	vst v1  }
0x178: {  	v1 =	vld [tilespmem:s6+$0x40]  }
0x179: {  	v2 =	vld [tilespmem:s6+$0xC0]  }
0x17a: {  	v3 =	vld [tilespmem:s6+$0x140]  }
0x17b: {  	v4 =	vld [tilespmem:s6+$0x1C0];
	_ =	sdelay $0x2  }
0x17c: {  	v1 =	vadd.f32 v2, v1;
	_ =	sdelay $0x1  }
0x17d: {  	v1 =	vadd.f32 v3, v1;
	_ =	sdelay $0x1  }
0x17e: {  	v1 =	vadd.f32 v4, v1;
	_ =	sdelay $0x1  }
0x17f: {  	[tilespmem:s9+$0x133C0] =	vst v1  }
0x180: {  	v1 =	vld [tilespmem:s6+$0x50]  }
0x181: {  	v2 =	vld [tilespmem:s6+$0xD0]  }
0x182: {  	v3 =	vld [tilespmem:s6+$0x150]  }
0x183: {  	v4 =	vld [tilespmem:s6+$0x1D0];
	_ =	sdelay $0x2  }
0x184: {  	v1 =	vadd.f32 v2, v1;
	_ =	sdelay $0x1  }
0x185: {  	v1 =	vadd.f32 v3, v1;
	_ =	sdelay $0x1  }
0x186: {  	v1 =	vadd.f32 v4, v1;
	_ =	sdelay $0x1  }
0x187: {  	[tilespmem:s9+$0x133D0] =	vst v1  }
0x188: {  	v2 =	vld [tilespmem:s6+$0x60]  }
0x189: {  	v3 =	vld [tilespmem:s6+$0xE0]  }
0x18a: {  	v4 =	vld [tilespmem:s6+$0x160]  }
0x18b: {  	v1 =	vld [tilespmem:s6+$0x1E0]  }
.Ltmp0:
0x18c: {  	(pc) =	sbr.rel @p0 .LBB2_3-.Ltmp0, $3  }
0x18d: {  	_ = 	snop  }
0x18e: {  	v2 =	vadd.f32 v3, v2;
	_ =	sdelay $0x1  }
0x18f: {  	v2 =	vadd.f32 v4, v2  }
0x190: {  	_ = 	snop  }
0x191: {  	v1 =	vadd.f32 v1, v2;
	_ =	sdelay $0x1  }
0x192: {  	[tilespmem:s9+$0x133E0] =	vst v1  }
0x193: {  	v1 =	vld [tilespmem:s12+$0x70]  }
0x194: {  	v2 =	vld [tilespmem:s12+$0xF0];
	_ =	sdelay $0x1  }
0x195: {  	v3 =	vld [tilespmem:s12+$0x170];
	_ =	sdelay $0x1  }
0x196: {  	v4 =	vld [tilespmem:s12+$0x1F0]  }
0x197: {  	v1 =	vadd.f32 v2, v1;
	_ =	sdelay $0x1  }
0x198: {  	v1 =	vadd.f32 v3, v1;
	_ =	sdelay $0x1  }
0x199: {  	v1 =	vadd.f32 v4, v1;
	_ =	sdelay $0x1  }
0x19a: {  	s6 =	simm.s32 $0x0;
	[tilespmem:s9+$0x133F0] =	vst v1  }
0x19b: {  	v1 =	vld [tilespmem:s6+$0x7300]  }
0x19c: {  	v2 =	vld [tilespmem:s6+$0x7380];
	_ =	sdelay $0x1  }
0x19d: {  	v3 =	vld [tilespmem:s6+$0x7400];
	_ =	sdelay $0x1  }
0x19e: {  	v4 =	vld [tilespmem:s6+$0x7480]  }
0x19f: {  	v1 =	vadd.f32 v2, v1;
	_ =	sdelay $0x1  }
0x1a0: {  	v1 =	vadd.f32 v3, v1;
	_ =	sdelay $0x1  }
0x1a1: {  	v1 =	vadd.f32 v4, v1  }
0x1a2: {  	s9 =	simm.s32 $0x143F0  }
0x1a3: {  	[tilespmem:s9+$0xFFFFFF10] =	vst v1  }
0x1a4: {  	v1 =	vld [tilespmem:s6+$0x7310]  }
0x1a5: {  	v2 =	vld [tilespmem:s6+$0x7390];
	_ =	sdelay $0x1  }
0x1a6: {  	v3 =	vld [tilespmem:s6+$0x7410];
	_ =	sdelay $0x1  }
0x1a7: {  	v4 =	vld [tilespmem:s6+$0x7490]  }
0x1a8: {  	v1 =	vadd.f32 v2, v1;
	_ =	sdelay $0x1  }
0x1a9: {  	v1 =	vadd.f32 v3, v1;
	_ =	sdelay $0x1  }
0x1aa: {  	v1 =	vadd.f32 v4, v1;
	_ =	sdelay $0x1  }
0x1ab: {  	[tilespmem:s9+$0xFFFFFF20] =	vst v1  }
0x1ac: {  	v1 =	vld [tilespmem:s6+$0x7320]  }
0x1ad: {  	v2 =	vld [tilespmem:s6+$0x73A0];
	_ =	sdelay $0x1  }
0x1ae: {  	v3 =	vld [tilespmem:s6+$0x7420];
	_ =	sdelay $0x1  }
0x1af: {  	v4 =	vld [tilespmem:s6+$0x74A0]  }
0x1b0: {  	v1 =	vadd.f32 v2, v1;
	_ =	sdelay $0x1  }
0x1b1: {  	v1 =	vadd.f32 v3, v1;
	_ =	sdelay $0x1  }
0x1b2: {  	v1 =	vadd.f32 v4, v1;
	_ =	sdelay $0x1  }
0x1b3: {  	[tilespmem:s9+$0xFFFFFF30] =	vst v1  }
0x1b4: {  	v1 =	vld [tilespmem:s6+$0x7330]  }
0x1b5: {  	v2 =	vld [tilespmem:s6+$0x73B0];
	_ =	sdelay $0x1  }
0x1b6: {  	v3 =	vld [tilespmem:s6+$0x7430];
	_ =	sdelay $0x1  }
0x1b7: {  	v4 =	vld [tilespmem:s6+$0x74B0]  }
0x1b8: {  	v1 =	vadd.f32 v2, v1;
	_ =	sdelay $0x1  }
0x1b9: {  	v1 =	vadd.f32 v3, v1;
	_ =	sdelay $0x1  }
0x1ba: {  	v1 =	vadd.f32 v4, v1;
	_ =	sdelay $0x1  }
0x1bb: {  	[tilespmem:s9+$0xFFFFFF40] =	vst v1  }
0x1bc: {  	v1 =	vld [tilespmem:s6+$0x7340]  }
0x1bd: {  	v2 =	vld [tilespmem:s6+$0x73C0];
	_ =	sdelay $0x1  }
0x1be: {  	v3 =	vld [tilespmem:s6+$0x7440];
	_ =	sdelay $0x1  }
0x1bf: {  	v4 =	vld [tilespmem:s6+$0x74C0]  }
0x1c0: {  	v1 =	vadd.f32 v2, v1;
	_ =	sdelay $0x1  }
0x1c1: {  	v1 =	vadd.f32 v3, v1;
	_ =	sdelay $0x1  }
0x1c2: {  	v1 =	vadd.f32 v4, v1;
	_ =	sdelay $0x1  }
0x1c3: {  	[tilespmem:s9+$0xFFFFFF50] =	vst v1  }
0x1c4: {  	v1 =	vld [tilespmem:s6+$0x7350]  }
0x1c5: {  	v2 =	vld [tilespmem:s6+$0x73D0];
	_ =	sdelay $0x1  }
0x1c6: {  	v3 =	vld [tilespmem:s6+$0x7450];
	_ =	sdelay $0x1  }
0x1c7: {  	v4 =	vld [tilespmem:s6+$0x74D0]  }
0x1c8: {  	v1 =	vadd.f32 v2, v1;
	_ =	sdelay $0x1  }
0x1c9: {  	v1 =	vadd.f32 v3, v1;
	_ =	sdelay $0x1  }
0x1ca: {  	v1 =	vadd.f32 v4, v1;
	_ =	sdelay $0x1  }
0x1cb: {  	[tilespmem:s9+$0xFFFFFF60] =	vst v1  }
0x1cc: {  	v1 =	vld [tilespmem:s6+$0x7360]  }
0x1cd: {  	v2 =	vld [tilespmem:s6+$0x73E0];
	_ =	sdelay $0x1  }
0x1ce: {  	v3 =	vld [tilespmem:s6+$0x7460];
	_ =	sdelay $0x1  }
0x1cf: {  	v4 =	vld [tilespmem:s6+$0x74E0]  }
0x1d0: {  	v1 =	vadd.f32 v2, v1;
	_ =	sdelay $0x1  }
0x1d1: {  	v1 =	vadd.f32 v3, v1;
	_ =	sdelay $0x1  }
0x1d2: {  	v1 =	vadd.f32 v4, v1;
	_ =	sdelay $0x1  }
0x1d3: {  	[tilespmem:s9+$0xFFFFFF70] =	vst v1  }
0x1d4: {  	v1 =	vld [tilespmem:s6+$0x7370]  }
0x1d5: {  	v2 =	vld [tilespmem:s6+$0x73F0];
	_ =	sdelay $0x1  }
0x1d6: {  	v3 =	vld [tilespmem:s6+$0x7470];
	_ =	sdelay $0x1  }
0x1d7: {  	v4 =	vld [tilespmem:s6+$0x74F0]  }
0x1d8: {  	v1 =	vadd.f32 v2, v1;
	_ =	sdelay $0x1  }
0x1d9: {  	v1 =	vadd.f32 v3, v1;
	_ =	sdelay $0x1  }
0x1da: {  	v1 =	vadd.f32 v4, v1;
	_ =	sdelay $0x1  }
0x1db: {  	[tilespmem:s9+$0xFFFFFF80] =	vst v1  }
0x1dc: {  	v1 =	vld [tilespmem:s6+$0x7500]  }
0x1dd: {  	v2 =	vld [tilespmem:s6+$0x7580];
	_ =	sdelay $0x1  }
0x1de: {  	v3 =	vld [tilespmem:s6+$0x7600];
	_ =	sdelay $0x1  }
0x1df: {  	v4 =	vld [tilespmem:s6+$0x7680]  }
0x1e0: {  	v1 =	vadd.f32 v2, v1;
	_ =	sdelay $0x1  }
0x1e1: {  	v1 =	vadd.f32 v3, v1;
	_ =	sdelay $0x1  }
0x1e2: {  	v1 =	vadd.f32 v4, v1;
	_ =	sdelay $0x1  }
0x1e3: {  	[tilespmem:s9+$0xFFFFFF90] =	vst v1  }
0x1e4: {  	v1 =	vld [tilespmem:s6+$0x7510]  }
0x1e5: {  	v2 =	vld [tilespmem:s6+$0x7590];
	_ =	sdelay $0x1  }
0x1e6: {  	v3 =	vld [tilespmem:s6+$0x7610];
	_ =	sdelay $0x1  }
0x1e7: {  	v4 =	vld [tilespmem:s6+$0x7690]  }
0x1e8: {  	v1 =	vadd.f32 v2, v1;
	_ =	sdelay $0x1  }
0x1e9: {  	v1 =	vadd.f32 v3, v1;
	_ =	sdelay $0x1  }
0x1ea: {  	v1 =	vadd.f32 v4, v1;
	_ =	sdelay $0x1  }
0x1eb: {  	[tilespmem:s9+$0xFFFFFFA0] =	vst v1  }
0x1ec: {  	v1 =	vld [tilespmem:s6+$0x7520]  }
0x1ed: {  	v2 =	vld [tilespmem:s6+$0x75A0];
	_ =	sdelay $0x1  }
0x1ee: {  	v3 =	vld [tilespmem:s6+$0x7620];
	_ =	sdelay $0x1  }
0x1ef: {  	v4 =	vld [tilespmem:s6+$0x76A0]  }
0x1f0: {  	v1 =	vadd.f32 v2, v1;
	_ =	sdelay $0x1  }
0x1f1: {  	v1 =	vadd.f32 v3, v1;
	_ =	sdelay $0x1  }
0x1f2: {  	v1 =	vadd.f32 v4, v1;
	_ =	sdelay $0x1  }
0x1f3: {  	[tilespmem:s9+$0xFFFFFFB0] =	vst v1  }
0x1f4: {  	v1 =	vld [tilespmem:s6+$0x7530]  }
0x1f5: {  	v2 =	vld [tilespmem:s6+$0x75B0];
	_ =	sdelay $0x1  }
0x1f6: {  	v3 =	vld [tilespmem:s6+$0x7630];
	_ =	sdelay $0x1  }
0x1f7: {  	v4 =	vld [tilespmem:s6+$0x76B0]  }
0x1f8: {  	v1 =	vadd.f32 v2, v1;
	_ =	sdelay $0x1  }
0x1f9: {  	v1 =	vadd.f32 v3, v1;
	_ =	sdelay $0x1  }
0x1fa: {  	v1 =	vadd.f32 v4, v1;
	_ =	sdelay $0x1  }
0x1fb: {  	[tilespmem:s9+$0xFFFFFFC0] =	vst v1  }
0x1fc: {  	v1 =	vld [tilespmem:s6+$0x7540]  }
0x1fd: {  	v2 =	vld [tilespmem:s6+$0x75C0];
	_ =	sdelay $0x1  }
0x1fe: {  	v3 =	vld [tilespmem:s6+$0x7640];
	_ =	sdelay $0x1  }
0x1ff: {  	v4 =	vld [tilespmem:s6+$0x76C0]  }
0x200: {  	v1 =	vadd.f32 v2, v1;
	_ =	sdelay $0x1  }
0x201: {  	v1 =	vadd.f32 v3, v1;
	_ =	sdelay $0x1  }
0x202: {  	v1 =	vadd.f32 v4, v1;
	_ =	sdelay $0x1  }
0x203: {  	[tilespmem:s9+$0xFFFFFFD0] =	vst v1  }
0x204: {  	v1 =	vld [tilespmem:s6+$0x7550]  }
0x205: {  	v2 =	vld [tilespmem:s6+$0x75D0];
	_ =	sdelay $0x1  }
0x206: {  	v3 =	vld [tilespmem:s6+$0x7650];
	_ =	sdelay $0x1  }
0x207: {  	v4 =	vld [tilespmem:s6+$0x76D0]  }
0x208: {  	v1 =	vadd.f32 v2, v1;
	_ =	sdelay $0x1  }
0x209: {  	v1 =	vadd.f32 v3, v1;
	_ =	sdelay $0x1  }
0x20a: {  	v1 =	vadd.f32 v4, v1;
	_ =	sdelay $0x1  }
0x20b: {  	[tilespmem:s9+$0xFFFFFFE0] =	vst v1  }
0x20c: {  	v3 =	vld [tilespmem:s6+$0x75E0]  }
0x20d: {  	v4 =	vld [tilespmem:s6+$0x7560];
	_ =	sdelay $0x2  }
0x20e: {  	v1 =	vld [tilespmem:s6+$0x7660];
	_ =	sdelay $0x1  }
0x20f: {  	s8 =	simm.s32 $0x1000;
	s12 =	simm.s32 $0x143F0;
	v2 =	vld [tilespmem:s6+$0x76E0];
	v3 =	vadd.f32 v3, v4  }
.LBB2_5:
0x210: {  	p0 =	sne.s32 s8, $0xF000  }
0x211: {  	s9 =	sadd.s32 $0x100, s9;
	s14 =	smov.u32 s8;
	s8 =	sadd.s32 $0x1000, s8  }
0x212: {  	v1 =	vadd.f32 v1, v3;
	_ =	sdelay $0x1  }
0x213: {  	v1 =	vadd.f32 v2, v1;
	_ =	sdelay $0x1  }
0x214: {  	[tilespmem:s12+$0xFFFFFFF0] =	vst v1  }
0x215: {  	v1 =	vld [tilespmem:s6+$0x7570]  }
0x216: {  	v2 =	vld [tilespmem:s6+$0x75F0]  }
0x217: {  	v3 =	vld [tilespmem:s6+$0x7670]  }
0x218: {  	v4 =	vld [tilespmem:s6+$0x76F0];
	_ =	sdelay $0x2  }
0x219: {  	v1 =	vadd.f32 v2, v1;
	_ =	sdelay $0x1  }
0x21a: {  	v1 =	vadd.f32 v3, v1;
	_ =	sdelay $0x1  }
0x21b: {  	s6 =	sshra.s32 s14, $0x2;
	v1 =	vadd.f32 v4, v1;
	_ =	sdelay $0x1  }
0x21c: {  	[tilespmem:s12+$0x0] =	vst v1;
	s12 =	smov.u32 s9  }
0x21d: {  	v1 =	vld [tilespmem:s6+$0x7300]  }
0x21e: {  	v2 =	vld [tilespmem:s6+$0x7380]  }
0x21f: {  	v3 =	vld [tilespmem:s6+$0x7400]  }
0x220: {  	v4 =	vld [tilespmem:s6+$0x7480];
	_ =	sdelay $0x2  }
0x221: {  	v1 =	vadd.f32 v2, v1;
	_ =	sdelay $0x1  }
0x222: {  	v1 =	vadd.f32 v3, v1;
	_ =	sdelay $0x1  }
0x223: {  	v1 =	vadd.f32 v4, v1;
	_ =	sdelay $0x1  }
0x224: {  	[tilespmem:s9+$0xFFFFFF10] =	vst v1  }
0x225: {  	v1 =	vld [tilespmem:s6+$0x7310]  }
0x226: {  	v2 =	vld [tilespmem:s6+$0x7390];
	_ =	sdelay $0x1  }
0x227: {  	v3 =	vld [tilespmem:s6+$0x7410];
	_ =	sdelay $0x1  }
0x228: {  	v4 =	vld [tilespmem:s6+$0x7490]  }
0x229: {  	v1 =	vadd.f32 v2, v1;
	_ =	sdelay $0x1  }
0x22a: {  	v1 =	vadd.f32 v3, v1;
	_ =	sdelay $0x1  }
0x22b: {  	v1 =	vadd.f32 v4, v1;
	_ =	sdelay $0x1  }
0x22c: {  	[tilespmem:s9+$0xFFFFFF20] =	vst v1  }
0x22d: {  	v1 =	vld [tilespmem:s6+$0x7320]  }
0x22e: {  	v2 =	vld [tilespmem:s6+$0x73A0];
	_ =	sdelay $0x1  }
0x22f: {  	v3 =	vld [tilespmem:s6+$0x7420];
	_ =	sdelay $0x1  }
0x230: {  	v4 =	vld [tilespmem:s6+$0x74A0]  }
0x231: {  	v1 =	vadd.f32 v2, v1;
	_ =	sdelay $0x1  }
0x232: {  	v1 =	vadd.f32 v3, v1;
	_ =	sdelay $0x1  }
0x233: {  	v1 =	vadd.f32 v4, v1;
	_ =	sdelay $0x1  }
0x234: {  	[tilespmem:s9+$0xFFFFFF30] =	vst v1  }
0x235: {  	v1 =	vld [tilespmem:s6+$0x7330]  }
0x236: {  	v2 =	vld [tilespmem:s6+$0x73B0]  }
0x237: {  	v3 =	vld [tilespmem:s6+$0x74B0]  }
0x238: {  	v4 =	vld [tilespmem:s6+$0x7430];
	_ =	sdelay $0x2  }
0x239: {  	v1 =	vadd.f32 v2, v1;
	_ =	sdelay $0x1  }
0x23a: {  	v1 =	vadd.f32 v4, v1;
	_ =	sdelay $0x1  }
0x23b: {  	v1 =	vadd.f32 v3, v1;
	_ =	sdelay $0x1  }
0x23c: {  	[tilespmem:s9+$0xFFFFFF40] =	vst v1  }
0x23d: {  	v1 =	vld [tilespmem:s6+$0x7340]  }
0x23e: {  	v2 =	vld [tilespmem:s6+$0x73C0];
	_ =	sdelay $0x1  }
0x23f: {  	v3 =	vld [tilespmem:s6+$0x7440];
	_ =	sdelay $0x1  }
0x240: {  	v4 =	vld [tilespmem:s6+$0x74C0]  }
0x241: {  	v1 =	vadd.f32 v2, v1;
	_ =	sdelay $0x1  }
0x242: {  	v1 =	vadd.f32 v3, v1;
	_ =	sdelay $0x1  }
0x243: {  	v1 =	vadd.f32 v4, v1;
	_ =	sdelay $0x1  }
0x244: {  	[tilespmem:s9+$0xFFFFFF50] =	vst v1  }
0x245: {  	v1 =	vld [tilespmem:s6+$0x7350]  }
0x246: {  	v2 =	vld [tilespmem:s6+$0x73D0]  }
0x247: {  	v3 =	vld [tilespmem:s6+$0x74D0]  }
0x248: {  	v4 =	vld [tilespmem:s6+$0x7450];
	_ =	sdelay $0x2  }
0x249: {  	v1 =	vadd.f32 v2, v1;
	_ =	sdelay $0x1  }
0x24a: {  	v1 =	vadd.f32 v4, v1;
	_ =	sdelay $0x1  }
0x24b: {  	v1 =	vadd.f32 v3, v1;
	_ =	sdelay $0x1  }
0x24c: {  	[tilespmem:s9+$0xFFFFFF60] =	vst v1  }
0x24d: {  	v1 =	vld [tilespmem:s6+$0x7360]  }
0x24e: {  	v2 =	vld [tilespmem:s6+$0x73E0]  }
0x24f: {  	v3 =	vld [tilespmem:s6+$0x74E0]  }
0x250: {  	v4 =	vld [tilespmem:s6+$0x7460];
	_ =	sdelay $0x2  }
0x251: {  	v1 =	vadd.f32 v2, v1;
	_ =	sdelay $0x1  }
0x252: {  	v1 =	vadd.f32 v4, v1;
	_ =	sdelay $0x1  }
0x253: {  	v1 =	vadd.f32 v3, v1;
	_ =	sdelay $0x1  }
0x254: {  	[tilespmem:s9+$0xFFFFFF70] =	vst v1  }
0x255: {  	v1 =	vld [tilespmem:s6+$0x7370]  }
0x256: {  	v2 =	vld [tilespmem:s6+$0x73F0]  }
0x257: {  	v3 =	vld [tilespmem:s6+$0x74F0]  }
0x258: {  	v4 =	vld [tilespmem:s6+$0x7470];
	_ =	sdelay $0x2  }
0x259: {  	v1 =	vadd.f32 v2, v1;
	_ =	sdelay $0x1  }
0x25a: {  	v1 =	vadd.f32 v4, v1;
	_ =	sdelay $0x1  }
0x25b: {  	v1 =	vadd.f32 v3, v1;
	_ =	sdelay $0x1  }
0x25c: {  	[tilespmem:s9+$0xFFFFFF80] =	vst v1  }
0x25d: {  	v1 =	vld [tilespmem:s6+$0x7500]  }
0x25e: {  	v2 =	vld [tilespmem:s6+$0x7580]  }
0x25f: {  	v3 =	vld [tilespmem:s6+$0x7600]  }
0x260: {  	v4 =	vld [tilespmem:s6+$0x7680];
	_ =	sdelay $0x2  }
0x261: {  	v1 =	vadd.f32 v2, v1;
	_ =	sdelay $0x1  }
0x262: {  	v1 =	vadd.f32 v3, v1;
	_ =	sdelay $0x1  }
0x263: {  	v1 =	vadd.f32 v4, v1;
	_ =	sdelay $0x1  }
0x264: {  	[tilespmem:s9+$0xFFFFFF90] =	vst v1  }
0x265: {  	v1 =	vld [tilespmem:s6+$0x7510]  }
0x266: {  	v2 =	vld [tilespmem:s6+$0x7590]  }
0x267: {  	v3 =	vld [tilespmem:s6+$0x7610]  }
0x268: {  	v4 =	vld [tilespmem:s6+$0x7690];
	_ =	sdelay $0x2  }
0x269: {  	v1 =	vadd.f32 v2, v1;
	_ =	sdelay $0x1  }
0x26a: {  	v1 =	vadd.f32 v3, v1;
	_ =	sdelay $0x1  }
0x26b: {  	v1 =	vadd.f32 v4, v1;
	_ =	sdelay $0x1  }
0x26c: {  	[tilespmem:s9+$0xFFFFFFA0] =	vst v1  }
0x26d: {  	v1 =	vld [tilespmem:s6+$0x7520]  }
0x26e: {  	v2 =	vld [tilespmem:s6+$0x75A0]  }
0x26f: {  	v3 =	vld [tilespmem:s6+$0x7620]  }
0x270: {  	v4 =	vld [tilespmem:s6+$0x76A0];
	_ =	sdelay $0x2  }
0x271: {  	v1 =	vadd.f32 v2, v1;
	_ =	sdelay $0x1  }
0x272: {  	v1 =	vadd.f32 v3, v1;
	_ =	sdelay $0x1  }
0x273: {  	v1 =	vadd.f32 v4, v1;
	_ =	sdelay $0x1  }
0x274: {  	[tilespmem:s9+$0xFFFFFFB0] =	vst v1  }
0x275: {  	v1 =	vld [tilespmem:s6+$0x7530]  }
0x276: {  	v2 =	vld [tilespmem:s6+$0x75B0]  }
0x277: {  	v3 =	vld [tilespmem:s6+$0x7630]  }
0x278: {  	v4 =	vld [tilespmem:s6+$0x76B0];
	_ =	sdelay $0x2  }
0x279: {  	v1 =	vadd.f32 v2, v1;
	_ =	sdelay $0x1  }
0x27a: {  	v1 =	vadd.f32 v3, v1;
	_ =	sdelay $0x1  }
0x27b: {  	v1 =	vadd.f32 v4, v1;
	_ =	sdelay $0x1  }
0x27c: {  	[tilespmem:s9+$0xFFFFFFC0] =	vst v1  }
0x27d: {  	v1 =	vld [tilespmem:s6+$0x7540]  }
0x27e: {  	v2 =	vld [tilespmem:s6+$0x75C0]  }
0x27f: {  	v3 =	vld [tilespmem:s6+$0x7640]  }
0x280: {  	v4 =	vld [tilespmem:s6+$0x76C0];
	_ =	sdelay $0x2  }
0x281: {  	v1 =	vadd.f32 v2, v1;
	_ =	sdelay $0x1  }
0x282: {  	v1 =	vadd.f32 v3, v1;
	_ =	sdelay $0x1  }
0x283: {  	v1 =	vadd.f32 v4, v1;
	_ =	sdelay $0x1  }
0x284: {  	[tilespmem:s9+$0xFFFFFFD0] =	vst v1  }
0x285: {  	v1 =	vld [tilespmem:s6+$0x7550]  }
0x286: {  	v2 =	vld [tilespmem:s6+$0x75D0]  }
0x287: {  	v3 =	vld [tilespmem:s6+$0x7650]  }
0x288: {  	v4 =	vld [tilespmem:s6+$0x76D0];
	_ =	sdelay $0x2  }
0x289: {  	v1 =	vadd.f32 v2, v1;
	_ =	sdelay $0x1  }
0x28a: {  	v1 =	vadd.f32 v3, v1;
	_ =	sdelay $0x1  }
0x28b: {  	v1 =	vadd.f32 v4, v1;
	_ =	sdelay $0x1  }
0x28c: {  	[tilespmem:s9+$0xFFFFFFE0] =	vst v1  }
0x28d: {  	v3 =	vld [tilespmem:s6+$0x75E0]  }
0x28e: {  	v4 =	vld [tilespmem:s6+$0x7560]  }
.Ltmp1:
0x28f: {  	v1 =	vld [tilespmem:s6+$0x7660];
	(pc) =	sbr.rel @p0 .LBB2_5-.Ltmp1, $2  }
0x290: {  	v2 =	vld [tilespmem:s6+$0x76E0];
	_ =	sdelay $0x2  }
0x291: {  	v3 =	vadd.f32 v3, v4  }
0x292: {  	_ = 	snop  }
0x293: {  	v1 =	vadd.f32 v1, v3;
	_ =	sdelay $0x1  }
0x294: {  	v1 =	vadd.f32 v2, v1;
	_ =	sdelay $0x1  }
0x295: {  	[tilespmem:s12+$0xFFFFFFF0] =	vst v1  }
0x296: {  	v1 =	vld [tilespmem:s6+$0x7570]  }
0x297: {  	v2 =	vld [tilespmem:s6+$0x75F0];
	_ =	sdelay $0x1  }
0x298: {  	v3 =	vld [tilespmem:s6+$0x7670];
	_ =	sdelay $0x1  }
0x299: {  	v4 =	vld [tilespmem:s6+$0x76F0]  }
0x29a: {  	v1 =	vadd.f32 v2, v1;
	_ =	sdelay $0x1  }
0x29b: {  	v1 =	vadd.f32 v3, v1  }
0x29c: {  	s9 =	sadd.s32 s7, s13  }
0x29d: {  	s6 =	smin.u32 s9, $0x18660;
	v1 =	vadd.f32 v4, v1  }
0x29e: {  	s6 =	sshll.u32 s6, $0x4  }
0x29f: {  	s8 =	simm.s32 $0x0;
	s13 =	smin.u32 s13, $0xB80;
	s6 =	sadd.s32 s2, s6;
	[tilespmem:s12+$0x0] =	vst v1  }
0x2a0: {  	[hbm4b:s6+s8] =	stream.linear.scatter [tilespmem:s15], [sflag:$0x3], $0x2000, $0x38;
	[tilespmem:$0x17380] =	vst v63  }
0x2a1: {  	s6 =	sadd.s32 s13, s11  }
0x2a2: {  	s6 =	smin.u32 s6, $0x18660  }
0x2a3: {  	s6 =	sshll.u32 s6, $0x2  }
0x2a4: {  	s6 =	ssub.s32 s6, s4  }
0x2a5: {  	s14 =	sand.u32 $0xFFFFFF80, s6  }
0x2a6: {  	v1 =	vld [tilespmem:s14+$0x0];
	_ =	sdelay $0x4  }
0x2a7: {  	v1 =	vadd.s32 v0, v1  }
0x2a8: {  	[tilespmem:$0x3100] =	vst v1  }
0x2a9: {  	v1 =	vld [tilespmem:s6+$0x10];
	_ =	sdelay $0x4  }
0x2aa: {  	v1 =	vadd.s32 v0, v1  }
0x2ab: {  	[tilespmem:$0x3110] =	vst v1  }
0x2ac: {  	v1 =	vld [tilespmem:s6+$0x20];
	_ =	sdelay $0x4  }
0x2ad: {  	v1 =	vadd.s32 v0, v1  }
0x2ae: {  	[tilespmem:$0x3120] =	vst v1  }
0x2af: {  	v1 =	vld [tilespmem:s6+$0x30];
	_ =	sdelay $0x4  }
0x2b0: {  	v1 =	vadd.s32 v0, v1  }
0x2b1: {  	[tilespmem:$0x3130] =	vst v1  }
0x2b2: {  	v1 =	vld [tilespmem:s6+$0x40];
	_ =	sdelay $0x4  }
0x2b3: {  	v1 =	vadd.s32 v0, v1  }
0x2b4: {  	[tilespmem:$0x3140] =	vst v1  }
0x2b5: {  	v1 =	vld [tilespmem:s6+$0x50];
	_ =	sdelay $0x4  }
0x2b6: {  	v1 =	vadd.s32 v0, v1  }
0x2b7: {  	[tilespmem:$0x3150] =	vst v1  }
0x2b8: {  	v1 =	vld [tilespmem:s6+$0x60];
	_ =	sdelay $0x4  }
0x2b9: {  	v1 =	vadd.s32 v0, v1  }
0x2ba: {  	[tilespmem:$0x3160] =	vst v1  }
0x2bb: {  	v1 =	vld [tilespmem:s6+$0x70];
	_ =	sdelay $0x4  }
0x2bc: {  	v1 =	vadd.s32 v0, v1  }
0x2bd: {  	[tilespmem:$0x3170] =	vst v1  }
0x2be: {  	v1 =	vld [tilespmem:s14+$0x80];
	_ =	sdelay $0x4  }
0x2bf: {  	v1 =	vadd.s32 v0, v1  }
0x2c0: {  	[tilespmem:$0x3180] =	vst v1  }
0x2c1: {  	v1 =	vld [tilespmem:s6+$0x90];
	_ =	sdelay $0x4  }
0x2c2: {  	v1 =	vadd.s32 v0, v1  }
0x2c3: {  	[tilespmem:$0x3190] =	vst v1  }
0x2c4: {  	v1 =	vld [tilespmem:s6+$0xA0];
	_ =	sdelay $0x4  }
0x2c5: {  	v1 =	vadd.s32 v0, v1  }
0x2c6: {  	[tilespmem:$0x31A0] =	vst v1  }
0x2c7: {  	v1 =	vld [tilespmem:s6+$0xB0];
	_ =	sdelay $0x4  }
0x2c8: {  	v1 =	vadd.s32 v0, v1  }
0x2c9: {  	[tilespmem:$0x31B0] =	vst v1  }
0x2ca: {  	v1 =	vld [tilespmem:s6+$0xC0];
	_ =	sdelay $0x4  }
0x2cb: {  	v1 =	vadd.s32 v0, v1  }
0x2cc: {  	[tilespmem:$0x31C0] =	vst v1  }
0x2cd: {  	v1 =	vld [tilespmem:s6+$0xD0];
	_ =	sdelay $0x4  }
0x2ce: {  	v1 =	vadd.s32 v0, v1  }
0x2cf: {  	[tilespmem:$0x31D0] =	vst v1  }
0x2d0: {  	v1 =	vld [tilespmem:s6+$0xE0];
	_ =	sdelay $0x4  }
0x2d1: {  	v1 =	vadd.s32 v0, v1  }
0x2d2: {  	[tilespmem:$0x31E0] =	vst v1  }
0x2d3: {  	v1 =	vld [tilespmem:s6+$0xF0];
	_ =	sdelay $0x4  }
0x2d4: {  	v1 =	vadd.s32 v0, v1  }
0x2d5: {  	[tilespmem:$0x31F0] =	vst v1  }
0x2d6: {  	[tilespmem:s19], [sflag:$0x1] =	stream.indirect.gather [hbm4b:s5+s17], $0x80, s18, s17, $0xb8;
	[tilespmem:$0x17380] =	vst v63  }
0x2d7: {  	_ = 	snop  }
0x2d8: {  	[tilespmem:s21], [sflag:$0x1] =	stream.indirect.gather [hbm4b:s5+s17], $0x80, s20, s17, $0xb8;
	[tilespmem:$0x17380] =	vst v63  }
0x2d9: {  	_ =	swait.ge [sflag:s29], $0x4000  }
0x2da: {  	[sflag:s29] =	ssyncset.done $0x0  }
0x2db: {  	[sflag:s29] =	ssyncadd.s32 $0xFFFFC000  }
0x2dc: {  	_ =	swait.ge [sflag:s29], $0x4000  }
0x2dd: {  	[sflag:s29] =	ssyncset.done $0x0  }
0x2de: {  	[sflag:s29] =	ssyncadd.s32 $0xFFFFC000  }
0x2df: {  	_ =	swait.ge [sflag:s30], $0x2000  }
0x2e0: {  	[sflag:s30] =	ssyncset.done $0x0  }
0x2e1: {  	s6 =	simm.s32 $0xB500;
	[sflag:s30] =	ssyncadd.s32 $0xFFFFE000  }
0x2e2: {  	v1 =	vld [tilespmem:s6+$0xFFFFFE80]  }
0x2e3: {  	v2 =	vld [tilespmem:s6+$0xFFFFFE00];
	_ =	sdelay $0x1  }
0x2e4: {  	v3 =	vld [tilespmem:s6+$0xFFFFFF00];
	_ =	sdelay $0x1  }
0x2e5: {  	v50 =	vld [tilespmem:s6+$0xFFFFFF80]  }
0x2e6: {  	v1 =	vadd.f32 v1, v2;
	_ =	sdelay $0x1  }
0x2e7: {  	v1 =	vadd.f32 v3, v1;
	_ =	sdelay $0x1  }
0x2e8: {  	v1 =	vadd.f32 v50, v1  }
0x2e9: {  	s9 =	simm.s32 $0x0  }
0x2ea: {  	[tilespmem:s9+$0x15300] =	vst v1  }
0x2eb: {  	v1 =	vld [tilespmem:s6+$0xFFFFFE10]  }
0x2ec: {  	v2 =	vld [tilespmem:s6+$0xFFFFFE90];
	_ =	sdelay $0x1  }
0x2ed: {  	v3 =	vld [tilespmem:s6+$0xFFFFFF10];
	_ =	sdelay $0x1  }
0x2ee: {  	v51 =	vld [tilespmem:s6+$0xFFFFFF90]  }
0x2ef: {  	v1 =	vadd.f32 v2, v1;
	_ =	sdelay $0x1  }
0x2f0: {  	v1 =	vadd.f32 v3, v1;
	_ =	sdelay $0x1  }
0x2f1: {  	v1 =	vadd.f32 v51, v1;
	_ =	sdelay $0x1  }
0x2f2: {  	[tilespmem:s9+$0x15310] =	vst v1  }
0x2f3: {  	v1 =	vld [tilespmem:s6+$0xFFFFFE20]  }
0x2f4: {  	v2 =	vld [tilespmem:s6+$0xFFFFFEA0];
	_ =	sdelay $0x1  }
0x2f5: {  	v3 =	vld [tilespmem:s6+$0xFFFFFF20];
	_ =	sdelay $0x1  }
0x2f6: {  	v52 =	vld [tilespmem:s6+$0xFFFFFFA0]  }
0x2f7: {  	v1 =	vadd.f32 v2, v1;
	_ =	sdelay $0x1  }
0x2f8: {  	v1 =	vadd.f32 v3, v1;
	_ =	sdelay $0x1  }
0x2f9: {  	v1 =	vadd.f32 v52, v1;
	_ =	sdelay $0x1  }
0x2fa: {  	[tilespmem:s9+$0x15320] =	vst v1  }
0x2fb: {  	v1 =	vld [tilespmem:s6+$0xFFFFFE30]  }
0x2fc: {  	v2 =	vld [tilespmem:s6+$0xFFFFFEB0];
	_ =	sdelay $0x1  }
0x2fd: {  	v3 =	vld [tilespmem:s6+$0xFFFFFF30];
	_ =	sdelay $0x1  }
0x2fe: {  	v53 =	vld [tilespmem:s6+$0xFFFFFFB0]  }
0x2ff: {  	v1 =	vadd.f32 v2, v1;
	_ =	sdelay $0x1  }
0x300: {  	v1 =	vadd.f32 v3, v1;
	_ =	sdelay $0x1  }
0x301: {  	v1 =	vadd.f32 v53, v1;
	_ =	sdelay $0x1  }
0x302: {  	[tilespmem:s9+$0x15330] =	vst v1  }
0x303: {  	v1 =	vld [tilespmem:s6+$0xFFFFFE40]  }
0x304: {  	v2 =	vld [tilespmem:s6+$0xFFFFFEC0];
	_ =	sdelay $0x1  }
0x305: {  	v3 =	vld [tilespmem:s6+$0xFFFFFF40];
	_ =	sdelay $0x1  }
0x306: {  	v54 =	vld [tilespmem:s6+$0xFFFFFFC0]  }
0x307: {  	v1 =	vadd.f32 v2, v1;
	_ =	sdelay $0x1  }
0x308: {  	v1 =	vadd.f32 v3, v1;
	_ =	sdelay $0x1  }
0x309: {  	v1 =	vadd.f32 v54, v1;
	_ =	sdelay $0x1  }
0x30a: {  	[tilespmem:s9+$0x15340] =	vst v1  }
0x30b: {  	v1 =	vld [tilespmem:s6+$0xFFFFFE50]  }
0x30c: {  	v2 =	vld [tilespmem:s6+$0xFFFFFED0];
	_ =	sdelay $0x1  }
0x30d: {  	v3 =	vld [tilespmem:s6+$0xFFFFFF50];
	_ =	sdelay $0x1  }
0x30e: {  	v55 =	vld [tilespmem:s6+$0xFFFFFFD0]  }
0x30f: {  	v1 =	vadd.f32 v2, v1;
	_ =	sdelay $0x1  }
0x310: {  	v1 =	vadd.f32 v3, v1;
	_ =	sdelay $0x1  }
0x311: {  	v1 =	vadd.f32 v55, v1;
	_ =	sdelay $0x1  }
0x312: {  	[tilespmem:s9+$0x15350] =	vst v1  }
0x313: {  	v1 =	vld [tilespmem:s6+$0xFFFFFE60]  }
0x314: {  	v2 =	vld [tilespmem:s6+$0xFFFFFEE0];
	_ =	sdelay $0x1  }
0x315: {  	v3 =	vld [tilespmem:s6+$0xFFFFFF60];
	_ =	sdelay $0x1  }
0x316: {  	v56 =	vld [tilespmem:s6+$0xFFFFFFE0]  }
0x317: {  	v1 =	vadd.f32 v2, v1;
	_ =	sdelay $0x1  }
0x318: {  	v1 =	vadd.f32 v3, v1;
	_ =	sdelay $0x1  }
0x319: {  	v1 =	vadd.f32 v56, v1;
	_ =	sdelay $0x1  }
0x31a: {  	[tilespmem:s9+$0x15360] =	vst v1  }
0x31b: {  	v1 =	vld [tilespmem:s6+$0xFFFFFE70]  }
0x31c: {  	v2 =	vld [tilespmem:s6+$0xFFFFFEF0];
	_ =	sdelay $0x1  }
0x31d: {  	v3 =	vld [tilespmem:s6+$0xFFFFFF70];
	_ =	sdelay $0x1  }
0x31e: {  	v57 =	vld [tilespmem:s6+$0xFFFFFFF0]  }
0x31f: {  	v1 =	vadd.f32 v2, v1;
	_ =	sdelay $0x1  }
0x320: {  	v1 =	vadd.f32 v3, v1;
	_ =	sdelay $0x1  }
0x321: {  	v1 =	vadd.f32 v57, v1;
	_ =	sdelay $0x1  }
0x322: {  	[tilespmem:s9+$0x15370] =	vst v1  }
0x323: {  	v1 =	vld [tilespmem:s6+$0x0]  }
0x324: {  	v2 =	vld [tilespmem:s6+$0x80];
	_ =	sdelay $0x1  }
0x325: {  	v3 =	vld [tilespmem:s6+$0x100];
	_ =	sdelay $0x1  }
0x326: {  	v58 =	vld [tilespmem:s6+$0x180]  }
0x327: {  	v1 =	vadd.f32 v2, v1;
	_ =	sdelay $0x1  }
0x328: {  	v1 =	vadd.f32 v3, v1;
	_ =	sdelay $0x1  }
0x329: {  	v1 =	vadd.f32 v58, v1;
	_ =	sdelay $0x1  }
0x32a: {  	[tilespmem:s9+$0x15380] =	vst v1  }
0x32b: {  	v1 =	vld [tilespmem:s6+$0x10]  }
0x32c: {  	v2 =	vld [tilespmem:s6+$0x90];
	_ =	sdelay $0x1  }
0x32d: {  	v3 =	vld [tilespmem:s6+$0x110];
	_ =	sdelay $0x1  }
0x32e: {  	v59 =	vld [tilespmem:s6+$0x190]  }
0x32f: {  	v1 =	vadd.f32 v2, v1;
	_ =	sdelay $0x1  }
0x330: {  	v1 =	vadd.f32 v3, v1;
	_ =	sdelay $0x1  }
0x331: {  	v1 =	vadd.f32 v59, v1;
	_ =	sdelay $0x1  }
0x332: {  	[tilespmem:s9+$0x15390] =	vst v1  }
0x333: {  	v1 =	vld [tilespmem:s6+$0x20]  }
0x334: {  	v2 =	vld [tilespmem:s6+$0xA0];
	_ =	sdelay $0x1  }
0x335: {  	v3 =	vld [tilespmem:s6+$0x120];
	_ =	sdelay $0x1  }
0x336: {  	v60 =	vld [tilespmem:s6+$0x1A0]  }
0x337: {  	v1 =	vadd.f32 v2, v1;
	_ =	sdelay $0x1  }
0x338: {  	v1 =	vadd.f32 v3, v1;
	_ =	sdelay $0x1  }
0x339: {  	v1 =	vadd.f32 v60, v1;
	_ =	sdelay $0x1  }
0x33a: {  	[tilespmem:s9+$0x153A0] =	vst v1  }
0x33b: {  	v1 =	vld [tilespmem:s6+$0x30]  }
0x33c: {  	v2 =	vld [tilespmem:s6+$0xB0];
	_ =	sdelay $0x1  }
0x33d: {  	v3 =	vld [tilespmem:s6+$0x130];
	_ =	sdelay $0x1  }
0x33e: {  	v61 =	vld [tilespmem:s6+$0x1B0]  }
0x33f: {  	v1 =	vadd.f32 v2, v1;
	_ =	sdelay $0x1  }
0x340: {  	v1 =	vadd.f32 v3, v1;
	_ =	sdelay $0x1  }
0x341: {  	v1 =	vadd.f32 v61, v1;
	_ =	sdelay $0x1  }
0x342: {  	[tilespmem:s9+$0x153B0] =	vst v1  }
0x343: {  	v1 =	vld [tilespmem:s6+$0x40]  }
0x344: {  	v2 =	vld [tilespmem:s6+$0xC0];
	_ =	sdelay $0x1  }
0x345: {  	v3 =	vld [tilespmem:s6+$0x140];
	_ =	sdelay $0x1  }
0x346: {  	v62 =	vld [tilespmem:s6+$0x1C0]  }
0x347: {  	v1 =	vadd.f32 v2, v1;
	_ =	sdelay $0x1  }
0x348: {  	v1 =	vadd.f32 v3, v1;
	_ =	sdelay $0x1  }
0x349: {  	v1 =	vadd.f32 v62, v1;
	_ =	sdelay $0x1  }
0x34a: {  	[tilespmem:s9+$0x153C0] =	vst v1  }
0x34b: {  	v1 =	vld [tilespmem:s6+$0x50]  }
0x34c: {  	v2 =	vld [tilespmem:s6+$0xD0];
	_ =	sdelay $0x1  }
0x34d: {  	v3 =	vld [tilespmem:s6+$0x150];
	_ =	sdelay $0x1  }
0x34e: {  	v63 =	vld [tilespmem:s6+$0x1D0]  }
0x34f: {  	v1 =	vadd.f32 v2, v1;
	_ =	sdelay $0x1  }
0x350: {  	v1 =	vadd.f32 v3, v1;
	_ =	sdelay $0x1  }
0x351: {  	v1 =	vadd.f32 v63, v1;
	_ =	sdelay $0x1  }
0x352: {  	[tilespmem:s9+$0x153D0] =	vst v1  }
0x353: {  	v1 =	vld [tilespmem:s6+$0x60]  }
0x354: {  	v2 =	vld [tilespmem:s6+$0xE0];
	_ =	sdelay $0x1  }
0x355: {  	v3 =	vld [tilespmem:s6+$0x160];
	_ =	sdelay $0x2  }
0x356: {  	v2 =	vadd.f32 v2, v1;
	v1 =	vld [tilespmem:s6+$0x1E0];
	_ =	sdelay $0x1  }
0x357: {  	s12 =	simm.s32 $0xB500;
	s8 =	simm.s32 $0x400;
	v2 =	vadd.f32 v3, v2  }
.LBB2_7:
0x358: {  	p0 =	sne.s32 s8, $0x3C00  }
0x359: {  	s6 =	sadd.s32 $0x400, s6;
	s13 =	smov.u32 s8;
	s8 =	sadd.s32 $0x400, s8  }
0x35a: {  	v1 =	vadd.f32 v1, v2;
	_ =	sdelay $0x1  }
0x35b: {  	[tilespmem:s9+$0x153E0] =	vst v1  }
0x35c: {  	v1 =	vld [tilespmem:s12+$0x70]  }
0x35d: {  	v2 =	vld [tilespmem:s12+$0xF0]  }
0x35e: {  	v3 =	vld [tilespmem:s12+$0x170]  }
0x35f: {  	v4 =	vld [tilespmem:s12+$0x1F0];
	s12 =	smov.u32 s6;
	_ =	sdelay $0x2  }
0x360: {  	v1 =	vadd.f32 v2, v1;
	_ =	sdelay $0x1  }
0x361: {  	v1 =	vadd.f32 v3, v1;
	_ =	sdelay $0x1  }
0x362: {  	v1 =	vadd.f32 v4, v1;
	_ =	sdelay $0x1  }
0x363: {  	[tilespmem:s9+$0x153F0] =	vst v1  }
0x364: {  	v1 =	vld [tilespmem:s6+$0xFFFFFE80]  }
0x365: {  	v2 =	vld [tilespmem:s6+$0xFFFFFE00]  }
0x366: {  	v3 =	vld [tilespmem:s6+$0xFFFFFF00];
	_ =	sdelay $0x1  }
0x367: {  	v4 =	vld [tilespmem:s6+$0xFFFFFF80];
	_ =	sdelay $0x1  }
0x368: {  	v1 =	vadd.f32 v1, v2;
	_ =	sdelay $0x1  }
0x369: {  	v1 =	vadd.f32 v3, v1;
	_ =	sdelay $0x1  }
0x36a: {  	v1 =	vadd.f32 v4, v1  }
0x36b: {  	s9 =	sshra.s32 s13, $0x2  }
0x36c: {  	[tilespmem:s9+$0x15300] =	vst v1  }
0x36d: {  	v1 =	vld [tilespmem:s6+$0xFFFFFE10]  }
0x36e: {  	v2 =	vld [tilespmem:s6+$0xFFFFFE90];
	_ =	sdelay $0x1  }
0x36f: {  	v3 =	vld [tilespmem:s6+$0xFFFFFF10];
	_ =	sdelay $0x1  }
0x370: {  	v4 =	vld [tilespmem:s6+$0xFFFFFF90]  }
0x371: {  	v1 =	vadd.f32 v2, v1;
	_ =	sdelay $0x1  }
0x372: {  	v1 =	vadd.f32 v3, v1;
	_ =	sdelay $0x1  }
0x373: {  	v1 =	vadd.f32 v4, v1;
	_ =	sdelay $0x1  }
0x374: {  	[tilespmem:s9+$0x15310] =	vst v1  }
0x375: {  	v1 =	vld [tilespmem:s6+$0xFFFFFE20]  }
0x376: {  	v2 =	vld [tilespmem:s6+$0xFFFFFEA0];
	_ =	sdelay $0x1  }
0x377: {  	v3 =	vld [tilespmem:s6+$0xFFFFFF20];
	_ =	sdelay $0x1  }
0x378: {  	v4 =	vld [tilespmem:s6+$0xFFFFFFA0]  }
0x379: {  	v1 =	vadd.f32 v2, v1;
	_ =	sdelay $0x1  }
0x37a: {  	v1 =	vadd.f32 v3, v1;
	_ =	sdelay $0x1  }
0x37b: {  	v1 =	vadd.f32 v4, v1;
	_ =	sdelay $0x1  }
0x37c: {  	[tilespmem:s9+$0x15320] =	vst v1  }
0x37d: {  	v1 =	vld [tilespmem:s6+$0xFFFFFE30]  }
0x37e: {  	v2 =	vld [tilespmem:s6+$0xFFFFFEB0]  }
0x37f: {  	v3 =	vld [tilespmem:s6+$0xFFFFFFB0]  }
0x380: {  	v4 =	vld [tilespmem:s6+$0xFFFFFF30];
	_ =	sdelay $0x2  }
0x381: {  	v1 =	vadd.f32 v2, v1;
	_ =	sdelay $0x1  }
0x382: {  	v1 =	vadd.f32 v4, v1;
	_ =	sdelay $0x1  }
0x383: {  	v1 =	vadd.f32 v3, v1;
	_ =	sdelay $0x1  }
0x384: {  	[tilespmem:s9+$0x15330] =	vst v1  }
0x385: {  	v1 =	vld [tilespmem:s6+$0xFFFFFE40]  }
0x386: {  	v2 =	vld [tilespmem:s6+$0xFFFFFEC0];
	_ =	sdelay $0x1  }
0x387: {  	v3 =	vld [tilespmem:s6+$0xFFFFFF40];
	_ =	sdelay $0x1  }
0x388: {  	v4 =	vld [tilespmem:s6+$0xFFFFFFC0]  }
0x389: {  	v1 =	vadd.f32 v2, v1;
	_ =	sdelay $0x1  }
0x38a: {  	v1 =	vadd.f32 v3, v1;
	_ =	sdelay $0x1  }
0x38b: {  	v1 =	vadd.f32 v4, v1;
	_ =	sdelay $0x1  }
0x38c: {  	[tilespmem:s9+$0x15340] =	vst v1  }
0x38d: {  	v1 =	vld [tilespmem:s6+$0xFFFFFE50]  }
0x38e: {  	v2 =	vld [tilespmem:s6+$0xFFFFFED0]  }
0x38f: {  	v3 =	vld [tilespmem:s6+$0xFFFFFFD0]  }
0x390: {  	v4 =	vld [tilespmem:s6+$0xFFFFFF50];
	_ =	sdelay $0x2  }
0x391: {  	v1 =	vadd.f32 v2, v1;
	_ =	sdelay $0x1  }
0x392: {  	v1 =	vadd.f32 v4, v1;
	_ =	sdelay $0x1  }
0x393: {  	v1 =	vadd.f32 v3, v1;
	_ =	sdelay $0x1  }
0x394: {  	[tilespmem:s9+$0x15350] =	vst v1  }
0x395: {  	v1 =	vld [tilespmem:s6+$0xFFFFFE60]  }
0x396: {  	v2 =	vld [tilespmem:s6+$0xFFFFFEE0]  }
0x397: {  	v3 =	vld [tilespmem:s6+$0xFFFFFFE0]  }
0x398: {  	v4 =	vld [tilespmem:s6+$0xFFFFFF60];
	_ =	sdelay $0x2  }
0x399: {  	v1 =	vadd.f32 v2, v1;
	_ =	sdelay $0x1  }
0x39a: {  	v1 =	vadd.f32 v4, v1;
	_ =	sdelay $0x1  }
0x39b: {  	v1 =	vadd.f32 v3, v1;
	_ =	sdelay $0x1  }
0x39c: {  	[tilespmem:s9+$0x15360] =	vst v1  }
0x39d: {  	v1 =	vld [tilespmem:s6+$0xFFFFFE70]  }
0x39e: {  	v2 =	vld [tilespmem:s6+$0xFFFFFEF0]  }
0x39f: {  	v3 =	vld [tilespmem:s6+$0xFFFFFFF0]  }
0x3a0: {  	v4 =	vld [tilespmem:s6+$0xFFFFFF70];
	_ =	sdelay $0x2  }
0x3a1: {  	v1 =	vadd.f32 v2, v1;
	_ =	sdelay $0x1  }
0x3a2: {  	v1 =	vadd.f32 v4, v1;
	_ =	sdelay $0x1  }
0x3a3: {  	v1 =	vadd.f32 v3, v1;
	_ =	sdelay $0x1  }
0x3a4: {  	[tilespmem:s9+$0x15370] =	vst v1  }
0x3a5: {  	v1 =	vld [tilespmem:s6+$0x0]  }
0x3a6: {  	v2 =	vld [tilespmem:s6+$0x80]  }
0x3a7: {  	v3 =	vld [tilespmem:s6+$0x180]  }
0x3a8: {  	v4 =	vld [tilespmem:s6+$0x100];
	_ =	sdelay $0x2  }
0x3a9: {  	v1 =	vadd.f32 v2, v1;
	_ =	sdelay $0x1  }
0x3aa: {  	v1 =	vadd.f32 v4, v1;
	_ =	sdelay $0x1  }
0x3ab: {  	v1 =	vadd.f32 v3, v1;
	_ =	sdelay $0x1  }
0x3ac: {  	[tilespmem:s9+$0x15380] =	vst v1  }
0x3ad: {  	v1 =	vld [tilespmem:s6+$0x10]  }
0x3ae: {  	v2 =	vld [tilespmem:s6+$0x90]  }
0x3af: {  	v3 =	vld [tilespmem:s6+$0x110]  }
0x3b0: {  	v4 =	vld [tilespmem:s6+$0x190];
	_ =	sdelay $0x2  }
0x3b1: {  	v1 =	vadd.f32 v2, v1;
	_ =	sdelay $0x1  }
0x3b2: {  	v1 =	vadd.f32 v3, v1;
	_ =	sdelay $0x1  }
0x3b3: {  	v1 =	vadd.f32 v4, v1;
	_ =	sdelay $0x1  }
0x3b4: {  	[tilespmem:s9+$0x15390] =	vst v1  }
0x3b5: {  	v1 =	vld [tilespmem:s6+$0x20]  }
0x3b6: {  	v2 =	vld [tilespmem:s6+$0xA0]  }
0x3b7: {  	v3 =	vld [tilespmem:s6+$0x120]  }
0x3b8: {  	v4 =	vld [tilespmem:s6+$0x1A0];
	_ =	sdelay $0x2  }
0x3b9: {  	v1 =	vadd.f32 v2, v1;
	_ =	sdelay $0x1  }
0x3ba: {  	v1 =	vadd.f32 v3, v1;
	_ =	sdelay $0x1  }
0x3bb: {  	v1 =	vadd.f32 v4, v1;
	_ =	sdelay $0x1  }
0x3bc: {  	[tilespmem:s9+$0x153A0] =	vst v1  }
0x3bd: {  	v1 =	vld [tilespmem:s6+$0x30]  }
0x3be: {  	v2 =	vld [tilespmem:s6+$0xB0]  }
0x3bf: {  	v3 =	vld [tilespmem:s6+$0x130]  }
0x3c0: {  	v4 =	vld [tilespmem:s6+$0x1B0];
	_ =	sdelay $0x2  }
0x3c1: {  	v1 =	vadd.f32 v2, v1;
	_ =	sdelay $0x1  }
0x3c2: {  	v1 =	vadd.f32 v3, v1;
	_ =	sdelay $0x1  }
0x3c3: {  	v1 =	vadd.f32 v4, v1;
	_ =	sdelay $0x1  }
0x3c4: {  	[tilespmem:s9+$0x153B0] =	vst v1  }
0x3c5: {  	v1 =	vld [tilespmem:s6+$0x40]  }
0x3c6: {  	v2 =	vld [tilespmem:s6+$0xC0]  }
0x3c7: {  	v3 =	vld [tilespmem:s6+$0x140]  }
0x3c8: {  	v4 =	vld [tilespmem:s6+$0x1C0];
	_ =	sdelay $0x2  }
0x3c9: {  	v1 =	vadd.f32 v2, v1;
	_ =	sdelay $0x1  }
0x3ca: {  	v1 =	vadd.f32 v3, v1;
	_ =	sdelay $0x1  }
0x3cb: {  	v1 =	vadd.f32 v4, v1;
	_ =	sdelay $0x1  }
0x3cc: {  	[tilespmem:s9+$0x153C0] =	vst v1  }
0x3cd: {  	v1 =	vld [tilespmem:s6+$0x50]  }
0x3ce: {  	v2 =	vld [tilespmem:s6+$0xD0]  }
0x3cf: {  	v3 =	vld [tilespmem:s6+$0x150]  }
0x3d0: {  	v4 =	vld [tilespmem:s6+$0x1D0];
	_ =	sdelay $0x2  }
0x3d1: {  	v1 =	vadd.f32 v2, v1;
	_ =	sdelay $0x1  }
0x3d2: {  	v1 =	vadd.f32 v3, v1;
	_ =	sdelay $0x1  }
0x3d3: {  	v1 =	vadd.f32 v4, v1;
	_ =	sdelay $0x1  }
0x3d4: {  	[tilespmem:s9+$0x153D0] =	vst v1  }
0x3d5: {  	v2 =	vld [tilespmem:s6+$0x60]  }
0x3d6: {  	v3 =	vld [tilespmem:s6+$0xE0]  }
0x3d7: {  	v4 =	vld [tilespmem:s6+$0x160]  }
0x3d8: {  	v1 =	vld [tilespmem:s6+$0x1E0]  }
.Ltmp2:
0x3d9: {  	(pc) =	sbr.rel @p0 .LBB2_7-.Ltmp2, $3  }
0x3da: {  	_ = 	snop  }
0x3db: {  	v2 =	vadd.f32 v3, v2;
	_ =	sdelay $0x1  }
0x3dc: {  	v2 =	vadd.f32 v4, v2  }
0x3dd: {  	_ = 	snop  }
0x3de: {  	v1 =	vadd.f32 v1, v2;
	_ =	sdelay $0x1  }
0x3df: {  	[tilespmem:s9+$0x153E0] =	vst v1  }
0x3e0: {  	v1 =	vld [tilespmem:s12+$0x70]  }
0x3e1: {  	v2 =	vld [tilespmem:s12+$0xF0];
	_ =	sdelay $0x1  }
0x3e2: {  	v3 =	vld [tilespmem:s12+$0x170];
	_ =	sdelay $0x1  }
0x3e3: {  	v4 =	vld [tilespmem:s12+$0x1F0]  }
0x3e4: {  	v1 =	vadd.f32 v2, v1;
	_ =	sdelay $0x1  }
0x3e5: {  	v1 =	vadd.f32 v3, v1;
	_ =	sdelay $0x1  }
0x3e6: {  	v1 =	vadd.f32 v4, v1;
	_ =	sdelay $0x1  }
0x3e7: {  	s6 =	simm.s32 $0x0;
	[tilespmem:s9+$0x153F0] =	vst v1  }
0x3e8: {  	v1 =	vld [tilespmem:s6+$0xF300]  }
0x3e9: {  	v2 =	vld [tilespmem:s6+$0xF380];
	_ =	sdelay $0x1  }
0x3ea: {  	v3 =	vld [tilespmem:s6+$0xF400];
	_ =	sdelay $0x1  }
0x3eb: {  	v4 =	vld [tilespmem:s6+$0xF480]  }
0x3ec: {  	v1 =	vadd.f32 v2, v1;
	_ =	sdelay $0x1  }
0x3ed: {  	v1 =	vadd.f32 v3, v1;
	_ =	sdelay $0x1  }
0x3ee: {  	v1 =	vadd.f32 v4, v1  }
0x3ef: {  	s9 =	simm.s32 $0x163F0  }
0x3f0: {  	[tilespmem:s9+$0xFFFFFF10] =	vst v1  }
0x3f1: {  	v1 =	vld [tilespmem:s6+$0xF310]  }
0x3f2: {  	v2 =	vld [tilespmem:s6+$0xF390];
	_ =	sdelay $0x1  }
0x3f3: {  	v3 =	vld [tilespmem:s6+$0xF410];
	_ =	sdelay $0x1  }
0x3f4: {  	v4 =	vld [tilespmem:s6+$0xF490]  }
0x3f5: {  	v1 =	vadd.f32 v2, v1;
	_ =	sdelay $0x1  }
0x3f6: {  	v1 =	vadd.f32 v3, v1;
	_ =	sdelay $0x1  }
0x3f7: {  	v1 =	vadd.f32 v4, v1;
	_ =	sdelay $0x1  }
0x3f8: {  	[tilespmem:s9+$0xFFFFFF20] =	vst v1  }
0x3f9: {  	v1 =	vld [tilespmem:s6+$0xF320]  }
0x3fa: {  	v2 =	vld [tilespmem:s6+$0xF3A0];
	_ =	sdelay $0x1  }
0x3fb: {  	v3 =	vld [tilespmem:s6+$0xF420];
	_ =	sdelay $0x1  }
0x3fc: {  	v4 =	vld [tilespmem:s6+$0xF4A0]  }
0x3fd: {  	v1 =	vadd.f32 v2, v1;
	_ =	sdelay $0x1  }
0x3fe: {  	v1 =	vadd.f32 v3, v1;
	_ =	sdelay $0x1  }
0x3ff: {  	v1 =	vadd.f32 v4, v1;
	_ =	sdelay $0x1  }
0x400: {  	[tilespmem:s9+$0xFFFFFF30] =	vst v1  }
0x401: {  	v1 =	vld [tilespmem:s6+$0xF330]  }
0x402: {  	v2 =	vld [tilespmem:s6+$0xF3B0];
	_ =	sdelay $0x1  }
0x403: {  	v3 =	vld [tilespmem:s6+$0xF430];
	_ =	sdelay $0x1  }
0x404: {  	v4 =	vld [tilespmem:s6+$0xF4B0]  }
0x405: {  	v1 =	vadd.f32 v2, v1;
	_ =	sdelay $0x1  }
0x406: {  	v1 =	vadd.f32 v3, v1;
	_ =	sdelay $0x1  }
0x407: {  	v1 =	vadd.f32 v4, v1;
	_ =	sdelay $0x1  }
0x408: {  	[tilespmem:s9+$0xFFFFFF40] =	vst v1  }
0x409: {  	v1 =	vld [tilespmem:s6+$0xF340]  }
0x40a: {  	v2 =	vld [tilespmem:s6+$0xF3C0];
	_ =	sdelay $0x1  }
0x40b: {  	v3 =	vld [tilespmem:s6+$0xF440];
	_ =	sdelay $0x1  }
0x40c: {  	v4 =	vld [tilespmem:s6+$0xF4C0]  }
0x40d: {  	v1 =	vadd.f32 v2, v1;
	_ =	sdelay $0x1  }
0x40e: {  	v1 =	vadd.f32 v3, v1;
	_ =	sdelay $0x1  }
0x40f: {  	v1 =	vadd.f32 v4, v1;
	_ =	sdelay $0x1  }
0x410: {  	[tilespmem:s9+$0xFFFFFF50] =	vst v1  }
0x411: {  	v1 =	vld [tilespmem:s6+$0xF350]  }
0x412: {  	v2 =	vld [tilespmem:s6+$0xF3D0];
	_ =	sdelay $0x1  }
0x413: {  	v3 =	vld [tilespmem:s6+$0xF450];
	_ =	sdelay $0x1  }
0x414: {  	v4 =	vld [tilespmem:s6+$0xF4D0]  }
0x415: {  	v1 =	vadd.f32 v2, v1;
	_ =	sdelay $0x1  }
0x416: {  	v1 =	vadd.f32 v3, v1;
	_ =	sdelay $0x1  }
0x417: {  	v1 =	vadd.f32 v4, v1;
	_ =	sdelay $0x1  }
0x418: {  	[tilespmem:s9+$0xFFFFFF60] =	vst v1  }
0x419: {  	v1 =	vld [tilespmem:s6+$0xF360]  }
0x41a: {  	v2 =	vld [tilespmem:s6+$0xF3E0];
	_ =	sdelay $0x1  }
0x41b: {  	v3 =	vld [tilespmem:s6+$0xF460];
	_ =	sdelay $0x1  }
0x41c: {  	v4 =	vld [tilespmem:s6+$0xF4E0]  }
0x41d: {  	v1 =	vadd.f32 v2, v1;
	_ =	sdelay $0x1  }
0x41e: {  	v1 =	vadd.f32 v3, v1;
	_ =	sdelay $0x1  }
0x41f: {  	v1 =	vadd.f32 v4, v1;
	_ =	sdelay $0x1  }
0x420: {  	[tilespmem:s9+$0xFFFFFF70] =	vst v1  }
0x421: {  	v1 =	vld [tilespmem:s6+$0xF370]  }
0x422: {  	v2 =	vld [tilespmem:s6+$0xF3F0];
	_ =	sdelay $0x1  }
0x423: {  	v3 =	vld [tilespmem:s6+$0xF470];
	_ =	sdelay $0x1  }
0x424: {  	v4 =	vld [tilespmem:s6+$0xF4F0]  }
0x425: {  	v1 =	vadd.f32 v2, v1;
	_ =	sdelay $0x1  }
0x426: {  	v1 =	vadd.f32 v3, v1;
	_ =	sdelay $0x1  }
0x427: {  	v1 =	vadd.f32 v4, v1;
	_ =	sdelay $0x1  }
0x428: {  	[tilespmem:s9+$0xFFFFFF80] =	vst v1  }
0x429: {  	v1 =	vld [tilespmem:s6+$0xF500]  }
0x42a: {  	v2 =	vld [tilespmem:s6+$0xF580];
	_ =	sdelay $0x1  }
0x42b: {  	v3 =	vld [tilespmem:s6+$0xF600];
	_ =	sdelay $0x1  }
0x42c: {  	v4 =	vld [tilespmem:s6+$0xF680]  }
0x42d: {  	v1 =	vadd.f32 v2, v1;
	_ =	sdelay $0x1  }
0x42e: {  	v1 =	vadd.f32 v3, v1;
	_ =	sdelay $0x1  }
0x42f: {  	v1 =	vadd.f32 v4, v1;
	_ =	sdelay $0x1  }
0x430: {  	[tilespmem:s9+$0xFFFFFF90] =	vst v1  }
0x431: {  	v1 =	vld [tilespmem:s6+$0xF510]  }
0x432: {  	v2 =	vld [tilespmem:s6+$0xF590];
	_ =	sdelay $0x1  }
0x433: {  	v3 =	vld [tilespmem:s6+$0xF610];
	_ =	sdelay $0x1  }
0x434: {  	v4 =	vld [tilespmem:s6+$0xF690]  }
0x435: {  	v1 =	vadd.f32 v2, v1;
	_ =	sdelay $0x1  }
0x436: {  	v1 =	vadd.f32 v3, v1;
	_ =	sdelay $0x1  }
0x437: {  	v1 =	vadd.f32 v4, v1;
	_ =	sdelay $0x1  }
0x438: {  	[tilespmem:s9+$0xFFFFFFA0] =	vst v1  }
0x439: {  	v1 =	vld [tilespmem:s6+$0xF520]  }
0x43a: {  	v2 =	vld [tilespmem:s6+$0xF5A0];
	_ =	sdelay $0x1  }
0x43b: {  	v3 =	vld [tilespmem:s6+$0xF620];
	_ =	sdelay $0x1  }
0x43c: {  	v4 =	vld [tilespmem:s6+$0xF6A0]  }
0x43d: {  	v1 =	vadd.f32 v2, v1;
	_ =	sdelay $0x1  }
0x43e: {  	v1 =	vadd.f32 v3, v1;
	_ =	sdelay $0x1  }
0x43f: {  	v1 =	vadd.f32 v4, v1;
	_ =	sdelay $0x1  }
0x440: {  	[tilespmem:s9+$0xFFFFFFB0] =	vst v1  }
0x441: {  	v1 =	vld [tilespmem:s6+$0xF530]  }
0x442: {  	v2 =	vld [tilespmem:s6+$0xF5B0];
	_ =	sdelay $0x1  }
0x443: {  	v3 =	vld [tilespmem:s6+$0xF630];
	_ =	sdelay $0x1  }
0x444: {  	v4 =	vld [tilespmem:s6+$0xF6B0]  }
0x445: {  	v1 =	vadd.f32 v2, v1;
	_ =	sdelay $0x1  }
0x446: {  	v1 =	vadd.f32 v3, v1;
	_ =	sdelay $0x1  }
0x447: {  	v1 =	vadd.f32 v4, v1;
	_ =	sdelay $0x1  }
0x448: {  	[tilespmem:s9+$0xFFFFFFC0] =	vst v1  }
0x449: {  	v1 =	vld [tilespmem:s6+$0xF540]  }
0x44a: {  	v2 =	vld [tilespmem:s6+$0xF5C0];
	_ =	sdelay $0x1  }
0x44b: {  	v3 =	vld [tilespmem:s6+$0xF640];
	_ =	sdelay $0x1  }
0x44c: {  	v4 =	vld [tilespmem:s6+$0xF6C0]  }
0x44d: {  	v1 =	vadd.f32 v2, v1;
	_ =	sdelay $0x1  }
0x44e: {  	v1 =	vadd.f32 v3, v1;
	_ =	sdelay $0x1  }
0x44f: {  	v1 =	vadd.f32 v4, v1;
	_ =	sdelay $0x1  }
0x450: {  	[tilespmem:s9+$0xFFFFFFD0] =	vst v1  }
0x451: {  	v1 =	vld [tilespmem:s6+$0xF550]  }
0x452: {  	v2 =	vld [tilespmem:s6+$0xF5D0];
	_ =	sdelay $0x1  }
0x453: {  	v3 =	vld [tilespmem:s6+$0xF650];
	_ =	sdelay $0x1  }
0x454: {  	v4 =	vld [tilespmem:s6+$0xF6D0]  }
0x455: {  	v1 =	vadd.f32 v2, v1;
	_ =	sdelay $0x1  }
0x456: {  	v1 =	vadd.f32 v3, v1;
	_ =	sdelay $0x1  }
0x457: {  	v1 =	vadd.f32 v4, v1;
	_ =	sdelay $0x1  }
0x458: {  	[tilespmem:s9+$0xFFFFFFE0] =	vst v1  }
0x459: {  	v3 =	vld [tilespmem:s6+$0xF5E0]  }
0x45a: {  	v4 =	vld [tilespmem:s6+$0xF560];
	_ =	sdelay $0x2  }
0x45b: {  	v1 =	vld [tilespmem:s6+$0xF660];
	_ =	sdelay $0x1  }
0x45c: {  	s8 =	simm.s32 $0x1000;
	s12 =	simm.s32 $0x163F0;
	v2 =	vld [tilespmem:s6+$0xF6E0];
	v3 =	vadd.f32 v3, v4  }
.LBB2_9:
0x45d: {  	p0 =	sne.s32 s8, $0xF000  }
0x45e: {  	s9 =	sadd.s32 $0x100, s9;
	s13 =	smov.u32 s8;
	s8 =	sadd.s32 $0x1000, s8  }
0x45f: {  	v1 =	vadd.f32 v1, v3;
	_ =	sdelay $0x1  }
0x460: {  	v1 =	vadd.f32 v2, v1;
	_ =	sdelay $0x1  }
0x461: {  	[tilespmem:s12+$0xFFFFFFF0] =	vst v1  }
0x462: {  	v1 =	vld [tilespmem:s6+$0xF570]  }
0x463: {  	v2 =	vld [tilespmem:s6+$0xF5F0]  }
0x464: {  	v3 =	vld [tilespmem:s6+$0xF670]  }
0x465: {  	v4 =	vld [tilespmem:s6+$0xF6F0];
	_ =	sdelay $0x2  }
0x466: {  	v1 =	vadd.f32 v2, v1;
	_ =	sdelay $0x1  }
0x467: {  	v1 =	vadd.f32 v3, v1;
	_ =	sdelay $0x1  }
0x468: {  	s6 =	sshra.s32 s13, $0x2;
	v1 =	vadd.f32 v4, v1;
	_ =	sdelay $0x1  }
0x469: {  	[tilespmem:s12+$0x0] =	vst v1;
	s12 =	smov.u32 s9  }
0x46a: {  	v1 =	vld [tilespmem:s6+$0xF300]  }
0x46b: {  	v2 =	vld [tilespmem:s6+$0xF380]  }
0x46c: {  	v3 =	vld [tilespmem:s6+$0xF400]  }
0x46d: {  	v4 =	vld [tilespmem:s6+$0xF480];
	_ =	sdelay $0x2  }
0x46e: {  	v1 =	vadd.f32 v2, v1;
	_ =	sdelay $0x1  }
0x46f: {  	v1 =	vadd.f32 v3, v1;
	_ =	sdelay $0x1  }
0x470: {  	v1 =	vadd.f32 v4, v1;
	_ =	sdelay $0x1  }
0x471: {  	[tilespmem:s9+$0xFFFFFF10] =	vst v1  }
0x472: {  	v1 =	vld [tilespmem:s6+$0xF310]  }
0x473: {  	v2 =	vld [tilespmem:s6+$0xF390];
	_ =	sdelay $0x1  }
0x474: {  	v3 =	vld [tilespmem:s6+$0xF410];
	_ =	sdelay $0x1  }
0x475: {  	v4 =	vld [tilespmem:s6+$0xF490]  }
0x476: {  	v1 =	vadd.f32 v2, v1;
	_ =	sdelay $0x1  }
0x477: {  	v1 =	vadd.f32 v3, v1;
	_ =	sdelay $0x1  }
0x478: {  	v1 =	vadd.f32 v4, v1;
	_ =	sdelay $0x1  }
0x479: {  	[tilespmem:s9+$0xFFFFFF20] =	vst v1  }
0x47a: {  	v1 =	vld [tilespmem:s6+$0xF320]  }
0x47b: {  	v2 =	vld [tilespmem:s6+$0xF3A0];
	_ =	sdelay $0x1  }
0x47c: {  	v3 =	vld [tilespmem:s6+$0xF420];
	_ =	sdelay $0x1  }
0x47d: {  	v4 =	vld [tilespmem:s6+$0xF4A0]  }
0x47e: {  	v1 =	vadd.f32 v2, v1;
	_ =	sdelay $0x1  }
0x47f: {  	v1 =	vadd.f32 v3, v1;
	_ =	sdelay $0x1  }
0x480: {  	v1 =	vadd.f32 v4, v1;
	_ =	sdelay $0x1  }
0x481: {  	[tilespmem:s9+$0xFFFFFF30] =	vst v1  }
0x482: {  	v1 =	vld [tilespmem:s6+$0xF330]  }
0x483: {  	v2 =	vld [tilespmem:s6+$0xF3B0]  }
0x484: {  	v3 =	vld [tilespmem:s6+$0xF4B0]  }
0x485: {  	v4 =	vld [tilespmem:s6+$0xF430];
	_ =	sdelay $0x2  }
0x486: {  	v1 =	vadd.f32 v2, v1;
	_ =	sdelay $0x1  }
0x487: {  	v1 =	vadd.f32 v4, v1;
	_ =	sdelay $0x1  }
0x488: {  	v1 =	vadd.f32 v3, v1;
	_ =	sdelay $0x1  }
0x489: {  	[tilespmem:s9+$0xFFFFFF40] =	vst v1  }
0x48a: {  	v1 =	vld [tilespmem:s6+$0xF340]  }
0x48b: {  	v2 =	vld [tilespmem:s6+$0xF3C0];
	_ =	sdelay $0x1  }
0x48c: {  	v3 =	vld [tilespmem:s6+$0xF440];
	_ =	sdelay $0x1  }
0x48d: {  	v4 =	vld [tilespmem:s6+$0xF4C0]  }
0x48e: {  	v1 =	vadd.f32 v2, v1;
	_ =	sdelay $0x1  }
0x48f: {  	v1 =	vadd.f32 v3, v1;
	_ =	sdelay $0x1  }
0x490: {  	v1 =	vadd.f32 v4, v1;
	_ =	sdelay $0x1  }
0x491: {  	[tilespmem:s9+$0xFFFFFF50] =	vst v1  }
0x492: {  	v1 =	vld [tilespmem:s6+$0xF350]  }
0x493: {  	v2 =	vld [tilespmem:s6+$0xF3D0]  }
0x494: {  	v3 =	vld [tilespmem:s6+$0xF4D0]  }
0x495: {  	v4 =	vld [tilespmem:s6+$0xF450];
	_ =	sdelay $0x2  }
0x496: {  	v1 =	vadd.f32 v2, v1;
	_ =	sdelay $0x1  }
0x497: {  	v1 =	vadd.f32 v4, v1;
	_ =	sdelay $0x1  }
0x498: {  	v1 =	vadd.f32 v3, v1;
	_ =	sdelay $0x1  }
0x499: {  	[tilespmem:s9+$0xFFFFFF60] =	vst v1  }
0x49a: {  	v1 =	vld [tilespmem:s6+$0xF360]  }
0x49b: {  	v2 =	vld [tilespmem:s6+$0xF3E0]  }
0x49c: {  	v3 =	vld [tilespmem:s6+$0xF4E0]  }
0x49d: {  	v4 =	vld [tilespmem:s6+$0xF460];
	_ =	sdelay $0x2  }
0x49e: {  	v1 =	vadd.f32 v2, v1;
	_ =	sdelay $0x1  }
0x49f: {  	v1 =	vadd.f32 v4, v1;
	_ =	sdelay $0x1  }
0x4a0: {  	v1 =	vadd.f32 v3, v1;
	_ =	sdelay $0x1  }
0x4a1: {  	[tilespmem:s9+$0xFFFFFF70] =	vst v1  }
0x4a2: {  	v1 =	vld [tilespmem:s6+$0xF370]  }
0x4a3: {  	v2 =	vld [tilespmem:s6+$0xF3F0]  }
0x4a4: {  	v3 =	vld [tilespmem:s6+$0xF4F0]  }
0x4a5: {  	v4 =	vld [tilespmem:s6+$0xF470];
	_ =	sdelay $0x2  }
0x4a6: {  	v1 =	vadd.f32 v2, v1;
	_ =	sdelay $0x1  }
0x4a7: {  	v1 =	vadd.f32 v4, v1;
	_ =	sdelay $0x1  }
0x4a8: {  	v1 =	vadd.f32 v3, v1;
	_ =	sdelay $0x1  }
0x4a9: {  	[tilespmem:s9+$0xFFFFFF80] =	vst v1  }
0x4aa: {  	v1 =	vld [tilespmem:s6+$0xF500]  }
0x4ab: {  	v2 =	vld [tilespmem:s6+$0xF580]  }
0x4ac: {  	v3 =	vld [tilespmem:s6+$0xF600]  }
0x4ad: {  	v4 =	vld [tilespmem:s6+$0xF680];
	_ =	sdelay $0x2  }
0x4ae: {  	v1 =	vadd.f32 v2, v1;
	_ =	sdelay $0x1  }
0x4af: {  	v1 =	vadd.f32 v3, v1;
	_ =	sdelay $0x1  }
0x4b0: {  	v1 =	vadd.f32 v4, v1;
	_ =	sdelay $0x1  }
0x4b1: {  	[tilespmem:s9+$0xFFFFFF90] =	vst v1  }
0x4b2: {  	v1 =	vld [tilespmem:s6+$0xF510]  }
0x4b3: {  	v2 =	vld [tilespmem:s6+$0xF590]  }
0x4b4: {  	v3 =	vld [tilespmem:s6+$0xF610]  }
0x4b5: {  	v4 =	vld [tilespmem:s6+$0xF690];
	_ =	sdelay $0x2  }
0x4b6: {  	v1 =	vadd.f32 v2, v1;
	_ =	sdelay $0x1  }
0x4b7: {  	v1 =	vadd.f32 v3, v1;
	_ =	sdelay $0x1  }
0x4b8: {  	v1 =	vadd.f32 v4, v1;
	_ =	sdelay $0x1  }
0x4b9: {  	[tilespmem:s9+$0xFFFFFFA0] =	vst v1  }
0x4ba: {  	v1 =	vld [tilespmem:s6+$0xF520]  }
0x4bb: {  	v2 =	vld [tilespmem:s6+$0xF5A0]  }
0x4bc: {  	v3 =	vld [tilespmem:s6+$0xF620]  }
0x4bd: {  	v4 =	vld [tilespmem:s6+$0xF6A0];
	_ =	sdelay $0x2  }
0x4be: {  	v1 =	vadd.f32 v2, v1;
	_ =	sdelay $0x1  }
0x4bf: {  	v1 =	vadd.f32 v3, v1;
	_ =	sdelay $0x1  }
0x4c0: {  	v1 =	vadd.f32 v4, v1;
	_ =	sdelay $0x1  }
0x4c1: {  	[tilespmem:s9+$0xFFFFFFB0] =	vst v1  }
0x4c2: {  	v1 =	vld [tilespmem:s6+$0xF530]  }
0x4c3: {  	v2 =	vld [tilespmem:s6+$0xF5B0]  }
0x4c4: {  	v3 =	vld [tilespmem:s6+$0xF630]  }
0x4c5: {  	v4 =	vld [tilespmem:s6+$0xF6B0];
	_ =	sdelay $0x2  }
0x4c6: {  	v1 =	vadd.f32 v2, v1;
	_ =	sdelay $0x1  }
0x4c7: {  	v1 =	vadd.f32 v3, v1;
	_ =	sdelay $0x1  }
0x4c8: {  	v1 =	vadd.f32 v4, v1;
	_ =	sdelay $0x1  }
0x4c9: {  	[tilespmem:s9+$0xFFFFFFC0] =	vst v1  }
0x4ca: {  	v1 =	vld [tilespmem:s6+$0xF540]  }
0x4cb: {  	v2 =	vld [tilespmem:s6+$0xF5C0]  }
0x4cc: {  	v3 =	vld [tilespmem:s6+$0xF640]  }
0x4cd: {  	v4 =	vld [tilespmem:s6+$0xF6C0];
	_ =	sdelay $0x2  }
0x4ce: {  	v1 =	vadd.f32 v2, v1;
	_ =	sdelay $0x1  }
0x4cf: {  	v1 =	vadd.f32 v3, v1;
	_ =	sdelay $0x1  }
0x4d0: {  	v1 =	vadd.f32 v4, v1;
	_ =	sdelay $0x1  }
0x4d1: {  	[tilespmem:s9+$0xFFFFFFD0] =	vst v1  }
0x4d2: {  	v1 =	vld [tilespmem:s6+$0xF550]  }
0x4d3: {  	v2 =	vld [tilespmem:s6+$0xF5D0]  }
0x4d4: {  	v3 =	vld [tilespmem:s6+$0xF650]  }
0x4d5: {  	v4 =	vld [tilespmem:s6+$0xF6D0];
	_ =	sdelay $0x2  }
0x4d6: {  	v1 =	vadd.f32 v2, v1;
	_ =	sdelay $0x1  }
0x4d7: {  	v1 =	vadd.f32 v3, v1;
	_ =	sdelay $0x1  }
0x4d8: {  	v1 =	vadd.f32 v4, v1;
	_ =	sdelay $0x1  }
0x4d9: {  	[tilespmem:s9+$0xFFFFFFE0] =	vst v1  }
0x4da: {  	v3 =	vld [tilespmem:s6+$0xF5E0]  }
0x4db: {  	v4 =	vld [tilespmem:s6+$0xF560]  }
.Ltmp3:
0x4dc: {  	v1 =	vld [tilespmem:s6+$0xF660];
	(pc) =	sbr.rel @p0 .LBB2_9-.Ltmp3, $2  }
0x4dd: {  	v2 =	vld [tilespmem:s6+$0xF6E0];
	_ =	sdelay $0x2  }
0x4de: {  	v3 =	vadd.f32 v3, v4  }
0x4df: {  	_ = 	snop  }
0x4e0: {  	v1 =	vadd.f32 v1, v3;
	_ =	sdelay $0x1  }
0x4e1: {  	v1 =	vadd.f32 v2, v1;
	_ =	sdelay $0x1  }
0x4e2: {  	[tilespmem:s12+$0xFFFFFFF0] =	vst v1  }
0x4e3: {  	v1 =	vld [tilespmem:s6+$0xF570]  }
0x4e4: {  	v2 =	vld [tilespmem:s6+$0xF5F0];
	_ =	sdelay $0x1  }
0x4e5: {  	v3 =	vld [tilespmem:s6+$0xF670];
	_ =	sdelay $0x1  }
0x4e6: {  	v4 =	vld [tilespmem:s6+$0xF6F0]  }
0x4e7: {  	v1 =	vadd.f32 v2, v1  }
0x4e8: {  	s1 =	sadd.s32 $0x1, s1  }
0x4e9: {  	p0 =	sne.s32 s1, $0x19;
	v1 =	vadd.f32 v3, v1  }
.Ltmp4:
0x4ea: {  	_ = 	snop;
	(pc) =	sbr.rel @p0 .LBB2_2-.Ltmp4, $4  }
0x4eb: {  	v1 =	vadd.f32 v4, v1  }
0x4ec: {  	s0 =	sshll.u32 s0, $0x4  }
0x4ed: {  	s0 =	sadd.s32 s2, s0;
	[tilespmem:s12+$0x0] =	vst v1  }
0x4ee: {  	[hbm4b:s0+s3] =	stream.linear.scatter [tilespmem:s16], [sflag:$0x4], $0x2000, $0x38;
	[tilespmem:$0x17380] =	vst v63  }
0x4ef: {  	_ =	swait.ge [sflag:s26], $0x4000  }
0x4f0: {  	[sflag:s26] =	ssyncset.done $0x0  }
0x4f1: {  	[sflag:s26] =	ssyncadd.s32 $0xFFFFC000  }
0x4f2: {  	_ =	swait.ge [sflag:s26], $0x4000  }
0x4f3: {  	[sflag:s26] =	ssyncset.done $0x0  }
0x4f4: {  	[sflag:s26] =	ssyncadd.s32 $0xFFFFC000  }
0x4f5: {  	_ =	swait.ge [sflag:s28], $0x2000  }
0x4f6: {  	[sflag:s28] =	ssyncset.done $0x0  }
0x4f7: {  	[sflag:s28] =	ssyncadd.s32 $0xFFFFE000  }
0x4f8: {  	_ =	swait.ge [sflag:s30], $0x2000  }
0x4f9: {  	s31 =	sadd.s32 $0x1, s31;
	s0 =	rddreg [dreg:$0x6]  }
0x4fa: {  	p0 =	sne.s32 s31, s0  }
.Ltmp5:
0x4fb: {  	_ = 	snop;
	(pc) =	sbr.rel @p0 .LBB2_1-.Ltmp5, $3  }
0x4fc: {  	_ =	sdelay $0x1  }
0x4fd: {  	[sflag:s30] =	ssyncset.done $0x0  }
0x4fe: {  	[sflag:s30] =	ssyncadd.s32 $0xFFFFE000  }
0x4ff: {  	_ =	sfence.sel $0x180000  }
0x500: {  	[bflag:$0x0] =	sbarrier.arrive $0xFFFF  }
0x501: {  	_ =	strace $0x90000047  }
0x502: {  	s0 =	stileid.u32;
	[bflag:$0x2] =	sbarrier.arrive $0xFFFF  }
0x503: {  	p0 =	sne.s32 s0, $0x0;
	s0 =	rddreg [dreg:$0x2]  }
0x504: {  	s0 =	sadd.s32 @!p0 $0x100000, s0  }
0x505: {  	[sflag:s0] =	ssyncadd.tile.s32 @!p0 $0x1;
	_ =	shalt  }
.Lfunc_end2:
_tile_overlayer_lowered:
.L_overlay_start_2:
0x506: {  	(tag) =	ssettag $0x2  }
0x507: {  	s0 =	rddreg [dreg:$0x0];
	s2 =	stileid.u32  }
0x508: {  	s1 =	rddreg [dreg:$0x1];
	p0 =	sne.s32 s2, $0x0  }
0x509: {  	s3 =	rddreg [dreg:$0x2];
	[bflag:$0x3] =	sbarrier.arrive $0xFFFF;
	s2 =	simm.s32 @!p0 $0x1C05  }
0x50a: {  	[timem:s3], [sflag:s2] =	dma.local @!p0 [hbm:s0], s1  }
0x50b: {  	s0 =	simm.s32 @!p0 $0x5  }
0x50c: {  	_ =	swait.ge @!p0 [sflag:s0], s1  }
0x50d: {  	s1 =	ssub.s32 @!p0 $0x0, s1;
	[sflag:s0] =	ssyncset.done @!p0 $0x0  }
0x50e: {  	[sflag:s0] =	ssyncadd.s32 @!p0 s1  }
0x50f: {  	[bflag:$0x3] =	sbarrier.arrive $0xFFFF  }
0x510: {  	_ =	shalt  }

</sc_bundles>
